<compile_context>
chip_gen: v7x
topology: tpu7x:2x2x1
jax: 0.10.2.dev20260603
libtpu: 0.0.44.dev20260713+nightly
codegen_flags: <defaults>
</compile_context>

<pallas_src>
import functools

import numpy as np

import jax
import jax.numpy as jnp
from jax import lax
from jax.experimental import pallas as pl
from jax.experimental.pallas import tpu as pltpu
from jax.experimental.pallas import tpu_sc as plsc

N_NODES = 10000
N_EDGES = 320000
IN_DIM = 128
HID_DIM = 64
OUT_DIM = 3

W1P = 80
W2P = 16
TABW = 128

NC = 2
NS = 16
NW = NC * NS
CHUNK = 128
NCH = N_EDGES // CHUNK
NCHW = -(-NCH // NW)
NCH_PAD = NW * NCHW
N_PAD_EDGES = NW * (-(-(N_EDGES // 128) // NW)) * 128 - N_EDGES
N_TAB = N_NODES + 8
STRIPE = 624
TAIL = N_NODES - NS * STRIPE


def _lin1_body(x_ref, wl_ref, y1p_ref):
    x = x_ref[...]
    y = lax.dot_general(x, wl_ref[...], (((1,), (1,)), ((), ())),
                        preferred_element_type=jnp.float32)
    n = x.shape[0]
    top = jnp.concatenate(
        [y, jnp.ones((n, 1), jnp.float32),
         jnp.zeros((n, W1P - HID_DIM - 1), jnp.float32)], axis=1)
    y1p_ref[...] = jnp.concatenate(
        [top, jnp.zeros((N_TAB - n, W1P), jnp.float32)], axis=0)


def _lin1(x, wl):
    return pl.pallas_call(
        _lin1_body,
        out_shape=jax.ShapeDtypeStruct((N_TAB, W1P), jnp.float32),
    )(x, wl)


def _xr1_body(x_ref, wr_ref, b_ref, xr1_ref):
    xr1_ref[...] = lax.dot_general(
        x_ref[...], wr_ref[...], (((1,), (1,)), ((), ())),
        preferred_element_type=jnp.float32) + b_ref[...]


def _xr1(x, wr, b):
    return pl.pallas_call(
        _xr1_body,
        out_shape=jax.ShapeDtypeStruct((N_NODES, HID_DIM), jnp.float32),
    )(x, wr, b)


def _lin2_body(aggp_ref, xr1_ref, wl_ref, y2p_ref, h_ref, dinv_ref):
    agg = aggp_ref[0] + aggp_ref[1]
    deg = agg[:, HID_DIM:HID_DIM + 1]
    dinv = 1.0 / jnp.maximum(deg, 1.0)
    h = jnp.maximum(agg[:, :HID_DIM] * dinv + xr1_ref[...], 0.0)
    y2 = lax.dot_general(h, wl_ref[...], (((1,), (1,)), ((), ())),
                         preferred_element_type=jnp.float32)
    n = h.shape[0]
    top = jnp.concatenate(
        [y2, jnp.zeros((n, W2P - OUT_DIM), jnp.float32)], axis=1)
    y2p_ref[...] = jnp.concatenate(
        [top, jnp.zeros((N_TAB - n, W2P), jnp.float32)], axis=0)
    h_ref[...] = h
    dinv_ref[...] = dinv


def _lin2(aggp, xr1, wl):
    return pl.pallas_call(
        _lin2_body,
        out_shape=(
            jax.ShapeDtypeStruct((N_TAB, W2P), jnp.float32),
            jax.ShapeDtypeStruct((N_NODES, HID_DIM), jnp.float32),
            jax.ShapeDtypeStruct((N_NODES, 1), jnp.float32),
        ),
    )(aggp, xr1, wl)


def _r2(h, wr, b):
    return pl.pallas_call(
        _xr1_body,
        out_shape=jax.ShapeDtypeStruct((N_NODES, OUT_DIM), jnp.float32),
    )(h, wr, b)


def _final_body(aggp_ref, r2_ref, dinv_ref, o_ref):
    agg = aggp_ref[0] + aggp_ref[1]
    z = agg[:, :OUT_DIM] * dinv_ref[...] + r2_ref[...]
    m = jnp.max(z, axis=1, keepdims=True)
    lse = jnp.log(jnp.sum(jnp.exp(z - m), axis=1, keepdims=True)) + m
    o_ref[...] = z - lse


def _final(aggp, r2, dinv):
    return pl.pallas_call(
        _final_body,
        out_shape=jax.ShapeDtypeStruct((N_NODES, OUT_DIM), jnp.float32),
    )(aggp, r2, dinv)


def _make_scatter(width, nch_c0, nch_c1):
    assert nch_c0 % 4 == 3 and nch_c1 % 4 == 3
    assert NS * (nch_c0 + nch_c1) == NCH_PAD
    nmax = max(nch_c0, nch_c1)
    mesh = plsc.VectorSubcoreMesh(core_axis_name="c", subcore_axis_name="s")

    pieces = [(k * CHUNK, CHUNK) for k in range(STRIPE // CHUNK)]
    if STRIPE % CHUNK:
        pieces.append((STRIPE - STRIPE % CHUNK, STRIPE % CHUNK))

    @functools.partial(
        pl.kernel,
        mesh=mesh,
        compiler_params=pltpu.CompilerParams(use_tc_tiling_on_sc=False),
        out_type=jax.ShapeDtypeStruct((NC, N_NODES, TABW), jnp.float32),
        scratch_types=[
            pltpu.VMEM((nmax, CHUNK), jnp.int32),
            pltpu.VMEM((nmax, CHUNK), jnp.int32),
            pltpu.VMEM((CHUNK, width), jnp.float32),
            pltpu.VMEM((CHUNK, width), jnp.float32),
            pltpu.VMEM((CHUNK, width), jnp.float32),
            pltpu.VMEM((CHUNK, width), jnp.float32),
            pltpu.VMEM_SHARED((N_NODES + N_PAD_EDGES, width), jnp.float32),
            pltpu.SemaphoreType.DMA,
            pltpu.SemaphoreType.DMA,
            pltpu.SemaphoreType.DMA,
            pltpu.SemaphoreType.DMA,
            pltpu.SemaphoreType.DMA,
            pltpu.SemaphoreType.DMA,
            pltpu.SemaphoreType.DMA,
            pltpu.SemaphoreType.DMA,
            pltpu.SemaphoreType.DMA,
            pltpu.SemaphoreType.DMA,
        ],
    )
    def scat(edges_hbm, tab_hbm, out_hbm,
             src_v, dst_v, rows0_v, rows1_v, rows2_v, rows3_v, acc_sh,
             isem, zsem, g0, g1, g2, g3, s0, s1, s2, s3):
        c = lax.axis_index("c")
        s = lax.axis_index("s")
        r0 = s * STRIPE
        gsems = (g0, g1, g2, g3)
        ssems = (s0, s1, s2, s3)
        rows = (rows0_v, rows1_v, rows2_v, rows3_v)

        def preload(nchw, ch0):
            cp_s = pltpu.async_copy(edges_hbm.at[0, pl.ds(ch0, nchw)],
                                    src_v.at[pl.ds(0, nchw)], isem)
            cp_d = pltpu.async_copy(edges_hbm.at[1, pl.ds(ch0, nchw)],
                                    dst_v.at[pl.ds(0, nchw)], isem)
            cp_s.wait()
            cp_d.wait()

        @pl.when(c == 0)
        def _():
            preload(nch_c0, s * nch_c0)

        @pl.when(c == 1)
        def _():
            preload(nch_c1, NS * nch_c0 + s * nch_c1)

        def zero_body(r, _):
            for k in range(width // 16):
                rows0_v[r, pl.ds(k * 16, 16)] = jnp.zeros((16,), jnp.float32)
            return 0

        lax.fori_loop(0, CHUNK, zero_body, 0)
        for (o, n) in pieces:
            pltpu.async_copy(rows0_v.at[pl.ds(0, n)],
                             acc_sh.at[pl.ds(r0 + o, n)], zsem)

        @pl.when(s == NS - 1)
        def _():
            pltpu.async_copy(rows0_v.at[pl.ds(0, TAIL)],
                             acc_sh.at[pl.ds(NS * STRIPE, TAIL)], zsem)

        for (o, n) in pieces:
            pltpu.make_async_copy(rows0_v.at[pl.ds(0, n)],
                                  acc_sh.at[pl.ds(r0 + o, n)], zsem).wait()

        @pl.when(s == NS - 1)
        def _():
            pltpu.make_async_copy(rows0_v.at[pl.ds(0, TAIL)],
                                  acc_sh.at[pl.ds(NS * STRIPE, TAIL)],
                                  zsem).wait()

        plsc.subcore_barrier()

        def g_fire(j, b):
            pltpu.async_copy(tab_hbm.at[src_v.at[j]], rows[b], gsems[b])

        def g_wait(j, b):
            pltpu.make_async_copy(tab_hbm.at[src_v.at[j]], rows[b],
                                  gsems[b]).wait()

        def s_fire(j, b):
            pltpu.async_copy(rows[b], acc_sh.at[dst_v.at[j]], ssems[b],
                             add=True)

        def s_wait(j, b):
            pltpu.make_async_copy(rows[b], acc_sh.at[dst_v.at[j]],
                                  ssems[b]).wait()

        def ring(nchw):
            g_fire(0, 0)
            g_fire(1, 1)
            g_fire(2, 2)
            for j in range(4):
                g_wait(j, j % 4)
                s_fire(j, j % 4)
                if j >= 1:
                    s_wait(j - 1, (j - 1) % 4)
                g_fire(j + 3, (j + 3) % 4)

            def quad_body(g, _):
                for b in range(4):
                    j = g * 4 + b
                    g_wait(j, b)
                    s_fire(j, b)
                    s_wait(j - 1, (b - 1) % 4)
                    g_fire(j + 3, (b + 3) % 4)
                return 0

            lax.fori_loop(1, (nchw - 3) // 4, quad_body, 0)
            for j in range(nchw - 3, nchw):
                g_wait(j, j % 4)
                s_fire(j, j % 4)
                s_wait(j - 1, (j - 1) % 4)
            s_wait(nchw - 1, (nchw - 1) % 4)

        @pl.when(c == 0)
        def _():
            ring(nch_c0)

        @pl.when(c == 1)
        def _():
            ring(nch_c1)

        plsc.subcore_barrier()

        def in_hop(i):
            o, n = pieces[i]
            return (acc_sh.at[pl.ds(r0 + o, n)], rows[i % 2].at[pl.ds(0, n)])

        def out_hop(i):
            o, n = pieces[i]
            return (rows[i % 2].at[pl.ds(0, n)],
                    out_hbm.at[c, pl.ds(r0 + o, n), pl.ds(0, width)])

        pltpu.async_copy(*in_hop(0), zsem)
        for i in range(len(pieces)):
            pltpu.make_async_copy(*in_hop(i), zsem).wait()
            pltpu.async_copy(*out_hop(i), ssems[i % 2])
            if i >= 1:
                pltpu.make_async_copy(*out_hop(i - 1), ssems[(i - 1) % 2]).wait()
            if i + 1 < len(pieces):
                pltpu.async_copy(*in_hop(i + 1), zsem)
        last = len(pieces) - 1
        pltpu.make_async_copy(*out_hop(last), ssems[last % 2]).wait()

        @pl.when(s == NS - 1)
        def _():
            pltpu.sync_copy(acc_sh.at[pl.ds(NS * STRIPE, TAIL)],
                            rows2_v.at[pl.ds(0, TAIL)])
            pltpu.sync_copy(rows2_v.at[pl.ds(0, TAIL)],
                            out_hbm.at[c, pl.ds(NS * STRIPE, TAIL),
                                       pl.ds(0, width)])

    return scat


_scatter1 = _make_scatter(W1P, 79, 79)
_scatter2 = _make_scatter(W2P, 79, 79)


def kernel(x, edge_index, W1_l, b1, W1_r, W2_l, b2, W2_r):
    padn = NCH_PAD * CHUNK - N_EDGES
    ar = np.arange(padn, dtype=np.int32)
    pad = jnp.asarray(np.stack([ar % N_NODES,
                                N_NODES + ar]))
    edges3 = jnp.concatenate([edge_index, pad], axis=1).reshape(
        2, NCH_PAD, CHUNK)
    y1p = _lin1(x, W1_l)
    agg1p = _scatter1(edges3, y1p)
    xr1 = _xr1(x, W1_r, b1.reshape(1, HID_DIM))
    y2p, h, dinv = _lin2(agg1p, xr1, W2_l)
    agg2p = _scatter2(edges3, y2p)
    r2 = _r2(h, W2_r, b2.reshape(1, OUT_DIM))
    return _final(agg2p, r2, dinv)

# --- scband reference (transcript-rebuilt; emitter-appended) ---
"""Pipeline reference for scband-graph-sage-4569845203115 (READ-ONLY COPY).

The authoritative reference and input builder live on the scoring server;
editing this copy changes nothing except your own understanding.
"""

import jax, jax.numpy as jnp
import numpy as np

N_NODES = 10000
N_EDGES = 320000
IN_DIM = 128
HID_DIM = 64
OUT_DIM = 3


def sage_conv(x, edge_index, W_l, b_l, W_r):
    # PyG SAGEConv with mean aggregation:
    # out = lin_l(mean_{j in N(i)} x_j) + lin_r(x_i)
    src = edge_index[0]
    dst = edge_index[1]
    n = x.shape[0]
    msgs = x[src]  # gather source node features
    agg = jax.ops.segment_sum(msgs, dst, num_segments=n)
    cnt = jax.ops.segment_sum(jnp.ones((src.shape[0],), dtype=x.dtype), dst, num_segments=n)
    mean = agg / jnp.maximum(cnt, 1.0)[:, None]
    return mean @ W_l.T + b_l + x @ W_r.T


def setup_inputs(seed: int = 0) -> dict:
    key = jax.random.key(seed)
    ks = jax.random.split(key, 8)
    x = jax.random.normal(ks[0], (N_NODES, IN_DIM), dtype=jnp.float32)
    edge_index = jax.random.randint(ks[1], (2, N_EDGES), 0, N_NODES, dtype=jnp.int32)
    s1 = 1.0 / np.sqrt(IN_DIM)
    s2 = 1.0 / np.sqrt(HID_DIM)
    W1_l = jax.random.normal(ks[2], (HID_DIM, IN_DIM), dtype=jnp.float32) * s1
    b1 = jnp.zeros((HID_DIM,), dtype=jnp.float32)
    W1_r = jax.random.normal(ks[3], (HID_DIM, IN_DIM), dtype=jnp.float32) * s1
    W2_l = jax.random.normal(ks[4], (OUT_DIM, HID_DIM), dtype=jnp.float32) * s2
    b2 = jnp.zeros((OUT_DIM,), dtype=jnp.float32)
    W2_r = jax.random.normal(ks[5], (OUT_DIM, HID_DIM), dtype=jnp.float32) * s2
    return {"x": x, "edge_index": edge_index, "W1_l": W1_l, "b1": b1, "W1_r": W1_r,
            "W2_l": W2_l, "b2": b2, "W2_r": W2_r}


def reference(x, edge_index, W1_l, b1, W1_r, W2_l, b2, W2_r):
    h = jax.nn.relu(sage_conv(x, edge_index, W1_l, b1, W1_r))
    out = sage_conv(h, edge_index, W2_l, b2, W2_r)
    return jax.nn.log_softmax(out, axis=1)

if __name__ == "__main__":
    import jax
    _d = setup_inputs()
    print(jax.jit(kernel)(*tuple(_d.values())))

</pallas_src>

<mosaic_0001>
#map = affine_map<(d0, d1) -> (0, 0, 0)>
#map1 = affine_map<(d0, d1) -> (0, 0)>
module attributes {stable_mosaic.version = 14 : i64} {
  func.func @scat(%arg0: i32, %arg1: i32, %arg2: memref<2x2528x128xi32, #tpu.memory_space<hbm>>, %arg3: memref<10008x16xf32, #tpu.memory_space<hbm>>, %arg4: memref<2x10000x128xf32, #tpu.memory_space<hbm>>, %arg5: memref<79x128xi32, #tpu.memory_space<vmem>>, %arg6: memref<79x128xi32, #tpu.memory_space<vmem>>, %arg7: memref<128x16xf32, #tpu.memory_space<vmem>>, %arg8: memref<128x16xf32, #tpu.memory_space<vmem>>, %arg9: memref<128x16xf32, #tpu.memory_space<vmem>>, %arg10: memref<128x16xf32, #tpu.memory_space<vmem>>, %arg11: memref<13584x16xf32, #tpu.memory_space<vmem_shared>>, %arg12: memref<!tpu.dma_semaphore, #tpu.memory_space<semaphore_mem>>, %arg13: memref<!tpu.dma_semaphore, #tpu.memory_space<semaphore_mem>>, %arg14: memref<!tpu.dma_semaphore, #tpu.memory_space<semaphore_mem>>, %arg15: memref<!tpu.dma_semaphore, #tpu.memory_space<semaphore_mem>>, %arg16: memref<!tpu.dma_semaphore, #tpu.memory_space<semaphore_mem>>, %arg17: memref<!tpu.dma_semaphore, #tpu.memory_space<semaphore_mem>>, %arg18: memref<!tpu.dma_semaphore, #tpu.memory_space<semaphore_mem>>, %arg19: memref<!tpu.dma_semaphore, #tpu.memory_space<semaphore_mem>>, %arg20: memref<!tpu.dma_semaphore, #tpu.memory_space<semaphore_mem>>, %arg21: memref<!tpu.dma_semaphore, #tpu.memory_space<semaphore_mem>>) attributes {dimension_semantics = [#tpu.dimension_semantics<core_parallel>, #tpu.dimension_semantics<subcore_parallel>], iteration_bounds = array<i64: 2, 16>, scalar_prefetch = 0 : i64, scratch_operands = 17 : i64, tpu.core_type = #tpu.core_type<sc_vector_subcore>, window_params = [{transform_indices = #map}, {transform_indices = #map1}, {transform_indices = #map}]} {
    %mul3A = arith.constant 624 : i32
    %mul3A_0 = arith.muli %arg1, %mul3A : i32
    %eq3A = arith.constant 0 : i32
    %eq3A_1 = arith.cmpi eq, %arg0, %eq3A : i32
    %convert_element_type3A = arith.extui %eq3A_1 : i1 to i32
    %cond3A = arith.constant 0 : i32
    %cond3A_2 = arith.cmpi ne, %convert_element_type3A, %cond3A : i32
    scf.if %cond3A_2 {
      %mul3A_417 = arith.constant 79 : i32
      %mul3A_418 = arith.muli %arg1, %mul3A_417 : i32
      %dma_start3A_419 = arith.constant 0 : i32
      %dma_start3A_420 = arith.constant 0 : i32
      %dma_start3A_421 = arith.constant 0 : i32
      %dma_start3A_422 = tpu.memref_slice %arg5[%dma_start3A_420, %dma_start3A_421] : memref<79x128xi32, #tpu.memory_space<vmem>> -> memref<79x128xi32, #tpu.memory_space<vmem>>
      %dma_start3A_423 = arith.constant 0 : i32
      %dma_start3A_424 = tpu.memref_slice %arg2[%dma_start3A_419, %mul3A_418, %dma_start3A_423] : memref<2x2528x128xi32, #tpu.memory_space<hbm>> -> memref<1x79x128xi32, #tpu.memory_space<hbm>>
      %dma_start3A_425 = tpu.memref_squeeze %dma_start3A_424 : memref<1x79x128xi32, #tpu.memory_space<hbm>> -> memref<79x128xi32, #tpu.memory_space<hbm>>
      %dma_start3A_426 = arith.constant 0 : i32
      %dma_start3A_427 = arith.constant 0 : i32
      %dma_start3A_428 = tpu.memref_slice %arg5[%dma_start3A_426, %dma_start3A_427] : memref<79x128xi32, #tpu.memory_space<vmem>> -> memref<79x128xi32, #tpu.memory_space<vmem>>
      %dma_start3A_429 = arith.constant 0 : i32
      %dma_start3A_430 = tpu.memref_slice %arg2[%dma_start3A_419, %mul3A_418, %dma_start3A_429] : memref<2x2528x128xi32, #tpu.memory_space<hbm>> -> memref<1x79x128xi32, #tpu.memory_space<hbm>>
      %dma_start3A_431 = tpu.memref_squeeze %dma_start3A_430 : memref<1x79x128xi32, #tpu.memory_space<hbm>> -> memref<79x128xi32, #tpu.memory_space<hbm>>
      tpu.enqueue_dma source(%dma_start3A_431 : memref<79x128xi32, #tpu.memory_space<hbm>>) target(%dma_start3A_428 : memref<79x128xi32, #tpu.memory_space<vmem>>) target_semaphore(%arg12 : memref<!tpu.dma_semaphore, #tpu.memory_space<semaphore_mem>>)
      %dma_start3A_432 = arith.constant 1 : i32
      %dma_start3A_433 = arith.constant 0 : i32
      %dma_start3A_434 = arith.constant 0 : i32
      %dma_start3A_435 = tpu.memref_slice %arg6[%dma_start3A_433, %dma_start3A_434] : memref<79x128xi32, #tpu.memory_space<vmem>> -> memref<79x128xi32, #tpu.memory_space<vmem>>
      %dma_start3A_436 = arith.constant 0 : i32
      %dma_start3A_437 = tpu.memref_slice %arg2[%dma_start3A_432, %mul3A_418, %dma_start3A_436] : memref<2x2528x128xi32, #tpu.memory_space<hbm>> -> memref<1x79x128xi32, #tpu.memory_space<hbm>>
      %dma_start3A_438 = tpu.memref_squeeze %dma_start3A_437 : memref<1x79x128xi32, #tpu.memory_space<hbm>> -> memref<79x128xi32, #tpu.memory_space<hbm>>
      %dma_start3A_439 = arith.constant 0 : i32
      %dma_start3A_440 = arith.constant 0 : i32
      %dma_start3A_441 = tpu.memref_slice %arg6[%dma_start3A_439, %dma_start3A_440] : memref<79x128xi32, #tpu.memory_space<vmem>> -> memref<79x128xi32, #tpu.memory_space<vmem>>
      %dma_start3A_442 = arith.constant 0 : i32
      %dma_start3A_443 = tpu.memref_slice %arg2[%dma_start3A_432, %mul3A_418, %dma_start3A_442] : memref<2x2528x128xi32, #tpu.memory_space<hbm>> -> memref<1x79x128xi32, #tpu.memory_space<hbm>>
      %dma_start3A_444 = tpu.memref_squeeze %dma_start3A_443 : memref<1x79x128xi32, #tpu.memory_space<hbm>> -> memref<79x128xi32, #tpu.memory_space<hbm>>
      tpu.enqueue_dma source(%dma_start3A_444 : memref<79x128xi32, #tpu.memory_space<hbm>>) target(%dma_start3A_441 : memref<79x128xi32, #tpu.memory_space<vmem>>) target_semaphore(%arg12 : memref<!tpu.dma_semaphore, #tpu.memory_space<semaphore_mem>>)
      %dma_wait3A_445 = arith.constant 0 : i32
      %dma_wait3A_446 = arith.constant 0 : i32
      %dma_wait3A_447 = arith.constant 0 : i32
      %dma_wait3A_448 = tpu.memref_slice %arg5[%dma_wait3A_446, %dma_wait3A_447] : memref<79x128xi32, #tpu.memory_space<vmem>> -> memref<79x128xi32, #tpu.memory_space<vmem>>
      %dma_wait3A_449 = arith.constant 0 : i32
      %dma_wait3A_450 = tpu.memref_slice %arg2[%dma_wait3A_445, %mul3A_418, %dma_wait3A_449] : memref<2x2528x128xi32, #tpu.memory_space<hbm>> -> memref<1x79x128xi32, #tpu.memory_space<hbm>>
      %dma_wait3A_451 = tpu.memref_squeeze %dma_wait3A_450 : memref<1x79x128xi32, #tpu.memory_space<hbm>> -> memref<79x128xi32, #tpu.memory_space<hbm>>
      %dma_wait3A_452 = arith.constant 0 : i32
      %dma_wait3A_453 = arith.constant 0 : i32
      %dma_wait3A_454 = tpu.memref_slice %arg5[%dma_wait3A_452, %dma_wait3A_453] : memref<79x128xi32, #tpu.memory_space<vmem>> -> memref<79x128xi32, #tpu.memory_space<vmem>>
      %dma_wait3A_455 = arith.constant 0 : i32
      %dma_wait3A_456 = tpu.memref_slice %arg2[%dma_wait3A_445, %mul3A_418, %dma_wait3A_455] : memref<2x2528x128xi32, #tpu.memory_space<hbm>> -> memref<1x79x128xi32, #tpu.memory_space<hbm>>
      %dma_wait3A_457 = tpu.memref_squeeze %dma_wait3A_456 : memref<1x79x128xi32, #tpu.memory_space<hbm>> -> memref<79x128xi32, #tpu.memory_space<hbm>>
      tpu.wait_dma2 semaphore(%arg12 : memref<!tpu.dma_semaphore, #tpu.memory_space<semaphore_mem>>) src(%dma_wait3A_457 : memref<79x128xi32, #tpu.memory_space<hbm>>) dst(%dma_wait3A_454 : memref<79x128xi32, #tpu.memory_space<vmem>>)
      %dma_wait3A_458 = arith.constant 1 : i32
      %dma_wait3A_459 = arith.constant 0 : i32
      %dma_wait3A_460 = arith.constant 0 : i32
      %dma_wait3A_461 = tpu.memref_slice %arg6[%dma_wait3A_459, %dma_wait3A_460] : memref<79x128xi32, #tpu.memory_space<vmem>> -> memref<79x128xi32, #tpu.memory_space<vmem>>
      %dma_wait3A_462 = arith.constant 0 : i32
      %dma_wait3A_463 = tpu.memref_slice %arg2[%dma_wait3A_458, %mul3A_418, %dma_wait3A_462] : memref<2x2528x128xi32, #tpu.memory_space<hbm>> -> memref<1x79x128xi32, #tpu.memory_space<hbm>>
      %dma_wait3A_464 = tpu.memref_squeeze %dma_wait3A_463 : memref<1x79x128xi32, #tpu.memory_space<hbm>> -> memref<79x128xi32, #tpu.memory_space<hbm>>
      %dma_wait3A_465 = arith.constant 0 : i32
      %dma_wait3A_466 = arith.constant 0 : i32
      %dma_wait3A_467 = tpu.memref_slice %arg6[%dma_wait3A_465, %dma_wait3A_466] : memref<79x128xi32, #tpu.memory_space<vmem>> -> memref<79x128xi32, #tpu.memory_space<vmem>>
      %dma_wait3A_468 = arith.constant 0 : i32
      %dma_wait3A_469 = tpu.memref_slice %arg2[%dma_wait3A_458, %mul3A_418, %dma_wait3A_468] : memref<2x2528x128xi32, #tpu.memory_space<hbm>> -> memref<1x79x128xi32, #tpu.memory_space<hbm>>
      %dma_wait3A_470 = tpu.memref_squeeze %dma_wait3A_469 : memref<1x79x128xi32, #tpu.memory_space<hbm>> -> memref<79x128xi32, #tpu.memory_space<hbm>>
      tpu.wait_dma2 semaphore(%arg12 : memref<!tpu.dma_semaphore, #tpu.memory_space<semaphore_mem>>) src(%dma_wait3A_470 : memref<79x128xi32, #tpu.memory_space<hbm>>) dst(%dma_wait3A_467 : memref<79x128xi32, #tpu.memory_space<vmem>>)
    } else {
    }
    %eq3A_3 = arith.constant 1 : i32
    %eq3A_4 = arith.cmpi eq, %arg0, %eq3A_3 : i32
    %convert_element_type3A_5 = arith.extui %eq3A_4 : i1 to i32
    %cond3A_6 = arith.constant 0 : i32
    %cond3A_7 = arith.cmpi ne, %convert_element_type3A_5, %cond3A_6 : i32
    scf.if %cond3A_7 {
      %mul3A_417 = arith.constant 79 : i32
      %mul3A_418 = arith.muli %arg1, %mul3A_417 : i32
      %add3A_419 = arith.constant 1264 : i32
      %add3A_420 = arith.addi %add3A_419, %mul3A_418 : i32
      %dma_start3A_421 = arith.constant 0 : i32
      %dma_start3A_422 = arith.constant 0 : i32
      %dma_start3A_423 = arith.constant 0 : i32
      %dma_start3A_424 = tpu.memref_slice %arg5[%dma_start3A_422, %dma_start3A_423] : memref<79x128xi32, #tpu.memory_space<vmem>> -> memref<79x128xi32, #tpu.memory_space<vmem>>
      %dma_start3A_425 = arith.constant 0 : i32
      %dma_start3A_426 = tpu.memref_slice %arg2[%dma_start3A_421, %add3A_420, %dma_start3A_425] : memref<2x2528x128xi32, #tpu.memory_space<hbm>> -> memref<1x79x128xi32, #tpu.memory_space<hbm>>
      %dma_start3A_427 = tpu.memref_squeeze %dma_start3A_426 : memref<1x79x128xi32, #tpu.memory_space<hbm>> -> memref<79x128xi32, #tpu.memory_space<hbm>>
      %dma_start3A_428 = arith.constant 0 : i32
      %dma_start3A_429 = arith.constant 0 : i32
      %dma_start3A_430 = tpu.memref_slice %arg5[%dma_start3A_428, %dma_start3A_429] : memref<79x128xi32, #tpu.memory_space<vmem>> -> memref<79x128xi32, #tpu.memory_space<vmem>>
      %dma_start3A_431 = arith.constant 0 : i32
      %dma_start3A_432 = tpu.memref_slice %arg2[%dma_start3A_421, %add3A_420, %dma_start3A_431] : memref<2x2528x128xi32, #tpu.memory_space<hbm>> -> memref<1x79x128xi32, #tpu.memory_space<hbm>>
      %dma_start3A_433 = tpu.memref_squeeze %dma_start3A_432 : memref<1x79x128xi32, #tpu.memory_space<hbm>> -> memref<79x128xi32, #tpu.memory_space<hbm>>
      tpu.enqueue_dma source(%dma_start3A_433 : memref<79x128xi32, #tpu.memory_space<hbm>>) target(%dma_start3A_430 : memref<79x128xi32, #tpu.memory_space<vmem>>) target_semaphore(%arg12 : memref<!tpu.dma_semaphore, #tpu.memory_space<semaphore_mem>>)
      %dma_start3A_434 = arith.constant 1 : i32
      %dma_start3A_435 = arith.constant 0 : i32
      %dma_start3A_436 = arith.constant 0 : i32
      %dma_start3A_437 = tpu.memref_slice %arg6[%dma_start3A_435, %dma_start3A_436] : memref<79x128xi32, #tpu.memory_space<vmem>> -> memref<79x128xi32, #tpu.memory_space<vmem>>
      %dma_start3A_438 = arith.constant 0 : i32
      %dma_start3A_439 = tpu.memref_slice %arg2[%dma_start3A_434, %add3A_420, %dma_start3A_438] : memref<2x2528x128xi32, #tpu.memory_space<hbm>> -> memref<1x79x128xi32, #tpu.memory_space<hbm>>
      %dma_start3A_440 = tpu.memref_squeeze %dma_start3A_439 : memref<1x79x128xi32, #tpu.memory_space<hbm>> -> memref<79x128xi32, #tpu.memory_space<hbm>>
      %dma_start3A_441 = arith.constant 0 : i32
      %dma_start3A_442 = arith.constant 0 : i32
      %dma_start3A_443 = tpu.memref_slice %arg6[%dma_start3A_441, %dma_start3A_442] : memref<79x128xi32, #tpu.memory_space<vmem>> -> memref<79x128xi32, #tpu.memory_space<vmem>>
      %dma_start3A_444 = arith.constant 0 : i32
      %dma_start3A_445 = tpu.memref_slice %arg2[%dma_start3A_434, %add3A_420, %dma_start3A_444] : memref<2x2528x128xi32, #tpu.memory_space<hbm>> -> memref<1x79x128xi32, #tpu.memory_space<hbm>>
      %dma_start3A_446 = tpu.memref_squeeze %dma_start3A_445 : memref<1x79x128xi32, #tpu.memory_space<hbm>> -> memref<79x128xi32, #tpu.memory_space<hbm>>
      tpu.enqueue_dma source(%dma_start3A_446 : memref<79x128xi32, #tpu.memory_space<hbm>>) target(%dma_start3A_443 : memref<79x128xi32, #tpu.memory_space<vmem>>) target_semaphore(%arg12 : memref<!tpu.dma_semaphore, #tpu.memory_space<semaphore_mem>>)
      %dma_wait3A_447 = arith.constant 0 : i32
      %dma_wait3A_448 = arith.constant 0 : i32
      %dma_wait3A_449 = arith.constant 0 : i32
      %dma_wait3A_450 = tpu.memref_slice %arg5[%dma_wait3A_448, %dma_wait3A_449] : memref<79x128xi32, #tpu.memory_space<vmem>> -> memref<79x128xi32, #tpu.memory_space<vmem>>
      %dma_wait3A_451 = arith.constant 0 : i32
      %dma_wait3A_452 = tpu.memref_slice %arg2[%dma_wait3A_447, %add3A_420, %dma_wait3A_451] : memref<2x2528x128xi32, #tpu.memory_space<hbm>> -> memref<1x79x128xi32, #tpu.memory_space<hbm>>
      %dma_wait3A_453 = tpu.memref_squeeze %dma_wait3A_452 : memref<1x79x128xi32, #tpu.memory_space<hbm>> -> memref<79x128xi32, #tpu.memory_space<hbm>>
      %dma_wait3A_454 = arith.constant 0 : i32
      %dma_wait3A_455 = arith.constant 0 : i32
      %dma_wait3A_456 = tpu.memref_slice %arg5[%dma_wait3A_454, %dma_wait3A_455] : memref<79x128xi32, #tpu.memory_space<vmem>> -> memref<79x128xi32, #tpu.memory_space<vmem>>
      %dma_wait3A_457 = arith.constant 0 : i32
      %dma_wait3A_458 = tpu.memref_slice %arg2[%dma_wait3A_447, %add3A_420, %dma_wait3A_457] : memref<2x2528x128xi32, #tpu.memory_space<hbm>> -> memref<1x79x128xi32, #tpu.memory_space<hbm>>
      %dma_wait3A_459 = tpu.memref_squeeze %dma_wait3A_458 : memref<1x79x128xi32, #tpu.memory_space<hbm>> -> memref<79x128xi32, #tpu.memory_space<hbm>>
      tpu.wait_dma2 semaphore(%arg12 : memref<!tpu.dma_semaphore, #tpu.memory_space<semaphore_mem>>) src(%dma_wait3A_459 : memref<79x128xi32, #tpu.memory_space<hbm>>) dst(%dma_wait3A_456 : memref<79x128xi32, #tpu.memory_space<vmem>>)
      %dma_wait3A_460 = arith.constant 1 : i32
      %dma_wait3A_461 = arith.constant 0 : i32
      %dma_wait3A_462 = arith.constant 0 : i32
      %dma_wait3A_463 = tpu.memref_slice %arg6[%dma_wait3A_461, %dma_wait3A_462] : memref<79x128xi32, #tpu.memory_space<vmem>> -> memref<79x128xi32, #tpu.memory_space<vmem>>
      %dma_wait3A_464 = arith.constant 0 : i32
      %dma_wait3A_465 = tpu.memref_slice %arg2[%dma_wait3A_460, %add3A_420, %dma_wait3A_464] : memref<2x2528x128xi32, #tpu.memory_space<hbm>> -> memref<1x79x128xi32, #tpu.memory_space<hbm>>
      %dma_wait3A_466 = tpu.memref_squeeze %dma_wait3A_465 : memref<1x79x128xi32, #tpu.memory_space<hbm>> -> memref<79x128xi32, #tpu.memory_space<hbm>>
      %dma_wait3A_467 = arith.constant 0 : i32
      %dma_wait3A_468 = arith.constant 0 : i32
      %dma_wait3A_469 = tpu.memref_slice %arg6[%dma_wait3A_467, %dma_wait3A_468] : memref<79x128xi32, #tpu.memory_space<vmem>> -> memref<79x128xi32, #tpu.memory_space<vmem>>
      %dma_wait3A_470 = arith.constant 0 : i32
      %dma_wait3A_471 = tpu.memref_slice %arg2[%dma_wait3A_460, %add3A_420, %dma_wait3A_470] : memref<2x2528x128xi32, #tpu.memory_space<hbm>> -> memref<1x79x128xi32, #tpu.memory_space<hbm>>
      %dma_wait3A_472 = tpu.memref_squeeze %dma_wait3A_471 : memref<1x79x128xi32, #tpu.memory_space<hbm>> -> memref<79x128xi32, #tpu.memory_space<hbm>>
      tpu.wait_dma2 semaphore(%arg12 : memref<!tpu.dma_semaphore, #tpu.memory_space<semaphore_mem>>) src(%dma_wait3A_472 : memref<79x128xi32, #tpu.memory_space<hbm>>) dst(%dma_wait3A_469 : memref<79x128xi32, #tpu.memory_space<vmem>>)
    } else {
    }
    %scan3A = arith.constant 0 : i32
    %scan3A_8 = arith.constant 0 : i32
    %scan3A_9 = arith.constant 128 : i32
    %scan3A_10 = arith.addi %scan3A_8, %scan3A_9 : i32
    %scan3A_11 = arith.constant 1 : i32
    %scan3A_12 = scf.for %scan3A_417 = %scan3A_8 to %scan3A_10 step %scan3A_11 iter_args(%scan3A_418 = %scan3A) -> (i32)  : i32 {
      %broadcast_in_dim3A = arith.constant 0.000000e+00 : f32
      %broadcast_in_dim3A_419 = vector.broadcast %broadcast_in_dim3A : f32 to vector<16xf32>
      %swap3A = arith.index_cast %scan3A_417 : i32 to index
      %swap3A_420 = arith.constant 0 : index
      %swap3A_421 = tpu.vector_load %arg7[%swap3A, %swap3A_420] {strides = array<i32>} : memref<128x16xf32, #tpu.memory_space<vmem>>, vector<1x16xf32>,
      %swap3A_422 = vector.shape_cast %swap3A_421 : vector<1x16xf32> to vector<16xf32>
      %swap3A_423 = vector.shape_cast %broadcast_in_dim3A_419 : vector<16xf32> to vector<1x16xf32>
      tpu.vector_store %arg7[%swap3A, %swap3A_420], %swap3A_423 {strides = array<i32>} : memref<128x16xf32, #tpu.memory_space<vmem>>, vector<1x16xf32>,
      %scan3A_424 = arith.constant 0 : i32
      scf.yield %scan3A_424 : i32
    }
    %scan3A_13 = arith.constant 128 : i32
    %add3A = arith.constant 0 : i32
    %add3A_14 = arith.addi %mul3A_0, %add3A : i32
    %dma_start3A = arith.constant 0 : i32
    %dma_start3A_15 = arith.constant 0 : i32
    %dma_start3A_16 = tpu.memref_slice %arg7[%dma_start3A, %dma_start3A_15] : memref<128x16xf32, #tpu.memory_space<vmem>> -> memref<128x16xf32, #tpu.memory_space<vmem>>
    %dma_start3A_17 = arith.constant 0 : i32
    %dma_start3A_18 = tpu.memref_slice %arg11[%add3A_14, %dma_start3A_17] : memref<13584x16xf32, #tpu.memory_space<vmem_shared>> -> memref<128x16xf32, #tpu.memory_space<vmem_shared>>
    %dma_start3A_19 = arith.constant 0 : i32
    %dma_start3A_20 = tpu.memref_slice %arg11[%add3A_14, %dma_start3A_19] : memref<13584x16xf32, #tpu.memory_space<vmem_shared>> -> memref<128x16xf32, #tpu.memory_space<vmem_shared>>
    %dma_start3A_21 = arith.constant 0 : i32
    %dma_start3A_22 = arith.constant 0 : i32
    %dma_start3A_23 = tpu.memref_slice %arg7[%dma_start3A_21, %dma_start3A_22] : memref<128x16xf32, #tpu.memory_space<vmem>> -> memref<128x16xf32, #tpu.memory_space<vmem>>
    tpu.enqueue_dma source(%dma_start3A_23 : memref<128x16xf32, #tpu.memory_space<vmem>>) target(%dma_start3A_20 : memref<128x16xf32, #tpu.memory_space<vmem_shared>>) target_semaphore(%arg13 : memref<!tpu.dma_semaphore, #tpu.memory_space<semaphore_mem>>)
    %add3A_24 = arith.constant 128 : i32
    %add3A_25 = arith.addi %mul3A_0, %add3A_24 : i32
    %dma_start3A_26 = arith.constant 0 : i32
    %dma_start3A_27 = arith.constant 0 : i32
    %dma_start3A_28 = tpu.memref_slice %arg7[%dma_start3A_26, %dma_start3A_27] : memref<128x16xf32, #tpu.memory_space<vmem>> -> memref<128x16xf32, #tpu.memory_space<vmem>>
    %dma_start3A_29 = arith.constant 0 : i32
    %dma_start3A_30 = tpu.memref_slice %arg11[%add3A_25, %dma_start3A_29] : memref<13584x16xf32, #tpu.memory_space<vmem_shared>> -> memref<128x16xf32, #tpu.memory_space<vmem_shared>>
    %dma_start3A_31 = arith.constant 0 : i32
    %dma_start3A_32 = tpu.memref_slice %arg11[%add3A_25, %dma_start3A_31] : memref<13584x16xf32, #tpu.memory_space<vmem_shared>> -> memref<128x16xf32, #tpu.memory_space<vmem_shared>>
    %dma_start3A_33 = arith.constant 0 : i32
    %dma_start3A_34 = arith.constant 0 : i32
    %dma_start3A_35 = tpu.memref_slice %arg7[%dma_start3A_33, %dma_start3A_34] : memref<128x16xf32, #tpu.memory_space<vmem>> -> memref<128x16xf32, #tpu.memory_space<vmem>>
    tpu.enqueue_dma source(%dma_start3A_35 : memref<128x16xf32, #tpu.memory_space<vmem>>) target(%dma_start3A_32 : memref<128x16xf32, #tpu.memory_space<vmem_shared>>) target_semaphore(%arg13 : memref<!tpu.dma_semaphore, #tpu.memory_space<semaphore_mem>>)
    %add3A_36 = arith.constant 256 : i32
    %add3A_37 = arith.addi %mul3A_0, %add3A_36 : i32
    %dma_start3A_38 = arith.constant 0 : i32
    %dma_start3A_39 = arith.constant 0 : i32
    %dma_start3A_40 = tpu.memref_slice %arg7[%dma_start3A_38, %dma_start3A_39] : memref<128x16xf32, #tpu.memory_space<vmem>> -> memref<128x16xf32, #tpu.memory_space<vmem>>
    %dma_start3A_41 = arith.constant 0 : i32
    %dma_start3A_42 = tpu.memref_slice %arg11[%add3A_37, %dma_start3A_41] : memref<13584x16xf32, #tpu.memory_space<vmem_shared>> -> memref<128x16xf32, #tpu.memory_space<vmem_shared>>
    %dma_start3A_43 = arith.constant 0 : i32
    %dma_start3A_44 = tpu.memref_slice %arg11[%add3A_37, %dma_start3A_43] : memref<13584x16xf32, #tpu.memory_space<vmem_shared>> -> memref<128x16xf32, #tpu.memory_space<vmem_shared>>
    %dma_start3A_45 = arith.constant 0 : i32
    %dma_start3A_46 = arith.constant 0 : i32
    %dma_start3A_47 = tpu.memref_slice %arg7[%dma_start3A_45, %dma_start3A_46] : memref<128x16xf32, #tpu.memory_space<vmem>> -> memref<128x16xf32, #tpu.memory_space<vmem>>
    tpu.enqueue_dma source(%dma_start3A_47 : memref<128x16xf32, #tpu.memory_space<vmem>>) target(%dma_start3A_44 : memref<128x16xf32, #tpu.memory_space<vmem_shared>>) target_semaphore(%arg13 : memref<!tpu.dma_semaphore, #tpu.memory_space<semaphore_mem>>)
    %add3A_48 = arith.constant 384 : i32
    %add3A_49 = arith.addi %mul3A_0, %add3A_48 : i32
    %dma_start3A_50 = arith.constant 0 : i32
    %dma_start3A_51 = arith.constant 0 : i32
    %dma_start3A_52 = tpu.memref_slice %arg7[%dma_start3A_50, %dma_start3A_51] : memref<128x16xf32, #tpu.memory_space<vmem>> -> memref<128x16xf32, #tpu.memory_space<vmem>>
    %dma_start3A_53 = arith.constant 0 : i32
    %dma_start3A_54 = tpu.memref_slice %arg11[%add3A_49, %dma_start3A_53] : memref<13584x16xf32, #tpu.memory_space<vmem_shared>> -> memref<128x16xf32, #tpu.memory_space<vmem_shared>>
    %dma_start3A_55 = arith.constant 0 : i32
    %dma_start3A_56 = tpu.memref_slice %arg11[%add3A_49, %dma_start3A_55] : memref<13584x16xf32, #tpu.memory_space<vmem_shared>> -> memref<128x16xf32, #tpu.memory_space<vmem_shared>>
    %dma_start3A_57 = arith.constant 0 : i32
    %dma_start3A_58 = arith.constant 0 : i32
    %dma_start3A_59 = tpu.memref_slice %arg7[%dma_start3A_57, %dma_start3A_58] : memref<128x16xf32, #tpu.memory_space<vmem>> -> memref<128x16xf32, #tpu.memory_space<vmem>>
    tpu.enqueue_dma source(%dma_start3A_59 : memref<128x16xf32, #tpu.memory_space<vmem>>) target(%dma_start3A_56 : memref<128x16xf32, #tpu.memory_space<vmem_shared>>) target_semaphore(%arg13 : memref<!tpu.dma_semaphore, #tpu.memory_space<semaphore_mem>>)
    %add3A_60 = arith.constant 512 : i32
    %add3A_61 = arith.addi %mul3A_0, %add3A_60 : i32
    %dma_start3A_62 = arith.constant 0 : i32
    %dma_start3A_63 = arith.constant 0 : i32
    %dma_start3A_64 = tpu.memref_slice %arg7[%dma_start3A_62, %dma_start3A_63] : memref<128x16xf32, #tpu.memory_space<vmem>> -> memref<112x16xf32, #tpu.memory_space<vmem>>
    %dma_start3A_65 = arith.constant 0 : i32
    %dma_start3A_66 = tpu.memref_slice %arg11[%add3A_61, %dma_start3A_65] : memref<13584x16xf32, #tpu.memory_space<vmem_shared>> -> memref<112x16xf32, #tpu.memory_space<vmem_shared>>
    %dma_start3A_67 = arith.constant 0 : i32
    %dma_start3A_68 = tpu.memref_slice %arg11[%add3A_61, %dma_start3A_67] : memref<13584x16xf32, #tpu.memory_space<vmem_shared>> -> memref<112x16xf32, #tpu.memory_space<vmem_shared>>
    %dma_start3A_69 = arith.constant 0 : i32
    %dma_start3A_70 = arith.constant 0 : i32
    %dma_start3A_71 = tpu.memref_slice %arg7[%dma_start3A_69, %dma_start3A_70] : memref<128x16xf32, #tpu.memory_space<vmem>> -> memref<112x16xf32, #tpu.memory_space<vmem>>
    tpu.enqueue_dma source(%dma_start3A_71 : memref<112x16xf32, #tpu.memory_space<vmem>>) target(%dma_start3A_68 : memref<112x16xf32, #tpu.memory_space<vmem_shared>>) target_semaphore(%arg13 : memref<!tpu.dma_semaphore, #tpu.memory_space<semaphore_mem>>)
    %eq3A_72 = arith.constant 15 : i32
    %eq3A_73 = arith.cmpi eq, %arg1, %eq3A_72 : i32
    %convert_element_type3A_74 = arith.extui %eq3A_73 : i1 to i32
    %cond3A_75 = arith.constant 0 : i32
    %cond3A_76 = arith.cmpi ne, %convert_element_type3A_74, %cond3A_75 : i32
    scf.if %cond3A_76 {
      %dma_start3A_417 = arith.constant 0 : i32
      %dma_start3A_418 = arith.constant 0 : i32
      %dma_start3A_419 = tpu.memref_slice %arg7[%dma_start3A_417, %dma_start3A_418] : memref<128x16xf32, #tpu.memory_space<vmem>> -> memref<16x16xf32, #tpu.memory_space<vmem>>
      %dma_start3A_420 = arith.constant 9984 : i32
      %dma_start3A_421 = arith.constant 0 : i32
      %dma_start3A_422 = tpu.memref_slice %arg11[%dma_start3A_420, %dma_start3A_421] : memref<13584x16xf32, #tpu.memory_space<vmem_shared>> -> memref<16x16xf32, #tpu.memory_space<vmem_shared>>
      %dma_start3A_423 = arith.constant 9984 : i32
      %dma_start3A_424 = arith.constant 0 : i32
      %dma_start3A_425 = tpu.memref_slice %arg11[%dma_start3A_423, %dma_start3A_424] : memref<13584x16xf32, #tpu.memory_space<vmem_shared>> -> memref<16x16xf32, #tpu.memory_space<vmem_shared>>
      %dma_start3A_426 = arith.constant 0 : i32
      %dma_start3A_427 = arith.constant 0 : i32
      %dma_start3A_428 = tpu.memref_slice %arg7[%dma_start3A_426, %dma_start3A_427] : memref<128x16xf32, #tpu.memory_space<vmem>> -> memref<16x16xf32, #tpu.memory_space<vmem>>
      tpu.enqueue_dma source(%dma_start3A_428 : memref<16x16xf32, #tpu.memory_space<vmem>>) target(%dma_start3A_425 : memref<16x16xf32, #tpu.memory_space<vmem_shared>>) target_semaphore(%arg13 : memref<!tpu.dma_semaphore, #tpu.memory_space<semaphore_mem>>)
    } else {
    }
    %add3A_77 = arith.constant 0 : i32
    %add3A_78 = arith.addi %mul3A_0, %add3A_77 : i32
    %dma_wait3A = arith.constant 0 : i32
    %dma_wait3A_79 = arith.constant 0 : i32
    %dma_wait3A_80 = tpu.memref_slice %arg7[%dma_wait3A, %dma_wait3A_79] : memref<128x16xf32, #tpu.memory_space<vmem>> -> memref<128x16xf32, #tpu.memory_space<vmem>>
    %dma_wait3A_81 = arith.constant 0 : i32
    %dma_wait3A_82 = tpu.memref_slice %arg11[%add3A_78, %dma_wait3A_81] : memref<13584x16xf32, #tpu.memory_space<vmem_shared>> -> memref<128x16xf32, #tpu.memory_space<vmem_shared>>
    %dma_wait3A_83 = arith.constant 0 : i32
    %dma_wait3A_84 = tpu.memref_slice %arg11[%add3A_78, %dma_wait3A_83] : memref<13584x16xf32, #tpu.memory_space<vmem_shared>> -> memref<128x16xf32, #tpu.memory_space<vmem_shared>>
    %dma_wait3A_85 = arith.constant 0 : i32
    %dma_wait3A_86 = arith.constant 0 : i32
    %dma_wait3A_87 = tpu.memref_slice %arg7[%dma_wait3A_85, %dma_wait3A_86] : memref<128x16xf32, #tpu.memory_space<vmem>> -> memref<128x16xf32, #tpu.memory_space<vmem>>
    tpu.wait_dma2 semaphore(%arg13 : memref<!tpu.dma_semaphore, #tpu.memory_space<semaphore_mem>>) src(%dma_wait3A_87 : memref<128x16xf32, #tpu.memory_space<vmem>>) dst(%dma_wait3A_84 : memref<128x16xf32, #tpu.memory_space<vmem_shared>>)
    %add3A_88 = arith.constant 128 : i32
    %add3A_89 = arith.addi %mul3A_0, %add3A_88 : i32
    %dma_wait3A_90 = arith.constant 0 : i32
    %dma_wait3A_91 = arith.constant 0 : i32
    %dma_wait3A_92 = tpu.memref_slice %arg7[%dma_wait3A_90, %dma_wait3A_91] : memref<128x16xf32, #tpu.memory_space<vmem>> -> memref<128x16xf32, #tpu.memory_space<vmem>>
    %dma_wait3A_93 = arith.constant 0 : i32
    %dma_wait3A_94 = tpu.memref_slice %arg11[%add3A_89, %dma_wait3A_93] : memref<13584x16xf32, #tpu.memory_space<vmem_shared>> -> memref<128x16xf32, #tpu.memory_space<vmem_shared>>
    %dma_wait3A_95 = arith.constant 0 : i32
    %dma_wait3A_96 = tpu.memref_slice %arg11[%add3A_89, %dma_wait3A_95] : memref<13584x16xf32, #tpu.memory_space<vmem_shared>> -> memref<128x16xf32, #tpu.memory_space<vmem_shared>>
    %dma_wait3A_97 = arith.constant 0 : i32
    %dma_wait3A_98 = arith.constant 0 : i32
    %dma_wait3A_99 = tpu.memref_slice %arg7[%dma_wait3A_97, %dma_wait3A_98] : memref<128x16xf32, #tpu.memory_space<vmem>> -> memref<128x16xf32, #tpu.memory_space<vmem>>
    tpu.wait_dma2 semaphore(%arg13 : memref<!tpu.dma_semaphore, #tpu.memory_space<semaphore_mem>>) src(%dma_wait3A_99 : memref<128x16xf32, #tpu.memory_space<vmem>>) dst(%dma_wait3A_96 : memref<128x16xf32, #tpu.memory_space<vmem_shared>>)
    %add3A_100 = arith.constant 256 : i32
    %add3A_101 = arith.addi %mul3A_0, %add3A_100 : i32
    %dma_wait3A_102 = arith.constant 0 : i32
    %dma_wait3A_103 = arith.constant 0 : i32
    %dma_wait3A_104 = tpu.memref_slice %arg7[%dma_wait3A_102, %dma_wait3A_103] : memref<128x16xf32, #tpu.memory_space<vmem>> -> memref<128x16xf32, #tpu.memory_space<vmem>>
    %dma_wait3A_105 = arith.constant 0 : i32
    %dma_wait3A_106 = tpu.memref_slice %arg11[%add3A_101, %dma_wait3A_105] : memref<13584x16xf32, #tpu.memory_space<vmem_shared>> -> memref<128x16xf32, #tpu.memory_space<vmem_shared>>
    %dma_wait3A_107 = arith.constant 0 : i32
    %dma_wait3A_108 = tpu.memref_slice %arg11[%add3A_101, %dma_wait3A_107] : memref<13584x16xf32, #tpu.memory_space<vmem_shared>> -> memref<128x16xf32, #tpu.memory_space<vmem_shared>>
    %dma_wait3A_109 = arith.constant 0 : i32
    %dma_wait3A_110 = arith.constant 0 : i32
    %dma_wait3A_111 = tpu.memref_slice %arg7[%dma_wait3A_109, %dma_wait3A_110] : memref<128x16xf32, #tpu.memory_space<vmem>> -> memref<128x16xf32, #tpu.memory_space<vmem>>
    tpu.wait_dma2 semaphore(%arg13 : memref<!tpu.dma_semaphore, #tpu.memory_space<semaphore_mem>>) src(%dma_wait3A_111 : memref<128x16xf32, #tpu.memory_space<vmem>>) dst(%dma_wait3A_108 : memref<128x16xf32, #tpu.memory_space<vmem_shared>>)
    %add3A_112 = arith.constant 384 : i32
    %add3A_113 = arith.addi %mul3A_0, %add3A_112 : i32
    %dma_wait3A_114 = arith.constant 0 : i32
    %dma_wait3A_115 = arith.constant 0 : i32
    %dma_wait3A_116 = tpu.memref_slice %arg7[%dma_wait3A_114, %dma_wait3A_115] : memref<128x16xf32, #tpu.memory_space<vmem>> -> memref<128x16xf32, #tpu.memory_space<vmem>>
    %dma_wait3A_117 = arith.constant 0 : i32
    %dma_wait3A_118 = tpu.memref_slice %arg11[%add3A_113, %dma_wait3A_117] : memref<13584x16xf32, #tpu.memory_space<vmem_shared>> -> memref<128x16xf32, #tpu.memory_space<vmem_shared>>
    %dma_wait3A_119 = arith.constant 0 : i32
    %dma_wait3A_120 = tpu.memref_slice %arg11[%add3A_113, %dma_wait3A_119] : memref<13584x16xf32, #tpu.memory_space<vmem_shared>> -> memref<128x16xf32, #tpu.memory_space<vmem_shared>>
    %dma_wait3A_121 = arith.constant 0 : i32
    %dma_wait3A_122 = arith.constant 0 : i32
    %dma_wait3A_123 = tpu.memref_slice %arg7[%dma_wait3A_121, %dma_wait3A_122] : memref<128x16xf32, #tpu.memory_space<vmem>> -> memref<128x16xf32, #tpu.memory_space<vmem>>
    tpu.wait_dma2 semaphore(%arg13 : memref<!tpu.dma_semaphore, #tpu.memory_space<semaphore_mem>>) src(%dma_wait3A_123 : memref<128x16xf32, #tpu.memory_space<vmem>>) dst(%dma_wait3A_120 : memref<128x16xf32, #tpu.memory_space<vmem_shared>>)
    %add3A_124 = arith.constant 512 : i32
    %add3A_125 = arith.addi %mul3A_0, %add3A_124 : i32
    %dma_wait3A_126 = arith.constant 0 : i32
    %dma_wait3A_127 = arith.constant 0 : i32
    %dma_wait3A_128 = tpu.memref_slice %arg7[%dma_wait3A_126, %dma_wait3A_127] : memref<128x16xf32, #tpu.memory_space<vmem>> -> memref<112x16xf32, #tpu.memory_space<vmem>>
    %dma_wait3A_129 = arith.constant 0 : i32
    %dma_wait3A_130 = tpu.memref_slice %arg11[%add3A_125, %dma_wait3A_129] : memref<13584x16xf32, #tpu.memory_space<vmem_shared>> -> memref<112x16xf32, #tpu.memory_space<vmem_shared>>
    %dma_wait3A_131 = arith.constant 0 : i32
    %dma_wait3A_132 = tpu.memref_slice %arg11[%add3A_125, %dma_wait3A_131] : memref<13584x16xf32, #tpu.memory_space<vmem_shared>> -> memref<112x16xf32, #tpu.memory_space<vmem_shared>>
    %dma_wait3A_133 = arith.constant 0 : i32
    %dma_wait3A_134 = arith.constant 0 : i32
    %dma_wait3A_135 = tpu.memref_slice %arg7[%dma_wait3A_133, %dma_wait3A_134] : memref<128x16xf32, #tpu.memory_space<vmem>> -> memref<112x16xf32, #tpu.memory_space<vmem>>
    tpu.wait_dma2 semaphore(%arg13 : memref<!tpu.dma_semaphore, #tpu.memory_space<semaphore_mem>>) src(%dma_wait3A_135 : memref<112x16xf32, #tpu.memory_space<vmem>>) dst(%dma_wait3A_132 : memref<112x16xf32, #tpu.memory_space<vmem_shared>>)
    %eq3A_136 = arith.constant 15 : i32
    %eq3A_137 = arith.cmpi eq, %arg1, %eq3A_136 : i32
    %convert_element_type3A_138 = arith.extui %eq3A_137 : i1 to i32
    %cond3A_139 = arith.constant 0 : i32
    %cond3A_140 = arith.cmpi ne, %convert_element_type3A_138, %cond3A_139 : i32
    scf.if %cond3A_140 {
      %dma_wait3A_417 = arith.constant 0 : i32
      %dma_wait3A_418 = arith.constant 0 : i32
      %dma_wait3A_419 = tpu.memref_slice %arg7[%dma_wait3A_417, %dma_wait3A_418] : memref<128x16xf32, #tpu.memory_space<vmem>> -> memref<16x16xf32, #tpu.memory_space<vmem>>
      %dma_wait3A_420 = arith.constant 9984 : i32
      %dma_wait3A_421 = arith.constant 0 : i32
      %dma_wait3A_422 = tpu.memref_slice %arg11[%dma_wait3A_420, %dma_wait3A_421] : memref<13584x16xf32, #tpu.memory_space<vmem_shared>> -> memref<16x16xf32, #tpu.memory_space<vmem_shared>>
      %dma_wait3A_423 = arith.constant 9984 : i32
      %dma_wait3A_424 = arith.constant 0 : i32
      %dma_wait3A_425 = tpu.memref_slice %arg11[%dma_wait3A_423, %dma_wait3A_424] : memref<13584x16xf32, #tpu.memory_space<vmem_shared>> -> memref<16x16xf32, #tpu.memory_space<vmem_shared>>
      %dma_wait3A_426 = arith.constant 0 : i32
      %dma_wait3A_427 = arith.constant 0 : i32
      %dma_wait3A_428 = tpu.memref_slice %arg7[%dma_wait3A_426, %dma_wait3A_427] : memref<128x16xf32, #tpu.memory_space<vmem>> -> memref<16x16xf32, #tpu.memory_space<vmem>>
      tpu.wait_dma2 semaphore(%arg13 : memref<!tpu.dma_semaphore, #tpu.memory_space<semaphore_mem>>) src(%dma_wait3A_428 : memref<16x16xf32, #tpu.memory_space<vmem>>) dst(%dma_wait3A_425 : memref<16x16xf32, #tpu.memory_space<vmem_shared>>)
    } else {
    }
    %barrier3A = arith.constant 0 : index
    tpu.barrier barrier_id(%barrier3A)
    %eq3A_141 = arith.constant 0 : i32
    %eq3A_142 = arith.cmpi eq, %arg0, %eq3A_141 : i32
    %convert_element_type3A_143 = arith.extui %eq3A_142 : i1 to i32
    %cond3A_144 = arith.constant 0 : i32
    %cond3A_145 = arith.cmpi ne, %convert_element_type3A_143, %cond3A_144 : i32
    scf.if %cond3A_145 {
      %dma_start3A_417 = arith.constant 0 : i32
      %dma_start3A_418 = arith.constant 0 : i32
      %dma_start3A_419 = tpu.memref_slice %arg5[%dma_start3A_417, %dma_start3A_418] : memref<79x128xi32, #tpu.memory_space<vmem>> -> memref<1x128xi32, #tpu.memory_space<vmem>>
      %dma_start3A_420 = tpu.memref_squeeze %dma_start3A_419 : memref<1x128xi32, #tpu.memory_space<vmem>> -> memref<128xi32, #tpu.memory_space<vmem>>
      %dma_start3A_421 = arith.constant 0 : i32
      %dma_start3A_422 = arith.constant 0 : i32
      %dma_start3A_423 = tpu.memref_slice %arg3[%dma_start3A_421, %dma_start3A_422] : memref<10008x16xf32, #tpu.memory_space<hbm>> -> memref<10008x16xf32, #tpu.memory_space<hbm>>
      tpu.enqueue_indirect_dma source(%dma_start3A_423 : memref<10008x16xf32, #tpu.memory_space<hbm>>) target(%arg7 : memref<128x16xf32, #tpu.memory_space<vmem>>) offsets(%dma_start3A_420 : memref<128xi32, #tpu.memory_space<vmem>>) semaphore(%arg14 : memref<!tpu.dma_semaphore, #tpu.memory_space<semaphore_mem>>)
      %dma_start3A_424 = arith.constant 1 : i32
      %dma_start3A_425 = arith.constant 0 : i32
      %dma_start3A_426 = tpu.memref_slice %arg5[%dma_start3A_424, %dma_start3A_425] : memref<79x128xi32, #tpu.memory_space<vmem>> -> memref<1x128xi32, #tpu.memory_space<vmem>>
      %dma_start3A_427 = tpu.memref_squeeze %dma_start3A_426 : memref<1x128xi32, #tpu.memory_space<vmem>> -> memref<128xi32, #tpu.memory_space<vmem>>
      %dma_start3A_428 = arith.constant 0 : i32
      %dma_start3A_429 = arith.constant 0 : i32
      %dma_start3A_430 = tpu.memref_slice %arg3[%dma_start3A_428, %dma_start3A_429] : memref<10008x16xf32, #tpu.memory_space<hbm>> -> memref<10008x16xf32, #tpu.memory_space<hbm>>
      tpu.enqueue_indirect_dma source(%dma_start3A_430 : memref<10008x16xf32, #tpu.memory_space<hbm>>) target(%arg8 : memref<128x16xf32, #tpu.memory_space<vmem>>) offsets(%dma_start3A_427 : memref<128xi32, #tpu.memory_space<vmem>>) semaphore(%arg15 : memref<!tpu.dma_semaphore, #tpu.memory_space<semaphore_mem>>)
      %dma_start3A_431 = arith.constant 2 : i32
      %dma_start3A_432 = arith.constant 0 : i32
      %dma_start3A_433 = tpu.memref_slice %arg5[%dma_start3A_431, %dma_start3A_432] : memref<79x128xi32, #tpu.memory_space<vmem>> -> memref<1x128xi32, #tpu.memory_space<vmem>>
      %dma_start3A_434 = tpu.memref_squeeze %dma_start3A_433 : memref<1x128xi32, #tpu.memory_space<vmem>> -> memref<128xi32, #tpu.memory_space<vmem>>
      %dma_start3A_435 = arith.constant 0 : i32
      %dma_start3A_436 = arith.constant 0 : i32
      %dma_start3A_437 = tpu.memref_slice %arg3[%dma_start3A_435, %dma_start3A_436] : memref<10008x16xf32, #tpu.memory_space<hbm>> -> memref<10008x16xf32, #tpu.memory_space<hbm>>
      tpu.enqueue_indirect_dma source(%dma_start3A_437 : memref<10008x16xf32, #tpu.memory_space<hbm>>) target(%arg9 : memref<128x16xf32, #tpu.memory_space<vmem>>) offsets(%dma_start3A_434 : memref<128xi32, #tpu.memory_space<vmem>>) semaphore(%arg16 : memref<!tpu.dma_semaphore, #tpu.memory_space<semaphore_mem>>)
      %dma_wait3A_438 = arith.constant 0 : i32
      %dma_wait3A_439 = arith.constant 0 : i32
      %dma_wait3A_440 = tpu.memref_slice %arg5[%dma_wait3A_438, %dma_wait3A_439] : memref<79x128xi32, #tpu.memory_space<vmem>> -> memref<1x128xi32, #tpu.memory_space<vmem>>
      %dma_wait3A_441 = tpu.memref_squeeze %dma_wait3A_440 : memref<1x128xi32, #tpu.memory_space<vmem>> -> memref<128xi32, #tpu.memory_space<vmem>>
      %dma_wait3A_442 = arith.constant 0 : i32
      %dma_wait3A_443 = arith.constant 0 : i32
      %dma_wait3A_444 = tpu.memref_slice %arg3[%dma_wait3A_442, %dma_wait3A_443] : memref<10008x16xf32, #tpu.memory_space<hbm>> -> memref<10008x16xf32, #tpu.memory_space<hbm>>
      tpu.wait_indirect_dma semaphore(%arg14 : memref<!tpu.dma_semaphore, #tpu.memory_space<semaphore_mem>>) src(%dma_wait3A_444 : memref<10008x16xf32, #tpu.memory_space<hbm>>) dst(%arg7 : memref<128x16xf32, #tpu.memory_space<vmem>>)
      %dma_start3A_445 = arith.constant 0 : i32
      %dma_start3A_446 = arith.constant 0 : i32
      %dma_start3A_447 = tpu.memref_slice %arg6[%dma_start3A_445, %dma_start3A_446] : memref<79x128xi32, #tpu.memory_space<vmem>> -> memref<1x128xi32, #tpu.memory_space<vmem>>
      %dma_start3A_448 = tpu.memref_squeeze %dma_start3A_447 : memref<1x128xi32, #tpu.memory_space<vmem>> -> memref<128xi32, #tpu.memory_space<vmem>>
      %dma_start3A_449 = arith.constant 0 : i32
      %dma_start3A_450 = arith.constant 0 : i32
      %dma_start3A_451 = tpu.memref_slice %arg11[%dma_start3A_449, %dma_start3A_450] : memref<13584x16xf32, #tpu.memory_space<vmem_shared>> -> memref<13584x16xf32, #tpu.memory_space<vmem_shared>>
      tpu.enqueue_indirect_dma source(%arg7 : memref<128x16xf32, #tpu.memory_space<vmem>>) target(%dma_start3A_451 : memref<13584x16xf32, #tpu.memory_space<vmem_shared>>) offsets(%dma_start3A_448 : memref<128xi32, #tpu.memory_space<vmem>>) semaphore(%arg18 : memref<!tpu.dma_semaphore, #tpu.memory_space<semaphore_mem>>) {add = true}
      %dma_start3A_452 = arith.constant 3 : i32
      %dma_start3A_453 = arith.constant 0 : i32
      %dma_start3A_454 = tpu.memref_slice %arg5[%dma_start3A_452, %dma_start3A_453] : memref<79x128xi32, #tpu.memory_space<vmem>> -> memref<1x128xi32, #tpu.memory_space<vmem>>
      %dma_start3A_455 = tpu.memref_squeeze %dma_start3A_454 : memref<1x128xi32, #tpu.memory_space<vmem>> -> memref<128xi32, #tpu.memory_space<vmem>>
      %dma_start3A_456 = arith.constant 0 : i32
      %dma_start3A_457 = arith.constant 0 : i32
      %dma_start3A_458 = tpu.memref_slice %arg3[%dma_start3A_456, %dma_start3A_457] : memref<10008x16xf32, #tpu.memory_space<hbm>> -> memref<10008x16xf32, #tpu.memory_space<hbm>>
      tpu.enqueue_indirect_dma source(%dma_start3A_458 : memref<10008x16xf32, #tpu.memory_space<hbm>>) target(%arg10 : memref<128x16xf32, #tpu.memory_space<vmem>>) offsets(%dma_start3A_455 : memref<128xi32, #tpu.memory_space<vmem>>) semaphore(%arg17 : memref<!tpu.dma_semaphore, #tpu.memory_space<semaphore_mem>>)
      %dma_wait3A_459 = arith.constant 1 : i32
      %dma_wait3A_460 = arith.constant 0 : i32
      %dma_wait3A_461 = tpu.memref_slice %arg5[%dma_wait3A_459, %dma_wait3A_460] : memref<79x128xi32, #tpu.memory_space<vmem>> -> memref<1x128xi32, #tpu.memory_space<vmem>>
      %dma_wait3A_462 = tpu.memref_squeeze %dma_wait3A_461 : memref<1x128xi32, #tpu.memory_space<vmem>> -> memref<128xi32, #tpu.memory_space<vmem>>
      %dma_wait3A_463 = arith.constant 0 : i32
      %dma_wait3A_464 = arith.constant 0 : i32
      %dma_wait3A_465 = tpu.memref_slice %arg3[%dma_wait3A_463, %dma_wait3A_464] : memref<10008x16xf32, #tpu.memory_space<hbm>> -> memref<10008x16xf32, #tpu.memory_space<hbm>>
      tpu.wait_indirect_dma semaphore(%arg15 : memref<!tpu.dma_semaphore, #tpu.memory_space<semaphore_mem>>) src(%dma_wait3A_465 : memref<10008x16xf32, #tpu.memory_space<hbm>>) dst(%arg8 : memref<128x16xf32, #tpu.memory_space<vmem>>)
      %dma_start3A_466 = arith.constant 1 : i32
      %dma_start3A_467 = arith.constant 0 : i32
      %dma_start3A_468 = tpu.memref_slice %arg6[%dma_start3A_466, %dma_start3A_467] : memref<79x128xi32, #tpu.memory_space<vmem>> -> memref<1x128xi32, #tpu.memory_space<vmem>>
      %dma_start3A_469 = tpu.memref_squeeze %dma_start3A_468 : memref<1x128xi32, #tpu.memory_space<vmem>> -> memref<128xi32, #tpu.memory_space<vmem>>
      %dma_start3A_470 = arith.constant 0 : i32
      %dma_start3A_471 = arith.constant 0 : i32
      %dma_start3A_472 = tpu.memref_slice %arg11[%dma_start3A_470, %dma_start3A_471] : memref<13584x16xf32, #tpu.memory_space<vmem_shared>> -> memref<13584x16xf32, #tpu.memory_space<vmem_shared>>
      tpu.enqueue_indirect_dma source(%arg8 : memref<128x16xf32, #tpu.memory_space<vmem>>) target(%dma_start3A_472 : memref<13584x16xf32, #tpu.memory_space<vmem_shared>>) offsets(%dma_start3A_469 : memref<128xi32, #tpu.memory_space<vmem>>) semaphore(%arg19 : memref<!tpu.dma_semaphore, #tpu.memory_space<semaphore_mem>>) {add = true}
      %dma_wait3A_473 = arith.constant 0 : i32
      %dma_wait3A_474 = arith.constant 0 : i32
      %dma_wait3A_475 = tpu.memref_slice %arg6[%dma_wait3A_473, %dma_wait3A_474] : memref<79x128xi32, #tpu.memory_space<vmem>> -> memref<1x128xi32, #tpu.memory_space<vmem>>
      %dma_wait3A_476 = tpu.memref_squeeze %dma_wait3A_475 : memref<1x128xi32, #tpu.memory_space<vmem>> -> memref<128xi32, #tpu.memory_space<vmem>>
      %dma_wait3A_477 = arith.constant 0 : i32
      %dma_wait3A_478 = arith.constant 0 : i32
      %dma_wait3A_479 = tpu.memref_slice %arg11[%dma_wait3A_477, %dma_wait3A_478] : memref<13584x16xf32, #tpu.memory_space<vmem_shared>> -> memref<13584x16xf32, #tpu.memory_space<vmem_shared>>
      tpu.wait_indirect_dma semaphore(%arg18 : memref<!tpu.dma_semaphore, #tpu.memory_space<semaphore_mem>>) src(%arg7 : memref<128x16xf32, #tpu.memory_space<vmem>>) dst(%dma_wait3A_479 : memref<13584x16xf32, #tpu.memory_space<vmem_shared>>)
      %dma_start3A_480 = arith.constant 4 : i32
      %dma_start3A_481 = arith.constant 0 : i32
      %dma_start3A_482 = tpu.memref_slice %arg5[%dma_start3A_480, %dma_start3A_481] : memref<79x128xi32, #tpu.memory_space<vmem>> -> memref<1x128xi32, #tpu.memory_space<vmem>>
      %dma_start3A_483 = tpu.memref_squeeze %dma_start3A_482 : memref<1x128xi32, #tpu.memory_space<vmem>> -> memref<128xi32, #tpu.memory_space<vmem>>
      %dma_start3A_484 = arith.constant 0 : i32
      %dma_start3A_485 = arith.constant 0 : i32
      %dma_start3A_486 = tpu.memref_slice %arg3[%dma_start3A_484, %dma_start3A_485] : memref<10008x16xf32, #tpu.memory_space<hbm>> -> memref<10008x16xf32, #tpu.memory_space<hbm>>
      tpu.enqueue_indirect_dma source(%dma_start3A_486 : memref<10008x16xf32, #tpu.memory_space<hbm>>) target(%arg7 : memref<128x16xf32, #tpu.memory_space<vmem>>) offsets(%dma_start3A_483 : memref<128xi32, #tpu.memory_space<vmem>>) semaphore(%arg14 : memref<!tpu.dma_semaphore, #tpu.memory_space<semaphore_mem>>)
      %dma_wait3A_487 = arith.constant 2 : i32
      %dma_wait3A_488 = arith.constant 0 : i32
      %dma_wait3A_489 = tpu.memref_slice %arg5[%dma_wait3A_487, %dma_wait3A_488] : memref<79x128xi32, #tpu.memory_space<vmem>> -> memref<1x128xi32, #tpu.memory_space<vmem>>
      %dma_wait3A_490 = tpu.memref_squeeze %dma_wait3A_489 : memref<1x128xi32, #tpu.memory_space<vmem>> -> memref<128xi32, #tpu.memory_space<vmem>>
      %dma_wait3A_491 = arith.constant 0 : i32
      %dma_wait3A_492 = arith.constant 0 : i32
      %dma_wait3A_493 = tpu.memref_slice %arg3[%dma_wait3A_491, %dma_wait3A_492] : memref<10008x16xf32, #tpu.memory_space<hbm>> -> memref<10008x16xf32, #tpu.memory_space<hbm>>
      tpu.wait_indirect_dma semaphore(%arg16 : memref<!tpu.dma_semaphore, #tpu.memory_space<semaphore_mem>>) src(%dma_wait3A_493 : memref<10008x16xf32, #tpu.memory_space<hbm>>) dst(%arg9 : memref<128x16xf32, #tpu.memory_space<vmem>>)
      %dma_start3A_494 = arith.constant 2 : i32
      %dma_start3A_495 = arith.constant 0 : i32
      %dma_start3A_496 = tpu.memref_slice %arg6[%dma_start3A_494, %dma_start3A_495] : memref<79x128xi32, #tpu.memory_space<vmem>> -> memref<1x128xi32, #tpu.memory_space<vmem>>
      %dma_start3A_497 = tpu.memref_squeeze %dma_start3A_496 : memref<1x128xi32, #tpu.memory_space<vmem>> -> memref<128xi32, #tpu.memory_space<vmem>>
      %dma_start3A_498 = arith.constant 0 : i32
      %dma_start3A_499 = arith.constant 0 : i32
      %dma_start3A_500 = tpu.memref_slice %arg11[%dma_start3A_498, %dma_start3A_499] : memref<13584x16xf32, #tpu.memory_space<vmem_shared>> -> memref<13584x16xf32, #tpu.memory_space<vmem_shared>>
      tpu.enqueue_indirect_dma source(%arg9 : memref<128x16xf32, #tpu.memory_space<vmem>>) target(%dma_start3A_500 : memref<13584x16xf32, #tpu.memory_space<vmem_shared>>) offsets(%dma_start3A_497 : memref<128xi32, #tpu.memory_space<vmem>>) semaphore(%arg20 : memref<!tpu.dma_semaphore, #tpu.memory_space<semaphore_mem>>) {add = true}
      %dma_wait3A_501 = arith.constant 1 : i32
      %dma_wait3A_502 = arith.constant 0 : i32
      %dma_wait3A_503 = tpu.memref_slice %arg6[%dma_wait3A_501, %dma_wait3A_502] : memref<79x128xi32, #tpu.memory_space<vmem>> -> memref<1x128xi32, #tpu.memory_space<vmem>>
      %dma_wait3A_504 = tpu.memref_squeeze %dma_wait3A_503 : memref<1x128xi32, #tpu.memory_space<vmem>> -> memref<128xi32, #tpu.memory_space<vmem>>
      %dma_wait3A_505 = arith.constant 0 : i32
      %dma_wait3A_506 = arith.constant 0 : i32
      %dma_wait3A_507 = tpu.memref_slice %arg11[%dma_wait3A_505, %dma_wait3A_506] : memref<13584x16xf32, #tpu.memory_space<vmem_shared>> -> memref<13584x16xf32, #tpu.memory_space<vmem_shared>>
      tpu.wait_indirect_dma semaphore(%arg19 : memref<!tpu.dma_semaphore, #tpu.memory_space<semaphore_mem>>) src(%arg8 : memref<128x16xf32, #tpu.memory_space<vmem>>) dst(%dma_wait3A_507 : memref<13584x16xf32, #tpu.memory_space<vmem_shared>>)
      %dma_start3A_508 = arith.constant 5 : i32
      %dma_start3A_509 = arith.constant 0 : i32
      %dma_start3A_510 = tpu.memref_slice %arg5[%dma_start3A_508, %dma_start3A_509] : memref<79x128xi32, #tpu.memory_space<vmem>> -> memref<1x128xi32, #tpu.memory_space<vmem>>
      %dma_start3A_511 = tpu.memref_squeeze %dma_start3A_510 : memref<1x128xi32, #tpu.memory_space<vmem>> -> memref<128xi32, #tpu.memory_space<vmem>>
      %dma_start3A_512 = arith.constant 0 : i32
      %dma_start3A_513 = arith.constant 0 : i32
      %dma_start3A_514 = tpu.memref_slice %arg3[%dma_start3A_512, %dma_start3A_513] : memref<10008x16xf32, #tpu.memory_space<hbm>> -> memref<10008x16xf32, #tpu.memory_space<hbm>>
      tpu.enqueue_indirect_dma source(%dma_start3A_514 : memref<10008x16xf32, #tpu.memory_space<hbm>>) target(%arg8 : memref<128x16xf32, #tpu.memory_space<vmem>>) offsets(%dma_start3A_511 : memref<128xi32, #tpu.memory_space<vmem>>) semaphore(%arg15 : memref<!tpu.dma_semaphore, #tpu.memory_space<semaphore_mem>>)
      %dma_wait3A_515 = arith.constant 3 : i32
      %dma_wait3A_516 = arith.constant 0 : i32
      %dma_wait3A_517 = tpu.memref_slice %arg5[%dma_wait3A_515, %dma_wait3A_516] : memref<79x128xi32, #tpu.memory_space<vmem>> -> memref<1x128xi32, #tpu.memory_space<vmem>>
      %dma_wait3A_518 = tpu.memref_squeeze %dma_wait3A_517 : memref<1x128xi32, #tpu.memory_space<vmem>> -> memref<128xi32, #tpu.memory_space<vmem>>
      %dma_wait3A_519 = arith.constant 0 : i32
      %dma_wait3A_520 = arith.constant 0 : i32
      %dma_wait3A_521 = tpu.memref_slice %arg3[%dma_wait3A_519, %dma_wait3A_520] : memref<10008x16xf32, #tpu.memory_space<hbm>> -> memref<10008x16xf32, #tpu.memory_space<hbm>>
      tpu.wait_indirect_dma semaphore(%arg17 : memref<!tpu.dma_semaphore, #tpu.memory_space<semaphore_mem>>) src(%dma_wait3A_521 : memref<10008x16xf32, #tpu.memory_space<hbm>>) dst(%arg10 : memref<128x16xf32, #tpu.memory_space<vmem>>)
      %dma_start3A_522 = arith.constant 3 : i32
      %dma_start3A_523 = arith.constant 0 : i32
      %dma_start3A_524 = tpu.memref_slice %arg6[%dma_start3A_522, %dma_start3A_523] : memref<79x128xi32, #tpu.memory_space<vmem>> -> memref<1x128xi32, #tpu.memory_space<vmem>>
      %dma_start3A_525 = tpu.memref_squeeze %dma_start3A_524 : memref<1x128xi32, #tpu.memory_space<vmem>> -> memref<128xi32, #tpu.memory_space<vmem>>
      %dma_start3A_526 = arith.constant 0 : i32
      %dma_start3A_527 = arith.constant 0 : i32
      %dma_start3A_528 = tpu.memref_slice %arg11[%dma_start3A_526, %dma_start3A_527] : memref<13584x16xf32, #tpu.memory_space<vmem_shared>> -> memref<13584x16xf32, #tpu.memory_space<vmem_shared>>
      tpu.enqueue_indirect_dma source(%arg10 : memref<128x16xf32, #tpu.memory_space<vmem>>) target(%dma_start3A_528 : memref<13584x16xf32, #tpu.memory_space<vmem_shared>>) offsets(%dma_start3A_525 : memref<128xi32, #tpu.memory_space<vmem>>) semaphore(%arg21 : memref<!tpu.dma_semaphore, #tpu.memory_space<semaphore_mem>>) {add = true}
      %dma_wait3A_529 = arith.constant 2 : i32
      %dma_wait3A_530 = arith.constant 0 : i32
      %dma_wait3A_531 = tpu.memref_slice %arg6[%dma_wait3A_529, %dma_wait3A_530] : memref<79x128xi32, #tpu.memory_space<vmem>> -> memref<1x128xi32, #tpu.memory_space<vmem>>
      %dma_wait3A_532 = tpu.memref_squeeze %dma_wait3A_531 : memref<1x128xi32, #tpu.memory_space<vmem>> -> memref<128xi32, #tpu.memory_space<vmem>>
      %dma_wait3A_533 = arith.constant 0 : i32
      %dma_wait3A_534 = arith.constant 0 : i32
      %dma_wait3A_535 = tpu.memref_slice %arg11[%dma_wait3A_533, %dma_wait3A_534] : memref<13584x16xf32, #tpu.memory_space<vmem_shared>> -> memref<13584x16xf32, #tpu.memory_space<vmem_shared>>
      tpu.wait_indirect_dma semaphore(%arg20 : memref<!tpu.dma_semaphore, #tpu.memory_space<semaphore_mem>>) src(%arg9 : memref<128x16xf32, #tpu.memory_space<vmem>>) dst(%dma_wait3A_535 : memref<13584x16xf32, #tpu.memory_space<vmem_shared>>)
      %dma_start3A_536 = arith.constant 6 : i32
      %dma_start3A_537 = arith.constant 0 : i32
      %dma_start3A_538 = tpu.memref_slice %arg5[%dma_start3A_536, %dma_start3A_537] : memref<79x128xi32, #tpu.memory_space<vmem>> -> memref<1x128xi32, #tpu.memory_space<vmem>>
      %dma_start3A_539 = tpu.memref_squeeze %dma_start3A_538 : memref<1x128xi32, #tpu.memory_space<vmem>> -> memref<128xi32, #tpu.memory_space<vmem>>
      %dma_start3A_540 = arith.constant 0 : i32
      %dma_start3A_541 = arith.constant 0 : i32
      %dma_start3A_542 = tpu.memref_slice %arg3[%dma_start3A_540, %dma_start3A_541] : memref<10008x16xf32, #tpu.memory_space<hbm>> -> memref<10008x16xf32, #tpu.memory_space<hbm>>
      tpu.enqueue_indirect_dma source(%dma_start3A_542 : memref<10008x16xf32, #tpu.memory_space<hbm>>) target(%arg9 : memref<128x16xf32, #tpu.memory_space<vmem>>) offsets(%dma_start3A_539 : memref<128xi32, #tpu.memory_space<vmem>>) semaphore(%arg16 : memref<!tpu.dma_semaphore, #tpu.memory_space<semaphore_mem>>)
      %scan3A_543 = arith.constant 0 : i32
      %scan3A_544 = arith.constant 1 : i32
      %scan3A_545 = arith.constant 18 : i32
      %scan3A_546 = arith.addi %scan3A_544, %scan3A_545 : i32
      %scan3A_547 = arith.constant 1 : i32
      %scan3A_548 = scf.for %scan3A_620 = %scan3A_544 to %scan3A_546 step %scan3A_547 iter_args(%scan3A_621 = %scan3A_543) -> (i32)  : i32 {
        %mul3A_622 = arith.constant 4 : i32
        %mul3A_623 = arith.muli %scan3A_620, %mul3A_622 : i32
        %add3A_624 = arith.constant 0 : i32
        %add3A_625 = arith.addi %mul3A_623, %add3A_624 : i32
        %dma_wait3A_626 = arith.constant 0 : i32
        %dma_wait3A_627 = tpu.memref_slice %arg5[%add3A_625, %dma_wait3A_626] : memref<79x128xi32, #tpu.memory_space<vmem>> -> memref<1x128xi32, #tpu.memory_space<vmem>>
        %dma_wait3A_628 = tpu.memref_squeeze %dma_wait3A_627 : memref<1x128xi32, #tpu.memory_space<vmem>> -> memref<128xi32, #tpu.memory_space<vmem>>
        %dma_wait3A_629 = arith.constant 0 : i32
        %dma_wait3A_630 = arith.constant 0 : i32
        %dma_wait3A_631 = tpu.memref_slice %arg3[%dma_wait3A_629, %dma_wait3A_630] : memref<10008x16xf32, #tpu.memory_space<hbm>> -> memref<10008x16xf32, #tpu.memory_space<hbm>>
        tpu.wait_indirect_dma semaphore(%arg14 : memref<!tpu.dma_semaphore, #tpu.memory_space<semaphore_mem>>) src(%dma_wait3A_631 : memref<10008x16xf32, #tpu.memory_space<hbm>>) dst(%arg7 : memref<128x16xf32, #tpu.memory_space<vmem>>)
        %dma_start3A_632 = arith.constant 0 : i32
        %dma_start3A_633 = tpu.memref_slice %arg6[%add3A_625, %dma_start3A_632] : memref<79x128xi32, #tpu.memory_space<vmem>> -> memref<1x128xi32, #tpu.memory_space<vmem>>
        %dma_start3A_634 = tpu.memref_squeeze %dma_start3A_633 : memref<1x128xi32, #tpu.memory_space<vmem>> -> memref<128xi32, #tpu.memory_space<vmem>>
        %dma_start3A_635 = arith.constant 0 : i32
        %dma_start3A_636 = arith.constant 0 : i32
        %dma_start3A_637 = tpu.memref_slice %arg11[%dma_start3A_635, %dma_start3A_636] : memref<13584x16xf32, #tpu.memory_space<vmem_shared>> -> memref<13584x16xf32, #tpu.memory_space<vmem_shared>>
        tpu.enqueue_indirect_dma source(%arg7 : memref<128x16xf32, #tpu.memory_space<vmem>>) target(%dma_start3A_637 : memref<13584x16xf32, #tpu.memory_space<vmem_shared>>) offsets(%dma_start3A_634 : memref<128xi32, #tpu.memory_space<vmem>>) semaphore(%arg18 : memref<!tpu.dma_semaphore, #tpu.memory_space<semaphore_mem>>) {add = true}
        %sub3A = arith.constant 1 : i32
        %sub3A_638 = arith.subi %add3A_625, %sub3A : i32
        %dma_wait3A_639 = arith.constant 0 : i32
        %dma_wait3A_640 = tpu.memref_slice %arg6[%sub3A_638, %dma_wait3A_639] : memref<79x128xi32, #tpu.memory_space<vmem>> -> memref<1x128xi32, #tpu.memory_space<vmem>>
        %dma_wait3A_641 = tpu.memref_squeeze %dma_wait3A_640 : memref<1x128xi32, #tpu.memory_space<vmem>> -> memref<128xi32, #tpu.memory_space<vmem>>
        %dma_wait3A_642 = arith.constant 0 : i32
        %dma_wait3A_643 = arith.constant 0 : i32
        %dma_wait3A_644 = tpu.memref_slice %arg11[%dma_wait3A_642, %dma_wait3A_643] : memref<13584x16xf32, #tpu.memory_space<vmem_shared>> -> memref<13584x16xf32, #tpu.memory_space<vmem_shared>>
        tpu.wait_indirect_dma semaphore(%arg21 : memref<!tpu.dma_semaphore, #tpu.memory_space<semaphore_mem>>) src(%arg10 : memref<128x16xf32, #tpu.memory_space<vmem>>) dst(%dma_wait3A_644 : memref<13584x16xf32, #tpu.memory_space<vmem_shared>>)
        %add3A_645 = arith.constant 3 : i32
        %add3A_646 = arith.addi %add3A_625, %add3A_645 : i32
        %dma_start3A_647 = arith.constant 0 : i32
        %dma_start3A_648 = tpu.memref_slice %arg5[%add3A_646, %dma_start3A_647] : memref<79x128xi32, #tpu.memory_space<vmem>> -> memref<1x128xi32, #tpu.memory_space<vmem>>
        %dma_start3A_649 = tpu.memref_squeeze %dma_start3A_648 : memref<1x128xi32, #tpu.memory_space<vmem>> -> memref<128xi32, #tpu.memory_space<vmem>>
        %dma_start3A_650 = arith.constant 0 : i32
        %dma_start3A_651 = arith.constant 0 : i32
        %dma_start3A_652 = tpu.memref_slice %arg3[%dma_start3A_650, %dma_start3A_651] : memref<10008x16xf32, #tpu.memory_space<hbm>> -> memref<10008x16xf32, #tpu.memory_space<hbm>>
        tpu.enqueue_indirect_dma source(%dma_start3A_652 : memref<10008x16xf32, #tpu.memory_space<hbm>>) target(%arg10 : memref<128x16xf32, #tpu.memory_space<vmem>>) offsets(%dma_start3A_649 : memref<128xi32, #tpu.memory_space<vmem>>) semaphore(%arg17 : memref<!tpu.dma_semaphore, #tpu.memory_space<semaphore_mem>>)
        %mul3A_653 = arith.constant 4 : i32
        %mul3A_654 = arith.muli %scan3A_620, %mul3A_653 : i32
        %add3A_655 = arith.constant 1 : i32
        %add3A_656 = arith.addi %mul3A_654, %add3A_655 : i32
        %dma_wait3A_657 = arith.constant 0 : i32
        %dma_wait3A_658 = tpu.memref_slice %arg5[%add3A_656, %dma_wait3A_657] : memref<79x128xi32, #tpu.memory_space<vmem>> -> memref<1x128xi32, #tpu.memory_space<vmem>>
        %dma_wait3A_659 = tpu.memref_squeeze %dma_wait3A_658 : memref<1x128xi32, #tpu.memory_space<vmem>> -> memref<128xi32, #tpu.memory_space<vmem>>
        %dma_wait3A_660 = arith.constant 0 : i32
        %dma_wait3A_661 = arith.constant 0 : i32
        %dma_wait3A_662 = tpu.memref_slice %arg3[%dma_wait3A_660, %dma_wait3A_661] : memref<10008x16xf32, #tpu.memory_space<hbm>> -> memref<10008x16xf32, #tpu.memory_space<hbm>>
        tpu.wait_indirect_dma semaphore(%arg15 : memref<!tpu.dma_semaphore, #tpu.memory_space<semaphore_mem>>) src(%dma_wait3A_662 : memref<10008x16xf32, #tpu.memory_space<hbm>>) dst(%arg8 : memref<128x16xf32, #tpu.memory_space<vmem>>)
        %dma_start3A_663 = arith.constant 0 : i32
        %dma_start3A_664 = tpu.memref_slice %arg6[%add3A_656, %dma_start3A_663] : memref<79x128xi32, #tpu.memory_space<vmem>> -> memref<1x128xi32, #tpu.memory_space<vmem>>
        %dma_start3A_665 = tpu.memref_squeeze %dma_start3A_664 : memref<1x128xi32, #tpu.memory_space<vmem>> -> memref<128xi32, #tpu.memory_space<vmem>>
        %dma_start3A_666 = arith.constant 0 : i32
        %dma_start3A_667 = arith.constant 0 : i32
        %dma_start3A_668 = tpu.memref_slice %arg11[%dma_start3A_666, %dma_start3A_667] : memref<13584x16xf32, #tpu.memory_space<vmem_shared>> -> memref<13584x16xf32, #tpu.memory_space<vmem_shared>>
        tpu.enqueue_indirect_dma source(%arg8 : memref<128x16xf32, #tpu.memory_space<vmem>>) target(%dma_start3A_668 : memref<13584x16xf32, #tpu.memory_space<vmem_shared>>) offsets(%dma_start3A_665 : memref<128xi32, #tpu.memory_space<vmem>>) semaphore(%arg19 : memref<!tpu.dma_semaphore, #tpu.memory_space<semaphore_mem>>) {add = true}
        %sub3A_669 = arith.constant 1 : i32
        %sub3A_670 = arith.subi %add3A_656, %sub3A_669 : i32
        %dma_wait3A_671 = arith.constant 0 : i32
        %dma_wait3A_672 = tpu.memref_slice %arg6[%sub3A_670, %dma_wait3A_671] : memref<79x128xi32, #tpu.memory_space<vmem>> -> memref<1x128xi32, #tpu.memory_space<vmem>>
        %dma_wait3A_673 = tpu.memref_squeeze %dma_wait3A_672 : memref<1x128xi32, #tpu.memory_space<vmem>> -> memref<128xi32, #tpu.memory_space<vmem>>
        %dma_wait3A_674 = arith.constant 0 : i32
        %dma_wait3A_675 = arith.constant 0 : i32
        %dma_wait3A_676 = tpu.memref_slice %arg11[%dma_wait3A_674, %dma_wait3A_675] : memref<13584x16xf32, #tpu.memory_space<vmem_shared>> -> memref<13584x16xf32, #tpu.memory_space<vmem_shared>>
        tpu.wait_indirect_dma semaphore(%arg18 : memref<!tpu.dma_semaphore, #tpu.memory_space<semaphore_mem>>) src(%arg7 : memref<128x16xf32, #tpu.memory_space<vmem>>) dst(%dma_wait3A_676 : memref<13584x16xf32, #tpu.memory_space<vmem_shared>>)
        %add3A_677 = arith.constant 3 : i32
        %add3A_678 = arith.addi %add3A_656, %add3A_677 : i32
        %dma_start3A_679 = arith.constant 0 : i32
        %dma_start3A_680 = tpu.memref_slice %arg5[%add3A_678, %dma_start3A_679] : memref<79x128xi32, #tpu.memory_space<vmem>> -> memref<1x128xi32, #tpu.memory_space<vmem>>
        %dma_start3A_681 = tpu.memref_squeeze %dma_start3A_680 : memref<1x128xi32, #tpu.memory_space<vmem>> -> memref<128xi32, #tpu.memory_space<vmem>>
        %dma_start3A_682 = arith.constant 0 : i32
        %dma_start3A_683 = arith.constant 0 : i32
        %dma_start3A_684 = tpu.memref_slice %arg3[%dma_start3A_682, %dma_start3A_683] : memref<10008x16xf32, #tpu.memory_space<hbm>> -> memref<10008x16xf32, #tpu.memory_space<hbm>>
        tpu.enqueue_indirect_dma source(%dma_start3A_684 : memref<10008x16xf32, #tpu.memory_space<hbm>>) target(%arg7 : memref<128x16xf32, #tpu.memory_space<vmem>>) offsets(%dma_start3A_681 : memref<128xi32, #tpu.memory_space<vmem>>) semaphore(%arg14 : memref<!tpu.dma_semaphore, #tpu.memory_space<semaphore_mem>>)
        %mul3A_685 = arith.constant 4 : i32
        %mul3A_686 = arith.muli %scan3A_620, %mul3A_685 : i32
        %add3A_687 = arith.constant 2 : i32
        %add3A_688 = arith.addi %mul3A_686, %add3A_687 : i32
        %dma_wait3A_689 = arith.constant 0 : i32
        %dma_wait3A_690 = tpu.memref_slice %arg5[%add3A_688, %dma_wait3A_689] : memref<79x128xi32, #tpu.memory_space<vmem>> -> memref<1x128xi32, #tpu.memory_space<vmem>>
        %dma_wait3A_691 = tpu.memref_squeeze %dma_wait3A_690 : memref<1x128xi32, #tpu.memory_space<vmem>> -> memref<128xi32, #tpu.memory_space<vmem>>
        %dma_wait3A_692 = arith.constant 0 : i32
        %dma_wait3A_693 = arith.constant 0 : i32
        %dma_wait3A_694 = tpu.memref_slice %arg3[%dma_wait3A_692, %dma_wait3A_693] : memref<10008x16xf32, #tpu.memory_space<hbm>> -> memref<10008x16xf32, #tpu.memory_space<hbm>>
        tpu.wait_indirect_dma semaphore(%arg16 : memref<!tpu.dma_semaphore, #tpu.memory_space<semaphore_mem>>) src(%dma_wait3A_694 : memref<10008x16xf32, #tpu.memory_space<hbm>>) dst(%arg9 : memref<128x16xf32, #tpu.memory_space<vmem>>)
        %dma_start3A_695 = arith.constant 0 : i32
        %dma_start3A_696 = tpu.memref_slice %arg6[%add3A_688, %dma_start3A_695] : memref<79x128xi32, #tpu.memory_space<vmem>> -> memref<1x128xi32, #tpu.memory_space<vmem>>
        %dma_start3A_697 = tpu.memref_squeeze %dma_start3A_696 : memref<1x128xi32, #tpu.memory_space<vmem>> -> memref<128xi32, #tpu.memory_space<vmem>>
        %dma_start3A_698 = arith.constant 0 : i32
        %dma_start3A_699 = arith.constant 0 : i32
        %dma_start3A_700 = tpu.memref_slice %arg11[%dma_start3A_698, %dma_start3A_699] : memref<13584x16xf32, #tpu.memory_space<vmem_shared>> -> memref<13584x16xf32, #tpu.memory_space<vmem_shared>>
        tpu.enqueue_indirect_dma source(%arg9 : memref<128x16xf32, #tpu.memory_space<vmem>>) target(%dma_start3A_700 : memref<13584x16xf32, #tpu.memory_space<vmem_shared>>) offsets(%dma_start3A_697 : memref<128xi32, #tpu.memory_space<vmem>>) semaphore(%arg20 : memref<!tpu.dma_semaphore, #tpu.memory_space<semaphore_mem>>) {add = true}
        %sub3A_701 = arith.constant 1 : i32
        %sub3A_702 = arith.subi %add3A_688, %sub3A_701 : i32
        %dma_wait3A_703 = arith.constant 0 : i32
        %dma_wait3A_704 = tpu.memref_slice %arg6[%sub3A_702, %dma_wait3A_703] : memref<79x128xi32, #tpu.memory_space<vmem>> -> memref<1x128xi32, #tpu.memory_space<vmem>>
        %dma_wait3A_705 = tpu.memref_squeeze %dma_wait3A_704 : memref<1x128xi32, #tpu.memory_space<vmem>> -> memref<128xi32, #tpu.memory_space<vmem>>
        %dma_wait3A_706 = arith.constant 0 : i32
        %dma_wait3A_707 = arith.constant 0 : i32
        %dma_wait3A_708 = tpu.memref_slice %arg11[%dma_wait3A_706, %dma_wait3A_707] : memref<13584x16xf32, #tpu.memory_space<vmem_shared>> -> memref<13584x16xf32, #tpu.memory_space<vmem_shared>>
        tpu.wait_indirect_dma semaphore(%arg19 : memref<!tpu.dma_semaphore, #tpu.memory_space<semaphore_mem>>) src(%arg8 : memref<128x16xf32, #tpu.memory_space<vmem>>) dst(%dma_wait3A_708 : memref<13584x16xf32, #tpu.memory_space<vmem_shared>>)
        %add3A_709 = arith.constant 3 : i32
        %add3A_710 = arith.addi %add3A_688, %add3A_709 : i32
        %dma_start3A_711 = arith.constant 0 : i32
        %dma_start3A_712 = tpu.memref_slice %arg5[%add3A_710, %dma_start3A_711] : memref<79x128xi32, #tpu.memory_space<vmem>> -> memref<1x128xi32, #tpu.memory_space<vmem>>
        %dma_start3A_713 = tpu.memref_squeeze %dma_start3A_712 : memref<1x128xi32, #tpu.memory_space<vmem>> -> memref<128xi32, #tpu.memory_space<vmem>>
        %dma_start3A_714 = arith.constant 0 : i32
        %dma_start3A_715 = arith.constant 0 : i32
        %dma_start3A_716 = tpu.memref_slice %arg3[%dma_start3A_714, %dma_start3A_715] : memref<10008x16xf32, #tpu.memory_space<hbm>> -> memref<10008x16xf32, #tpu.memory_space<hbm>>
        tpu.enqueue_indirect_dma source(%dma_start3A_716 : memref<10008x16xf32, #tpu.memory_space<hbm>>) target(%arg8 : memref<128x16xf32, #tpu.memory_space<vmem>>) offsets(%dma_start3A_713 : memref<128xi32, #tpu.memory_space<vmem>>) semaphore(%arg15 : memref<!tpu.dma_semaphore, #tpu.memory_space<semaphore_mem>>)
        %mul3A_717 = arith.constant 4 : i32
        %mul3A_718 = arith.muli %scan3A_620, %mul3A_717 : i32
        %add3A_719 = arith.constant 3 : i32
        %add3A_720 = arith.addi %mul3A_718, %add3A_719 : i32
        %dma_wait3A_721 = arith.constant 0 : i32
        %dma_wait3A_722 = tpu.memref_slice %arg5[%add3A_720, %dma_wait3A_721] : memref<79x128xi32, #tpu.memory_space<vmem>> -> memref<1x128xi32, #tpu.memory_space<vmem>>
        %dma_wait3A_723 = tpu.memref_squeeze %dma_wait3A_722 : memref<1x128xi32, #tpu.memory_space<vmem>> -> memref<128xi32, #tpu.memory_space<vmem>>
        %dma_wait3A_724 = arith.constant 0 : i32
        %dma_wait3A_725 = arith.constant 0 : i32
        %dma_wait3A_726 = tpu.memref_slice %arg3[%dma_wait3A_724, %dma_wait3A_725] : memref<10008x16xf32, #tpu.memory_space<hbm>> -> memref<10008x16xf32, #tpu.memory_space<hbm>>
        tpu.wait_indirect_dma semaphore(%arg17 : memref<!tpu.dma_semaphore, #tpu.memory_space<semaphore_mem>>) src(%dma_wait3A_726 : memref<10008x16xf32, #tpu.memory_space<hbm>>) dst(%arg10 : memref<128x16xf32, #tpu.memory_space<vmem>>)
        %dma_start3A_727 = arith.constant 0 : i32
        %dma_start3A_728 = tpu.memref_slice %arg6[%add3A_720, %dma_start3A_727] : memref<79x128xi32, #tpu.memory_space<vmem>> -> memref<1x128xi32, #tpu.memory_space<vmem>>
        %dma_start3A_729 = tpu.memref_squeeze %dma_start3A_728 : memref<1x128xi32, #tpu.memory_space<vmem>> -> memref<128xi32, #tpu.memory_space<vmem>>
        %dma_start3A_730 = arith.constant 0 : i32
        %dma_start3A_731 = arith.constant 0 : i32
        %dma_start3A_732 = tpu.memref_slice %arg11[%dma_start3A_730, %dma_start3A_731] : memref<13584x16xf32, #tpu.memory_space<vmem_shared>> -> memref<13584x16xf32, #tpu.memory_space<vmem_shared>>
        tpu.enqueue_indirect_dma source(%arg10 : memref<128x16xf32, #tpu.memory_space<vmem>>) target(%dma_start3A_732 : memref<13584x16xf32, #tpu.memory_space<vmem_shared>>) offsets(%dma_start3A_729 : memref<128xi32, #tpu.memory_space<vmem>>) semaphore(%arg21 : memref<!tpu.dma_semaphore, #tpu.memory_space<semaphore_mem>>) {add = true}
        %sub3A_733 = arith.constant 1 : i32
        %sub3A_734 = arith.subi %add3A_720, %sub3A_733 : i32
        %dma_wait3A_735 = arith.constant 0 : i32
        %dma_wait3A_736 = tpu.memref_slice %arg6[%sub3A_734, %dma_wait3A_735] : memref<79x128xi32, #tpu.memory_space<vmem>> -> memref<1x128xi32, #tpu.memory_space<vmem>>
        %dma_wait3A_737 = tpu.memref_squeeze %dma_wait3A_736 : memref<1x128xi32, #tpu.memory_space<vmem>> -> memref<128xi32, #tpu.memory_space<vmem>>
        %dma_wait3A_738 = arith.constant 0 : i32
        %dma_wait3A_739 = arith.constant 0 : i32
        %dma_wait3A_740 = tpu.memref_slice %arg11[%dma_wait3A_738, %dma_wait3A_739] : memref<13584x16xf32, #tpu.memory_space<vmem_shared>> -> memref<13584x16xf32, #tpu.memory_space<vmem_shared>>
        tpu.wait_indirect_dma semaphore(%arg20 : memref<!tpu.dma_semaphore, #tpu.memory_space<semaphore_mem>>) src(%arg9 : memref<128x16xf32, #tpu.memory_space<vmem>>) dst(%dma_wait3A_740 : memref<13584x16xf32, #tpu.memory_space<vmem_shared>>)
        %add3A_741 = arith.constant 3 : i32
        %add3A_742 = arith.addi %add3A_720, %add3A_741 : i32
        %dma_start3A_743 = arith.constant 0 : i32
        %dma_start3A_744 = tpu.memref_slice %arg5[%add3A_742, %dma_start3A_743] : memref<79x128xi32, #tpu.memory_space<vmem>> -> memref<1x128xi32, #tpu.memory_space<vmem>>
        %dma_start3A_745 = tpu.memref_squeeze %dma_start3A_744 : memref<1x128xi32, #tpu.memory_space<vmem>> -> memref<128xi32, #tpu.memory_space<vmem>>
        %dma_start3A_746 = arith.constant 0 : i32
        %dma_start3A_747 = arith.constant 0 : i32
        %dma_start3A_748 = tpu.memref_slice %arg3[%dma_start3A_746, %dma_start3A_747] : memref<10008x16xf32, #tpu.memory_space<hbm>> -> memref<10008x16xf32, #tpu.memory_space<hbm>>
        tpu.enqueue_indirect_dma source(%dma_start3A_748 : memref<10008x16xf32, #tpu.memory_space<hbm>>) target(%arg9 : memref<128x16xf32, #tpu.memory_space<vmem>>) offsets(%dma_start3A_745 : memref<128xi32, #tpu.memory_space<vmem>>) semaphore(%arg16 : memref<!tpu.dma_semaphore, #tpu.memory_space<semaphore_mem>>)
        %scan3A_749 = arith.constant 0 : i32
        scf.yield %scan3A_749 : i32
      }
      %scan3A_549 = arith.constant 18 : i32
      %dma_wait3A_550 = arith.constant 76 : i32
      %dma_wait3A_551 = arith.constant 0 : i32
      %dma_wait3A_552 = tpu.memref_slice %arg5[%dma_wait3A_550, %dma_wait3A_551] : memref<79x128xi32, #tpu.memory_space<vmem>> -> memref<1x128xi32, #tpu.memory_space<vmem>>
      %dma_wait3A_553 = tpu.memref_squeeze %dma_wait3A_552 : memref<1x128xi32, #tpu.memory_space<vmem>> -> memref<128xi32, #tpu.memory_space<vmem>>
      %dma_wait3A_554 = arith.constant 0 : i32
      %dma_wait3A_555 = arith.constant 0 : i32
      %dma_wait3A_556 = tpu.memref_slice %arg3[%dma_wait3A_554, %dma_wait3A_555] : memref<10008x16xf32, #tpu.memory_space<hbm>> -> memref<10008x16xf32, #tpu.memory_space<hbm>>
      tpu.wait_indirect_dma semaphore(%arg14 : memref<!tpu.dma_semaphore, #tpu.memory_space<semaphore_mem>>) src(%dma_wait3A_556 : memref<10008x16xf32, #tpu.memory_space<hbm>>) dst(%arg7 : memref<128x16xf32, #tpu.memory_space<vmem>>)
      %dma_start3A_557 = arith.constant 76 : i32
      %dma_start3A_558 = arith.constant 0 : i32
      %dma_start3A_559 = tpu.memref_slice %arg6[%dma_start3A_557, %dma_start3A_558] : memref<79x128xi32, #tpu.memory_space<vmem>> -> memref<1x128xi32, #tpu.memory_space<vmem>>
      %dma_start3A_560 = tpu.memref_squeeze %dma_start3A_559 : memref<1x128xi32, #tpu.memory_space<vmem>> -> memref<128xi32, #tpu.memory_space<vmem>>
      %dma_start3A_561 = arith.constant 0 : i32
      %dma_start3A_562 = arith.constant 0 : i32
      %dma_start3A_563 = tpu.memref_slice %arg11[%dma_start3A_561, %dma_start3A_562] : memref<13584x16xf32, #tpu.memory_space<vmem_shared>> -> memref<13584x16xf32, #tpu.memory_space<vmem_shared>>
      tpu.enqueue_indirect_dma source(%arg7 : memref<128x16xf32, #tpu.memory_space<vmem>>) target(%dma_start3A_563 : memref<13584x16xf32, #tpu.memory_space<vmem_shared>>) offsets(%dma_start3A_560 : memref<128xi32, #tpu.memory_space<vmem>>) semaphore(%arg18 : memref<!tpu.dma_semaphore, #tpu.memory_space<semaphore_mem>>) {add = true}
      %dma_wait3A_564 = arith.constant 75 : i32
      %dma_wait3A_565 = arith.constant 0 : i32
      %dma_wait3A_566 = tpu.memref_slice %arg6[%dma_wait3A_564, %dma_wait3A_565] : memref<79x128xi32, #tpu.memory_space<vmem>> -> memref<1x128xi32, #tpu.memory_space<vmem>>
      %dma_wait3A_567 = tpu.memref_squeeze %dma_wait3A_566 : memref<1x128xi32, #tpu.memory_space<vmem>> -> memref<128xi32, #tpu.memory_space<vmem>>
      %dma_wait3A_568 = arith.constant 0 : i32
      %dma_wait3A_569 = arith.constant 0 : i32
      %dma_wait3A_570 = tpu.memref_slice %arg11[%dma_wait3A_568, %dma_wait3A_569] : memref<13584x16xf32, #tpu.memory_space<vmem_shared>> -> memref<13584x16xf32, #tpu.memory_space<vmem_shared>>
      tpu.wait_indirect_dma semaphore(%arg21 : memref<!tpu.dma_semaphore, #tpu.memory_space<semaphore_mem>>) src(%arg10 : memref<128x16xf32, #tpu.memory_space<vmem>>) dst(%dma_wait3A_570 : memref<13584x16xf32, #tpu.memory_space<vmem_shared>>)
      %dma_wait3A_571 = arith.constant 77 : i32
      %dma_wait3A_572 = arith.constant 0 : i32
      %dma_wait3A_573 = tpu.memref_slice %arg5[%dma_wait3A_571, %dma_wait3A_572] : memref<79x128xi32, #tpu.memory_space<vmem>> -> memref<1x128xi32, #tpu.memory_space<vmem>>
      %dma_wait3A_574 = tpu.memref_squeeze %dma_wait3A_573 : memref<1x128xi32, #tpu.memory_space<vmem>> -> memref<128xi32, #tpu.memory_space<vmem>>
      %dma_wait3A_575 = arith.constant 0 : i32
      %dma_wait3A_576 = arith.constant 0 : i32
      %dma_wait3A_577 = tpu.memref_slice %arg3[%dma_wait3A_575, %dma_wait3A_576] : memref<10008x16xf32, #tpu.memory_space<hbm>> -> memref<10008x16xf32, #tpu.memory_space<hbm>>
      tpu.wait_indirect_dma semaphore(%arg15 : memref<!tpu.dma_semaphore, #tpu.memory_space<semaphore_mem>>) src(%dma_wait3A_577 : memref<10008x16xf32, #tpu.memory_space<hbm>>) dst(%arg8 : memref<128x16xf32, #tpu.memory_space<vmem>>)
      %dma_start3A_578 = arith.constant 77 : i32
      %dma_start3A_579 = arith.constant 0 : i32
      %dma_start3A_580 = tpu.memref_slice %arg6[%dma_start3A_578, %dma_start3A_579] : memref<79x128xi32, #tpu.memory_space<vmem>> -> memref<1x128xi32, #tpu.memory_space<vmem>>
      %dma_start3A_581 = tpu.memref_squeeze %dma_start3A_580 : memref<1x128xi32, #tpu.memory_space<vmem>> -> memref<128xi32, #tpu.memory_space<vmem>>
      %dma_start3A_582 = arith.constant 0 : i32
      %dma_start3A_583 = arith.constant 0 : i32
      %dma_start3A_584 = tpu.memref_slice %arg11[%dma_start3A_582, %dma_start3A_583] : memref<13584x16xf32, #tpu.memory_space<vmem_shared>> -> memref<13584x16xf32, #tpu.memory_space<vmem_shared>>
      tpu.enqueue_indirect_dma source(%arg8 : memref<128x16xf32, #tpu.memory_space<vmem>>) target(%dma_start3A_584 : memref<13584x16xf32, #tpu.memory_space<vmem_shared>>) offsets(%dma_start3A_581 : memref<128xi32, #tpu.memory_space<vmem>>) semaphore(%arg19 : memref<!tpu.dma_semaphore, #tpu.memory_space<semaphore_mem>>) {add = true}
      %dma_wait3A_585 = arith.constant 76 : i32
      %dma_wait3A_586 = arith.constant 0 : i32
      %dma_wait3A_587 = tpu.memref_slice %arg6[%dma_wait3A_585, %dma_wait3A_586] : memref<79x128xi32, #tpu.memory_space<vmem>> -> memref<1x128xi32, #tpu.memory_space<vmem>>
      %dma_wait3A_588 = tpu.memref_squeeze %dma_wait3A_587 : memref<1x128xi32, #tpu.memory_space<vmem>> -> memref<128xi32, #tpu.memory_space<vmem>>
      %dma_wait3A_589 = arith.constant 0 : i32
      %dma_wait3A_590 = arith.constant 0 : i32
      %dma_wait3A_591 = tpu.memref_slice %arg11[%dma_wait3A_589, %dma_wait3A_590] : memref<13584x16xf32, #tpu.memory_space<vmem_shared>> -> memref<13584x16xf32, #tpu.memory_space<vmem_shared>>
      tpu.wait_indirect_dma semaphore(%arg18 : memref<!tpu.dma_semaphore, #tpu.memory_space<semaphore_mem>>) src(%arg7 : memref<128x16xf32, #tpu.memory_space<vmem>>) dst(%dma_wait3A_591 : memref<13584x16xf32, #tpu.memory_space<vmem_shared>>)
      %dma_wait3A_592 = arith.constant 78 : i32
      %dma_wait3A_593 = arith.constant 0 : i32
      %dma_wait3A_594 = tpu.memref_slice %arg5[%dma_wait3A_592, %dma_wait3A_593] : memref<79x128xi32, #tpu.memory_space<vmem>> -> memref<1x128xi32, #tpu.memory_space<vmem>>
      %dma_wait3A_595 = tpu.memref_squeeze %dma_wait3A_594 : memref<1x128xi32, #tpu.memory_space<vmem>> -> memref<128xi32, #tpu.memory_space<vmem>>
      %dma_wait3A_596 = arith.constant 0 : i32
      %dma_wait3A_597 = arith.constant 0 : i32
      %dma_wait3A_598 = tpu.memref_slice %arg3[%dma_wait3A_596, %dma_wait3A_597] : memref<10008x16xf32, #tpu.memory_space<hbm>> -> memref<10008x16xf32, #tpu.memory_space<hbm>>
      tpu.wait_indirect_dma semaphore(%arg16 : memref<!tpu.dma_semaphore, #tpu.memory_space<semaphore_mem>>) src(%dma_wait3A_598 : memref<10008x16xf32, #tpu.memory_space<hbm>>) dst(%arg9 : memref<128x16xf32, #tpu.memory_space<vmem>>)
      %dma_start3A_599 = arith.constant 78 : i32
      %dma_start3A_600 = arith.constant 0 : i32
      %dma_start3A_601 = tpu.memref_slice %arg6[%dma_start3A_599, %dma_start3A_600] : memref<79x128xi32, #tpu.memory_space<vmem>> -> memref<1x128xi32, #tpu.memory_space<vmem>>
      %dma_start3A_602 = tpu.memref_squeeze %dma_start3A_601 : memref<1x128xi32, #tpu.memory_space<vmem>> -> memref<128xi32, #tpu.memory_space<vmem>>
      %dma_start3A_603 = arith.constant 0 : i32
      %dma_start3A_604 = arith.constant 0 : i32
      %dma_start3A_605 = tpu.memref_slice %arg11[%dma_start3A_603, %dma_start3A_604] : memref<13584x16xf32, #tpu.memory_space<vmem_shared>> -> memref<13584x16xf32, #tpu.memory_space<vmem_shared>>
      tpu.enqueue_indirect_dma source(%arg9 : memref<128x16xf32, #tpu.memory_space<vmem>>) target(%dma_start3A_605 : memref<13584x16xf32, #tpu.memory_space<vmem_shared>>) offsets(%dma_start3A_602 : memref<128xi32, #tpu.memory_space<vmem>>) semaphore(%arg20 : memref<!tpu.dma_semaphore, #tpu.memory_space<semaphore_mem>>) {add = true}
      %dma_wait3A_606 = arith.constant 77 : i32
      %dma_wait3A_607 = arith.constant 0 : i32
      %dma_wait3A_608 = tpu.memref_slice %arg6[%dma_wait3A_606, %dma_wait3A_607] : memref<79x128xi32, #tpu.memory_space<vmem>> -> memref<1x128xi32, #tpu.memory_space<vmem>>
      %dma_wait3A_609 = tpu.memref_squeeze %dma_wait3A_608 : memref<1x128xi32, #tpu.memory_space<vmem>> -> memref<128xi32, #tpu.memory_space<vmem>>
      %dma_wait3A_610 = arith.constant 0 : i32
      %dma_wait3A_611 = arith.constant 0 : i32
      %dma_wait3A_612 = tpu.memref_slice %arg11[%dma_wait3A_610, %dma_wait3A_611] : memref<13584x16xf32, #tpu.memory_space<vmem_shared>> -> memref<13584x16xf32, #tpu.memory_space<vmem_shared>>
      tpu.wait_indirect_dma semaphore(%arg19 : memref<!tpu.dma_semaphore, #tpu.memory_space<semaphore_mem>>) src(%arg8 : memref<128x16xf32, #tpu.memory_space<vmem>>) dst(%dma_wait3A_612 : memref<13584x16xf32, #tpu.memory_space<vmem_shared>>)
      %dma_wait3A_613 = arith.constant 78 : i32
      %dma_wait3A_614 = arith.constant 0 : i32
      %dma_wait3A_615 = tpu.memref_slice %arg6[%dma_wait3A_613, %dma_wait3A_614] : memref<79x128xi32, #tpu.memory_space<vmem>> -> memref<1x128xi32, #tpu.memory_space<vmem>>
      %dma_wait3A_616 = tpu.memref_squeeze %dma_wait3A_615 : memref<1x128xi32, #tpu.memory_space<vmem>> -> memref<128xi32, #tpu.memory_space<vmem>>
      %dma_wait3A_617 = arith.constant 0 : i32
      %dma_wait3A_618 = arith.constant 0 : i32
      %dma_wait3A_619 = tpu.memref_slice %arg11[%dma_wait3A_617, %dma_wait3A_618] : memref<13584x16xf32, #tpu.memory_space<vmem_shared>> -> memref<13584x16xf32, #tpu.memory_space<vmem_shared>>
      tpu.wait_indirect_dma semaphore(%arg20 : memref<!tpu.dma_semaphore, #tpu.memory_space<semaphore_mem>>) src(%arg9 : memref<128x16xf32, #tpu.memory_space<vmem>>) dst(%dma_wait3A_619 : memref<13584x16xf32, #tpu.memory_space<vmem_shared>>)
    } else {
    }
    %eq3A_146 = arith.constant 1 : i32
    %eq3A_147 = arith.cmpi eq, %arg0, %eq3A_146 : i32
    %convert_element_type3A_148 = arith.extui %eq3A_147 : i1 to i32
    %cond3A_149 = arith.constant 0 : i32
    %cond3A_150 = arith.cmpi ne, %convert_element_type3A_148, %cond3A_149 : i32
    scf.if %cond3A_150 {
      %dma_start3A_417 = arith.constant 0 : i32
      %dma_start3A_418 = arith.constant 0 : i32
      %dma_start3A_419 = tpu.memref_slice %arg5[%dma_start3A_417, %dma_start3A_418] : memref<79x128xi32, #tpu.memory_space<vmem>> -> memref<1x128xi32, #tpu.memory_space<vmem>>
      %dma_start3A_420 = tpu.memref_squeeze %dma_start3A_419 : memref<1x128xi32, #tpu.memory_space<vmem>> -> memref<128xi32, #tpu.memory_space<vmem>>
      %dma_start3A_421 = arith.constant 0 : i32
      %dma_start3A_422 = arith.constant 0 : i32
      %dma_start3A_423 = tpu.memref_slice %arg3[%dma_start3A_421, %dma_start3A_422] : memref<10008x16xf32, #tpu.memory_space<hbm>> -> memref<10008x16xf32, #tpu.memory_space<hbm>>
      tpu.enqueue_indirect_dma source(%dma_start3A_423 : memref<10008x16xf32, #tpu.memory_space<hbm>>) target(%arg7 : memref<128x16xf32, #tpu.memory_space<vmem>>) offsets(%dma_start3A_420 : memref<128xi32, #tpu.memory_space<vmem>>) semaphore(%arg14 : memref<!tpu.dma_semaphore, #tpu.memory_space<semaphore_mem>>)
      %dma_start3A_424 = arith.constant 1 : i32
      %dma_start3A_425 = arith.constant 0 : i32
      %dma_start3A_426 = tpu.memref_slice %arg5[%dma_start3A_424, %dma_start3A_425] : memref<79x128xi32, #tpu.memory_space<vmem>> -> memref<1x128xi32, #tpu.memory_space<vmem>>
      %dma_start3A_427 = tpu.memref_squeeze %dma_start3A_426 : memref<1x128xi32, #tpu.memory_space<vmem>> -> memref<128xi32, #tpu.memory_space<vmem>>
      %dma_start3A_428 = arith.constant 0 : i32
      %dma_start3A_429 = arith.constant 0 : i32
      %dma_start3A_430 = tpu.memref_slice %arg3[%dma_start3A_428, %dma_start3A_429] : memref<10008x16xf32, #tpu.memory_space<hbm>> -> memref<10008x16xf32, #tpu.memory_space<hbm>>
      tpu.enqueue_indirect_dma source(%dma_start3A_430 : memref<10008x16xf32, #tpu.memory_space<hbm>>) target(%arg8 : memref<128x16xf32, #tpu.memory_space<vmem>>) offsets(%dma_start3A_427 : memref<128xi32, #tpu.memory_space<vmem>>) semaphore(%arg15 : memref<!tpu.dma_semaphore, #tpu.memory_space<semaphore_mem>>)
      %dma_start3A_431 = arith.constant 2 : i32
      %dma_start3A_432 = arith.constant 0 : i32
      %dma_start3A_433 = tpu.memref_slice %arg5[%dma_start3A_431, %dma_start3A_432] : memref<79x128xi32, #tpu.memory_space<vmem>> -> memref<1x128xi32, #tpu.memory_space<vmem>>
      %dma_start3A_434 = tpu.memref_squeeze %dma_start3A_433 : memref<1x128xi32, #tpu.memory_space<vmem>> -> memref<128xi32, #tpu.memory_space<vmem>>
      %dma_start3A_435 = arith.constant 0 : i32
      %dma_start3A_436 = arith.constant 0 : i32
      %dma_start3A_437 = tpu.memref_slice %arg3[%dma_start3A_435, %dma_start3A_436] : memref<10008x16xf32, #tpu.memory_space<hbm>> -> memref<10008x16xf32, #tpu.memory_space<hbm>>
      tpu.enqueue_indirect_dma source(%dma_start3A_437 : memref<10008x16xf32, #tpu.memory_space<hbm>>) target(%arg9 : memref<128x16xf32, #tpu.memory_space<vmem>>) offsets(%dma_start3A_434 : memref<128xi32, #tpu.memory_space<vmem>>) semaphore(%arg16 : memref<!tpu.dma_semaphore, #tpu.memory_space<semaphore_mem>>)
      %dma_wait3A_438 = arith.constant 0 : i32
      %dma_wait3A_439 = arith.constant 0 : i32
      %dma_wait3A_440 = tpu.memref_slice %arg5[%dma_wait3A_438, %dma_wait3A_439] : memref<79x128xi32, #tpu.memory_space<vmem>> -> memref<1x128xi32, #tpu.memory_space<vmem>>
      %dma_wait3A_441 = tpu.memref_squeeze %dma_wait3A_440 : memref<1x128xi32, #tpu.memory_space<vmem>> -> memref<128xi32, #tpu.memory_space<vmem>>
      %dma_wait3A_442 = arith.constant 0 : i32
      %dma_wait3A_443 = arith.constant 0 : i32
      %dma_wait3A_444 = tpu.memref_slice %arg3[%dma_wait3A_442, %dma_wait3A_443] : memref<10008x16xf32, #tpu.memory_space<hbm>> -> memref<10008x16xf32, #tpu.memory_space<hbm>>
      tpu.wait_indirect_dma semaphore(%arg14 : memref<!tpu.dma_semaphore, #tpu.memory_space<semaphore_mem>>) src(%dma_wait3A_444 : memref<10008x16xf32, #tpu.memory_space<hbm>>) dst(%arg7 : memref<128x16xf32, #tpu.memory_space<vmem>>)
      %dma_start3A_445 = arith.constant 0 : i32
      %dma_start3A_446 = arith.constant 0 : i32
      %dma_start3A_447 = tpu.memref_slice %arg6[%dma_start3A_445, %dma_start3A_446] : memref<79x128xi32, #tpu.memory_space<vmem>> -> memref<1x128xi32, #tpu.memory_space<vmem>>
      %dma_start3A_448 = tpu.memref_squeeze %dma_start3A_447 : memref<1x128xi32, #tpu.memory_space<vmem>> -> memref<128xi32, #tpu.memory_space<vmem>>
      %dma_start3A_449 = arith.constant 0 : i32
      %dma_start3A_450 = arith.constant 0 : i32
      %dma_start3A_451 = tpu.memref_slice %arg11[%dma_start3A_449, %dma_start3A_450] : memref<13584x16xf32, #tpu.memory_space<vmem_shared>> -> memref<13584x16xf32, #tpu.memory_space<vmem_shared>>
      tpu.enqueue_indirect_dma source(%arg7 : memref<128x16xf32, #tpu.memory_space<vmem>>) target(%dma_start3A_451 : memref<13584x16xf32, #tpu.memory_space<vmem_shared>>) offsets(%dma_start3A_448 : memref<128xi32, #tpu.memory_space<vmem>>) semaphore(%arg18 : memref<!tpu.dma_semaphore, #tpu.memory_space<semaphore_mem>>) {add = true}
      %dma_start3A_452 = arith.constant 3 : i32
      %dma_start3A_453 = arith.constant 0 : i32
      %dma_start3A_454 = tpu.memref_slice %arg5[%dma_start3A_452, %dma_start3A_453] : memref<79x128xi32, #tpu.memory_space<vmem>> -> memref<1x128xi32, #tpu.memory_space<vmem>>
      %dma_start3A_455 = tpu.memref_squeeze %dma_start3A_454 : memref<1x128xi32, #tpu.memory_space<vmem>> -> memref<128xi32, #tpu.memory_space<vmem>>
      %dma_start3A_456 = arith.constant 0 : i32
      %dma_start3A_457 = arith.constant 0 : i32
      %dma_start3A_458 = tpu.memref_slice %arg3[%dma_start3A_456, %dma_start3A_457] : memref<10008x16xf32, #tpu.memory_space<hbm>> -> memref<10008x16xf32, #tpu.memory_space<hbm>>
      tpu.enqueue_indirect_dma source(%dma_start3A_458 : memref<10008x16xf32, #tpu.memory_space<hbm>>) target(%arg10 : memref<128x16xf32, #tpu.memory_space<vmem>>) offsets(%dma_start3A_455 : memref<128xi32, #tpu.memory_space<vmem>>) semaphore(%arg17 : memref<!tpu.dma_semaphore, #tpu.memory_space<semaphore_mem>>)
      %dma_wait3A_459 = arith.constant 1 : i32
      %dma_wait3A_460 = arith.constant 0 : i32
      %dma_wait3A_461 = tpu.memref_slice %arg5[%dma_wait3A_459, %dma_wait3A_460] : memref<79x128xi32, #tpu.memory_space<vmem>> -> memref<1x128xi32, #tpu.memory_space<vmem>>
      %dma_wait3A_462 = tpu.memref_squeeze %dma_wait3A_461 : memref<1x128xi32, #tpu.memory_space<vmem>> -> memref<128xi32, #tpu.memory_space<vmem>>
      %dma_wait3A_463 = arith.constant 0 : i32
      %dma_wait3A_464 = arith.constant 0 : i32
      %dma_wait3A_465 = tpu.memref_slice %arg3[%dma_wait3A_463, %dma_wait3A_464] : memref<10008x16xf32, #tpu.memory_space<hbm>> -> memref<10008x16xf32, #tpu.memory_space<hbm>>
      tpu.wait_indirect_dma semaphore(%arg15 : memref<!tpu.dma_semaphore, #tpu.memory_space<semaphore_mem>>) src(%dma_wait3A_465 : memref<10008x16xf32, #tpu.memory_space<hbm>>) dst(%arg8 : memref<128x16xf32, #tpu.memory_space<vmem>>)
      %dma_start3A_466 = arith.constant 1 : i32
      %dma_start3A_467 = arith.constant 0 : i32
      %dma_start3A_468 = tpu.memref_slice %arg6[%dma_start3A_466, %dma_start3A_467] : memref<79x128xi32, #tpu.memory_space<vmem>> -> memref<1x128xi32, #tpu.memory_space<vmem>>
      %dma_start3A_469 = tpu.memref_squeeze %dma_start3A_468 : memref<1x128xi32, #tpu.memory_space<vmem>> -> memref<128xi32, #tpu.memory_space<vmem>>
      %dma_start3A_470 = arith.constant 0 : i32
      %dma_start3A_471 = arith.constant 0 : i32
      %dma_start3A_472 = tpu.memref_slice %arg11[%dma_start3A_470, %dma_start3A_471] : memref<13584x16xf32, #tpu.memory_space<vmem_shared>> -> memref<13584x16xf32, #tpu.memory_space<vmem_shared>>
      tpu.enqueue_indirect_dma source(%arg8 : memref<128x16xf32, #tpu.memory_space<vmem>>) target(%dma_start3A_472 : memref<13584x16xf32, #tpu.memory_space<vmem_shared>>) offsets(%dma_start3A_469 : memref<128xi32, #tpu.memory_space<vmem>>) semaphore(%arg19 : memref<!tpu.dma_semaphore, #tpu.memory_space<semaphore_mem>>) {add = true}
      %dma_wait3A_473 = arith.constant 0 : i32
      %dma_wait3A_474 = arith.constant 0 : i32
      %dma_wait3A_475 = tpu.memref_slice %arg6[%dma_wait3A_473, %dma_wait3A_474] : memref<79x128xi32, #tpu.memory_space<vmem>> -> memref<1x128xi32, #tpu.memory_space<vmem>>
      %dma_wait3A_476 = tpu.memref_squeeze %dma_wait3A_475 : memref<1x128xi32, #tpu.memory_space<vmem>> -> memref<128xi32, #tpu.memory_space<vmem>>
      %dma_wait3A_477 = arith.constant 0 : i32
      %dma_wait3A_478 = arith.constant 0 : i32
      %dma_wait3A_479 = tpu.memref_slice %arg11[%dma_wait3A_477, %dma_wait3A_478] : memref<13584x16xf32, #tpu.memory_space<vmem_shared>> -> memref<13584x16xf32, #tpu.memory_space<vmem_shared>>
      tpu.wait_indirect_dma semaphore(%arg18 : memref<!tpu.dma_semaphore, #tpu.memory_space<semaphore_mem>>) src(%arg7 : memref<128x16xf32, #tpu.memory_space<vmem>>) dst(%dma_wait3A_479 : memref<13584x16xf32, #tpu.memory_space<vmem_shared>>)
      %dma_start3A_480 = arith.constant 4 : i32
      %dma_start3A_481 = arith.constant 0 : i32
      %dma_start3A_482 = tpu.memref_slice %arg5[%dma_start3A_480, %dma_start3A_481] : memref<79x128xi32, #tpu.memory_space<vmem>> -> memref<1x128xi32, #tpu.memory_space<vmem>>
      %dma_start3A_483 = tpu.memref_squeeze %dma_start3A_482 : memref<1x128xi32, #tpu.memory_space<vmem>> -> memref<128xi32, #tpu.memory_space<vmem>>
      %dma_start3A_484 = arith.constant 0 : i32
      %dma_start3A_485 = arith.constant 0 : i32
      %dma_start3A_486 = tpu.memref_slice %arg3[%dma_start3A_484, %dma_start3A_485] : memref<10008x16xf32, #tpu.memory_space<hbm>> -> memref<10008x16xf32, #tpu.memory_space<hbm>>
      tpu.enqueue_indirect_dma source(%dma_start3A_486 : memref<10008x16xf32, #tpu.memory_space<hbm>>) target(%arg7 : memref<128x16xf32, #tpu.memory_space<vmem>>) offsets(%dma_start3A_483 : memref<128xi32, #tpu.memory_space<vmem>>) semaphore(%arg14 : memref<!tpu.dma_semaphore, #tpu.memory_space<semaphore_mem>>)
      %dma_wait3A_487 = arith.constant 2 : i32
      %dma_wait3A_488 = arith.constant 0 : i32
      %dma_wait3A_489 = tpu.memref_slice %arg5[%dma_wait3A_487, %dma_wait3A_488] : memref<79x128xi32, #tpu.memory_space<vmem>> -> memref<1x128xi32, #tpu.memory_space<vmem>>
      %dma_wait3A_490 = tpu.memref_squeeze %dma_wait3A_489 : memref<1x128xi32, #tpu.memory_space<vmem>> -> memref<128xi32, #tpu.memory_space<vmem>>
      %dma_wait3A_491 = arith.constant 0 : i32
      %dma_wait3A_492 = arith.constant 0 : i32
      %dma_wait3A_493 = tpu.memref_slice %arg3[%dma_wait3A_491, %dma_wait3A_492] : memref<10008x16xf32, #tpu.memory_space<hbm>> -> memref<10008x16xf32, #tpu.memory_space<hbm>>
      tpu.wait_indirect_dma semaphore(%arg16 : memref<!tpu.dma_semaphore, #tpu.memory_space<semaphore_mem>>) src(%dma_wait3A_493 : memref<10008x16xf32, #tpu.memory_space<hbm>>) dst(%arg9 : memref<128x16xf32, #tpu.memory_space<vmem>>)
      %dma_start3A_494 = arith.constant 2 : i32
      %dma_start3A_495 = arith.constant 0 : i32
      %dma_start3A_496 = tpu.memref_slice %arg6[%dma_start3A_494, %dma_start3A_495] : memref<79x128xi32, #tpu.memory_space<vmem>> -> memref<1x128xi32, #tpu.memory_space<vmem>>
      %dma_start3A_497 = tpu.memref_squeeze %dma_start3A_496 : memref<1x128xi32, #tpu.memory_space<vmem>> -> memref<128xi32, #tpu.memory_space<vmem>>
      %dma_start3A_498 = arith.constant 0 : i32
      %dma_start3A_499 = arith.constant 0 : i32
      %dma_start3A_500 = tpu.memref_slice %arg11[%dma_start3A_498, %dma_start3A_499] : memref<13584x16xf32, #tpu.memory_space<vmem_shared>> -> memref<13584x16xf32, #tpu.memory_space<vmem_shared>>
      tpu.enqueue_indirect_dma source(%arg9 : memref<128x16xf32, #tpu.memory_space<vmem>>) target(%dma_start3A_500 : memref<13584x16xf32, #tpu.memory_space<vmem_shared>>) offsets(%dma_start3A_497 : memref<128xi32, #tpu.memory_space<vmem>>) semaphore(%arg20 : memref<!tpu.dma_semaphore, #tpu.memory_space<semaphore_mem>>) {add = true}
      %dma_wait3A_501 = arith.constant 1 : i32
      %dma_wait3A_502 = arith.constant 0 : i32
      %dma_wait3A_503 = tpu.memref_slice %arg6[%dma_wait3A_501, %dma_wait3A_502] : memref<79x128xi32, #tpu.memory_space<vmem>> -> memref<1x128xi32, #tpu.memory_space<vmem>>
      %dma_wait3A_504 = tpu.memref_squeeze %dma_wait3A_503 : memref<1x128xi32, #tpu.memory_space<vmem>> -> memref<128xi32, #tpu.memory_space<vmem>>
      %dma_wait3A_505 = arith.constant 0 : i32
      %dma_wait3A_506 = arith.constant 0 : i32
      %dma_wait3A_507 = tpu.memref_slice %arg11[%dma_wait3A_505, %dma_wait3A_506] : memref<13584x16xf32, #tpu.memory_space<vmem_shared>> -> memref<13584x16xf32, #tpu.memory_space<vmem_shared>>
      tpu.wait_indirect_dma semaphore(%arg19 : memref<!tpu.dma_semaphore, #tpu.memory_space<semaphore_mem>>) src(%arg8 : memref<128x16xf32, #tpu.memory_space<vmem>>) dst(%dma_wait3A_507 : memref<13584x16xf32, #tpu.memory_space<vmem_shared>>)
      %dma_start3A_508 = arith.constant 5 : i32
      %dma_start3A_509 = arith.constant 0 : i32
      %dma_start3A_510 = tpu.memref_slice %arg5[%dma_start3A_508, %dma_start3A_509] : memref<79x128xi32, #tpu.memory_space<vmem>> -> memref<1x128xi32, #tpu.memory_space<vmem>>
      %dma_start3A_511 = tpu.memref_squeeze %dma_start3A_510 : memref<1x128xi32, #tpu.memory_space<vmem>> -> memref<128xi32, #tpu.memory_space<vmem>>
      %dma_start3A_512 = arith.constant 0 : i32
      %dma_start3A_513 = arith.constant 0 : i32
      %dma_start3A_514 = tpu.memref_slice %arg3[%dma_start3A_512, %dma_start3A_513] : memref<10008x16xf32, #tpu.memory_space<hbm>> -> memref<10008x16xf32, #tpu.memory_space<hbm>>
      tpu.enqueue_indirect_dma source(%dma_start3A_514 : memref<10008x16xf32, #tpu.memory_space<hbm>>) target(%arg8 : memref<128x16xf32, #tpu.memory_space<vmem>>) offsets(%dma_start3A_511 : memref<128xi32, #tpu.memory_space<vmem>>) semaphore(%arg15 : memref<!tpu.dma_semaphore, #tpu.memory_space<semaphore_mem>>)
      %dma_wait3A_515 = arith.constant 3 : i32
      %dma_wait3A_516 = arith.constant 0 : i32
      %dma_wait3A_517 = tpu.memref_slice %arg5[%dma_wait3A_515, %dma_wait3A_516] : memref<79x128xi32, #tpu.memory_space<vmem>> -> memref<1x128xi32, #tpu.memory_space<vmem>>
      %dma_wait3A_518 = tpu.memref_squeeze %dma_wait3A_517 : memref<1x128xi32, #tpu.memory_space<vmem>> -> memref<128xi32, #tpu.memory_space<vmem>>
      %dma_wait3A_519 = arith.constant 0 : i32
      %dma_wait3A_520 = arith.constant 0 : i32
      %dma_wait3A_521 = tpu.memref_slice %arg3[%dma_wait3A_519, %dma_wait3A_520] : memref<10008x16xf32, #tpu.memory_space<hbm>> -> memref<10008x16xf32, #tpu.memory_space<hbm>>
      tpu.wait_indirect_dma semaphore(%arg17 : memref<!tpu.dma_semaphore, #tpu.memory_space<semaphore_mem>>) src(%dma_wait3A_521 : memref<10008x16xf32, #tpu.memory_space<hbm>>) dst(%arg10 : memref<128x16xf32, #tpu.memory_space<vmem>>)
      %dma_start3A_522 = arith.constant 3 : i32
      %dma_start3A_523 = arith.constant 0 : i32
      %dma_start3A_524 = tpu.memref_slice %arg6[%dma_start3A_522, %dma_start3A_523] : memref<79x128xi32, #tpu.memory_space<vmem>> -> memref<1x128xi32, #tpu.memory_space<vmem>>
      %dma_start3A_525 = tpu.memref_squeeze %dma_start3A_524 : memref<1x128xi32, #tpu.memory_space<vmem>> -> memref<128xi32, #tpu.memory_space<vmem>>
      %dma_start3A_526 = arith.constant 0 : i32
      %dma_start3A_527 = arith.constant 0 : i32
      %dma_start3A_528 = tpu.memref_slice %arg11[%dma_start3A_526, %dma_start3A_527] : memref<13584x16xf32, #tpu.memory_space<vmem_shared>> -> memref<13584x16xf32, #tpu.memory_space<vmem_shared>>
      tpu.enqueue_indirect_dma source(%arg10 : memref<128x16xf32, #tpu.memory_space<vmem>>) target(%dma_start3A_528 : memref<13584x16xf32, #tpu.memory_space<vmem_shared>>) offsets(%dma_start3A_525 : memref<128xi32, #tpu.memory_space<vmem>>) semaphore(%arg21 : memref<!tpu.dma_semaphore, #tpu.memory_space<semaphore_mem>>) {add = true}
      %dma_wait3A_529 = arith.constant 2 : i32
      %dma_wait3A_530 = arith.constant 0 : i32
      %dma_wait3A_531 = tpu.memref_slice %arg6[%dma_wait3A_529, %dma_wait3A_530] : memref<79x128xi32, #tpu.memory_space<vmem>> -> memref<1x128xi32, #tpu.memory_space<vmem>>
      %dma_wait3A_532 = tpu.memref_squeeze %dma_wait3A_531 : memref<1x128xi32, #tpu.memory_space<vmem>> -> memref<128xi32, #tpu.memory_space<vmem>>
      %dma_wait3A_533 = arith.constant 0 : i32
      %dma_wait3A_534 = arith.constant 0 : i32
      %dma_wait3A_535 = tpu.memref_slice %arg11[%dma_wait3A_533, %dma_wait3A_534] : memref<13584x16xf32, #tpu.memory_space<vmem_shared>> -> memref<13584x16xf32, #tpu.memory_space<vmem_shared>>
      tpu.wait_indirect_dma semaphore(%arg20 : memref<!tpu.dma_semaphore, #tpu.memory_space<semaphore_mem>>) src(%arg9 : memref<128x16xf32, #tpu.memory_space<vmem>>) dst(%dma_wait3A_535 : memref<13584x16xf32, #tpu.memory_space<vmem_shared>>)
      %dma_start3A_536 = arith.constant 6 : i32
      %dma_start3A_537 = arith.constant 0 : i32
      %dma_start3A_538 = tpu.memref_slice %arg5[%dma_start3A_536, %dma_start3A_537] : memref<79x128xi32, #tpu.memory_space<vmem>> -> memref<1x128xi32, #tpu.memory_space<vmem>>
      %dma_start3A_539 = tpu.memref_squeeze %dma_start3A_538 : memref<1x128xi32, #tpu.memory_space<vmem>> -> memref<128xi32, #tpu.memory_space<vmem>>
      %dma_start3A_540 = arith.constant 0 : i32
      %dma_start3A_541 = arith.constant 0 : i32
      %dma_start3A_542 = tpu.memref_slice %arg3[%dma_start3A_540, %dma_start3A_541] : memref<10008x16xf32, #tpu.memory_space<hbm>> -> memref<10008x16xf32, #tpu.memory_space<hbm>>
      tpu.enqueue_indirect_dma source(%dma_start3A_542 : memref<10008x16xf32, #tpu.memory_space<hbm>>) target(%arg9 : memref<128x16xf32, #tpu.memory_space<vmem>>) offsets(%dma_start3A_539 : memref<128xi32, #tpu.memory_space<vmem>>) semaphore(%arg16 : memref<!tpu.dma_semaphore, #tpu.memory_space<semaphore_mem>>)
      %scan3A_543 = arith.constant 0 : i32
      %scan3A_544 = arith.constant 1 : i32
      %scan3A_545 = arith.constant 18 : i32
      %scan3A_546 = arith.addi %scan3A_544, %scan3A_545 : i32
      %scan3A_547 = arith.constant 1 : i32
      %scan3A_548 = scf.for %scan3A_620 = %scan3A_544 to %scan3A_546 step %scan3A_547 iter_args(%scan3A_621 = %scan3A_543) -> (i32)  : i32 {
        %mul3A_622 = arith.constant 4 : i32
        %mul3A_623 = arith.muli %scan3A_620, %mul3A_622 : i32
        %add3A_624 = arith.constant 0 : i32
        %add3A_625 = arith.addi %mul3A_623, %add3A_624 : i32
        %dma_wait3A_626 = arith.constant 0 : i32
        %dma_wait3A_627 = tpu.memref_slice %arg5[%add3A_625, %dma_wait3A_626] : memref<79x128xi32, #tpu.memory_space<vmem>> -> memref<1x128xi32, #tpu.memory_space<vmem>>
        %dma_wait3A_628 = tpu.memref_squeeze %dma_wait3A_627 : memref<1x128xi32, #tpu.memory_space<vmem>> -> memref<128xi32, #tpu.memory_space<vmem>>
        %dma_wait3A_629 = arith.constant 0 : i32
        %dma_wait3A_630 = arith.constant 0 : i32
        %dma_wait3A_631 = tpu.memref_slice %arg3[%dma_wait3A_629, %dma_wait3A_630] : memref<10008x16xf32, #tpu.memory_space<hbm>> -> memref<10008x16xf32, #tpu.memory_space<hbm>>
        tpu.wait_indirect_dma semaphore(%arg14 : memref<!tpu.dma_semaphore, #tpu.memory_space<semaphore_mem>>) src(%dma_wait3A_631 : memref<10008x16xf32, #tpu.memory_space<hbm>>) dst(%arg7 : memref<128x16xf32, #tpu.memory_space<vmem>>)
        %dma_start3A_632 = arith.constant 0 : i32
        %dma_start3A_633 = tpu.memref_slice %arg6[%add3A_625, %dma_start3A_632] : memref<79x128xi32, #tpu.memory_space<vmem>> -> memref<1x128xi32, #tpu.memory_space<vmem>>
        %dma_start3A_634 = tpu.memref_squeeze %dma_start3A_633 : memref<1x128xi32, #tpu.memory_space<vmem>> -> memref<128xi32, #tpu.memory_space<vmem>>
        %dma_start3A_635 = arith.constant 0 : i32
        %dma_start3A_636 = arith.constant 0 : i32
        %dma_start3A_637 = tpu.memref_slice %arg11[%dma_start3A_635, %dma_start3A_636] : memref<13584x16xf32, #tpu.memory_space<vmem_shared>> -> memref<13584x16xf32, #tpu.memory_space<vmem_shared>>
        tpu.enqueue_indirect_dma source(%arg7 : memref<128x16xf32, #tpu.memory_space<vmem>>) target(%dma_start3A_637 : memref<13584x16xf32, #tpu.memory_space<vmem_shared>>) offsets(%dma_start3A_634 : memref<128xi32, #tpu.memory_space<vmem>>) semaphore(%arg18 : memref<!tpu.dma_semaphore, #tpu.memory_space<semaphore_mem>>) {add = true}
        %sub3A = arith.constant 1 : i32
        %sub3A_638 = arith.subi %add3A_625, %sub3A : i32
        %dma_wait3A_639 = arith.constant 0 : i32
        %dma_wait3A_640 = tpu.memref_slice %arg6[%sub3A_638, %dma_wait3A_639] : memref<79x128xi32, #tpu.memory_space<vmem>> -> memref<1x128xi32, #tpu.memory_space<vmem>>
        %dma_wait3A_641 = tpu.memref_squeeze %dma_wait3A_640 : memref<1x128xi32, #tpu.memory_space<vmem>> -> memref<128xi32, #tpu.memory_space<vmem>>
        %dma_wait3A_642 = arith.constant 0 : i32
        %dma_wait3A_643 = arith.constant 0 : i32
        %dma_wait3A_644 = tpu.memref_slice %arg11[%dma_wait3A_642, %dma_wait3A_643] : memref<13584x16xf32, #tpu.memory_space<vmem_shared>> -> memref<13584x16xf32, #tpu.memory_space<vmem_shared>>
        tpu.wait_indirect_dma semaphore(%arg21 : memref<!tpu.dma_semaphore, #tpu.memory_space<semaphore_mem>>) src(%arg10 : memref<128x16xf32, #tpu.memory_space<vmem>>) dst(%dma_wait3A_644 : memref<13584x16xf32, #tpu.memory_space<vmem_shared>>)
        %add3A_645 = arith.constant 3 : i32
        %add3A_646 = arith.addi %add3A_625, %add3A_645 : i32
        %dma_start3A_647 = arith.constant 0 : i32
        %dma_start3A_648 = tpu.memref_slice %arg5[%add3A_646, %dma_start3A_647] : memref<79x128xi32, #tpu.memory_space<vmem>> -> memref<1x128xi32, #tpu.memory_space<vmem>>
        %dma_start3A_649 = tpu.memref_squeeze %dma_start3A_648 : memref<1x128xi32, #tpu.memory_space<vmem>> -> memref<128xi32, #tpu.memory_space<vmem>>
        %dma_start3A_650 = arith.constant 0 : i32
        %dma_start3A_651 = arith.constant 0 : i32
        %dma_start3A_652 = tpu.memref_slice %arg3[%dma_start3A_650, %dma_start3A_651] : memref<10008x16xf32, #tpu.memory_space<hbm>> -> memref<10008x16xf32, #tpu.memory_space<hbm>>
        tpu.enqueue_indirect_dma source(%dma_start3A_652 : memref<10008x16xf32, #tpu.memory_space<hbm>>) target(%arg10 : memref<128x16xf32, #tpu.memory_space<vmem>>) offsets(%dma_start3A_649 : memref<128xi32, #tpu.memory_space<vmem>>) semaphore(%arg17 : memref<!tpu.dma_semaphore, #tpu.memory_space<semaphore_mem>>)
        %mul3A_653 = arith.constant 4 : i32
        %mul3A_654 = arith.muli %scan3A_620, %mul3A_653 : i32
        %add3A_655 = arith.constant 1 : i32
        %add3A_656 = arith.addi %mul3A_654, %add3A_655 : i32
        %dma_wait3A_657 = arith.constant 0 : i32
        %dma_wait3A_658 = tpu.memref_slice %arg5[%add3A_656, %dma_wait3A_657] : memref<79x128xi32, #tpu.memory_space<vmem>> -> memref<1x128xi32, #tpu.memory_space<vmem>>
        %dma_wait3A_659 = tpu.memref_squeeze %dma_wait3A_658 : memref<1x128xi32, #tpu.memory_space<vmem>> -> memref<128xi32, #tpu.memory_space<vmem>>
        %dma_wait3A_660 = arith.constant 0 : i32
        %dma_wait3A_661 = arith.constant 0 : i32
        %dma_wait3A_662 = tpu.memref_slice %arg3[%dma_wait3A_660, %dma_wait3A_661] : memref<10008x16xf32, #tpu.memory_space<hbm>> -> memref<10008x16xf32, #tpu.memory_space<hbm>>
        tpu.wait_indirect_dma semaphore(%arg15 : memref<!tpu.dma_semaphore, #tpu.memory_space<semaphore_mem>>) src(%dma_wait3A_662 : memref<10008x16xf32, #tpu.memory_space<hbm>>) dst(%arg8 : memref<128x16xf32, #tpu.memory_space<vmem>>)
        %dma_start3A_663 = arith.constant 0 : i32
        %dma_start3A_664 = tpu.memref_slice %arg6[%add3A_656, %dma_start3A_663] : memref<79x128xi32, #tpu.memory_space<vmem>> -> memref<1x128xi32, #tpu.memory_space<vmem>>
        %dma_start3A_665 = tpu.memref_squeeze %dma_start3A_664 : memref<1x128xi32, #tpu.memory_space<vmem>> -> memref<128xi32, #tpu.memory_space<vmem>>
        %dma_start3A_666 = arith.constant 0 : i32
        %dma_start3A_667 = arith.constant 0 : i32
        %dma_start3A_668 = tpu.memref_slice %arg11[%dma_start3A_666, %dma_start3A_667] : memref<13584x16xf32, #tpu.memory_space<vmem_shared>> -> memref<13584x16xf32, #tpu.memory_space<vmem_shared>>
        tpu.enqueue_indirect_dma source(%arg8 : memref<128x16xf32, #tpu.memory_space<vmem>>) target(%dma_start3A_668 : memref<13584x16xf32, #tpu.memory_space<vmem_shared>>) offsets(%dma_start3A_665 : memref<128xi32, #tpu.memory_space<vmem>>) semaphore(%arg19 : memref<!tpu.dma_semaphore, #tpu.memory_space<semaphore_mem>>) {add = true}
        %sub3A_669 = arith.constant 1 : i32
        %sub3A_670 = arith.subi %add3A_656, %sub3A_669 : i32
        %dma_wait3A_671 = arith.constant 0 : i32
        %dma_wait3A_672 = tpu.memref_slice %arg6[%sub3A_670, %dma_wait3A_671] : memref<79x128xi32, #tpu.memory_space<vmem>> -> memref<1x128xi32, #tpu.memory_space<vmem>>
        %dma_wait3A_673 = tpu.memref_squeeze %dma_wait3A_672 : memref<1x128xi32, #tpu.memory_space<vmem>> -> memref<128xi32, #tpu.memory_space<vmem>>
        %dma_wait3A_674 = arith.constant 0 : i32
        %dma_wait3A_675 = arith.constant 0 : i32
        %dma_wait3A_676 = tpu.memref_slice %arg11[%dma_wait3A_674, %dma_wait3A_675] : memref<13584x16xf32, #tpu.memory_space<vmem_shared>> -> memref<13584x16xf32, #tpu.memory_space<vmem_shared>>
        tpu.wait_indirect_dma semaphore(%arg18 : memref<!tpu.dma_semaphore, #tpu.memory_space<semaphore_mem>>) src(%arg7 : memref<128x16xf32, #tpu.memory_space<vmem>>) dst(%dma_wait3A_676 : memref<13584x16xf32, #tpu.memory_space<vmem_shared>>)
        %add3A_677 = arith.constant 3 : i32
        %add3A_678 = arith.addi %add3A_656, %add3A_677 : i32
        %dma_start3A_679 = arith.constant 0 : i32
        %dma_start3A_680 = tpu.memref_slice %arg5[%add3A_678, %dma_start3A_679] : memref<79x128xi32, #tpu.memory_space<vmem>> -> memref<1x128xi32, #tpu.memory_space<vmem>>
        %dma_start3A_681 = tpu.memref_squeeze %dma_start3A_680 : memref<1x128xi32, #tpu.memory_space<vmem>> -> memref<128xi32, #tpu.memory_space<vmem>>
        %dma_start3A_682 = arith.constant 0 : i32
        %dma_start3A_683 = arith.constant 0 : i32
        %dma_start3A_684 = tpu.memref_slice %arg3[%dma_start3A_682, %dma_start3A_683] : memref<10008x16xf32, #tpu.memory_space<hbm>> -> memref<10008x16xf32, #tpu.memory_space<hbm>>
        tpu.enqueue_indirect_dma source(%dma_start3A_684 : memref<10008x16xf32, #tpu.memory_space<hbm>>) target(%arg7 : memref<128x16xf32, #tpu.memory_space<vmem>>) offsets(%dma_start3A_681 : memref<128xi32, #tpu.memory_space<vmem>>) semaphore(%arg14 : memref<!tpu.dma_semaphore, #tpu.memory_space<semaphore_mem>>)
        %mul3A_685 = arith.constant 4 : i32
        %mul3A_686 = arith.muli %scan3A_620, %mul3A_685 : i32
        %add3A_687 = arith.constant 2 : i32
        %add3A_688 = arith.addi %mul3A_686, %add3A_687 : i32
        %dma_wait3A_689 = arith.constant 0 : i32
        %dma_wait3A_690 = tpu.memref_slice %arg5[%add3A_688, %dma_wait3A_689] : memref<79x128xi32, #tpu.memory_space<vmem>> -> memref<1x128xi32, #tpu.memory_space<vmem>>
        %dma_wait3A_691 = tpu.memref_squeeze %dma_wait3A_690 : memref<1x128xi32, #tpu.memory_space<vmem>> -> memref<128xi32, #tpu.memory_space<vmem>>
        %dma_wait3A_692 = arith.constant 0 : i32
        %dma_wait3A_693 = arith.constant 0 : i32
        %dma_wait3A_694 = tpu.memref_slice %arg3[%dma_wait3A_692, %dma_wait3A_693] : memref<10008x16xf32, #tpu.memory_space<hbm>> -> memref<10008x16xf32, #tpu.memory_space<hbm>>
        tpu.wait_indirect_dma semaphore(%arg16 : memref<!tpu.dma_semaphore, #tpu.memory_space<semaphore_mem>>) src(%dma_wait3A_694 : memref<10008x16xf32, #tpu.memory_space<hbm>>) dst(%arg9 : memref<128x16xf32, #tpu.memory_space<vmem>>)
        %dma_start3A_695 = arith.constant 0 : i32
        %dma_start3A_696 = tpu.memref_slice %arg6[%add3A_688, %dma_start3A_695] : memref<79x128xi32, #tpu.memory_space<vmem>> -> memref<1x128xi32, #tpu.memory_space<vmem>>
        %dma_start3A_697 = tpu.memref_squeeze %dma_start3A_696 : memref<1x128xi32, #tpu.memory_space<vmem>> -> memref<128xi32, #tpu.memory_space<vmem>>
        %dma_start3A_698 = arith.constant 0 : i32
        %dma_start3A_699 = arith.constant 0 : i32
        %dma_start3A_700 = tpu.memref_slice %arg11[%dma_start3A_698, %dma_start3A_699] : memref<13584x16xf32, #tpu.memory_space<vmem_shared>> -> memref<13584x16xf32, #tpu.memory_space<vmem_shared>>
        tpu.enqueue_indirect_dma source(%arg9 : memref<128x16xf32, #tpu.memory_space<vmem>>) target(%dma_start3A_700 : memref<13584x16xf32, #tpu.memory_space<vmem_shared>>) offsets(%dma_start3A_697 : memref<128xi32, #tpu.memory_space<vmem>>) semaphore(%arg20 : memref<!tpu.dma_semaphore, #tpu.memory_space<semaphore_mem>>) {add = true}
        %sub3A_701 = arith.constant 1 : i32
        %sub3A_702 = arith.subi %add3A_688, %sub3A_701 : i32
        %dma_wait3A_703 = arith.constant 0 : i32
        %dma_wait3A_704 = tpu.memref_slice %arg6[%sub3A_702, %dma_wait3A_703] : memref<79x128xi32, #tpu.memory_space<vmem>> -> memref<1x128xi32, #tpu.memory_space<vmem>>
        %dma_wait3A_705 = tpu.memref_squeeze %dma_wait3A_704 : memref<1x128xi32, #tpu.memory_space<vmem>> -> memref<128xi32, #tpu.memory_space<vmem>>
        %dma_wait3A_706 = arith.constant 0 : i32
        %dma_wait3A_707 = arith.constant 0 : i32
        %dma_wait3A_708 = tpu.memref_slice %arg11[%dma_wait3A_706, %dma_wait3A_707] : memref<13584x16xf32, #tpu.memory_space<vmem_shared>> -> memref<13584x16xf32, #tpu.memory_space<vmem_shared>>
        tpu.wait_indirect_dma semaphore(%arg19 : memref<!tpu.dma_semaphore, #tpu.memory_space<semaphore_mem>>) src(%arg8 : memref<128x16xf32, #tpu.memory_space<vmem>>) dst(%dma_wait3A_708 : memref<13584x16xf32, #tpu.memory_space<vmem_shared>>)
        %add3A_709 = arith.constant 3 : i32
        %add3A_710 = arith.addi %add3A_688, %add3A_709 : i32
        %dma_start3A_711 = arith.constant 0 : i32
        %dma_start3A_712 = tpu.memref_slice %arg5[%add3A_710, %dma_start3A_711] : memref<79x128xi32, #tpu.memory_space<vmem>> -> memref<1x128xi32, #tpu.memory_space<vmem>>
        %dma_start3A_713 = tpu.memref_squeeze %dma_start3A_712 : memref<1x128xi32, #tpu.memory_space<vmem>> -> memref<128xi32, #tpu.memory_space<vmem>>
        %dma_start3A_714 = arith.constant 0 : i32
        %dma_start3A_715 = arith.constant 0 : i32
        %dma_start3A_716 = tpu.memref_slice %arg3[%dma_start3A_714, %dma_start3A_715] : memref<10008x16xf32, #tpu.memory_space<hbm>> -> memref<10008x16xf32, #tpu.memory_space<hbm>>
        tpu.enqueue_indirect_dma source(%dma_start3A_716 : memref<10008x16xf32, #tpu.memory_space<hbm>>) target(%arg8 : memref<128x16xf32, #tpu.memory_space<vmem>>) offsets(%dma_start3A_713 : memref<128xi32, #tpu.memory_space<vmem>>) semaphore(%arg15 : memref<!tpu.dma_semaphore, #tpu.memory_space<semaphore_mem>>)
        %mul3A_717 = arith.constant 4 : i32
        %mul3A_718 = arith.muli %scan3A_620, %mul3A_717 : i32
        %add3A_719 = arith.constant 3 : i32
        %add3A_720 = arith.addi %mul3A_718, %add3A_719 : i32
        %dma_wait3A_721 = arith.constant 0 : i32
        %dma_wait3A_722 = tpu.memref_slice %arg5[%add3A_720, %dma_wait3A_721] : memref<79x128xi32, #tpu.memory_space<vmem>> -> memref<1x128xi32, #tpu.memory_space<vmem>>
        %dma_wait3A_723 = tpu.memref_squeeze %dma_wait3A_722 : memref<1x128xi32, #tpu.memory_space<vmem>> -> memref<128xi32, #tpu.memory_space<vmem>>
        %dma_wait3A_724 = arith.constant 0 : i32
        %dma_wait3A_725 = arith.constant 0 : i32
        %dma_wait3A_726 = tpu.memref_slice %arg3[%dma_wait3A_724, %dma_wait3A_725] : memref<10008x16xf32, #tpu.memory_space<hbm>> -> memref<10008x16xf32, #tpu.memory_space<hbm>>
        tpu.wait_indirect_dma semaphore(%arg17 : memref<!tpu.dma_semaphore, #tpu.memory_space<semaphore_mem>>) src(%dma_wait3A_726 : memref<10008x16xf32, #tpu.memory_space<hbm>>) dst(%arg10 : memref<128x16xf32, #tpu.memory_space<vmem>>)
        %dma_start3A_727 = arith.constant 0 : i32
        %dma_start3A_728 = tpu.memref_slice %arg6[%add3A_720, %dma_start3A_727] : memref<79x128xi32, #tpu.memory_space<vmem>> -> memref<1x128xi32, #tpu.memory_space<vmem>>
        %dma_start3A_729 = tpu.memref_squeeze %dma_start3A_728 : memref<1x128xi32, #tpu.memory_space<vmem>> -> memref<128xi32, #tpu.memory_space<vmem>>
        %dma_start3A_730 = arith.constant 0 : i32
        %dma_start3A_731 = arith.constant 0 : i32
        %dma_start3A_732 = tpu.memref_slice %arg11[%dma_start3A_730, %dma_start3A_731] : memref<13584x16xf32, #tpu.memory_space<vmem_shared>> -> memref<13584x16xf32, #tpu.memory_space<vmem_shared>>
        tpu.enqueue_indirect_dma source(%arg10 : memref<128x16xf32, #tpu.memory_space<vmem>>) target(%dma_start3A_732 : memref<13584x16xf32, #tpu.memory_space<vmem_shared>>) offsets(%dma_start3A_729 : memref<128xi32, #tpu.memory_space<vmem>>) semaphore(%arg21 : memref<!tpu.dma_semaphore, #tpu.memory_space<semaphore_mem>>) {add = true}
        %sub3A_733 = arith.constant 1 : i32
        %sub3A_734 = arith.subi %add3A_720, %sub3A_733 : i32
        %dma_wait3A_735 = arith.constant 0 : i32
        %dma_wait3A_736 = tpu.memref_slice %arg6[%sub3A_734, %dma_wait3A_735] : memref<79x128xi32, #tpu.memory_space<vmem>> -> memref<1x128xi32, #tpu.memory_space<vmem>>
        %dma_wait3A_737 = tpu.memref_squeeze %dma_wait3A_736 : memref<1x128xi32, #tpu.memory_space<vmem>> -> memref<128xi32, #tpu.memory_space<vmem>>
        %dma_wait3A_738 = arith.constant 0 : i32
        %dma_wait3A_739 = arith.constant 0 : i32
        %dma_wait3A_740 = tpu.memref_slice %arg11[%dma_wait3A_738, %dma_wait3A_739] : memref<13584x16xf32, #tpu.memory_space<vmem_shared>> -> memref<13584x16xf32, #tpu.memory_space<vmem_shared>>
        tpu.wait_indirect_dma semaphore(%arg20 : memref<!tpu.dma_semaphore, #tpu.memory_space<semaphore_mem>>) src(%arg9 : memref<128x16xf32, #tpu.memory_space<vmem>>) dst(%dma_wait3A_740 : memref<13584x16xf32, #tpu.memory_space<vmem_shared>>)
        %add3A_741 = arith.constant 3 : i32
        %add3A_742 = arith.addi %add3A_720, %add3A_741 : i32
        %dma_start3A_743 = arith.constant 0 : i32
        %dma_start3A_744 = tpu.memref_slice %arg5[%add3A_742, %dma_start3A_743] : memref<79x128xi32, #tpu.memory_space<vmem>> -> memref<1x128xi32, #tpu.memory_space<vmem>>
        %dma_start3A_745 = tpu.memref_squeeze %dma_start3A_744 : memref<1x128xi32, #tpu.memory_space<vmem>> -> memref<128xi32, #tpu.memory_space<vmem>>
        %dma_start3A_746 = arith.constant 0 : i32
        %dma_start3A_747 = arith.constant 0 : i32
        %dma_start3A_748 = tpu.memref_slice %arg3[%dma_start3A_746, %dma_start3A_747] : memref<10008x16xf32, #tpu.memory_space<hbm>> -> memref<10008x16xf32, #tpu.memory_space<hbm>>
        tpu.enqueue_indirect_dma source(%dma_start3A_748 : memref<10008x16xf32, #tpu.memory_space<hbm>>) target(%arg9 : memref<128x16xf32, #tpu.memory_space<vmem>>) offsets(%dma_start3A_745 : memref<128xi32, #tpu.memory_space<vmem>>) semaphore(%arg16 : memref<!tpu.dma_semaphore, #tpu.memory_space<semaphore_mem>>)
        %scan3A_749 = arith.constant 0 : i32
        scf.yield %scan3A_749 : i32
      }
      %scan3A_549 = arith.constant 18 : i32
      %dma_wait3A_550 = arith.constant 76 : i32
      %dma_wait3A_551 = arith.constant 0 : i32
      %dma_wait3A_552 = tpu.memref_slice %arg5[%dma_wait3A_550, %dma_wait3A_551] : memref<79x128xi32, #tpu.memory_space<vmem>> -> memref<1x128xi32, #tpu.memory_space<vmem>>
      %dma_wait3A_553 = tpu.memref_squeeze %dma_wait3A_552 : memref<1x128xi32, #tpu.memory_space<vmem>> -> memref<128xi32, #tpu.memory_space<vmem>>
      %dma_wait3A_554 = arith.constant 0 : i32
      %dma_wait3A_555 = arith.constant 0 : i32
      %dma_wait3A_556 = tpu.memref_slice %arg3[%dma_wait3A_554, %dma_wait3A_555] : memref<10008x16xf32, #tpu.memory_space<hbm>> -> memref<10008x16xf32, #tpu.memory_space<hbm>>
      tpu.wait_indirect_dma semaphore(%arg14 : memref<!tpu.dma_semaphore, #tpu.memory_space<semaphore_mem>>) src(%dma_wait3A_556 : memref<10008x16xf32, #tpu.memory_space<hbm>>) dst(%arg7 : memref<128x16xf32, #tpu.memory_space<vmem>>)
      %dma_start3A_557 = arith.constant 76 : i32
      %dma_start3A_558 = arith.constant 0 : i32
      %dma_start3A_559 = tpu.memref_slice %arg6[%dma_start3A_557, %dma_start3A_558] : memref<79x128xi32, #tpu.memory_space<vmem>> -> memref<1x128xi32, #tpu.memory_space<vmem>>
      %dma_start3A_560 = tpu.memref_squeeze %dma_start3A_559 : memref<1x128xi32, #tpu.memory_space<vmem>> -> memref<128xi32, #tpu.memory_space<vmem>>
      %dma_start3A_561 = arith.constant 0 : i32
      %dma_start3A_562 = arith.constant 0 : i32
      %dma_start3A_563 = tpu.memref_slice %arg11[%dma_start3A_561, %dma_start3A_562] : memref<13584x16xf32, #tpu.memory_space<vmem_shared>> -> memref<13584x16xf32, #tpu.memory_space<vmem_shared>>
      tpu.enqueue_indirect_dma source(%arg7 : memref<128x16xf32, #tpu.memory_space<vmem>>) target(%dma_start3A_563 : memref<13584x16xf32, #tpu.memory_space<vmem_shared>>) offsets(%dma_start3A_560 : memref<128xi32, #tpu.memory_space<vmem>>) semaphore(%arg18 : memref<!tpu.dma_semaphore, #tpu.memory_space<semaphore_mem>>) {add = true}
      %dma_wait3A_564 = arith.constant 75 : i32
      %dma_wait3A_565 = arith.constant 0 : i32
      %dma_wait3A_566 = tpu.memref_slice %arg6[%dma_wait3A_564, %dma_wait3A_565] : memref<79x128xi32, #tpu.memory_space<vmem>> -> memref<1x128xi32, #tpu.memory_space<vmem>>
      %dma_wait3A_567 = tpu.memref_squeeze %dma_wait3A_566 : memref<1x128xi32, #tpu.memory_space<vmem>> -> memref<128xi32, #tpu.memory_space<vmem>>
      %dma_wait3A_568 = arith.constant 0 : i32
      %dma_wait3A_569 = arith.constant 0 : i32
      %dma_wait3A_570 = tpu.memref_slice %arg11[%dma_wait3A_568, %dma_wait3A_569] : memref<13584x16xf32, #tpu.memory_space<vmem_shared>> -> memref<13584x16xf32, #tpu.memory_space<vmem_shared>>
      tpu.wait_indirect_dma semaphore(%arg21 : memref<!tpu.dma_semaphore, #tpu.memory_space<semaphore_mem>>) src(%arg10 : memref<128x16xf32, #tpu.memory_space<vmem>>) dst(%dma_wait3A_570 : memref<13584x16xf32, #tpu.memory_space<vmem_shared>>)
      %dma_wait3A_571 = arith.constant 77 : i32
      %dma_wait3A_572 = arith.constant 0 : i32
      %dma_wait3A_573 = tpu.memref_slice %arg5[%dma_wait3A_571, %dma_wait3A_572] : memref<79x128xi32, #tpu.memory_space<vmem>> -> memref<1x128xi32, #tpu.memory_space<vmem>>
      %dma_wait3A_574 = tpu.memref_squeeze %dma_wait3A_573 : memref<1x128xi32, #tpu.memory_space<vmem>> -> memref<128xi32, #tpu.memory_space<vmem>>
      %dma_wait3A_575 = arith.constant 0 : i32
      %dma_wait3A_576 = arith.constant 0 : i32
      %dma_wait3A_577 = tpu.memref_slice %arg3[%dma_wait3A_575, %dma_wait3A_576] : memref<10008x16xf32, #tpu.memory_space<hbm>> -> memref<10008x16xf32, #tpu.memory_space<hbm>>
      tpu.wait_indirect_dma semaphore(%arg15 : memref<!tpu.dma_semaphore, #tpu.memory_space<semaphore_mem>>) src(%dma_wait3A_577 : memref<10008x16xf32, #tpu.memory_space<hbm>>) dst(%arg8 : memref<128x16xf32, #tpu.memory_space<vmem>>)
      %dma_start3A_578 = arith.constant 77 : i32
      %dma_start3A_579 = arith.constant 0 : i32
      %dma_start3A_580 = tpu.memref_slice %arg6[%dma_start3A_578, %dma_start3A_579] : memref<79x128xi32, #tpu.memory_space<vmem>> -> memref<1x128xi32, #tpu.memory_space<vmem>>
      %dma_start3A_581 = tpu.memref_squeeze %dma_start3A_580 : memref<1x128xi32, #tpu.memory_space<vmem>> -> memref<128xi32, #tpu.memory_space<vmem>>
      %dma_start3A_582 = arith.constant 0 : i32
      %dma_start3A_583 = arith.constant 0 : i32
      %dma_start3A_584 = tpu.memref_slice %arg11[%dma_start3A_582, %dma_start3A_583] : memref<13584x16xf32, #tpu.memory_space<vmem_shared>> -> memref<13584x16xf32, #tpu.memory_space<vmem_shared>>
      tpu.enqueue_indirect_dma source(%arg8 : memref<128x16xf32, #tpu.memory_space<vmem>>) target(%dma_start3A_584 : memref<13584x16xf32, #tpu.memory_space<vmem_shared>>) offsets(%dma_start3A_581 : memref<128xi32, #tpu.memory_space<vmem>>) semaphore(%arg19 : memref<!tpu.dma_semaphore, #tpu.memory_space<semaphore_mem>>) {add = true}
      %dma_wait3A_585 = arith.constant 76 : i32
      %dma_wait3A_586 = arith.constant 0 : i32
      %dma_wait3A_587 = tpu.memref_slice %arg6[%dma_wait3A_585, %dma_wait3A_586] : memref<79x128xi32, #tpu.memory_space<vmem>> -> memref<1x128xi32, #tpu.memory_space<vmem>>
      %dma_wait3A_588 = tpu.memref_squeeze %dma_wait3A_587 : memref<1x128xi32, #tpu.memory_space<vmem>> -> memref<128xi32, #tpu.memory_space<vmem>>
      %dma_wait3A_589 = arith.constant 0 : i32
      %dma_wait3A_590 = arith.constant 0 : i32
      %dma_wait3A_591 = tpu.memref_slice %arg11[%dma_wait3A_589, %dma_wait3A_590] : memref<13584x16xf32, #tpu.memory_space<vmem_shared>> -> memref<13584x16xf32, #tpu.memory_space<vmem_shared>>
      tpu.wait_indirect_dma semaphore(%arg18 : memref<!tpu.dma_semaphore, #tpu.memory_space<semaphore_mem>>) src(%arg7 : memref<128x16xf32, #tpu.memory_space<vmem>>) dst(%dma_wait3A_591 : memref<13584x16xf32, #tpu.memory_space<vmem_shared>>)
      %dma_wait3A_592 = arith.constant 78 : i32
      %dma_wait3A_593 = arith.constant 0 : i32
      %dma_wait3A_594 = tpu.memref_slice %arg5[%dma_wait3A_592, %dma_wait3A_593] : memref<79x128xi32, #tpu.memory_space<vmem>> -> memref<1x128xi32, #tpu.memory_space<vmem>>
      %dma_wait3A_595 = tpu.memref_squeeze %dma_wait3A_594 : memref<1x128xi32, #tpu.memory_space<vmem>> -> memref<128xi32, #tpu.memory_space<vmem>>
      %dma_wait3A_596 = arith.constant 0 : i32
      %dma_wait3A_597 = arith.constant 0 : i32
      %dma_wait3A_598 = tpu.memref_slice %arg3[%dma_wait3A_596, %dma_wait3A_597] : memref<10008x16xf32, #tpu.memory_space<hbm>> -> memref<10008x16xf32, #tpu.memory_space<hbm>>
      tpu.wait_indirect_dma semaphore(%arg16 : memref<!tpu.dma_semaphore, #tpu.memory_space<semaphore_mem>>) src(%dma_wait3A_598 : memref<10008x16xf32, #tpu.memory_space<hbm>>) dst(%arg9 : memref<128x16xf32, #tpu.memory_space<vmem>>)
      %dma_start3A_599 = arith.constant 78 : i32
      %dma_start3A_600 = arith.constant 0 : i32
      %dma_start3A_601 = tpu.memref_slice %arg6[%dma_start3A_599, %dma_start3A_600] : memref<79x128xi32, #tpu.memory_space<vmem>> -> memref<1x128xi32, #tpu.memory_space<vmem>>
      %dma_start3A_602 = tpu.memref_squeeze %dma_start3A_601 : memref<1x128xi32, #tpu.memory_space<vmem>> -> memref<128xi32, #tpu.memory_space<vmem>>
      %dma_start3A_603 = arith.constant 0 : i32
      %dma_start3A_604 = arith.constant 0 : i32
      %dma_start3A_605 = tpu.memref_slice %arg11[%dma_start3A_603, %dma_start3A_604] : memref<13584x16xf32, #tpu.memory_space<vmem_shared>> -> memref<13584x16xf32, #tpu.memory_space<vmem_shared>>
      tpu.enqueue_indirect_dma source(%arg9 : memref<128x16xf32, #tpu.memory_space<vmem>>) target(%dma_start3A_605 : memref<13584x16xf32, #tpu.memory_space<vmem_shared>>) offsets(%dma_start3A_602 : memref<128xi32, #tpu.memory_space<vmem>>) semaphore(%arg20 : memref<!tpu.dma_semaphore, #tpu.memory_space<semaphore_mem>>) {add = true}
      %dma_wait3A_606 = arith.constant 77 : i32
      %dma_wait3A_607 = arith.constant 0 : i32
      %dma_wait3A_608 = tpu.memref_slice %arg6[%dma_wait3A_606, %dma_wait3A_607] : memref<79x128xi32, #tpu.memory_space<vmem>> -> memref<1x128xi32, #tpu.memory_space<vmem>>
      %dma_wait3A_609 = tpu.memref_squeeze %dma_wait3A_608 : memref<1x128xi32, #tpu.memory_space<vmem>> -> memref<128xi32, #tpu.memory_space<vmem>>
      %dma_wait3A_610 = arith.constant 0 : i32
      %dma_wait3A_611 = arith.constant 0 : i32
      %dma_wait3A_612 = tpu.memref_slice %arg11[%dma_wait3A_610, %dma_wait3A_611] : memref<13584x16xf32, #tpu.memory_space<vmem_shared>> -> memref<13584x16xf32, #tpu.memory_space<vmem_shared>>
      tpu.wait_indirect_dma semaphore(%arg19 : memref<!tpu.dma_semaphore, #tpu.memory_space<semaphore_mem>>) src(%arg8 : memref<128x16xf32, #tpu.memory_space<vmem>>) dst(%dma_wait3A_612 : memref<13584x16xf32, #tpu.memory_space<vmem_shared>>)
      %dma_wait3A_613 = arith.constant 78 : i32
      %dma_wait3A_614 = arith.constant 0 : i32
      %dma_wait3A_615 = tpu.memref_slice %arg6[%dma_wait3A_613, %dma_wait3A_614] : memref<79x128xi32, #tpu.memory_space<vmem>> -> memref<1x128xi32, #tpu.memory_space<vmem>>
      %dma_wait3A_616 = tpu.memref_squeeze %dma_wait3A_615 : memref<1x128xi32, #tpu.memory_space<vmem>> -> memref<128xi32, #tpu.memory_space<vmem>>
      %dma_wait3A_617 = arith.constant 0 : i32
      %dma_wait3A_618 = arith.constant 0 : i32
      %dma_wait3A_619 = tpu.memref_slice %arg11[%dma_wait3A_617, %dma_wait3A_618] : memref<13584x16xf32, #tpu.memory_space<vmem_shared>> -> memref<13584x16xf32, #tpu.memory_space<vmem_shared>>
      tpu.wait_indirect_dma semaphore(%arg20 : memref<!tpu.dma_semaphore, #tpu.memory_space<semaphore_mem>>) src(%arg9 : memref<128x16xf32, #tpu.memory_space<vmem>>) dst(%dma_wait3A_619 : memref<13584x16xf32, #tpu.memory_space<vmem_shared>>)
    } else {
    }
    %barrier3A_151 = arith.constant 0 : index
    tpu.barrier barrier_id(%barrier3A_151)
    %add3A_152 = arith.constant 0 : i32
    %add3A_153 = arith.addi %mul3A_0, %add3A_152 : i32
    %dma_start3A_154 = arith.constant 0 : i32
    %dma_start3A_155 = arith.constant 0 : i32
    %dma_start3A_156 = tpu.memref_slice %arg7[%dma_start3A_154, %dma_start3A_155] : memref<128x16xf32, #tpu.memory_space<vmem>> -> memref<128x16xf32, #tpu.memory_space<vmem>>
    %dma_start3A_157 = arith.constant 0 : i32
    %dma_start3A_158 = tpu.memref_slice %arg11[%add3A_153, %dma_start3A_157] : memref<13584x16xf32, #tpu.memory_space<vmem_shared>> -> memref<128x16xf32, #tpu.memory_space<vmem_shared>>
    %dma_start3A_159 = arith.constant 0 : i32
    %dma_start3A_160 = arith.constant 0 : i32
    %dma_start3A_161 = tpu.memref_slice %arg7[%dma_start3A_159, %dma_start3A_160] : memref<128x16xf32, #tpu.memory_space<vmem>> -> memref<128x16xf32, #tpu.memory_space<vmem>>
    %dma_start3A_162 = arith.constant 0 : i32
    %dma_start3A_163 = tpu.memref_slice %arg11[%add3A_153, %dma_start3A_162] : memref<13584x16xf32, #tpu.memory_space<vmem_shared>> -> memref<128x16xf32, #tpu.memory_space<vmem_shared>>
    tpu.enqueue_dma source(%dma_start3A_163 : memref<128x16xf32, #tpu.memory_space<vmem_shared>>) target(%dma_start3A_161 : memref<128x16xf32, #tpu.memory_space<vmem>>) target_semaphore(%arg13 : memref<!tpu.dma_semaphore, #tpu.memory_space<semaphore_mem>>)
    %add3A_164 = arith.constant 0 : i32
    %add3A_165 = arith.addi %mul3A_0, %add3A_164 : i32
    %dma_wait3A_166 = arith.constant 0 : i32
    %dma_wait3A_167 = arith.constant 0 : i32
    %dma_wait3A_168 = tpu.memref_slice %arg7[%dma_wait3A_166, %dma_wait3A_167] : memref<128x16xf32, #tpu.memory_space<vmem>> -> memref<128x16xf32, #tpu.memory_space<vmem>>
    %dma_wait3A_169 = arith.constant 0 : i32
    %dma_wait3A_170 = tpu.memref_slice %arg11[%add3A_165, %dma_wait3A_169] : memref<13584x16xf32, #tpu.memory_space<vmem_shared>> -> memref<128x16xf32, #tpu.memory_space<vmem_shared>>
    %dma_wait3A_171 = arith.constant 0 : i32
    %dma_wait3A_172 = arith.constant 0 : i32
    %dma_wait3A_173 = tpu.memref_slice %arg7[%dma_wait3A_171, %dma_wait3A_172] : memref<128x16xf32, #tpu.memory_space<vmem>> -> memref<128x16xf32, #tpu.memory_space<vmem>>
    %dma_wait3A_174 = arith.constant 0 : i32
    %dma_wait3A_175 = tpu.memref_slice %arg11[%add3A_165, %dma_wait3A_174] : memref<13584x16xf32, #tpu.memory_space<vmem_shared>> -> memref<128x16xf32, #tpu.memory_space<vmem_shared>>
    tpu.wait_dma2 semaphore(%arg13 : memref<!tpu.dma_semaphore, #tpu.memory_space<semaphore_mem>>) src(%dma_wait3A_175 : memref<128x16xf32, #tpu.memory_space<vmem_shared>>) dst(%dma_wait3A_173 : memref<128x16xf32, #tpu.memory_space<vmem>>)
    %add3A_176 = arith.constant 0 : i32
    %add3A_177 = arith.addi %mul3A_0, %add3A_176 : i32
    %dma_start3A_178 = arith.constant 0 : i32
    %dma_start3A_179 = arith.constant 0 : i32
    %dma_start3A_180 = tpu.memref_slice %arg7[%dma_start3A_178, %dma_start3A_179] : memref<128x16xf32, #tpu.memory_space<vmem>> -> memref<128x16xf32, #tpu.memory_space<vmem>>
    %dma_start3A_181 = arith.constant 0 : i32
    %dma_start3A_182 = tpu.memref_slice %arg4[%arg0, %add3A_177, %dma_start3A_181] : memref<2x10000x128xf32, #tpu.memory_space<hbm>> -> memref<1x128x16xf32, #tpu.memory_space<hbm>>
    %dma_start3A_183 = tpu.memref_squeeze %dma_start3A_182 : memref<1x128x16xf32, #tpu.memory_space<hbm>> -> memref<128x16xf32, #tpu.memory_space<hbm>>
    %dma_start3A_184 = arith.constant 0 : i32
    %dma_start3A_185 = tpu.memref_slice %arg4[%arg0, %add3A_177, %dma_start3A_184] : memref<2x10000x128xf32, #tpu.memory_space<hbm>> -> memref<1x128x16xf32, #tpu.memory_space<hbm>>
    %dma_start3A_186 = tpu.memref_squeeze %dma_start3A_185 : memref<1x128x16xf32, #tpu.memory_space<hbm>> -> memref<128x16xf32, #tpu.memory_space<hbm>>
    %dma_start3A_187 = arith.constant 0 : i32
    %dma_start3A_188 = arith.constant 0 : i32
    %dma_start3A_189 = tpu.memref_slice %arg7[%dma_start3A_187, %dma_start3A_188] : memref<128x16xf32, #tpu.memory_space<vmem>> -> memref<128x16xf32, #tpu.memory_space<vmem>>
    tpu.enqueue_dma source(%dma_start3A_189 : memref<128x16xf32, #tpu.memory_space<vmem>>) target(%dma_start3A_186 : memref<128x16xf32, #tpu.memory_space<hbm>>) target_semaphore(%arg18 : memref<!tpu.dma_semaphore, #tpu.memory_space<semaphore_mem>>)
    %add3A_190 = arith.constant 128 : i32
    %add3A_191 = arith.addi %mul3A_0, %add3A_190 : i32
    %dma_start3A_192 = arith.constant 0 : i32
    %dma_start3A_193 = arith.constant 0 : i32
    %dma_start3A_194 = tpu.memref_slice %arg8[%dma_start3A_192, %dma_start3A_193] : memref<128x16xf32, #tpu.memory_space<vmem>> -> memref<128x16xf32, #tpu.memory_space<vmem>>
    %dma_start3A_195 = arith.constant 0 : i32
    %dma_start3A_196 = tpu.memref_slice %arg11[%add3A_191, %dma_start3A_195] : memref<13584x16xf32, #tpu.memory_space<vmem_shared>> -> memref<128x16xf32, #tpu.memory_space<vmem_shared>>
    %dma_start3A_197 = arith.constant 0 : i32
    %dma_start3A_198 = arith.constant 0 : i32
    %dma_start3A_199 = tpu.memref_slice %arg8[%dma_start3A_197, %dma_start3A_198] : memref<128x16xf32, #tpu.memory_space<vmem>> -> memref<128x16xf32, #tpu.memory_space<vmem>>
    %dma_start3A_200 = arith.constant 0 : i32
    %dma_start3A_201 = tpu.memref_slice %arg11[%add3A_191, %dma_start3A_200] : memref<13584x16xf32, #tpu.memory_space<vmem_shared>> -> memref<128x16xf32, #tpu.memory_space<vmem_shared>>
    tpu.enqueue_dma source(%dma_start3A_201 : memref<128x16xf32, #tpu.memory_space<vmem_shared>>) target(%dma_start3A_199 : memref<128x16xf32, #tpu.memory_space<vmem>>) target_semaphore(%arg13 : memref<!tpu.dma_semaphore, #tpu.memory_space<semaphore_mem>>)
    %add3A_202 = arith.constant 128 : i32
    %add3A_203 = arith.addi %mul3A_0, %add3A_202 : i32
    %dma_wait3A_204 = arith.constant 0 : i32
    %dma_wait3A_205 = arith.constant 0 : i32
    %dma_wait3A_206 = tpu.memref_slice %arg8[%dma_wait3A_204, %dma_wait3A_205] : memref<128x16xf32, #tpu.memory_space<vmem>> -> memref<128x16xf32, #tpu.memory_space<vmem>>
    %dma_wait3A_207 = arith.constant 0 : i32
    %dma_wait3A_208 = tpu.memref_slice %arg11[%add3A_203, %dma_wait3A_207] : memref<13584x16xf32, #tpu.memory_space<vmem_shared>> -> memref<128x16xf32, #tpu.memory_space<vmem_shared>>
    %dma_wait3A_209 = arith.constant 0 : i32
    %dma_wait3A_210 = arith.constant 0 : i32
    %dma_wait3A_211 = tpu.memref_slice %arg8[%dma_wait3A_209, %dma_wait3A_210] : memref<128x16xf32, #tpu.memory_space<vmem>> -> memref<128x16xf32, #tpu.memory_space<vmem>>
    %dma_wait3A_212 = arith.constant 0 : i32
    %dma_wait3A_213 = tpu.memref_slice %arg11[%add3A_203, %dma_wait3A_212] : memref<13584x16xf32, #tpu.memory_space<vmem_shared>> -> memref<128x16xf32, #tpu.memory_space<vmem_shared>>
    tpu.wait_dma2 semaphore(%arg13 : memref<!tpu.dma_semaphore, #tpu.memory_space<semaphore_mem>>) src(%dma_wait3A_213 : memref<128x16xf32, #tpu.memory_space<vmem_shared>>) dst(%dma_wait3A_211 : memref<128x16xf32, #tpu.memory_space<vmem>>)
    %add3A_214 = arith.constant 128 : i32
    %add3A_215 = arith.addi %mul3A_0, %add3A_214 : i32
    %dma_start3A_216 = arith.constant 0 : i32
    %dma_start3A_217 = arith.constant 0 : i32
    %dma_start3A_218 = tpu.memref_slice %arg8[%dma_start3A_216, %dma_start3A_217] : memref<128x16xf32, #tpu.memory_space<vmem>> -> memref<128x16xf32, #tpu.memory_space<vmem>>
    %dma_start3A_219 = arith.constant 0 : i32
    %dma_start3A_220 = tpu.memref_slice %arg4[%arg0, %add3A_215, %dma_start3A_219] : memref<2x10000x128xf32, #tpu.memory_space<hbm>> -> memref<1x128x16xf32, #tpu.memory_space<hbm>>
    %dma_start3A_221 = tpu.memref_squeeze %dma_start3A_220 : memref<1x128x16xf32, #tpu.memory_space<hbm>> -> memref<128x16xf32, #tpu.memory_space<hbm>>
    %dma_start3A_222 = arith.constant 0 : i32
    %dma_start3A_223 = tpu.memref_slice %arg4[%arg0, %add3A_215, %dma_start3A_222] : memref<2x10000x128xf32, #tpu.memory_space<hbm>> -> memref<1x128x16xf32, #tpu.memory_space<hbm>>
    %dma_start3A_224 = tpu.memref_squeeze %dma_start3A_223 : memref<1x128x16xf32, #tpu.memory_space<hbm>> -> memref<128x16xf32, #tpu.memory_space<hbm>>
    %dma_start3A_225 = arith.constant 0 : i32
    %dma_start3A_226 = arith.constant 0 : i32
    %dma_start3A_227 = tpu.memref_slice %arg8[%dma_start3A_225, %dma_start3A_226] : memref<128x16xf32, #tpu.memory_space<vmem>> -> memref<128x16xf32, #tpu.memory_space<vmem>>
    tpu.enqueue_dma source(%dma_start3A_227 : memref<128x16xf32, #tpu.memory_space<vmem>>) target(%dma_start3A_224 : memref<128x16xf32, #tpu.memory_space<hbm>>) target_semaphore(%arg19 : memref<!tpu.dma_semaphore, #tpu.memory_space<semaphore_mem>>)
    %add3A_228 = arith.constant 0 : i32
    %add3A_229 = arith.addi %mul3A_0, %add3A_228 : i32
    %dma_wait3A_230 = arith.constant 0 : i32
    %dma_wait3A_231 = arith.constant 0 : i32
    %dma_wait3A_232 = tpu.memref_slice %arg7[%dma_wait3A_230, %dma_wait3A_231] : memref<128x16xf32, #tpu.memory_space<vmem>> -> memref<128x16xf32, #tpu.memory_space<vmem>>
    %dma_wait3A_233 = arith.constant 0 : i32
    %dma_wait3A_234 = tpu.memref_slice %arg4[%arg0, %add3A_229, %dma_wait3A_233] : memref<2x10000x128xf32, #tpu.memory_space<hbm>> -> memref<1x128x16xf32, #tpu.memory_space<hbm>>
    %dma_wait3A_235 = tpu.memref_squeeze %dma_wait3A_234 : memref<1x128x16xf32, #tpu.memory_space<hbm>> -> memref<128x16xf32, #tpu.memory_space<hbm>>
    %dma_wait3A_236 = arith.constant 0 : i32
    %dma_wait3A_237 = tpu.memref_slice %arg4[%arg0, %add3A_229, %dma_wait3A_236] : memref<2x10000x128xf32, #tpu.memory_space<hbm>> -> memref<1x128x16xf32, #tpu.memory_space<hbm>>
    %dma_wait3A_238 = tpu.memref_squeeze %dma_wait3A_237 : memref<1x128x16xf32, #tpu.memory_space<hbm>> -> memref<128x16xf32, #tpu.memory_space<hbm>>
    %dma_wait3A_239 = arith.constant 0 : i32
    %dma_wait3A_240 = arith.constant 0 : i32
    %dma_wait3A_241 = tpu.memref_slice %arg7[%dma_wait3A_239, %dma_wait3A_240] : memref<128x16xf32, #tpu.memory_space<vmem>> -> memref<128x16xf32, #tpu.memory_space<vmem>>
    tpu.wait_dma2 semaphore(%arg18 : memref<!tpu.dma_semaphore, #tpu.memory_space<semaphore_mem>>) src(%dma_wait3A_241 : memref<128x16xf32, #tpu.memory_space<vmem>>) dst(%dma_wait3A_238 : memref<128x16xf32, #tpu.memory_space<hbm>>)
    %add3A_242 = arith.constant 256 : i32
    %add3A_243 = arith.addi %mul3A_0, %add3A_242 : i32
    %dma_start3A_244 = arith.constant 0 : i32
    %dma_start3A_245 = arith.constant 0 : i32
    %dma_start3A_246 = tpu.memref_slice %arg7[%dma_start3A_244, %dma_start3A_245] : memref<128x16xf32, #tpu.memory_space<vmem>> -> memref<128x16xf32, #tpu.memory_space<vmem>>
    %dma_start3A_247 = arith.constant 0 : i32
    %dma_start3A_248 = tpu.memref_slice %arg11[%add3A_243, %dma_start3A_247] : memref<13584x16xf32, #tpu.memory_space<vmem_shared>> -> memref<128x16xf32, #tpu.memory_space<vmem_shared>>
    %dma_start3A_249 = arith.constant 0 : i32
    %dma_start3A_250 = arith.constant 0 : i32
    %dma_start3A_251 = tpu.memref_slice %arg7[%dma_start3A_249, %dma_start3A_250] : memref<128x16xf32, #tpu.memory_space<vmem>> -> memref<128x16xf32, #tpu.memory_space<vmem>>
    %dma_start3A_252 = arith.constant 0 : i32
    %dma_start3A_253 = tpu.memref_slice %arg11[%add3A_243, %dma_start3A_252] : memref<13584x16xf32, #tpu.memory_space<vmem_shared>> -> memref<128x16xf32, #tpu.memory_space<vmem_shared>>
    tpu.enqueue_dma source(%dma_start3A_253 : memref<128x16xf32, #tpu.memory_space<vmem_shared>>) target(%dma_start3A_251 : memref<128x16xf32, #tpu.memory_space<vmem>>) target_semaphore(%arg13 : memref<!tpu.dma_semaphore, #tpu.memory_space<semaphore_mem>>)
    %add3A_254 = arith.constant 256 : i32
    %add3A_255 = arith.addi %mul3A_0, %add3A_254 : i32
    %dma_wait3A_256 = arith.constant 0 : i32
    %dma_wait3A_257 = arith.constant 0 : i32
    %dma_wait3A_258 = tpu.memref_slice %arg7[%dma_wait3A_256, %dma_wait3A_257] : memref<128x16xf32, #tpu.memory_space<vmem>> -> memref<128x16xf32, #tpu.memory_space<vmem>>
    %dma_wait3A_259 = arith.constant 0 : i32
    %dma_wait3A_260 = tpu.memref_slice %arg11[%add3A_255, %dma_wait3A_259] : memref<13584x16xf32, #tpu.memory_space<vmem_shared>> -> memref<128x16xf32, #tpu.memory_space<vmem_shared>>
    %dma_wait3A_261 = arith.constant 0 : i32
    %dma_wait3A_262 = arith.constant 0 : i32
    %dma_wait3A_263 = tpu.memref_slice %arg7[%dma_wait3A_261, %dma_wait3A_262] : memref<128x16xf32, #tpu.memory_space<vmem>> -> memref<128x16xf32, #tpu.memory_space<vmem>>
    %dma_wait3A_264 = arith.constant 0 : i32
    %dma_wait3A_265 = tpu.memref_slice %arg11[%add3A_255, %dma_wait3A_264] : memref<13584x16xf32, #tpu.memory_space<vmem_shared>> -> memref<128x16xf32, #tpu.memory_space<vmem_shared>>
    tpu.wait_dma2 semaphore(%arg13 : memref<!tpu.dma_semaphore, #tpu.memory_space<semaphore_mem>>) src(%dma_wait3A_265 : memref<128x16xf32, #tpu.memory_space<vmem_shared>>) dst(%dma_wait3A_263 : memref<128x16xf32, #tpu.memory_space<vmem>>)
    %add3A_266 = arith.constant 256 : i32
    %add3A_267 = arith.addi %mul3A_0, %add3A_266 : i32
    %dma_start3A_268 = arith.constant 0 : i32
    %dma_start3A_269 = arith.constant 0 : i32
    %dma_start3A_270 = tpu.memref_slice %arg7[%dma_start3A_268, %dma_start3A_269] : memref<128x16xf32, #tpu.memory_space<vmem>> -> memref<128x16xf32, #tpu.memory_space<vmem>>
    %dma_start3A_271 = arith.constant 0 : i32
    %dma_start3A_272 = tpu.memref_slice %arg4[%arg0, %add3A_267, %dma_start3A_271] : memref<2x10000x128xf32, #tpu.memory_space<hbm>> -> memref<1x128x16xf32, #tpu.memory_space<hbm>>
    %dma_start3A_273 = tpu.memref_squeeze %dma_start3A_272 : memref<1x128x16xf32, #tpu.memory_space<hbm>> -> memref<128x16xf32, #tpu.memory_space<hbm>>
    %dma_start3A_274 = arith.constant 0 : i32
    %dma_start3A_275 = tpu.memref_slice %arg4[%arg0, %add3A_267, %dma_start3A_274] : memref<2x10000x128xf32, #tpu.memory_space<hbm>> -> memref<1x128x16xf32, #tpu.memory_space<hbm>>
    %dma_start3A_276 = tpu.memref_squeeze %dma_start3A_275 : memref<1x128x16xf32, #tpu.memory_space<hbm>> -> memref<128x16xf32, #tpu.memory_space<hbm>>
    %dma_start3A_277 = arith.constant 0 : i32
    %dma_start3A_278 = arith.constant 0 : i32
    %dma_start3A_279 = tpu.memref_slice %arg7[%dma_start3A_277, %dma_start3A_278] : memref<128x16xf32, #tpu.memory_space<vmem>> -> memref<128x16xf32, #tpu.memory_space<vmem>>
    tpu.enqueue_dma source(%dma_start3A_279 : memref<128x16xf32, #tpu.memory_space<vmem>>) target(%dma_start3A_276 : memref<128x16xf32, #tpu.memory_space<hbm>>) target_semaphore(%arg18 : memref<!tpu.dma_semaphore, #tpu.memory_space<semaphore_mem>>)
    %add3A_280 = arith.constant 128 : i32
    %add3A_281 = arith.addi %mul3A_0, %add3A_280 : i32
    %dma_wait3A_282 = arith.constant 0 : i32
    %dma_wait3A_283 = arith.constant 0 : i32
    %dma_wait3A_284 = tpu.memref_slice %arg8[%dma_wait3A_282, %dma_wait3A_283] : memref<128x16xf32, #tpu.memory_space<vmem>> -> memref<128x16xf32, #tpu.memory_space<vmem>>
    %dma_wait3A_285 = arith.constant 0 : i32
    %dma_wait3A_286 = tpu.memref_slice %arg4[%arg0, %add3A_281, %dma_wait3A_285] : memref<2x10000x128xf32, #tpu.memory_space<hbm>> -> memref<1x128x16xf32, #tpu.memory_space<hbm>>
    %dma_wait3A_287 = tpu.memref_squeeze %dma_wait3A_286 : memref<1x128x16xf32, #tpu.memory_space<hbm>> -> memref<128x16xf32, #tpu.memory_space<hbm>>
    %dma_wait3A_288 = arith.constant 0 : i32
    %dma_wait3A_289 = tpu.memref_slice %arg4[%arg0, %add3A_281, %dma_wait3A_288] : memref<2x10000x128xf32, #tpu.memory_space<hbm>> -> memref<1x128x16xf32, #tpu.memory_space<hbm>>
    %dma_wait3A_290 = tpu.memref_squeeze %dma_wait3A_289 : memref<1x128x16xf32, #tpu.memory_space<hbm>> -> memref<128x16xf32, #tpu.memory_space<hbm>>
    %dma_wait3A_291 = arith.constant 0 : i32
    %dma_wait3A_292 = arith.constant 0 : i32
    %dma_wait3A_293 = tpu.memref_slice %arg8[%dma_wait3A_291, %dma_wait3A_292] : memref<128x16xf32, #tpu.memory_space<vmem>> -> memref<128x16xf32, #tpu.memory_space<vmem>>
    tpu.wait_dma2 semaphore(%arg19 : memref<!tpu.dma_semaphore, #tpu.memory_space<semaphore_mem>>) src(%dma_wait3A_293 : memref<128x16xf32, #tpu.memory_space<vmem>>) dst(%dma_wait3A_290 : memref<128x16xf32, #tpu.memory_space<hbm>>)
    %add3A_294 = arith.constant 384 : i32
    %add3A_295 = arith.addi %mul3A_0, %add3A_294 : i32
    %dma_start3A_296 = arith.constant 0 : i32
    %dma_start3A_297 = arith.constant 0 : i32
    %dma_start3A_298 = tpu.memref_slice %arg8[%dma_start3A_296, %dma_start3A_297] : memref<128x16xf32, #tpu.memory_space<vmem>> -> memref<128x16xf32, #tpu.memory_space<vmem>>
    %dma_start3A_299 = arith.constant 0 : i32
    %dma_start3A_300 = tpu.memref_slice %arg11[%add3A_295, %dma_start3A_299] : memref<13584x16xf32, #tpu.memory_space<vmem_shared>> -> memref<128x16xf32, #tpu.memory_space<vmem_shared>>
    %dma_start3A_301 = arith.constant 0 : i32
    %dma_start3A_302 = arith.constant 0 : i32
    %dma_start3A_303 = tpu.memref_slice %arg8[%dma_start3A_301, %dma_start3A_302] : memref<128x16xf32, #tpu.memory_space<vmem>> -> memref<128x16xf32, #tpu.memory_space<vmem>>
    %dma_start3A_304 = arith.constant 0 : i32
    %dma_start3A_305 = tpu.memref_slice %arg11[%add3A_295, %dma_start3A_304] : memref<13584x16xf32, #tpu.memory_space<vmem_shared>> -> memref<128x16xf32, #tpu.memory_space<vmem_shared>>
    tpu.enqueue_dma source(%dma_start3A_305 : memref<128x16xf32, #tpu.memory_space<vmem_shared>>) target(%dma_start3A_303 : memref<128x16xf32, #tpu.memory_space<vmem>>) target_semaphore(%arg13 : memref<!tpu.dma_semaphore, #tpu.memory_space<semaphore_mem>>)
    %add3A_306 = arith.constant 384 : i32
    %add3A_307 = arith.addi %mul3A_0, %add3A_306 : i32
    %dma_wait3A_308 = arith.constant 0 : i32
    %dma_wait3A_309 = arith.constant 0 : i32
    %dma_wait3A_310 = tpu.memref_slice %arg8[%dma_wait3A_308, %dma_wait3A_309] : memref<128x16xf32, #tpu.memory_space<vmem>> -> memref<128x16xf32, #tpu.memory_space<vmem>>
    %dma_wait3A_311 = arith.constant 0 : i32
    %dma_wait3A_312 = tpu.memref_slice %arg11[%add3A_307, %dma_wait3A_311] : memref<13584x16xf32, #tpu.memory_space<vmem_shared>> -> memref<128x16xf32, #tpu.memory_space<vmem_shared>>
    %dma_wait3A_313 = arith.constant 0 : i32
    %dma_wait3A_314 = arith.constant 0 : i32
    %dma_wait3A_315 = tpu.memref_slice %arg8[%dma_wait3A_313, %dma_wait3A_314] : memref<128x16xf32, #tpu.memory_space<vmem>> -> memref<128x16xf32, #tpu.memory_space<vmem>>
    %dma_wait3A_316 = arith.constant 0 : i32
    %dma_wait3A_317 = tpu.memref_slice %arg11[%add3A_307, %dma_wait3A_316] : memref<13584x16xf32, #tpu.memory_space<vmem_shared>> -> memref<128x16xf32, #tpu.memory_space<vmem_shared>>
    tpu.wait_dma2 semaphore(%arg13 : memref<!tpu.dma_semaphore, #tpu.memory_space<semaphore_mem>>) src(%dma_wait3A_317 : memref<128x16xf32, #tpu.memory_space<vmem_shared>>) dst(%dma_wait3A_315 : memref<128x16xf32, #tpu.memory_space<vmem>>)
    %add3A_318 = arith.constant 384 : i32
    %add3A_319 = arith.addi %mul3A_0, %add3A_318 : i32
    %dma_start3A_320 = arith.constant 0 : i32
    %dma_start3A_321 = arith.constant 0 : i32
    %dma_start3A_322 = tpu.memref_slice %arg8[%dma_start3A_320, %dma_start3A_321] : memref<128x16xf32, #tpu.memory_space<vmem>> -> memref<128x16xf32, #tpu.memory_space<vmem>>
    %dma_start3A_323 = arith.constant 0 : i32
    %dma_start3A_324 = tpu.memref_slice %arg4[%arg0, %add3A_319, %dma_start3A_323] : memref<2x10000x128xf32, #tpu.memory_space<hbm>> -> memref<1x128x16xf32, #tpu.memory_space<hbm>>
    %dma_start3A_325 = tpu.memref_squeeze %dma_start3A_324 : memref<1x128x16xf32, #tpu.memory_space<hbm>> -> memref<128x16xf32, #tpu.memory_space<hbm>>
    %dma_start3A_326 = arith.constant 0 : i32
    %dma_start3A_327 = tpu.memref_slice %arg4[%arg0, %add3A_319, %dma_start3A_326] : memref<2x10000x128xf32, #tpu.memory_space<hbm>> -> memref<1x128x16xf32, #tpu.memory_space<hbm>>
    %dma_start3A_328 = tpu.memref_squeeze %dma_start3A_327 : memref<1x128x16xf32, #tpu.memory_space<hbm>> -> memref<128x16xf32, #tpu.memory_space<hbm>>
    %dma_start3A_329 = arith.constant 0 : i32
    %dma_start3A_330 = arith.constant 0 : i32
    %dma_start3A_331 = tpu.memref_slice %arg8[%dma_start3A_329, %dma_start3A_330] : memref<128x16xf32, #tpu.memory_space<vmem>> -> memref<128x16xf32, #tpu.memory_space<vmem>>
    tpu.enqueue_dma source(%dma_start3A_331 : memref<128x16xf32, #tpu.memory_space<vmem>>) target(%dma_start3A_328 : memref<128x16xf32, #tpu.memory_space<hbm>>) target_semaphore(%arg19 : memref<!tpu.dma_semaphore, #tpu.memory_space<semaphore_mem>>)
    %add3A_332 = arith.constant 256 : i32
    %add3A_333 = arith.addi %mul3A_0, %add3A_332 : i32
    %dma_wait3A_334 = arith.constant 0 : i32
    %dma_wait3A_335 = arith.constant 0 : i32
    %dma_wait3A_336 = tpu.memref_slice %arg7[%dma_wait3A_334, %dma_wait3A_335] : memref<128x16xf32, #tpu.memory_space<vmem>> -> memref<128x16xf32, #tpu.memory_space<vmem>>
    %dma_wait3A_337 = arith.constant 0 : i32
    %dma_wait3A_338 = tpu.memref_slice %arg4[%arg0, %add3A_333, %dma_wait3A_337] : memref<2x10000x128xf32, #tpu.memory_space<hbm>> -> memref<1x128x16xf32, #tpu.memory_space<hbm>>
    %dma_wait3A_339 = tpu.memref_squeeze %dma_wait3A_338 : memref<1x128x16xf32, #tpu.memory_space<hbm>> -> memref<128x16xf32, #tpu.memory_space<hbm>>
    %dma_wait3A_340 = arith.constant 0 : i32
    %dma_wait3A_341 = tpu.memref_slice %arg4[%arg0, %add3A_333, %dma_wait3A_340] : memref<2x10000x128xf32, #tpu.memory_space<hbm>> -> memref<1x128x16xf32, #tpu.memory_space<hbm>>
    %dma_wait3A_342 = tpu.memref_squeeze %dma_wait3A_341 : memref<1x128x16xf32, #tpu.memory_space<hbm>> -> memref<128x16xf32, #tpu.memory_space<hbm>>
    %dma_wait3A_343 = arith.constant 0 : i32
    %dma_wait3A_344 = arith.constant 0 : i32
    %dma_wait3A_345 = tpu.memref_slice %arg7[%dma_wait3A_343, %dma_wait3A_344] : memref<128x16xf32, #tpu.memory_space<vmem>> -> memref<128x16xf32, #tpu.memory_space<vmem>>
    tpu.wait_dma2 semaphore(%arg18 : memref<!tpu.dma_semaphore, #tpu.memory_space<semaphore_mem>>) src(%dma_wait3A_345 : memref<128x16xf32, #tpu.memory_space<vmem>>) dst(%dma_wait3A_342 : memref<128x16xf32, #tpu.memory_space<hbm>>)
    %add3A_346 = arith.constant 512 : i32
    %add3A_347 = arith.addi %mul3A_0, %add3A_346 : i32
    %dma_start3A_348 = arith.constant 0 : i32
    %dma_start3A_349 = arith.constant 0 : i32
    %dma_start3A_350 = tpu.memref_slice %arg7[%dma_start3A_348, %dma_start3A_349] : memref<128x16xf32, #tpu.memory_space<vmem>> -> memref<112x16xf32, #tpu.memory_space<vmem>>
    %dma_start3A_351 = arith.constant 0 : i32
    %dma_start3A_352 = tpu.memref_slice %arg11[%add3A_347, %dma_start3A_351] : memref<13584x16xf32, #tpu.memory_space<vmem_shared>> -> memref<112x16xf32, #tpu.memory_space<vmem_shared>>
    %dma_start3A_353 = arith.constant 0 : i32
    %dma_start3A_354 = arith.constant 0 : i32
    %dma_start3A_355 = tpu.memref_slice %arg7[%dma_start3A_353, %dma_start3A_354] : memref<128x16xf32, #tpu.memory_space<vmem>> -> memref<112x16xf32, #tpu.memory_space<vmem>>
    %dma_start3A_356 = arith.constant 0 : i32
    %dma_start3A_357 = tpu.memref_slice %arg11[%add3A_347, %dma_start3A_356] : memref<13584x16xf32, #tpu.memory_space<vmem_shared>> -> memref<112x16xf32, #tpu.memory_space<vmem_shared>>
    tpu.enqueue_dma source(%dma_start3A_357 : memref<112x16xf32, #tpu.memory_space<vmem_shared>>) target(%dma_start3A_355 : memref<112x16xf32, #tpu.memory_space<vmem>>) target_semaphore(%arg13 : memref<!tpu.dma_semaphore, #tpu.memory_space<semaphore_mem>>)
    %add3A_358 = arith.constant 512 : i32
    %add3A_359 = arith.addi %mul3A_0, %add3A_358 : i32
    %dma_wait3A_360 = arith.constant 0 : i32
    %dma_wait3A_361 = arith.constant 0 : i32
    %dma_wait3A_362 = tpu.memref_slice %arg7[%dma_wait3A_360, %dma_wait3A_361] : memref<128x16xf32, #tpu.memory_space<vmem>> -> memref<112x16xf32, #tpu.memory_space<vmem>>
    %dma_wait3A_363 = arith.constant 0 : i32
    %dma_wait3A_364 = tpu.memref_slice %arg11[%add3A_359, %dma_wait3A_363] : memref<13584x16xf32, #tpu.memory_space<vmem_shared>> -> memref<112x16xf32, #tpu.memory_space<vmem_shared>>
    %dma_wait3A_365 = arith.constant 0 : i32
    %dma_wait3A_366 = arith.constant 0 : i32
    %dma_wait3A_367 = tpu.memref_slice %arg7[%dma_wait3A_365, %dma_wait3A_366] : memref<128x16xf32, #tpu.memory_space<vmem>> -> memref<112x16xf32, #tpu.memory_space<vmem>>
    %dma_wait3A_368 = arith.constant 0 : i32
    %dma_wait3A_369 = tpu.memref_slice %arg11[%add3A_359, %dma_wait3A_368] : memref<13584x16xf32, #tpu.memory_space<vmem_shared>> -> memref<112x16xf32, #tpu.memory_space<vmem_shared>>
    tpu.wait_dma2 semaphore(%arg13 : memref<!tpu.dma_semaphore, #tpu.memory_space<semaphore_mem>>) src(%dma_wait3A_369 : memref<112x16xf32, #tpu.memory_space<vmem_shared>>) dst(%dma_wait3A_367 : memref<112x16xf32, #tpu.memory_space<vmem>>)
    %add3A_370 = arith.constant 512 : i32
    %add3A_371 = arith.addi %mul3A_0, %add3A_370 : i32
    %dma_start3A_372 = arith.constant 0 : i32
    %dma_start3A_373 = arith.constant 0 : i32
    %dma_start3A_374 = tpu.memref_slice %arg7[%dma_start3A_372, %dma_start3A_373] : memref<128x16xf32, #tpu.memory_space<vmem>> -> memref<112x16xf32, #tpu.memory_space<vmem>>
    %dma_start3A_375 = arith.constant 0 : i32
    %dma_start3A_376 = tpu.memref_slice %arg4[%arg0, %add3A_371, %dma_start3A_375] : memref<2x10000x128xf32, #tpu.memory_space<hbm>> -> memref<1x112x16xf32, #tpu.memory_space<hbm>>
    %dma_start3A_377 = tpu.memref_squeeze %dma_start3A_376 : memref<1x112x16xf32, #tpu.memory_space<hbm>> -> memref<112x16xf32, #tpu.memory_space<hbm>>
    %dma_start3A_378 = arith.constant 0 : i32
    %dma_start3A_379 = tpu.memref_slice %arg4[%arg0, %add3A_371, %dma_start3A_378] : memref<2x10000x128xf32, #tpu.memory_space<hbm>> -> memref<1x112x16xf32, #tpu.memory_space<hbm>>
    %dma_start3A_380 = tpu.memref_squeeze %dma_start3A_379 : memref<1x112x16xf32, #tpu.memory_space<hbm>> -> memref<112x16xf32, #tpu.memory_space<hbm>>
    %dma_start3A_381 = arith.constant 0 : i32
    %dma_start3A_382 = arith.constant 0 : i32
    %dma_start3A_383 = tpu.memref_slice %arg7[%dma_start3A_381, %dma_start3A_382] : memref<128x16xf32, #tpu.memory_space<vmem>> -> memref<112x16xf32, #tpu.memory_space<vmem>>
    tpu.enqueue_dma source(%dma_start3A_383 : memref<112x16xf32, #tpu.memory_space<vmem>>) target(%dma_start3A_380 : memref<112x16xf32, #tpu.memory_space<hbm>>) target_semaphore(%arg18 : memref<!tpu.dma_semaphore, #tpu.memory_space<semaphore_mem>>)
    %add3A_384 = arith.constant 384 : i32
    %add3A_385 = arith.addi %mul3A_0, %add3A_384 : i32
    %dma_wait3A_386 = arith.constant 0 : i32
    %dma_wait3A_387 = arith.constant 0 : i32
    %dma_wait3A_388 = tpu.memref_slice %arg8[%dma_wait3A_386, %dma_wait3A_387] : memref<128x16xf32, #tpu.memory_space<vmem>> -> memref<128x16xf32, #tpu.memory_space<vmem>>
    %dma_wait3A_389 = arith.constant 0 : i32
    %dma_wait3A_390 = tpu.memref_slice %arg4[%arg0, %add3A_385, %dma_wait3A_389] : memref<2x10000x128xf32, #tpu.memory_space<hbm>> -> memref<1x128x16xf32, #tpu.memory_space<hbm>>
    %dma_wait3A_391 = tpu.memref_squeeze %dma_wait3A_390 : memref<1x128x16xf32, #tpu.memory_space<hbm>> -> memref<128x16xf32, #tpu.memory_space<hbm>>
    %dma_wait3A_392 = arith.constant 0 : i32
    %dma_wait3A_393 = tpu.memref_slice %arg4[%arg0, %add3A_385, %dma_wait3A_392] : memref<2x10000x128xf32, #tpu.memory_space<hbm>> -> memref<1x128x16xf32, #tpu.memory_space<hbm>>
    %dma_wait3A_394 = tpu.memref_squeeze %dma_wait3A_393 : memref<1x128x16xf32, #tpu.memory_space<hbm>> -> memref<128x16xf32, #tpu.memory_space<hbm>>
    %dma_wait3A_395 = arith.constant 0 : i32
    %dma_wait3A_396 = arith.constant 0 : i32
    %dma_wait3A_397 = tpu.memref_slice %arg8[%dma_wait3A_395, %dma_wait3A_396] : memref<128x16xf32, #tpu.memory_space<vmem>> -> memref<128x16xf32, #tpu.memory_space<vmem>>
    tpu.wait_dma2 semaphore(%arg19 : memref<!tpu.dma_semaphore, #tpu.memory_space<semaphore_mem>>) src(%dma_wait3A_397 : memref<128x16xf32, #tpu.memory_space<vmem>>) dst(%dma_wait3A_394 : memref<128x16xf32, #tpu.memory_space<hbm>>)
    %add3A_398 = arith.constant 512 : i32
    %add3A_399 = arith.addi %mul3A_0, %add3A_398 : i32
    %dma_wait3A_400 = arith.constant 0 : i32
    %dma_wait3A_401 = arith.constant 0 : i32
    %dma_wait3A_402 = tpu.memref_slice %arg7[%dma_wait3A_400, %dma_wait3A_401] : memref<128x16xf32, #tpu.memory_space<vmem>> -> memref<112x16xf32, #tpu.memory_space<vmem>>
    %dma_wait3A_403 = arith.constant 0 : i32
    %dma_wait3A_404 = tpu.memref_slice %arg4[%arg0, %add3A_399, %dma_wait3A_403] : memref<2x10000x128xf32, #tpu.memory_space<hbm>> -> memref<1x112x16xf32, #tpu.memory_space<hbm>>
    %dma_wait3A_405 = tpu.memref_squeeze %dma_wait3A_404 : memref<1x112x16xf32, #tpu.memory_space<hbm>> -> memref<112x16xf32, #tpu.memory_space<hbm>>
    %dma_wait3A_406 = arith.constant 0 : i32
    %dma_wait3A_407 = tpu.memref_slice %arg4[%arg0, %add3A_399, %dma_wait3A_406] : memref<2x10000x128xf32, #tpu.memory_space<hbm>> -> memref<1x112x16xf32, #tpu.memory_space<hbm>>
    %dma_wait3A_408 = tpu.memref_squeeze %dma_wait3A_407 : memref<1x112x16xf32, #tpu.memory_space<hbm>> -> memref<112x16xf32, #tpu.memory_space<hbm>>
    %dma_wait3A_409 = arith.constant 0 : i32
    %dma_wait3A_410 = arith.constant 0 : i32
    %dma_wait3A_411 = tpu.memref_slice %arg7[%dma_wait3A_409, %dma_wait3A_410] : memref<128x16xf32, #tpu.memory_space<vmem>> -> memref<112x16xf32, #tpu.memory_space<vmem>>
    tpu.wait_dma2 semaphore(%arg18 : memref<!tpu.dma_semaphore, #tpu.memory_space<semaphore_mem>>) src(%dma_wait3A_411 : memref<112x16xf32, #tpu.memory_space<vmem>>) dst(%dma_wait3A_408 : memref<112x16xf32, #tpu.memory_space<hbm>>)
    %eq3A_412 = arith.constant 15 : i32
    %eq3A_413 = arith.cmpi eq, %arg1, %eq3A_412 : i32
    %convert_element_type3A_414 = arith.extui %eq3A_413 : i1 to i32
    %cond3A_415 = arith.constant 0 : i32
    %cond3A_416 = arith.cmpi ne, %convert_element_type3A_414, %cond3A_415 : i32
    scf.if %cond3A_416 {
      "tpu.region"() ({
        %run_scoped3A = tpu.sem_alloc : memref<!tpu.dma_semaphore, #tpu.memory_space<semaphore_mem>>
        %dma_start3A_417 = arith.constant 0 : i32
        %dma_start3A_418 = arith.constant 0 : i32
        %dma_start3A_419 = tpu.memref_slice %arg9[%dma_start3A_417, %dma_start3A_418] : memref<128x16xf32, #tpu.memory_space<vmem>> -> memref<16x16xf32, #tpu.memory_space<vmem>>
        %dma_start3A_420 = arith.constant 9984 : i32
        %dma_start3A_421 = arith.constant 0 : i32
        %dma_start3A_422 = tpu.memref_slice %arg11[%dma_start3A_420, %dma_start3A_421] : memref<13584x16xf32, #tpu.memory_space<vmem_shared>> -> memref<16x16xf32, #tpu.memory_space<vmem_shared>>
        %dma_start3A_423 = arith.constant 0 : i32
        %dma_start3A_424 = arith.constant 0 : i32
        %dma_start3A_425 = tpu.memref_slice %arg9[%dma_start3A_423, %dma_start3A_424] : memref<128x16xf32, #tpu.memory_space<vmem>> -> memref<16x16xf32, #tpu.memory_space<vmem>>
        %dma_start3A_426 = arith.constant 9984 : i32
        %dma_start3A_427 = arith.constant 0 : i32
        %dma_start3A_428 = tpu.memref_slice %arg11[%dma_start3A_426, %dma_start3A_427] : memref<13584x16xf32, #tpu.memory_space<vmem_shared>> -> memref<16x16xf32, #tpu.memory_space<vmem_shared>>
        tpu.enqueue_dma source(%dma_start3A_428 : memref<16x16xf32, #tpu.memory_space<vmem_shared>>) target(%dma_start3A_425 : memref<16x16xf32, #tpu.memory_space<vmem>>) target_semaphore(%run_scoped3A : memref<!tpu.dma_semaphore, #tpu.memory_space<semaphore_mem>>)
        %dma_wait3A_429 = arith.constant 0 : i32
        %dma_wait3A_430 = arith.constant 0 : i32
        %dma_wait3A_431 = tpu.memref_slice %arg9[%dma_wait3A_429, %dma_wait3A_430] : memref<128x16xf32, #tpu.memory_space<vmem>> -> memref<16x16xf32, #tpu.memory_space<vmem>>
        %dma_wait3A_432 = arith.constant 9984 : i32
        %dma_wait3A_433 = arith.constant 0 : i32
        %dma_wait3A_434 = tpu.memref_slice %arg11[%dma_wait3A_432, %dma_wait3A_433] : memref<13584x16xf32, #tpu.memory_space<vmem_shared>> -> memref<16x16xf32, #tpu.memory_space<vmem_shared>>
        %dma_wait3A_435 = arith.constant 0 : i32
        %dma_wait3A_436 = arith.constant 0 : i32
        %dma_wait3A_437 = tpu.memref_slice %arg9[%dma_wait3A_435, %dma_wait3A_436] : memref<128x16xf32, #tpu.memory_space<vmem>> -> memref<16x16xf32, #tpu.memory_space<vmem>>
        %dma_wait3A_438 = arith.constant 9984 : i32
        %dma_wait3A_439 = arith.constant 0 : i32
        %dma_wait3A_440 = tpu.memref_slice %arg11[%dma_wait3A_438, %dma_wait3A_439] : memref<13584x16xf32, #tpu.memory_space<vmem_shared>> -> memref<16x16xf32, #tpu.memory_space<vmem_shared>>
        tpu.wait_dma2 semaphore(%run_scoped3A : memref<!tpu.dma_semaphore, #tpu.memory_space<semaphore_mem>>) src(%dma_wait3A_440 : memref<16x16xf32, #tpu.memory_space<vmem_shared>>) dst(%dma_wait3A_437 : memref<16x16xf32, #tpu.memory_space<vmem>>)
        tpu.yield
      }) : () -> ()
      "tpu.region"() ({
        %run_scoped3A = tpu.sem_alloc : memref<!tpu.dma_semaphore, #tpu.memory_space<semaphore_mem>>
        %dma_start3A_417 = arith.constant 0 : i32
        %dma_start3A_418 = arith.constant 0 : i32
        %dma_start3A_419 = tpu.memref_slice %arg9[%dma_start3A_417, %dma_start3A_418] : memref<128x16xf32, #tpu.memory_space<vmem>> -> memref<16x16xf32, #tpu.memory_space<vmem>>
        %dma_start3A_420 = arith.constant 9984 : i32
        %dma_start3A_421 = arith.constant 0 : i32
        %dma_start3A_422 = tpu.memref_slice %arg4[%arg0, %dma_start3A_420, %dma_start3A_421] : memref<2x10000x128xf32, #tpu.memory_space<hbm>> -> memref<1x16x16xf32, #tpu.memory_space<hbm>>
        %dma_start3A_423 = tpu.memref_squeeze %dma_start3A_422 : memref<1x16x16xf32, #tpu.memory_space<hbm>> -> memref<16x16xf32, #tpu.memory_space<hbm>>
        %dma_start3A_424 = arith.constant 9984 : i32
        %dma_start3A_425 = arith.constant 0 : i32
        %dma_start3A_426 = tpu.memref_slice %arg4[%arg0, %dma_start3A_424, %dma_start3A_425] : memref<2x10000x128xf32, #tpu.memory_space<hbm>> -> memref<1x16x16xf32, #tpu.memory_space<hbm>>
        %dma_start3A_427 = tpu.memref_squeeze %dma_start3A_426 : memref<1x16x16xf32, #tpu.memory_space<hbm>> -> memref<16x16xf32, #tpu.memory_space<hbm>>
        %dma_start3A_428 = arith.constant 0 : i32
        %dma_start3A_429 = arith.constant 0 : i32
        %dma_start3A_430 = tpu.memref_slice %arg9[%dma_start3A_428, %dma_start3A_429] : memref<128x16xf32, #tpu.memory_space<vmem>> -> memref<16x16xf32, #tpu.memory_space<vmem>>
        tpu.enqueue_dma source(%dma_start3A_430 : memref<16x16xf32, #tpu.memory_space<vmem>>) target(%dma_start3A_427 : memref<16x16xf32, #tpu.memory_space<hbm>>) target_semaphore(%run_scoped3A : memref<!tpu.dma_semaphore, #tpu.memory_space<semaphore_mem>>)
        %dma_wait3A_431 = arith.constant 0 : i32
        %dma_wait3A_432 = arith.constant 0 : i32
        %dma_wait3A_433 = tpu.memref_slice %arg9[%dma_wait3A_431, %dma_wait3A_432] : memref<128x16xf32, #tpu.memory_space<vmem>> -> memref<16x16xf32, #tpu.memory_space<vmem>>
        %dma_wait3A_434 = arith.constant 9984 : i32
        %dma_wait3A_435 = arith.constant 0 : i32
        %dma_wait3A_436 = tpu.memref_slice %arg4[%arg0, %dma_wait3A_434, %dma_wait3A_435] : memref<2x10000x128xf32, #tpu.memory_space<hbm>> -> memref<1x16x16xf32, #tpu.memory_space<hbm>>
        %dma_wait3A_437 = tpu.memref_squeeze %dma_wait3A_436 : memref<1x16x16xf32, #tpu.memory_space<hbm>> -> memref<16x16xf32, #tpu.memory_space<hbm>>
        %dma_wait3A_438 = arith.constant 9984 : i32
        %dma_wait3A_439 = arith.constant 0 : i32
        %dma_wait3A_440 = tpu.memref_slice %arg4[%arg0, %dma_wait3A_438, %dma_wait3A_439] : memref<2x10000x128xf32, #tpu.memory_space<hbm>> -> memref<1x16x16xf32, #tpu.memory_space<hbm>>
        %dma_wait3A_441 = tpu.memref_squeeze %dma_wait3A_440 : memref<1x16x16xf32, #tpu.memory_space<hbm>> -> memref<16x16xf32, #tpu.memory_space<hbm>>
        %dma_wait3A_442 = arith.constant 0 : i32
        %dma_wait3A_443 = arith.constant 0 : i32
        %dma_wait3A_444 = tpu.memref_slice %arg9[%dma_wait3A_442, %dma_wait3A_443] : memref<128x16xf32, #tpu.memory_space<vmem>> -> memref<16x16xf32, #tpu.memory_space<vmem>>
        tpu.wait_dma2 semaphore(%run_scoped3A : memref<!tpu.dma_semaphore, #tpu.memory_space<semaphore_mem>>) src(%dma_wait3A_444 : memref<16x16xf32, #tpu.memory_space<vmem>>) dst(%dma_wait3A_441 : memref<16x16xf32, #tpu.memory_space<hbm>>)
        tpu.yield
      }) : () -> ()
    } else {
    }
    return
  }
}

#map = affine_map<(d0, d1) -> (0, 0, 0)>
#map1 = affine_map<(d0, d1) -> (0, 0)>
module attributes {stable_mosaic.version = 14 : i64} {
  func.func @scat(%arg0: i32, %arg1: i32, %arg2: memref<2x2528x128xi32, #tpu.memory_space<hbm>>, %arg3: memref<10008x80xf32, #tpu.memory_space<hbm>>, %arg4: memref<2x10000x128xf32, #tpu.memory_space<hbm>>, %arg5: memref<79x128xi32, #tpu.memory_space<vmem>>, %arg6: memref<79x128xi32, #tpu.memory_space<vmem>>, %arg7: memref<128x80xf32, #tpu.memory_space<vmem>>, %arg8: memref<128x80xf32, #tpu.memory_space<vmem>>, %arg9: memref<128x80xf32, #tpu.memory_space<vmem>>, %arg10: memref<128x80xf32, #tpu.memory_space<vmem>>, %arg11: memref<13584x80xf32, #tpu.memory_space<vmem_shared>>, %arg12: memref<!tpu.dma_semaphore, #tpu.memory_space<semaphore_mem>>, %arg13: memref<!tpu.dma_semaphore, #tpu.memory_space<semaphore_mem>>, %arg14: memref<!tpu.dma_semaphore, #tpu.memory_space<semaphore_mem>>, %arg15: memref<!tpu.dma_semaphore, #tpu.memory_space<semaphore_mem>>, %arg16: memref<!tpu.dma_semaphore, #tpu.memory_space<semaphore_mem>>, %arg17: memref<!tpu.dma_semaphore, #tpu.memory_space<semaphore_mem>>, %arg18: memref<!tpu.dma_semaphore, #tpu.memory_space<semaphore_mem>>, %arg19: memref<!tpu.dma_semaphore, #tpu.memory_space<semaphore_mem>>, %arg20: memref<!tpu.dma_semaphore, #tpu.memory_space<semaphore_mem>>, %arg21: memref<!tpu.dma_semaphore, #tpu.memory_space<semaphore_mem>>) attributes {dimension_semantics = [#tpu.dimension_semantics<core_parallel>, #tpu.dimension_semantics<subcore_parallel>], iteration_bounds = array<i64: 2, 16>, scalar_prefetch = 0 : i64, scratch_operands = 17 : i64, tpu.core_type = #tpu.core_type<sc_vector_subcore>, window_params = [{transform_indices = #map}, {transform_indices = #map1}, {transform_indices = #map}]} {
    %mul3A = arith.constant 624 : i32
    %mul3A_0 = arith.muli %arg1, %mul3A : i32
    %eq3A = arith.constant 0 : i32
    %eq3A_1 = arith.cmpi eq, %arg0, %eq3A : i32
    %convert_element_type3A = arith.extui %eq3A_1 : i1 to i32
    %cond3A = arith.constant 0 : i32
    %cond3A_2 = arith.cmpi ne, %convert_element_type3A, %cond3A : i32
    scf.if %cond3A_2 {
      %mul3A_417 = arith.constant 79 : i32
      %mul3A_418 = arith.muli %arg1, %mul3A_417 : i32
      %dma_start3A_419 = arith.constant 0 : i32
      %dma_start3A_420 = arith.constant 0 : i32
      %dma_start3A_421 = arith.constant 0 : i32
      %dma_start3A_422 = tpu.memref_slice %arg5[%dma_start3A_420, %dma_start3A_421] : memref<79x128xi32, #tpu.memory_space<vmem>> -> memref<79x128xi32, #tpu.memory_space<vmem>>
      %dma_start3A_423 = arith.constant 0 : i32
      %dma_start3A_424 = tpu.memref_slice %arg2[%dma_start3A_419, %mul3A_418, %dma_start3A_423] : memref<2x2528x128xi32, #tpu.memory_space<hbm>> -> memref<1x79x128xi32, #tpu.memory_space<hbm>>
      %dma_start3A_425 = tpu.memref_squeeze %dma_start3A_424 : memref<1x79x128xi32, #tpu.memory_space<hbm>> -> memref<79x128xi32, #tpu.memory_space<hbm>>
      %dma_start3A_426 = arith.constant 0 : i32
      %dma_start3A_427 = arith.constant 0 : i32
      %dma_start3A_428 = tpu.memref_slice %arg5[%dma_start3A_426, %dma_start3A_427] : memref<79x128xi32, #tpu.memory_space<vmem>> -> memref<79x128xi32, #tpu.memory_space<vmem>>
      %dma_start3A_429 = arith.constant 0 : i32
      %dma_start3A_430 = tpu.memref_slice %arg2[%dma_start3A_419, %mul3A_418, %dma_start3A_429] : memref<2x2528x128xi32, #tpu.memory_space<hbm>> -> memref<1x79x128xi32, #tpu.memory_space<hbm>>
      %dma_start3A_431 = tpu.memref_squeeze %dma_start3A_430 : memref<1x79x128xi32, #tpu.memory_space<hbm>> -> memref<79x128xi32, #tpu.memory_space<hbm>>
      tpu.enqueue_dma source(%dma_start3A_431 : memref<79x128xi32, #tpu.memory_space<hbm>>) target(%dma_start3A_428 : memref<79x128xi32, #tpu.memory_space<vmem>>) target_semaphore(%arg12 : memref<!tpu.dma_semaphore, #tpu.memory_space<semaphore_mem>>)
      %dma_start3A_432 = arith.constant 1 : i32
      %dma_start3A_433 = arith.constant 0 : i32
      %dma_start3A_434 = arith.constant 0 : i32
      %dma_start3A_435 = tpu.memref_slice %arg6[%dma_start3A_433, %dma_start3A_434] : memref<79x128xi32, #tpu.memory_space<vmem>> -> memref<79x128xi32, #tpu.memory_space<vmem>>
      %dma_start3A_436 = arith.constant 0 : i32
      %dma_start3A_437 = tpu.memref_slice %arg2[%dma_start3A_432, %mul3A_418, %dma_start3A_436] : memref<2x2528x128xi32, #tpu.memory_space<hbm>> -> memref<1x79x128xi32, #tpu.memory_space<hbm>>
      %dma_start3A_438 = tpu.memref_squeeze %dma_start3A_437 : memref<1x79x128xi32, #tpu.memory_space<hbm>> -> memref<79x128xi32, #tpu.memory_space<hbm>>
      %dma_start3A_439 = arith.constant 0 : i32
      %dma_start3A_440 = arith.constant 0 : i32
      %dma_start3A_441 = tpu.memref_slice %arg6[%dma_start3A_439, %dma_start3A_440] : memref<79x128xi32, #tpu.memory_space<vmem>> -> memref<79x128xi32, #tpu.memory_space<vmem>>
      %dma_start3A_442 = arith.constant 0 : i32
      %dma_start3A_443 = tpu.memref_slice %arg2[%dma_start3A_432, %mul3A_418, %dma_start3A_442] : memref<2x2528x128xi32, #tpu.memory_space<hbm>> -> memref<1x79x128xi32, #tpu.memory_space<hbm>>
      %dma_start3A_444 = tpu.memref_squeeze %dma_start3A_443 : memref<1x79x128xi32, #tpu.memory_space<hbm>> -> memref<79x128xi32, #tpu.memory_space<hbm>>
      tpu.enqueue_dma source(%dma_start3A_444 : memref<79x128xi32, #tpu.memory_space<hbm>>) target(%dma_start3A_441 : memref<79x128xi32, #tpu.memory_space<vmem>>) target_semaphore(%arg12 : memref<!tpu.dma_semaphore, #tpu.memory_space<semaphore_mem>>)
      %dma_wait3A_445 = arith.constant 0 : i32
      %dma_wait3A_446 = arith.constant 0 : i32
      %dma_wait3A_447 = arith.constant 0 : i32
      %dma_wait3A_448 = tpu.memref_slice %arg5[%dma_wait3A_446, %dma_wait3A_447] : memref<79x128xi32, #tpu.memory_space<vmem>> -> memref<79x128xi32, #tpu.memory_space<vmem>>
      %dma_wait3A_449 = arith.constant 0 : i32
      %dma_wait3A_450 = tpu.memref_slice %arg2[%dma_wait3A_445, %mul3A_418, %dma_wait3A_449] : memref<2x2528x128xi32, #tpu.memory_space<hbm>> -> memref<1x79x128xi32, #tpu.memory_space<hbm>>
      %dma_wait3A_451 = tpu.memref_squeeze %dma_wait3A_450 : memref<1x79x128xi32, #tpu.memory_space<hbm>> -> memref<79x128xi32, #tpu.memory_space<hbm>>
      %dma_wait3A_452 = arith.constant 0 : i32
      %dma_wait3A_453 = arith.constant 0 : i32
      %dma_wait3A_454 = tpu.memref_slice %arg5[%dma_wait3A_452, %dma_wait3A_453] : memref<79x128xi32, #tpu.memory_space<vmem>> -> memref<79x128xi32, #tpu.memory_space<vmem>>
      %dma_wait3A_455 = arith.constant 0 : i32
      %dma_wait3A_456 = tpu.memref_slice %arg2[%dma_wait3A_445, %mul3A_418, %dma_wait3A_455] : memref<2x2528x128xi32, #tpu.memory_space<hbm>> -> memref<1x79x128xi32, #tpu.memory_space<hbm>>
      %dma_wait3A_457 = tpu.memref_squeeze %dma_wait3A_456 : memref<1x79x128xi32, #tpu.memory_space<hbm>> -> memref<79x128xi32, #tpu.memory_space<hbm>>
      tpu.wait_dma2 semaphore(%arg12 : memref<!tpu.dma_semaphore, #tpu.memory_space<semaphore_mem>>) src(%dma_wait3A_457 : memref<79x128xi32, #tpu.memory_space<hbm>>) dst(%dma_wait3A_454 : memref<79x128xi32, #tpu.memory_space<vmem>>)
      %dma_wait3A_458 = arith.constant 1 : i32
      %dma_wait3A_459 = arith.constant 0 : i32
      %dma_wait3A_460 = arith.constant 0 : i32
      %dma_wait3A_461 = tpu.memref_slice %arg6[%dma_wait3A_459, %dma_wait3A_460] : memref<79x128xi32, #tpu.memory_space<vmem>> -> memref<79x128xi32, #tpu.memory_space<vmem>>
      %dma_wait3A_462 = arith.constant 0 : i32
      %dma_wait3A_463 = tpu.memref_slice %arg2[%dma_wait3A_458, %mul3A_418, %dma_wait3A_462] : memref<2x2528x128xi32, #tpu.memory_space<hbm>> -> memref<1x79x128xi32, #tpu.memory_space<hbm>>
      %dma_wait3A_464 = tpu.memref_squeeze %dma_wait3A_463 : memref<1x79x128xi32, #tpu.memory_space<hbm>> -> memref<79x128xi32, #tpu.memory_space<hbm>>
      %dma_wait3A_465 = arith.constant 0 : i32
      %dma_wait3A_466 = arith.constant 0 : i32
      %dma_wait3A_467 = tpu.memref_slice %arg6[%dma_wait3A_465, %dma_wait3A_466] : memref<79x128xi32, #tpu.memory_space<vmem>> -> memref<79x128xi32, #tpu.memory_space<vmem>>
      %dma_wait3A_468 = arith.constant 0 : i32
      %dma_wait3A_469 = tpu.memref_slice %arg2[%dma_wait3A_458, %mul3A_418, %dma_wait3A_468] : memref<2x2528x128xi32, #tpu.memory_space<hbm>> -> memref<1x79x128xi32, #tpu.memory_space<hbm>>
      %dma_wait3A_470 = tpu.memref_squeeze %dma_wait3A_469 : memref<1x79x128xi32, #tpu.memory_space<hbm>> -> memref<79x128xi32, #tpu.memory_space<hbm>>
      tpu.wait_dma2 semaphore(%arg12 : memref<!tpu.dma_semaphore, #tpu.memory_space<semaphore_mem>>) src(%dma_wait3A_470 : memref<79x128xi32, #tpu.memory_space<hbm>>) dst(%dma_wait3A_467 : memref<79x128xi32, #tpu.memory_space<vmem>>)
    } else {
    }
    %eq3A_3 = arith.constant 1 : i32
    %eq3A_4 = arith.cmpi eq, %arg0, %eq3A_3 : i32
    %convert_element_type3A_5 = arith.extui %eq3A_4 : i1 to i32
    %cond3A_6 = arith.constant 0 : i32
    %cond3A_7 = arith.cmpi ne, %convert_element_type3A_5, %cond3A_6 : i32
    scf.if %cond3A_7 {
      %mul3A_417 = arith.constant 79 : i32
      %mul3A_418 = arith.muli %arg1, %mul3A_417 : i32
      %add3A_419 = arith.constant 1264 : i32
      %add3A_420 = arith.addi %add3A_419, %mul3A_418 : i32
      %dma_start3A_421 = arith.constant 0 : i32
      %dma_start3A_422 = arith.constant 0 : i32
      %dma_start3A_423 = arith.constant 0 : i32
      %dma_start3A_424 = tpu.memref_slice %arg5[%dma_start3A_422, %dma_start3A_423] : memref<79x128xi32, #tpu.memory_space<vmem>> -> memref<79x128xi32, #tpu.memory_space<vmem>>
      %dma_start3A_425 = arith.constant 0 : i32
      %dma_start3A_426 = tpu.memref_slice %arg2[%dma_start3A_421, %add3A_420, %dma_start3A_425] : memref<2x2528x128xi32, #tpu.memory_space<hbm>> -> memref<1x79x128xi32, #tpu.memory_space<hbm>>
      %dma_start3A_427 = tpu.memref_squeeze %dma_start3A_426 : memref<1x79x128xi32, #tpu.memory_space<hbm>> -> memref<79x128xi32, #tpu.memory_space<hbm>>
      %dma_start3A_428 = arith.constant 0 : i32
      %dma_start3A_429 = arith.constant 0 : i32
      %dma_start3A_430 = tpu.memref_slice %arg5[%dma_start3A_428, %dma_start3A_429] : memref<79x128xi32, #tpu.memory_space<vmem>> -> memref<79x128xi32, #tpu.memory_space<vmem>>
      %dma_start3A_431 = arith.constant 0 : i32
      %dma_start3A_432 = tpu.memref_slice %arg2[%dma_start3A_421, %add3A_420, %dma_start3A_431] : memref<2x2528x128xi32, #tpu.memory_space<hbm>> -> memref<1x79x128xi32, #tpu.memory_space<hbm>>
      %dma_start3A_433 = tpu.memref_squeeze %dma_start3A_432 : memref<1x79x128xi32, #tpu.memory_space<hbm>> -> memref<79x128xi32, #tpu.memory_space<hbm>>
      tpu.enqueue_dma source(%dma_start3A_433 : memref<79x128xi32, #tpu.memory_space<hbm>>) target(%dma_start3A_430 : memref<79x128xi32, #tpu.memory_space<vmem>>) target_semaphore(%arg12 : memref<!tpu.dma_semaphore, #tpu.memory_space<semaphore_mem>>)
      %dma_start3A_434 = arith.constant 1 : i32
      %dma_start3A_435 = arith.constant 0 : i32
      %dma_start3A_436 = arith.constant 0 : i32
      %dma_start3A_437 = tpu.memref_slice %arg6[%dma_start3A_435, %dma_start3A_436] : memref<79x128xi32, #tpu.memory_space<vmem>> -> memref<79x128xi32, #tpu.memory_space<vmem>>
      %dma_start3A_438 = arith.constant 0 : i32
      %dma_start3A_439 = tpu.memref_slice %arg2[%dma_start3A_434, %add3A_420, %dma_start3A_438] : memref<2x2528x128xi32, #tpu.memory_space<hbm>> -> memref<1x79x128xi32, #tpu.memory_space<hbm>>
      %dma_start3A_440 = tpu.memref_squeeze %dma_start3A_439 : memref<1x79x128xi32, #tpu.memory_space<hbm>> -> memref<79x128xi32, #tpu.memory_space<hbm>>
      %dma_start3A_441 = arith.constant 0 : i32
      %dma_start3A_442 = arith.constant 0 : i32
      %dma_start3A_443 = tpu.memref_slice %arg6[%dma_start3A_441, %dma_start3A_442] : memref<79x128xi32, #tpu.memory_space<vmem>> -> memref<79x128xi32, #tpu.memory_space<vmem>>
      %dma_start3A_444 = arith.constant 0 : i32
      %dma_start3A_445 = tpu.memref_slice %arg2[%dma_start3A_434, %add3A_420, %dma_start3A_444] : memref<2x2528x128xi32, #tpu.memory_space<hbm>> -> memref<1x79x128xi32, #tpu.memory_space<hbm>>
      %dma_start3A_446 = tpu.memref_squeeze %dma_start3A_445 : memref<1x79x128xi32, #tpu.memory_space<hbm>> -> memref<79x128xi32, #tpu.memory_space<hbm>>
      tpu.enqueue_dma source(%dma_start3A_446 : memref<79x128xi32, #tpu.memory_space<hbm>>) target(%dma_start3A_443 : memref<79x128xi32, #tpu.memory_space<vmem>>) target_semaphore(%arg12 : memref<!tpu.dma_semaphore, #tpu.memory_space<semaphore_mem>>)
      %dma_wait3A_447 = arith.constant 0 : i32
      %dma_wait3A_448 = arith.constant 0 : i32
      %dma_wait3A_449 = arith.constant 0 : i32
      %dma_wait3A_450 = tpu.memref_slice %arg5[%dma_wait3A_448, %dma_wait3A_449] : memref<79x128xi32, #tpu.memory_space<vmem>> -> memref<79x128xi32, #tpu.memory_space<vmem>>
      %dma_wait3A_451 = arith.constant 0 : i32
      %dma_wait3A_452 = tpu.memref_slice %arg2[%dma_wait3A_447, %add3A_420, %dma_wait3A_451] : memref<2x2528x128xi32, #tpu.memory_space<hbm>> -> memref<1x79x128xi32, #tpu.memory_space<hbm>>
      %dma_wait3A_453 = tpu.memref_squeeze %dma_wait3A_452 : memref<1x79x128xi32, #tpu.memory_space<hbm>> -> memref<79x128xi32, #tpu.memory_space<hbm>>
      %dma_wait3A_454 = arith.constant 0 : i32
      %dma_wait3A_455 = arith.constant 0 : i32
      %dma_wait3A_456 = tpu.memref_slice %arg5[%dma_wait3A_454, %dma_wait3A_455] : memref<79x128xi32, #tpu.memory_space<vmem>> -> memref<79x128xi32, #tpu.memory_space<vmem>>
      %dma_wait3A_457 = arith.constant 0 : i32
      %dma_wait3A_458 = tpu.memref_slice %arg2[%dma_wait3A_447, %add3A_420, %dma_wait3A_457] : memref<2x2528x128xi32, #tpu.memory_space<hbm>> -> memref<1x79x128xi32, #tpu.memory_space<hbm>>
      %dma_wait3A_459 = tpu.memref_squeeze %dma_wait3A_458 : memref<1x79x128xi32, #tpu.memory_space<hbm>> -> memref<79x128xi32, #tpu.memory_space<hbm>>
      tpu.wait_dma2 semaphore(%arg12 : memref<!tpu.dma_semaphore, #tpu.memory_space<semaphore_mem>>) src(%dma_wait3A_459 : memref<79x128xi32, #tpu.memory_space<hbm>>) dst(%dma_wait3A_456 : memref<79x128xi32, #tpu.memory_space<vmem>>)
      %dma_wait3A_460 = arith.constant 1 : i32
      %dma_wait3A_461 = arith.constant 0 : i32
      %dma_wait3A_462 = arith.constant 0 : i32
      %dma_wait3A_463 = tpu.memref_slice %arg6[%dma_wait3A_461, %dma_wait3A_462] : memref<79x128xi32, #tpu.memory_space<vmem>> -> memref<79x128xi32, #tpu.memory_space<vmem>>
      %dma_wait3A_464 = arith.constant 0 : i32
      %dma_wait3A_465 = tpu.memref_slice %arg2[%dma_wait3A_460, %add3A_420, %dma_wait3A_464] : memref<2x2528x128xi32, #tpu.memory_space<hbm>> -> memref<1x79x128xi32, #tpu.memory_space<hbm>>
      %dma_wait3A_466 = tpu.memref_squeeze %dma_wait3A_465 : memref<1x79x128xi32, #tpu.memory_space<hbm>> -> memref<79x128xi32, #tpu.memory_space<hbm>>
      %dma_wait3A_467 = arith.constant 0 : i32
      %dma_wait3A_468 = arith.constant 0 : i32
      %dma_wait3A_469 = tpu.memref_slice %arg6[%dma_wait3A_467, %dma_wait3A_468] : memref<79x128xi32, #tpu.memory_space<vmem>> -> memref<79x128xi32, #tpu.memory_space<vmem>>
      %dma_wait3A_470 = arith.constant 0 : i32
      %dma_wait3A_471 = tpu.memref_slice %arg2[%dma_wait3A_460, %add3A_420, %dma_wait3A_470] : memref<2x2528x128xi32, #tpu.memory_space<hbm>> -> memref<1x79x128xi32, #tpu.memory_space<hbm>>
      %dma_wait3A_472 = tpu.memref_squeeze %dma_wait3A_471 : memref<1x79x128xi32, #tpu.memory_space<hbm>> -> memref<79x128xi32, #tpu.memory_space<hbm>>
      tpu.wait_dma2 semaphore(%arg12 : memref<!tpu.dma_semaphore, #tpu.memory_space<semaphore_mem>>) src(%dma_wait3A_472 : memref<79x128xi32, #tpu.memory_space<hbm>>) dst(%dma_wait3A_469 : memref<79x128xi32, #tpu.memory_space<vmem>>)
    } else {
    }
    %scan3A = arith.constant 0 : i32
    %scan3A_8 = arith.constant 0 : i32
    %scan3A_9 = arith.constant 128 : i32
    %scan3A_10 = arith.addi %scan3A_8, %scan3A_9 : i32
    %scan3A_11 = arith.constant 1 : i32
    %scan3A_12 = scf.for %scan3A_417 = %scan3A_8 to %scan3A_10 step %scan3A_11 iter_args(%scan3A_418 = %scan3A) -> (i32)  : i32 {
      %broadcast_in_dim3A = arith.constant 0.000000e+00 : f32
      %broadcast_in_dim3A_419 = vector.broadcast %broadcast_in_dim3A : f32 to vector<16xf32>
      %swap3A = arith.index_cast %scan3A_417 : i32 to index
      %swap3A_420 = arith.constant 0 : index
      %swap3A_421 = tpu.vector_load %arg7[%swap3A, %swap3A_420] {strides = array<i32>} : memref<128x80xf32, #tpu.memory_space<vmem>>, vector<1x16xf32>,
      %swap3A_422 = vector.shape_cast %swap3A_421 : vector<1x16xf32> to vector<16xf32>
      %swap3A_423 = vector.shape_cast %broadcast_in_dim3A_419 : vector<16xf32> to vector<1x16xf32>
      tpu.vector_store %arg7[%swap3A, %swap3A_420], %swap3A_423 {strides = array<i32>} : memref<128x80xf32, #tpu.memory_space<vmem>>, vector<1x16xf32>,
      %broadcast_in_dim3A_424 = arith.constant 0.000000e+00 : f32
      %broadcast_in_dim3A_425 = vector.broadcast %broadcast_in_dim3A_424 : f32 to vector<16xf32>
      %swap3A_426 = arith.index_cast %scan3A_417 : i32 to index
      %swap3A_427 = arith.constant 16 : index
      %swap3A_428 = tpu.vector_load %arg7[%swap3A_426, %swap3A_427] {strides = array<i32>} : memref<128x80xf32, #tpu.memory_space<vmem>>, vector<1x16xf32>,
      %swap3A_429 = vector.shape_cast %swap3A_428 : vector<1x16xf32> to vector<16xf32>
      %swap3A_430 = vector.shape_cast %broadcast_in_dim3A_425 : vector<16xf32> to vector<1x16xf32>
      tpu.vector_store %arg7[%swap3A_426, %swap3A_427], %swap3A_430 {strides = array<i32>} : memref<128x80xf32, #tpu.memory_space<vmem>>, vector<1x16xf32>,
      %broadcast_in_dim3A_431 = arith.constant 0.000000e+00 : f32
      %broadcast_in_dim3A_432 = vector.broadcast %broadcast_in_dim3A_431 : f32 to vector<16xf32>
      %swap3A_433 = arith.index_cast %scan3A_417 : i32 to index
      %swap3A_434 = arith.constant 32 : index
      %swap3A_435 = tpu.vector_load %arg7[%swap3A_433, %swap3A_434] {strides = array<i32>} : memref<128x80xf32, #tpu.memory_space<vmem>>, vector<1x16xf32>,
      %swap3A_436 = vector.shape_cast %swap3A_435 : vector<1x16xf32> to vector<16xf32>
      %swap3A_437 = vector.shape_cast %broadcast_in_dim3A_432 : vector<16xf32> to vector<1x16xf32>
      tpu.vector_store %arg7[%swap3A_433, %swap3A_434], %swap3A_437 {strides = array<i32>} : memref<128x80xf32, #tpu.memory_space<vmem>>, vector<1x16xf32>,
      %broadcast_in_dim3A_438 = arith.constant 0.000000e+00 : f32
      %broadcast_in_dim3A_439 = vector.broadcast %broadcast_in_dim3A_438 : f32 to vector<16xf32>
      %swap3A_440 = arith.index_cast %scan3A_417 : i32 to index
      %swap3A_441 = arith.constant 48 : index
      %swap3A_442 = tpu.vector_load %arg7[%swap3A_440, %swap3A_441] {strides = array<i32>} : memref<128x80xf32, #tpu.memory_space<vmem>>, vector<1x16xf32>,
      %swap3A_443 = vector.shape_cast %swap3A_442 : vector<1x16xf32> to vector<16xf32>
      %swap3A_444 = vector.shape_cast %broadcast_in_dim3A_439 : vector<16xf32> to vector<1x16xf32>
      tpu.vector_store %arg7[%swap3A_440, %swap3A_441], %swap3A_444 {strides = array<i32>} : memref<128x80xf32, #tpu.memory_space<vmem>>, vector<1x16xf32>,
      %broadcast_in_dim3A_445 = arith.constant 0.000000e+00 : f32
      %broadcast_in_dim3A_446 = vector.broadcast %broadcast_in_dim3A_445 : f32 to vector<16xf32>
      %swap3A_447 = arith.index_cast %scan3A_417 : i32 to index
      %swap3A_448 = arith.constant 64 : index
      %swap3A_449 = tpu.vector_load %arg7[%swap3A_447, %swap3A_448] {strides = array<i32>} : memref<128x80xf32, #tpu.memory_space<vmem>>, vector<1x16xf32>,
      %swap3A_450 = vector.shape_cast %swap3A_449 : vector<1x16xf32> to vector<16xf32>
      %swap3A_451 = vector.shape_cast %broadcast_in_dim3A_446 : vector<16xf32> to vector<1x16xf32>
      tpu.vector_store %arg7[%swap3A_447, %swap3A_448], %swap3A_451 {strides = array<i32>} : memref<128x80xf32, #tpu.memory_space<vmem>>, vector<1x16xf32>,
      %scan3A_452 = arith.constant 0 : i32
      scf.yield %scan3A_452 : i32
    }
    %scan3A_13 = arith.constant 128 : i32
    %add3A = arith.constant 0 : i32
    %add3A_14 = arith.addi %mul3A_0, %add3A : i32
    %dma_start3A = arith.constant 0 : i32
    %dma_start3A_15 = arith.constant 0 : i32
    %dma_start3A_16 = tpu.memref_slice %arg7[%dma_start3A, %dma_start3A_15] : memref<128x80xf32, #tpu.memory_space<vmem>> -> memref<128x80xf32, #tpu.memory_space<vmem>>
    %dma_start3A_17 = arith.constant 0 : i32
    %dma_start3A_18 = tpu.memref_slice %arg11[%add3A_14, %dma_start3A_17] : memref<13584x80xf32, #tpu.memory_space<vmem_shared>> -> memref<128x80xf32, #tpu.memory_space<vmem_shared>>
    %dma_start3A_19 = arith.constant 0 : i32
    %dma_start3A_20 = tpu.memref_slice %arg11[%add3A_14, %dma_start3A_19] : memref<13584x80xf32, #tpu.memory_space<vmem_shared>> -> memref<128x80xf32, #tpu.memory_space<vmem_shared>>
    %dma_start3A_21 = arith.constant 0 : i32
    %dma_start3A_22 = arith.constant 0 : i32
    %dma_start3A_23 = tpu.memref_slice %arg7[%dma_start3A_21, %dma_start3A_22] : memref<128x80xf32, #tpu.memory_space<vmem>> -> memref<128x80xf32, #tpu.memory_space<vmem>>
    tpu.enqueue_dma source(%dma_start3A_23 : memref<128x80xf32, #tpu.memory_space<vmem>>) target(%dma_start3A_20 : memref<128x80xf32, #tpu.memory_space<vmem_shared>>) target_semaphore(%arg13 : memref<!tpu.dma_semaphore, #tpu.memory_space<semaphore_mem>>)
    %add3A_24 = arith.constant 128 : i32
    %add3A_25 = arith.addi %mul3A_0, %add3A_24 : i32
    %dma_start3A_26 = arith.constant 0 : i32
    %dma_start3A_27 = arith.constant 0 : i32
    %dma_start3A_28 = tpu.memref_slice %arg7[%dma_start3A_26, %dma_start3A_27] : memref<128x80xf32, #tpu.memory_space<vmem>> -> memref<128x80xf32, #tpu.memory_space<vmem>>
    %dma_start3A_29 = arith.constant 0 : i32
    %dma_start3A_30 = tpu.memref_slice %arg11[%add3A_25, %dma_start3A_29] : memref<13584x80xf32, #tpu.memory_space<vmem_shared>> -> memref<128x80xf32, #tpu.memory_space<vmem_shared>>
    %dma_start3A_31 = arith.constant 0 : i32
    %dma_start3A_32 = tpu.memref_slice %arg11[%add3A_25, %dma_start3A_31] : memref<13584x80xf32, #tpu.memory_space<vmem_shared>> -> memref<128x80xf32, #tpu.memory_space<vmem_shared>>
    %dma_start3A_33 = arith.constant 0 : i32
    %dma_start3A_34 = arith.constant 0 : i32
    %dma_start3A_35 = tpu.memref_slice %arg7[%dma_start3A_33, %dma_start3A_34] : memref<128x80xf32, #tpu.memory_space<vmem>> -> memref<128x80xf32, #tpu.memory_space<vmem>>
    tpu.enqueue_dma source(%dma_start3A_35 : memref<128x80xf32, #tpu.memory_space<vmem>>) target(%dma_start3A_32 : memref<128x80xf32, #tpu.memory_space<vmem_shared>>) target_semaphore(%arg13 : memref<!tpu.dma_semaphore, #tpu.memory_space<semaphore_mem>>)
    %add3A_36 = arith.constant 256 : i32
    %add3A_37 = arith.addi %mul3A_0, %add3A_36 : i32
    %dma_start3A_38 = arith.constant 0 : i32
    %dma_start3A_39 = arith.constant 0 : i32
    %dma_start3A_40 = tpu.memref_slice %arg7[%dma_start3A_38, %dma_start3A_39] : memref<128x80xf32, #tpu.memory_space<vmem>> -> memref<128x80xf32, #tpu.memory_space<vmem>>
    %dma_start3A_41 = arith.constant 0 : i32
    %dma_start3A_42 = tpu.memref_slice %arg11[%add3A_37, %dma_start3A_41] : memref<13584x80xf32, #tpu.memory_space<vmem_shared>> -> memref<128x80xf32, #tpu.memory_space<vmem_shared>>
    %dma_start3A_43 = arith.constant 0 : i32
    %dma_start3A_44 = tpu.memref_slice %arg11[%add3A_37, %dma_start3A_43] : memref<13584x80xf32, #tpu.memory_space<vmem_shared>> -> memref<128x80xf32, #tpu.memory_space<vmem_shared>>
    %dma_start3A_45 = arith.constant 0 : i32
    %dma_start3A_46 = arith.constant 0 : i32
    %dma_start3A_47 = tpu.memref_slice %arg7[%dma_start3A_45, %dma_start3A_46] : memref<128x80xf32, #tpu.memory_space<vmem>> -> memref<128x80xf32, #tpu.memory_space<vmem>>
    tpu.enqueue_dma source(%dma_start3A_47 : memref<128x80xf32, #tpu.memory_space<vmem>>) target(%dma_start3A_44 : memref<128x80xf32, #tpu.memory_space<vmem_shared>>) target_semaphore(%arg13 : memref<!tpu.dma_semaphore, #tpu.memory_space<semaphore_mem>>)
    %add3A_48 = arith.constant 384 : i32
    %add3A_49 = arith.addi %mul3A_0, %add3A_48 : i32
    %dma_start3A_50 = arith.constant 0 : i32
    %dma_start3A_51 = arith.constant 0 : i32
    %dma_start3A_52 = tpu.memref_slice %arg7[%dma_start3A_50, %dma_start3A_51] : memref<128x80xf32, #tpu.memory_space<vmem>> -> memref<128x80xf32, #tpu.memory_space<vmem>>
    %dma_start3A_53 = arith.constant 0 : i32
    %dma_start3A_54 = tpu.memref_slice %arg11[%add3A_49, %dma_start3A_53] : memref<13584x80xf32, #tpu.memory_space<vmem_shared>> -> memref<128x80xf32, #tpu.memory_space<vmem_shared>>
    %dma_start3A_55 = arith.constant 0 : i32
    %dma_start3A_56 = tpu.memref_slice %arg11[%add3A_49, %dma_start3A_55] : memref<13584x80xf32, #tpu.memory_space<vmem_shared>> -> memref<128x80xf32, #tpu.memory_space<vmem_shared>>
    %dma_start3A_57 = arith.constant 0 : i32
    %dma_start3A_58 = arith.constant 0 : i32
    %dma_start3A_59 = tpu.memref_slice %arg7[%dma_start3A_57, %dma_start3A_58] : memref<128x80xf32, #tpu.memory_space<vmem>> -> memref<128x80xf32, #tpu.memory_space<vmem>>
    tpu.enqueue_dma source(%dma_start3A_59 : memref<128x80xf32, #tpu.memory_space<vmem>>) target(%dma_start3A_56 : memref<128x80xf32, #tpu.memory_space<vmem_shared>>) target_semaphore(%arg13 : memref<!tpu.dma_semaphore, #tpu.memory_space<semaphore_mem>>)
    %add3A_60 = arith.constant 512 : i32
    %add3A_61 = arith.addi %mul3A_0, %add3A_60 : i32
    %dma_start3A_62 = arith.constant 0 : i32
    %dma_start3A_63 = arith.constant 0 : i32
    %dma_start3A_64 = tpu.memref_slice %arg7[%dma_start3A_62, %dma_start3A_63] : memref<128x80xf32, #tpu.memory_space<vmem>> -> memref<112x80xf32, #tpu.memory_space<vmem>>
    %dma_start3A_65 = arith.constant 0 : i32
    %dma_start3A_66 = tpu.memref_slice %arg11[%add3A_61, %dma_start3A_65] : memref<13584x80xf32, #tpu.memory_space<vmem_shared>> -> memref<112x80xf32, #tpu.memory_space<vmem_shared>>
    %dma_start3A_67 = arith.constant 0 : i32
    %dma_start3A_68 = tpu.memref_slice %arg11[%add3A_61, %dma_start3A_67] : memref<13584x80xf32, #tpu.memory_space<vmem_shared>> -> memref<112x80xf32, #tpu.memory_space<vmem_shared>>
    %dma_start3A_69 = arith.constant 0 : i32
    %dma_start3A_70 = arith.constant 0 : i32
    %dma_start3A_71 = tpu.memref_slice %arg7[%dma_start3A_69, %dma_start3A_70] : memref<128x80xf32, #tpu.memory_space<vmem>> -> memref<112x80xf32, #tpu.memory_space<vmem>>
    tpu.enqueue_dma source(%dma_start3A_71 : memref<112x80xf32, #tpu.memory_space<vmem>>) target(%dma_start3A_68 : memref<112x80xf32, #tpu.memory_space<vmem_shared>>) target_semaphore(%arg13 : memref<!tpu.dma_semaphore, #tpu.memory_space<semaphore_mem>>)
    %eq3A_72 = arith.constant 15 : i32
    %eq3A_73 = arith.cmpi eq, %arg1, %eq3A_72 : i32
    %convert_element_type3A_74 = arith.extui %eq3A_73 : i1 to i32
    %cond3A_75 = arith.constant 0 : i32
    %cond3A_76 = arith.cmpi ne, %convert_element_type3A_74, %cond3A_75 : i32
    scf.if %cond3A_76 {
      %dma_start3A_417 = arith.constant 0 : i32
      %dma_start3A_418 = arith.constant 0 : i32
      %dma_start3A_419 = tpu.memref_slice %arg7[%dma_start3A_417, %dma_start3A_418] : memref<128x80xf32, #tpu.memory_space<vmem>> -> memref<16x80xf32, #tpu.memory_space<vmem>>
      %dma_start3A_420 = arith.constant 9984 : i32
      %dma_start3A_421 = arith.constant 0 : i32
      %dma_start3A_422 = tpu.memref_slice %arg11[%dma_start3A_420, %dma_start3A_421] : memref<13584x80xf32, #tpu.memory_space<vmem_shared>> -> memref<16x80xf32, #tpu.memory_space<vmem_shared>>
      %dma_start3A_423 = arith.constant 9984 : i32
      %dma_start3A_424 = arith.constant 0 : i32
      %dma_start3A_425 = tpu.memref_slice %arg11[%dma_start3A_423, %dma_start3A_424] : memref<13584x80xf32, #tpu.memory_space<vmem_shared>> -> memref<16x80xf32, #tpu.memory_space<vmem_shared>>
      %dma_start3A_426 = arith.constant 0 : i32
      %dma_start3A_427 = arith.constant 0 : i32
      %dma_start3A_428 = tpu.memref_slice %arg7[%dma_start3A_426, %dma_start3A_427] : memref<128x80xf32, #tpu.memory_space<vmem>> -> memref<16x80xf32, #tpu.memory_space<vmem>>
      tpu.enqueue_dma source(%dma_start3A_428 : memref<16x80xf32, #tpu.memory_space<vmem>>) target(%dma_start3A_425 : memref<16x80xf32, #tpu.memory_space<vmem_shared>>) target_semaphore(%arg13 : memref<!tpu.dma_semaphore, #tpu.memory_space<semaphore_mem>>)
    } else {
    }
    %add3A_77 = arith.constant 0 : i32
    %add3A_78 = arith.addi %mul3A_0, %add3A_77 : i32
    %dma_wait3A = arith.constant 0 : i32
    %dma_wait3A_79 = arith.constant 0 : i32
    %dma_wait3A_80 = tpu.memref_slice %arg7[%dma_wait3A, %dma_wait3A_79] : memref<128x80xf32, #tpu.memory_space<vmem>> -> memref<128x80xf32, #tpu.memory_space<vmem>>
    %dma_wait3A_81 = arith.constant 0 : i32
    %dma_wait3A_82 = tpu.memref_slice %arg11[%add3A_78, %dma_wait3A_81] : memref<13584x80xf32, #tpu.memory_space<vmem_shared>> -> memref<128x80xf32, #tpu.memory_space<vmem_shared>>
    %dma_wait3A_83 = arith.constant 0 : i32
    %dma_wait3A_84 = tpu.memref_slice %arg11[%add3A_78, %dma_wait3A_83] : memref<13584x80xf32, #tpu.memory_space<vmem_shared>> -> memref<128x80xf32, #tpu.memory_space<vmem_shared>>
    %dma_wait3A_85 = arith.constant 0 : i32
    %dma_wait3A_86 = arith.constant 0 : i32
    %dma_wait3A_87 = tpu.memref_slice %arg7[%dma_wait3A_85, %dma_wait3A_86] : memref<128x80xf32, #tpu.memory_space<vmem>> -> memref<128x80xf32, #tpu.memory_space<vmem>>
    tpu.wait_dma2 semaphore(%arg13 : memref<!tpu.dma_semaphore, #tpu.memory_space<semaphore_mem>>) src(%dma_wait3A_87 : memref<128x80xf32, #tpu.memory_space<vmem>>) dst(%dma_wait3A_84 : memref<128x80xf32, #tpu.memory_space<vmem_shared>>)
    %add3A_88 = arith.constant 128 : i32
    %add3A_89 = arith.addi %mul3A_0, %add3A_88 : i32
    %dma_wait3A_90 = arith.constant 0 : i32
    %dma_wait3A_91 = arith.constant 0 : i32
    %dma_wait3A_92 = tpu.memref_slice %arg7[%dma_wait3A_90, %dma_wait3A_91] : memref<128x80xf32, #tpu.memory_space<vmem>> -> memref<128x80xf32, #tpu.memory_space<vmem>>
    %dma_wait3A_93 = arith.constant 0 : i32
    %dma_wait3A_94 = tpu.memref_slice %arg11[%add3A_89, %dma_wait3A_93] : memref<13584x80xf32, #tpu.memory_space<vmem_shared>> -> memref<128x80xf32, #tpu.memory_space<vmem_shared>>
    %dma_wait3A_95 = arith.constant 0 : i32
    %dma_wait3A_96 = tpu.memref_slice %arg11[%add3A_89, %dma_wait3A_95] : memref<13584x80xf32, #tpu.memory_space<vmem_shared>> -> memref<128x80xf32, #tpu.memory_space<vmem_shared>>
    %dma_wait3A_97 = arith.constant 0 : i32
    %dma_wait3A_98 = arith.constant 0 : i32
    %dma_wait3A_99 = tpu.memref_slice %arg7[%dma_wait3A_97, %dma_wait3A_98] : memref<128x80xf32, #tpu.memory_space<vmem>> -> memref<128x80xf32, #tpu.memory_space<vmem>>
    tpu.wait_dma2 semaphore(%arg13 : memref<!tpu.dma_semaphore, #tpu.memory_space<semaphore_mem>>) src(%dma_wait3A_99 : memref<128x80xf32, #tpu.memory_space<vmem>>) dst(%dma_wait3A_96 : memref<128x80xf32, #tpu.memory_space<vmem_shared>>)
    %add3A_100 = arith.constant 256 : i32
    %add3A_101 = arith.addi %mul3A_0, %add3A_100 : i32
    %dma_wait3A_102 = arith.constant 0 : i32
    %dma_wait3A_103 = arith.constant 0 : i32
    %dma_wait3A_104 = tpu.memref_slice %arg7[%dma_wait3A_102, %dma_wait3A_103] : memref<128x80xf32, #tpu.memory_space<vmem>> -> memref<128x80xf32, #tpu.memory_space<vmem>>
    %dma_wait3A_105 = arith.constant 0 : i32
    %dma_wait3A_106 = tpu.memref_slice %arg11[%add3A_101, %dma_wait3A_105] : memref<13584x80xf32, #tpu.memory_space<vmem_shared>> -> memref<128x80xf32, #tpu.memory_space<vmem_shared>>
    %dma_wait3A_107 = arith.constant 0 : i32
    %dma_wait3A_108 = tpu.memref_slice %arg11[%add3A_101, %dma_wait3A_107] : memref<13584x80xf32, #tpu.memory_space<vmem_shared>> -> memref<128x80xf32, #tpu.memory_space<vmem_shared>>
    %dma_wait3A_109 = arith.constant 0 : i32
    %dma_wait3A_110 = arith.constant 0 : i32
    %dma_wait3A_111 = tpu.memref_slice %arg7[%dma_wait3A_109, %dma_wait3A_110] : memref<128x80xf32, #tpu.memory_space<vmem>> -> memref<128x80xf32, #tpu.memory_space<vmem>>
    tpu.wait_dma2 semaphore(%arg13 : memref<!tpu.dma_semaphore, #tpu.memory_space<semaphore_mem>>) src(%dma_wait3A_111 : memref<128x80xf32, #tpu.memory_space<vmem>>) dst(%dma_wait3A_108 : memref<128x80xf32, #tpu.memory_space<vmem_shared>>)
    %add3A_112 = arith.constant 384 : i32
    %add3A_113 = arith.addi %mul3A_0, %add3A_112 : i32
    %dma_wait3A_114 = arith.constant 0 : i32
    %dma_wait3A_115 = arith.constant 0 : i32
    %dma_wait3A_116 = tpu.memref_slice %arg7[%dma_wait3A_114, %dma_wait3A_115] : memref<128x80xf32, #tpu.memory_space<vmem>> -> memref<128x80xf32, #tpu.memory_space<vmem>>
    %dma_wait3A_117 = arith.constant 0 : i32
    %dma_wait3A_118 = tpu.memref_slice %arg11[%add3A_113, %dma_wait3A_117] : memref<13584x80xf32, #tpu.memory_space<vmem_shared>> -> memref<128x80xf32, #tpu.memory_space<vmem_shared>>
    %dma_wait3A_119 = arith.constant 0 : i32
    %dma_wait3A_120 = tpu.memref_slice %arg11[%add3A_113, %dma_wait3A_119] : memref<13584x80xf32, #tpu.memory_space<vmem_shared>> -> memref<128x80xf32, #tpu.memory_space<vmem_shared>>
    %dma_wait3A_121 = arith.constant 0 : i32
    %dma_wait3A_122 = arith.constant 0 : i32
    %dma_wait3A_123 = tpu.memref_slice %arg7[%dma_wait3A_121, %dma_wait3A_122] : memref<128x80xf32, #tpu.memory_space<vmem>> -> memref<128x80xf32, #tpu.memory_space<vmem>>
    tpu.wait_dma2 semaphore(%arg13 : memref<!tpu.dma_semaphore, #tpu.memory_space<semaphore_mem>>) src(%dma_wait3A_123 : memref<128x80xf32, #tpu.memory_space<vmem>>) dst(%dma_wait3A_120 : memref<128x80xf32, #tpu.memory_space<vmem_shared>>)
    %add3A_124 = arith.constant 512 : i32
    %add3A_125 = arith.addi %mul3A_0, %add3A_124 : i32
    %dma_wait3A_126 = arith.constant 0 : i32
    %dma_wait3A_127 = arith.constant 0 : i32
    %dma_wait3A_128 = tpu.memref_slice %arg7[%dma_wait3A_126, %dma_wait3A_127] : memref<128x80xf32, #tpu.memory_space<vmem>> -> memref<112x80xf32, #tpu.memory_space<vmem>>
    %dma_wait3A_129 = arith.constant 0 : i32
    %dma_wait3A_130 = tpu.memref_slice %arg11[%add3A_125, %dma_wait3A_129] : memref<13584x80xf32, #tpu.memory_space<vmem_shared>> -> memref<112x80xf32, #tpu.memory_space<vmem_shared>>
    %dma_wait3A_131 = arith.constant 0 : i32
    %dma_wait3A_132 = tpu.memref_slice %arg11[%add3A_125, %dma_wait3A_131] : memref<13584x80xf32, #tpu.memory_space<vmem_shared>> -> memref<112x80xf32, #tpu.memory_space<vmem_shared>>
    %dma_wait3A_133 = arith.constant 0 : i32
    %dma_wait3A_134 = arith.constant 0 : i32
    %dma_wait3A_135 = tpu.memref_slice %arg7[%dma_wait3A_133, %dma_wait3A_134] : memref<128x80xf32, #tpu.memory_space<vmem>> -> memref<112x80xf32, #tpu.memory_space<vmem>>
    tpu.wait_dma2 semaphore(%arg13 : memref<!tpu.dma_semaphore, #tpu.memory_space<semaphore_mem>>) src(%dma_wait3A_135 : memref<112x80xf32, #tpu.memory_space<vmem>>) dst(%dma_wait3A_132 : memref<112x80xf32, #tpu.memory_space<vmem_shared>>)
    %eq3A_136 = arith.constant 15 : i32
    %eq3A_137 = arith.cmpi eq, %arg1, %eq3A_136 : i32
    %convert_element_type3A_138 = arith.extui %eq3A_137 : i1 to i32
    %cond3A_139 = arith.constant 0 : i32
    %cond3A_140 = arith.cmpi ne, %convert_element_type3A_138, %cond3A_139 : i32
    scf.if %cond3A_140 {
      %dma_wait3A_417 = arith.constant 0 : i32
      %dma_wait3A_418 = arith.constant 0 : i32
      %dma_wait3A_419 = tpu.memref_slice %arg7[%dma_wait3A_417, %dma_wait3A_418] : memref<128x80xf32, #tpu.memory_space<vmem>> -> memref<16x80xf32, #tpu.memory_space<vmem>>
      %dma_wait3A_420 = arith.constant 9984 : i32
      %dma_wait3A_421 = arith.constant 0 : i32
      %dma_wait3A_422 = tpu.memref_slice %arg11[%dma_wait3A_420, %dma_wait3A_421] : memref<13584x80xf32, #tpu.memory_space<vmem_shared>> -> memref<16x80xf32, #tpu.memory_space<vmem_shared>>
      %dma_wait3A_423 = arith.constant 9984 : i32
      %dma_wait3A_424 = arith.constant 0 : i32
      %dma_wait3A_425 = tpu.memref_slice %arg11[%dma_wait3A_423, %dma_wait3A_424] : memref<13584x80xf32, #tpu.memory_space<vmem_shared>> -> memref<16x80xf32, #tpu.memory_space<vmem_shared>>
      %dma_wait3A_426 = arith.constant 0 : i32
      %dma_wait3A_427 = arith.constant 0 : i32
      %dma_wait3A_428 = tpu.memref_slice %arg7[%dma_wait3A_426, %dma_wait3A_427] : memref<128x80xf32, #tpu.memory_space<vmem>> -> memref<16x80xf32, #tpu.memory_space<vmem>>
      tpu.wait_dma2 semaphore(%arg13 : memref<!tpu.dma_semaphore, #tpu.memory_space<semaphore_mem>>) src(%dma_wait3A_428 : memref<16x80xf32, #tpu.memory_space<vmem>>) dst(%dma_wait3A_425 : memref<16x80xf32, #tpu.memory_space<vmem_shared>>)
    } else {
    }
    %barrier3A = arith.constant 0 : index
    tpu.barrier barrier_id(%barrier3A)
    %eq3A_141 = arith.constant 0 : i32
    %eq3A_142 = arith.cmpi eq, %arg0, %eq3A_141 : i32
    %convert_element_type3A_143 = arith.extui %eq3A_142 : i1 to i32
    %cond3A_144 = arith.constant 0 : i32
    %cond3A_145 = arith.cmpi ne, %convert_element_type3A_143, %cond3A_144 : i32
    scf.if %cond3A_145 {
      %dma_start3A_417 = arith.constant 0 : i32
      %dma_start3A_418 = arith.constant 0 : i32
      %dma_start3A_419 = tpu.memref_slice %arg5[%dma_start3A_417, %dma_start3A_418] : memref<79x128xi32, #tpu.memory_space<vmem>> -> memref<1x128xi32, #tpu.memory_space<vmem>>
      %dma_start3A_420 = tpu.memref_squeeze %dma_start3A_419 : memref<1x128xi32, #tpu.memory_space<vmem>> -> memref<128xi32, #tpu.memory_space<vmem>>
      %dma_start3A_421 = arith.constant 0 : i32
      %dma_start3A_422 = arith.constant 0 : i32
      %dma_start3A_423 = tpu.memref_slice %arg3[%dma_start3A_421, %dma_start3A_422] : memref<10008x80xf32, #tpu.memory_space<hbm>> -> memref<10008x80xf32, #tpu.memory_space<hbm>>
      tpu.enqueue_indirect_dma source(%dma_start3A_423 : memref<10008x80xf32, #tpu.memory_space<hbm>>) target(%arg7 : memref<128x80xf32, #tpu.memory_space<vmem>>) offsets(%dma_start3A_420 : memref<128xi32, #tpu.memory_space<vmem>>) semaphore(%arg14 : memref<!tpu.dma_semaphore, #tpu.memory_space<semaphore_mem>>)
      %dma_start3A_424 = arith.constant 1 : i32
      %dma_start3A_425 = arith.constant 0 : i32
      %dma_start3A_426 = tpu.memref_slice %arg5[%dma_start3A_424, %dma_start3A_425] : memref<79x128xi32, #tpu.memory_space<vmem>> -> memref<1x128xi32, #tpu.memory_space<vmem>>
      %dma_start3A_427 = tpu.memref_squeeze %dma_start3A_426 : memref<1x128xi32, #tpu.memory_space<vmem>> -> memref<128xi32, #tpu.memory_space<vmem>>
      %dma_start3A_428 = arith.constant 0 : i32
      %dma_start3A_429 = arith.constant 0 : i32
      %dma_start3A_430 = tpu.memref_slice %arg3[%dma_start3A_428, %dma_start3A_429] : memref<10008x80xf32, #tpu.memory_space<hbm>> -> memref<10008x80xf32, #tpu.memory_space<hbm>>
      tpu.enqueue_indirect_dma source(%dma_start3A_430 : memref<10008x80xf32, #tpu.memory_space<hbm>>) target(%arg8 : memref<128x80xf32, #tpu.memory_space<vmem>>) offsets(%dma_start3A_427 : memref<128xi32, #tpu.memory_space<vmem>>) semaphore(%arg15 : memref<!tpu.dma_semaphore, #tpu.memory_space<semaphore_mem>>)
      %dma_start3A_431 = arith.constant 2 : i32
      %dma_start3A_432 = arith.constant 0 : i32
      %dma_start3A_433 = tpu.memref_slice %arg5[%dma_start3A_431, %dma_start3A_432] : memref<79x128xi32, #tpu.memory_space<vmem>> -> memref<1x128xi32, #tpu.memory_space<vmem>>
      %dma_start3A_434 = tpu.memref_squeeze %dma_start3A_433 : memref<1x128xi32, #tpu.memory_space<vmem>> -> memref<128xi32, #tpu.memory_space<vmem>>
      %dma_start3A_435 = arith.constant 0 : i32
      %dma_start3A_436 = arith.constant 0 : i32
      %dma_start3A_437 = tpu.memref_slice %arg3[%dma_start3A_435, %dma_start3A_436] : memref<10008x80xf32, #tpu.memory_space<hbm>> -> memref<10008x80xf32, #tpu.memory_space<hbm>>
      tpu.enqueue_indirect_dma source(%dma_start3A_437 : memref<10008x80xf32, #tpu.memory_space<hbm>>) target(%arg9 : memref<128x80xf32, #tpu.memory_space<vmem>>) offsets(%dma_start3A_434 : memref<128xi32, #tpu.memory_space<vmem>>) semaphore(%arg16 : memref<!tpu.dma_semaphore, #tpu.memory_space<semaphore_mem>>)
      %dma_wait3A_438 = arith.constant 0 : i32
      %dma_wait3A_439 = arith.constant 0 : i32
      %dma_wait3A_440 = tpu.memref_slice %arg5[%dma_wait3A_438, %dma_wait3A_439] : memref<79x128xi32, #tpu.memory_space<vmem>> -> memref<1x128xi32, #tpu.memory_space<vmem>>
      %dma_wait3A_441 = tpu.memref_squeeze %dma_wait3A_440 : memref<1x128xi32, #tpu.memory_space<vmem>> -> memref<128xi32, #tpu.memory_space<vmem>>
      %dma_wait3A_442 = arith.constant 0 : i32
      %dma_wait3A_443 = arith.constant 0 : i32
      %dma_wait3A_444 = tpu.memref_slice %arg3[%dma_wait3A_442, %dma_wait3A_443] : memref<10008x80xf32, #tpu.memory_space<hbm>> -> memref<10008x80xf32, #tpu.memory_space<hbm>>
      tpu.wait_indirect_dma semaphore(%arg14 : memref<!tpu.dma_semaphore, #tpu.memory_space<semaphore_mem>>) src(%dma_wait3A_444 : memref<10008x80xf32, #tpu.memory_space<hbm>>) dst(%arg7 : memref<128x80xf32, #tpu.memory_space<vmem>>)
      %dma_start3A_445 = arith.constant 0 : i32
      %dma_start3A_446 = arith.constant 0 : i32
      %dma_start3A_447 = tpu.memref_slice %arg6[%dma_start3A_445, %dma_start3A_446] : memref<79x128xi32, #tpu.memory_space<vmem>> -> memref<1x128xi32, #tpu.memory_space<vmem>>
      %dma_start3A_448 = tpu.memref_squeeze %dma_start3A_447 : memref<1x128xi32, #tpu.memory_space<vmem>> -> memref<128xi32, #tpu.memory_space<vmem>>
      %dma_start3A_449 = arith.constant 0 : i32
      %dma_start3A_450 = arith.constant 0 : i32
      %dma_start3A_451 = tpu.memref_slice %arg11[%dma_start3A_449, %dma_start3A_450] : memref<13584x80xf32, #tpu.memory_space<vmem_shared>> -> memref<13584x80xf32, #tpu.memory_space<vmem_shared>>
      tpu.enqueue_indirect_dma source(%arg7 : memref<128x80xf32, #tpu.memory_space<vmem>>) target(%dma_start3A_451 : memref<13584x80xf32, #tpu.memory_space<vmem_shared>>) offsets(%dma_start3A_448 : memref<128xi32, #tpu.memory_space<vmem>>) semaphore(%arg18 : memref<!tpu.dma_semaphore, #tpu.memory_space<semaphore_mem>>) {add = true}
      %dma_start3A_452 = arith.constant 3 : i32
      %dma_start3A_453 = arith.constant 0 : i32
      %dma_start3A_454 = tpu.memref_slice %arg5[%dma_start3A_452, %dma_start3A_453] : memref<79x128xi32, #tpu.memory_space<vmem>> -> memref<1x128xi32, #tpu.memory_space<vmem>>
      %dma_start3A_455 = tpu.memref_squeeze %dma_start3A_454 : memref<1x128xi32, #tpu.memory_space<vmem>> -> memref<128xi32, #tpu.memory_space<vmem>>
      %dma_start3A_456 = arith.constant 0 : i32
      %dma_start3A_457 = arith.constant 0 : i32
      %dma_start3A_458 = tpu.memref_slice %arg3[%dma_start3A_456, %dma_start3A_457] : memref<10008x80xf32, #tpu.memory_space<hbm>> -> memref<10008x80xf32, #tpu.memory_space<hbm>>
      tpu.enqueue_indirect_dma source(%dma_start3A_458 : memref<10008x80xf32, #tpu.memory_space<hbm>>) target(%arg10 : memref<128x80xf32, #tpu.memory_space<vmem>>) offsets(%dma_start3A_455 : memref<128xi32, #tpu.memory_space<vmem>>) semaphore(%arg17 : memref<!tpu.dma_semaphore, #tpu.memory_space<semaphore_mem>>)
      %dma_wait3A_459 = arith.constant 1 : i32
      %dma_wait3A_460 = arith.constant 0 : i32
      %dma_wait3A_461 = tpu.memref_slice %arg5[%dma_wait3A_459, %dma_wait3A_460] : memref<79x128xi32, #tpu.memory_space<vmem>> -> memref<1x128xi32, #tpu.memory_space<vmem>>
      %dma_wait3A_462 = tpu.memref_squeeze %dma_wait3A_461 : memref<1x128xi32, #tpu.memory_space<vmem>> -> memref<128xi32, #tpu.memory_space<vmem>>
      %dma_wait3A_463 = arith.constant 0 : i32
      %dma_wait3A_464 = arith.constant 0 : i32
      %dma_wait3A_465 = tpu.memref_slice %arg3[%dma_wait3A_463, %dma_wait3A_464] : memref<10008x80xf32, #tpu.memory_space<hbm>> -> memref<10008x80xf32, #tpu.memory_space<hbm>>
      tpu.wait_indirect_dma semaphore(%arg15 : memref<!tpu.dma_semaphore, #tpu.memory_space<semaphore_mem>>) src(%dma_wait3A_465 : memref<10008x80xf32, #tpu.memory_space<hbm>>) dst(%arg8 : memref<128x80xf32, #tpu.memory_space<vmem>>)
      %dma_start3A_466 = arith.constant 1 : i32
      %dma_start3A_467 = arith.constant 0 : i32
      %dma_start3A_468 = tpu.memref_slice %arg6[%dma_start3A_466, %dma_start3A_467] : memref<79x128xi32, #tpu.memory_space<vmem>> -> memref<1x128xi32, #tpu.memory_space<vmem>>
      %dma_start3A_469 = tpu.memref_squeeze %dma_start3A_468 : memref<1x128xi32, #tpu.memory_space<vmem>> -> memref<128xi32, #tpu.memory_space<vmem>>
      %dma_start3A_470 = arith.constant 0 : i32
      %dma_start3A_471 = arith.constant 0 : i32
      %dma_start3A_472 = tpu.memref_slice %arg11[%dma_start3A_470, %dma_start3A_471] : memref<13584x80xf32, #tpu.memory_space<vmem_shared>> -> memref<13584x80xf32, #tpu.memory_space<vmem_shared>>
      tpu.enqueue_indirect_dma source(%arg8 : memref<128x80xf32, #tpu.memory_space<vmem>>) target(%dma_start3A_472 : memref<13584x80xf32, #tpu.memory_space<vmem_shared>>) offsets(%dma_start3A_469 : memref<128xi32, #tpu.memory_space<vmem>>) semaphore(%arg19 : memref<!tpu.dma_semaphore, #tpu.memory_space<semaphore_mem>>) {add = true}
      %dma_wait3A_473 = arith.constant 0 : i32
      %dma_wait3A_474 = arith.constant 0 : i32
      %dma_wait3A_475 = tpu.memref_slice %arg6[%dma_wait3A_473, %dma_wait3A_474] : memref<79x128xi32, #tpu.memory_space<vmem>> -> memref<1x128xi32, #tpu.memory_space<vmem>>
      %dma_wait3A_476 = tpu.memref_squeeze %dma_wait3A_475 : memref<1x128xi32, #tpu.memory_space<vmem>> -> memref<128xi32, #tpu.memory_space<vmem>>
      %dma_wait3A_477 = arith.constant 0 : i32
      %dma_wait3A_478 = arith.constant 0 : i32
      %dma_wait3A_479 = tpu.memref_slice %arg11[%dma_wait3A_477, %dma_wait3A_478] : memref<13584x80xf32, #tpu.memory_space<vmem_shared>> -> memref<13584x80xf32, #tpu.memory_space<vmem_shared>>
      tpu.wait_indirect_dma semaphore(%arg18 : memref<!tpu.dma_semaphore, #tpu.memory_space<semaphore_mem>>) src(%arg7 : memref<128x80xf32, #tpu.memory_space<vmem>>) dst(%dma_wait3A_479 : memref<13584x80xf32, #tpu.memory_space<vmem_shared>>)
      %dma_start3A_480 = arith.constant 4 : i32
      %dma_start3A_481 = arith.constant 0 : i32
      %dma_start3A_482 = tpu.memref_slice %arg5[%dma_start3A_480, %dma_start3A_481] : memref<79x128xi32, #tpu.memory_space<vmem>> -> memref<1x128xi32, #tpu.memory_space<vmem>>
      %dma_start3A_483 = tpu.memref_squeeze %dma_start3A_482 : memref<1x128xi32, #tpu.memory_space<vmem>> -> memref<128xi32, #tpu.memory_space<vmem>>
      %dma_start3A_484 = arith.constant 0 : i32
      %dma_start3A_485 = arith.constant 0 : i32
      %dma_start3A_486 = tpu.memref_slice %arg3[%dma_start3A_484, %dma_start3A_485] : memref<10008x80xf32, #tpu.memory_space<hbm>> -> memref<10008x80xf32, #tpu.memory_space<hbm>>
      tpu.enqueue_indirect_dma source(%dma_start3A_486 : memref<10008x80xf32, #tpu.memory_space<hbm>>) target(%arg7 : memref<128x80xf32, #tpu.memory_space<vmem>>) offsets(%dma_start3A_483 : memref<128xi32, #tpu.memory_space<vmem>>) semaphore(%arg14 : memref<!tpu.dma_semaphore, #tpu.memory_space<semaphore_mem>>)
      %dma_wait3A_487 = arith.constant 2 : i32
      %dma_wait3A_488 = arith.constant 0 : i32
      %dma_wait3A_489 = tpu.memref_slice %arg5[%dma_wait3A_487, %dma_wait3A_488] : memref<79x128xi32, #tpu.memory_space<vmem>> -> memref<1x128xi32, #tpu.memory_space<vmem>>
      %dma_wait3A_490 = tpu.memref_squeeze %dma_wait3A_489 : memref<1x128xi32, #tpu.memory_space<vmem>> -> memref<128xi32, #tpu.memory_space<vmem>>
      %dma_wait3A_491 = arith.constant 0 : i32
      %dma_wait3A_492 = arith.constant 0 : i32
      %dma_wait3A_493 = tpu.memref_slice %arg3[%dma_wait3A_491, %dma_wait3A_492] : memref<10008x80xf32, #tpu.memory_space<hbm>> -> memref<10008x80xf32, #tpu.memory_space<hbm>>
      tpu.wait_indirect_dma semaphore(%arg16 : memref<!tpu.dma_semaphore, #tpu.memory_space<semaphore_mem>>) src(%dma_wait3A_493 : memref<10008x80xf32, #tpu.memory_space<hbm>>) dst(%arg9 : memref<128x80xf32, #tpu.memory_space<vmem>>)
      %dma_start3A_494 = arith.constant 2 : i32
      %dma_start3A_495 = arith.constant 0 : i32
      %dma_start3A_496 = tpu.memref_slice %arg6[%dma_start3A_494, %dma_start3A_495] : memref<79x128xi32, #tpu.memory_space<vmem>> -> memref<1x128xi32, #tpu.memory_space<vmem>>
      %dma_start3A_497 = tpu.memref_squeeze %dma_start3A_496 : memref<1x128xi32, #tpu.memory_space<vmem>> -> memref<128xi32, #tpu.memory_space<vmem>>
      %dma_start3A_498 = arith.constant 0 : i32
      %dma_start3A_499 = arith.constant 0 : i32
      %dma_start3A_500 = tpu.memref_slice %arg11[%dma_start3A_498, %dma_start3A_499] : memref<13584x80xf32, #tpu.memory_space<vmem_shared>> -> memref<13584x80xf32, #tpu.memory_space<vmem_shared>>
      tpu.enqueue_indirect_dma source(%arg9 : memref<128x80xf32, #tpu.memory_space<vmem>>) target(%dma_start3A_500 : memref<13584x80xf32, #tpu.memory_space<vmem_shared>>) offsets(%dma_start3A_497 : memref<128xi32, #tpu.memory_space<vmem>>) semaphore(%arg20 : memref<!tpu.dma_semaphore, #tpu.memory_space<semaphore_mem>>) {add = true}
      %dma_wait3A_501 = arith.constant 1 : i32
      %dma_wait3A_502 = arith.constant 0 : i32
      %dma_wait3A_503 = tpu.memref_slice %arg6[%dma_wait3A_501, %dma_wait3A_502] : memref<79x128xi32, #tpu.memory_space<vmem>> -> memref<1x128xi32, #tpu.memory_space<vmem>>
      %dma_wait3A_504 = tpu.memref_squeeze %dma_wait3A_503 : memref<1x128xi32, #tpu.memory_space<vmem>> -> memref<128xi32, #tpu.memory_space<vmem>>
      %dma_wait3A_505 = arith.constant 0 : i32
      %dma_wait3A_506 = arith.constant 0 : i32
      %dma_wait3A_507 = tpu.memref_slice %arg11[%dma_wait3A_505, %dma_wait3A_506] : memref<13584x80xf32, #tpu.memory_space<vmem_shared>> -> memref<13584x80xf32, #tpu.memory_space<vmem_shared>>
      tpu.wait_indirect_dma semaphore(%arg19 : memref<!tpu.dma_semaphore, #tpu.memory_space<semaphore_mem>>) src(%arg8 : memref<128x80xf32, #tpu.memory_space<vmem>>) dst(%dma_wait3A_507 : memref<13584x80xf32, #tpu.memory_space<vmem_shared>>)
      %dma_start3A_508 = arith.constant 5 : i32
      %dma_start3A_509 = arith.constant 0 : i32
      %dma_start3A_510 = tpu.memref_slice %arg5[%dma_start3A_508, %dma_start3A_509] : memref<79x128xi32, #tpu.memory_space<vmem>> -> memref<1x128xi32, #tpu.memory_space<vmem>>
      %dma_start3A_511 = tpu.memref_squeeze %dma_start3A_510 : memref<1x128xi32, #tpu.memory_space<vmem>> -> memref<128xi32, #tpu.memory_space<vmem>>
      %dma_start3A_512 = arith.constant 0 : i32
      %dma_start3A_513 = arith.constant 0 : i32
      %dma_start3A_514 = tpu.memref_slice %arg3[%dma_start3A_512, %dma_start3A_513] : memref<10008x80xf32, #tpu.memory_space<hbm>> -> memref<10008x80xf32, #tpu.memory_space<hbm>>
      tpu.enqueue_indirect_dma source(%dma_start3A_514 : memref<10008x80xf32, #tpu.memory_space<hbm>>) target(%arg8 : memref<128x80xf32, #tpu.memory_space<vmem>>) offsets(%dma_start3A_511 : memref<128xi32, #tpu.memory_space<vmem>>) semaphore(%arg15 : memref<!tpu.dma_semaphore, #tpu.memory_space<semaphore_mem>>)
      %dma_wait3A_515 = arith.constant 3 : i32
      %dma_wait3A_516 = arith.constant 0 : i32
      %dma_wait3A_517 = tpu.memref_slice %arg5[%dma_wait3A_515, %dma_wait3A_516] : memref<79x128xi32, #tpu.memory_space<vmem>> -> memref<1x128xi32, #tpu.memory_space<vmem>>
      %dma_wait3A_518 = tpu.memref_squeeze %dma_wait3A_517 : memref<1x128xi32, #tpu.memory_space<vmem>> -> memref<128xi32, #tpu.memory_space<vmem>>
      %dma_wait3A_519 = arith.constant 0 : i32
      %dma_wait3A_520 = arith.constant 0 : i32
      %dma_wait3A_521 = tpu.memref_slice %arg3[%dma_wait3A_519, %dma_wait3A_520] : memref<10008x80xf32, #tpu.memory_space<hbm>> -> memref<10008x80xf32, #tpu.memory_space<hbm>>
      tpu.wait_indirect_dma semaphore(%arg17 : memref<!tpu.dma_semaphore, #tpu.memory_space<semaphore_mem>>) src(%dma_wait3A_521 : memref<10008x80xf32, #tpu.memory_space<hbm>>) dst(%arg10 : memref<128x80xf32, #tpu.memory_space<vmem>>)
      %dma_start3A_522 = arith.constant 3 : i32
      %dma_start3A_523 = arith.constant 0 : i32
      %dma_start3A_524 = tpu.memref_slice %arg6[%dma_start3A_522, %dma_start3A_523] : memref<79x128xi32, #tpu.memory_space<vmem>> -> memref<1x128xi32, #tpu.memory_space<vmem>>
      %dma_start3A_525 = tpu.memref_squeeze %dma_start3A_524 : memref<1x128xi32, #tpu.memory_space<vmem>> -> memref<128xi32, #tpu.memory_space<vmem>>
      %dma_start3A_526 = arith.constant 0 : i32
      %dma_start3A_527 = arith.constant 0 : i32
      %dma_start3A_528 = tpu.memref_slice %arg11[%dma_start3A_526, %dma_start3A_527] : memref<13584x80xf32, #tpu.memory_space<vmem_shared>> -> memref<13584x80xf32, #tpu.memory_space<vmem_shared>>
      tpu.enqueue_indirect_dma source(%arg10 : memref<128x80xf32, #tpu.memory_space<vmem>>) target(%dma_start3A_528 : memref<13584x80xf32, #tpu.memory_space<vmem_shared>>) offsets(%dma_start3A_525 : memref<128xi32, #tpu.memory_space<vmem>>) semaphore(%arg21 : memref<!tpu.dma_semaphore, #tpu.memory_space<semaphore_mem>>) {add = true}
      %dma_wait3A_529 = arith.constant 2 : i32
      %dma_wait3A_530 = arith.constant 0 : i32
      %dma_wait3A_531 = tpu.memref_slice %arg6[%dma_wait3A_529, %dma_wait3A_530] : memref<79x128xi32, #tpu.memory_space<vmem>> -> memref<1x128xi32, #tpu.memory_space<vmem>>
      %dma_wait3A_532 = tpu.memref_squeeze %dma_wait3A_531 : memref<1x128xi32, #tpu.memory_space<vmem>> -> memref<128xi32, #tpu.memory_space<vmem>>
      %dma_wait3A_533 = arith.constant 0 : i32
      %dma_wait3A_534 = arith.constant 0 : i32
      %dma_wait3A_535 = tpu.memref_slice %arg11[%dma_wait3A_533, %dma_wait3A_534] : memref<13584x80xf32, #tpu.memory_space<vmem_shared>> -> memref<13584x80xf32, #tpu.memory_space<vmem_shared>>
      tpu.wait_indirect_dma semaphore(%arg20 : memref<!tpu.dma_semaphore, #tpu.memory_space<semaphore_mem>>) src(%arg9 : memref<128x80xf32, #tpu.memory_space<vmem>>) dst(%dma_wait3A_535 : memref<13584x80xf32, #tpu.memory_space<vmem_shared>>)
      %dma_start3A_536 = arith.constant 6 : i32
      %dma_start3A_537 = arith.constant 0 : i32
      %dma_start3A_538 = tpu.memref_slice %arg5[%dma_start3A_536, %dma_start3A_537] : memref<79x128xi32, #tpu.memory_space<vmem>> -> memref<1x128xi32, #tpu.memory_space<vmem>>
      %dma_start3A_539 = tpu.memref_squeeze %dma_start3A_538 : memref<1x128xi32, #tpu.memory_space<vmem>> -> memref<128xi32, #tpu.memory_space<vmem>>
      %dma_start3A_540 = arith.constant 0 : i32
      %dma_start3A_541 = arith.constant 0 : i32
      %dma_start3A_542 = tpu.memref_slice %arg3[%dma_start3A_540, %dma_start3A_541] : memref<10008x80xf32, #tpu.memory_space<hbm>> -> memref<10008x80xf32, #tpu.memory_space<hbm>>
      tpu.enqueue_indirect_dma source(%dma_start3A_542 : memref<10008x80xf32, #tpu.memory_space<hbm>>) target(%arg9 : memref<128x80xf32, #tpu.memory_space<vmem>>) offsets(%dma_start3A_539 : memref<128xi32, #tpu.memory_space<vmem>>) semaphore(%arg16 : memref<!tpu.dma_semaphore, #tpu.memory_space<semaphore_mem>>)
      %scan3A_543 = arith.constant 0 : i32
      %scan3A_544 = arith.constant 1 : i32
      %scan3A_545 = arith.constant 18 : i32
      %scan3A_546 = arith.addi %scan3A_544, %scan3A_545 : i32
      %scan3A_547 = arith.constant 1 : i32
      %scan3A_548 = scf.for %scan3A_620 = %scan3A_544 to %scan3A_546 step %scan3A_547 iter_args(%scan3A_621 = %scan3A_543) -> (i32)  : i32 {
        %mul3A_622 = arith.constant 4 : i32
        %mul3A_623 = arith.muli %scan3A_620, %mul3A_622 : i32
        %add3A_624 = arith.constant 0 : i32
        %add3A_625 = arith.addi %mul3A_623, %add3A_624 : i32
        %dma_wait3A_626 = arith.constant 0 : i32
        %dma_wait3A_627 = tpu.memref_slice %arg5[%add3A_625, %dma_wait3A_626] : memref<79x128xi32, #tpu.memory_space<vmem>> -> memref<1x128xi32, #tpu.memory_space<vmem>>
        %dma_wait3A_628 = tpu.memref_squeeze %dma_wait3A_627 : memref<1x128xi32, #tpu.memory_space<vmem>> -> memref<128xi32, #tpu.memory_space<vmem>>
        %dma_wait3A_629 = arith.constant 0 : i32
        %dma_wait3A_630 = arith.constant 0 : i32
        %dma_wait3A_631 = tpu.memref_slice %arg3[%dma_wait3A_629, %dma_wait3A_630] : memref<10008x80xf32, #tpu.memory_space<hbm>> -> memref<10008x80xf32, #tpu.memory_space<hbm>>
        tpu.wait_indirect_dma semaphore(%arg14 : memref<!tpu.dma_semaphore, #tpu.memory_space<semaphore_mem>>) src(%dma_wait3A_631 : memref<10008x80xf32, #tpu.memory_space<hbm>>) dst(%arg7 : memref<128x80xf32, #tpu.memory_space<vmem>>)
        %dma_start3A_632 = arith.constant 0 : i32
        %dma_start3A_633 = tpu.memref_slice %arg6[%add3A_625, %dma_start3A_632] : memref<79x128xi32, #tpu.memory_space<vmem>> -> memref<1x128xi32, #tpu.memory_space<vmem>>
        %dma_start3A_634 = tpu.memref_squeeze %dma_start3A_633 : memref<1x128xi32, #tpu.memory_space<vmem>> -> memref<128xi32, #tpu.memory_space<vmem>>
        %dma_start3A_635 = arith.constant 0 : i32
        %dma_start3A_636 = arith.constant 0 : i32
        %dma_start3A_637 = tpu.memref_slice %arg11[%dma_start3A_635, %dma_start3A_636] : memref<13584x80xf32, #tpu.memory_space<vmem_shared>> -> memref<13584x80xf32, #tpu.memory_space<vmem_shared>>
        tpu.enqueue_indirect_dma source(%arg7 : memref<128x80xf32, #tpu.memory_space<vmem>>) target(%dma_start3A_637 : memref<13584x80xf32, #tpu.memory_space<vmem_shared>>) offsets(%dma_start3A_634 : memref<128xi32, #tpu.memory_space<vmem>>) semaphore(%arg18 : memref<!tpu.dma_semaphore, #tpu.memory_space<semaphore_mem>>) {add = true}
        %sub3A = arith.constant 1 : i32
        %sub3A_638 = arith.subi %add3A_625, %sub3A : i32
        %dma_wait3A_639 = arith.constant 0 : i32
        %dma_wait3A_640 = tpu.memref_slice %arg6[%sub3A_638, %dma_wait3A_639] : memref<79x128xi32, #tpu.memory_space<vmem>> -> memref<1x128xi32, #tpu.memory_space<vmem>>
        %dma_wait3A_641 = tpu.memref_squeeze %dma_wait3A_640 : memref<1x128xi32, #tpu.memory_space<vmem>> -> memref<128xi32, #tpu.memory_space<vmem>>
        %dma_wait3A_642 = arith.constant 0 : i32
        %dma_wait3A_643 = arith.constant 0 : i32
        %dma_wait3A_644 = tpu.memref_slice %arg11[%dma_wait3A_642, %dma_wait3A_643] : memref<13584x80xf32, #tpu.memory_space<vmem_shared>> -> memref<13584x80xf32, #tpu.memory_space<vmem_shared>>
        tpu.wait_indirect_dma semaphore(%arg21 : memref<!tpu.dma_semaphore, #tpu.memory_space<semaphore_mem>>) src(%arg10 : memref<128x80xf32, #tpu.memory_space<vmem>>) dst(%dma_wait3A_644 : memref<13584x80xf32, #tpu.memory_space<vmem_shared>>)
        %add3A_645 = arith.constant 3 : i32
        %add3A_646 = arith.addi %add3A_625, %add3A_645 : i32
        %dma_start3A_647 = arith.constant 0 : i32
        %dma_start3A_648 = tpu.memref_slice %arg5[%add3A_646, %dma_start3A_647] : memref<79x128xi32, #tpu.memory_space<vmem>> -> memref<1x128xi32, #tpu.memory_space<vmem>>
        %dma_start3A_649 = tpu.memref_squeeze %dma_start3A_648 : memref<1x128xi32, #tpu.memory_space<vmem>> -> memref<128xi32, #tpu.memory_space<vmem>>
        %dma_start3A_650 = arith.constant 0 : i32
        %dma_start3A_651 = arith.constant 0 : i32
        %dma_start3A_652 = tpu.memref_slice %arg3[%dma_start3A_650, %dma_start3A_651] : memref<10008x80xf32, #tpu.memory_space<hbm>> -> memref<10008x80xf32, #tpu.memory_space<hbm>>
        tpu.enqueue_indirect_dma source(%dma_start3A_652 : memref<10008x80xf32, #tpu.memory_space<hbm>>) target(%arg10 : memref<128x80xf32, #tpu.memory_space<vmem>>) offsets(%dma_start3A_649 : memref<128xi32, #tpu.memory_space<vmem>>) semaphore(%arg17 : memref<!tpu.dma_semaphore, #tpu.memory_space<semaphore_mem>>)
        %mul3A_653 = arith.constant 4 : i32
        %mul3A_654 = arith.muli %scan3A_620, %mul3A_653 : i32
        %add3A_655 = arith.constant 1 : i32
        %add3A_656 = arith.addi %mul3A_654, %add3A_655 : i32
        %dma_wait3A_657 = arith.constant 0 : i32
        %dma_wait3A_658 = tpu.memref_slice %arg5[%add3A_656, %dma_wait3A_657] : memref<79x128xi32, #tpu.memory_space<vmem>> -> memref<1x128xi32, #tpu.memory_space<vmem>>
        %dma_wait3A_659 = tpu.memref_squeeze %dma_wait3A_658 : memref<1x128xi32, #tpu.memory_space<vmem>> -> memref<128xi32, #tpu.memory_space<vmem>>
        %dma_wait3A_660 = arith.constant 0 : i32
        %dma_wait3A_661 = arith.constant 0 : i32
        %dma_wait3A_662 = tpu.memref_slice %arg3[%dma_wait3A_660, %dma_wait3A_661] : memref<10008x80xf32, #tpu.memory_space<hbm>> -> memref<10008x80xf32, #tpu.memory_space<hbm>>
        tpu.wait_indirect_dma semaphore(%arg15 : memref<!tpu.dma_semaphore, #tpu.memory_space<semaphore_mem>>) src(%dma_wait3A_662 : memref<10008x80xf32, #tpu.memory_space<hbm>>) dst(%arg8 : memref<128x80xf32, #tpu.memory_space<vmem>>)
        %dma_start3A_663 = arith.constant 0 : i32
        %dma_start3A_664 = tpu.memref_slice %arg6[%add3A_656, %dma_start3A_663] : memref<79x128xi32, #tpu.memory_space<vmem>> -> memref<1x128xi32, #tpu.memory_space<vmem>>
        %dma_start3A_665 = tpu.memref_squeeze %dma_start3A_664 : memref<1x128xi32, #tpu.memory_space<vmem>> -> memref<128xi32, #tpu.memory_space<vmem>>
        %dma_start3A_666 = arith.constant 0 : i32
        %dma_start3A_667 = arith.constant 0 : i32
        %dma_start3A_668 = tpu.memref_slice %arg11[%dma_start3A_666, %dma_start3A_667] : memref<13584x80xf32, #tpu.memory_space<vmem_shared>> -> memref<13584x80xf32, #tpu.memory_space<vmem_shared>>
        tpu.enqueue_indirect_dma source(%arg8 : memref<128x80xf32, #tpu.memory_space<vmem>>) target(%dma_start3A_668 : memref<13584x80xf32, #tpu.memory_space<vmem_shared>>) offsets(%dma_start3A_665 : memref<128xi32, #tpu.memory_space<vmem>>) semaphore(%arg19 : memref<!tpu.dma_semaphore, #tpu.memory_space<semaphore_mem>>) {add = true}
        %sub3A_669 = arith.constant 1 : i32
        %sub3A_670 = arith.subi %add3A_656, %sub3A_669 : i32
        %dma_wait3A_671 = arith.constant 0 : i32
        %dma_wait3A_672 = tpu.memref_slice %arg6[%sub3A_670, %dma_wait3A_671] : memref<79x128xi32, #tpu.memory_space<vmem>> -> memref<1x128xi32, #tpu.memory_space<vmem>>
        %dma_wait3A_673 = tpu.memref_squeeze %dma_wait3A_672 : memref<1x128xi32, #tpu.memory_space<vmem>> -> memref<128xi32, #tpu.memory_space<vmem>>
        %dma_wait3A_674 = arith.constant 0 : i32
        %dma_wait3A_675 = arith.constant 0 : i32
        %dma_wait3A_676 = tpu.memref_slice %arg11[%dma_wait3A_674, %dma_wait3A_675] : memref<13584x80xf32, #tpu.memory_space<vmem_shared>> -> memref<13584x80xf32, #tpu.memory_space<vmem_shared>>
        tpu.wait_indirect_dma semaphore(%arg18 : memref<!tpu.dma_semaphore, #tpu.memory_space<semaphore_mem>>) src(%arg7 : memref<128x80xf32, #tpu.memory_space<vmem>>) dst(%dma_wait3A_676 : memref<13584x80xf32, #tpu.memory_space<vmem_shared>>)
        %add3A_677 = arith.constant 3 : i32
        %add3A_678 = arith.addi %add3A_656, %add3A_677 : i32
        %dma_start3A_679 = arith.constant 0 : i32
        %dma_start3A_680 = tpu.memref_slice %arg5[%add3A_678, %dma_start3A_679] : memref<79x128xi32, #tpu.memory_space<vmem>> -> memref<1x128xi32, #tpu.memory_space<vmem>>
        %dma_start3A_681 = tpu.memref_squeeze %dma_start3A_680 : memref<1x128xi32, #tpu.memory_space<vmem>> -> memref<128xi32, #tpu.memory_space<vmem>>
        %dma_start3A_682 = arith.constant 0 : i32
        %dma_start3A_683 = arith.constant 0 : i32
        %dma_start3A_684 = tpu.memref_slice %arg3[%dma_start3A_682, %dma_start3A_683] : memref<10008x80xf32, #tpu.memory_space<hbm>> -> memref<10008x80xf32, #tpu.memory_space<hbm>>
        tpu.enqueue_indirect_dma source(%dma_start3A_684 : memref<10008x80xf32, #tpu.memory_space<hbm>>) target(%arg7 : memref<128x80xf32, #tpu.memory_space<vmem>>) offsets(%dma_start3A_681 : memref<128xi32, #tpu.memory_space<vmem>>) semaphore(%arg14 : memref<!tpu.dma_semaphore, #tpu.memory_space<semaphore_mem>>)
        %mul3A_685 = arith.constant 4 : i32
        %mul3A_686 = arith.muli %scan3A_620, %mul3A_685 : i32
        %add3A_687 = arith.constant 2 : i32
        %add3A_688 = arith.addi %mul3A_686, %add3A_687 : i32
        %dma_wait3A_689 = arith.constant 0 : i32
        %dma_wait3A_690 = tpu.memref_slice %arg5[%add3A_688, %dma_wait3A_689] : memref<79x128xi32, #tpu.memory_space<vmem>> -> memref<1x128xi32, #tpu.memory_space<vmem>>
        %dma_wait3A_691 = tpu.memref_squeeze %dma_wait3A_690 : memref<1x128xi32, #tpu.memory_space<vmem>> -> memref<128xi32, #tpu.memory_space<vmem>>
        %dma_wait3A_692 = arith.constant 0 : i32
        %dma_wait3A_693 = arith.constant 0 : i32
        %dma_wait3A_694 = tpu.memref_slice %arg3[%dma_wait3A_692, %dma_wait3A_693] : memref<10008x80xf32, #tpu.memory_space<hbm>> -> memref<10008x80xf32, #tpu.memory_space<hbm>>
        tpu.wait_indirect_dma semaphore(%arg16 : memref<!tpu.dma_semaphore, #tpu.memory_space<semaphore_mem>>) src(%dma_wait3A_694 : memref<10008x80xf32, #tpu.memory_space<hbm>>) dst(%arg9 : memref<128x80xf32, #tpu.memory_space<vmem>>)
        %dma_start3A_695 = arith.constant 0 : i32
        %dma_start3A_696 = tpu.memref_slice %arg6[%add3A_688, %dma_start3A_695] : memref<79x128xi32, #tpu.memory_space<vmem>> -> memref<1x128xi32, #tpu.memory_space<vmem>>
        %dma_start3A_697 = tpu.memref_squeeze %dma_start3A_696 : memref<1x128xi32, #tpu.memory_space<vmem>> -> memref<128xi32, #tpu.memory_space<vmem>>
        %dma_start3A_698 = arith.constant 0 : i32
        %dma_start3A_699 = arith.constant 0 : i32
        %dma_start3A_700 = tpu.memref_slice %arg11[%dma_start3A_698, %dma_start3A_699] : memref<13584x80xf32, #tpu.memory_space<vmem_shared>> -> memref<13584x80xf32, #tpu.memory_space<vmem_shared>>
        tpu.enqueue_indirect_dma source(%arg9 : memref<128x80xf32, #tpu.memory_space<vmem>>) target(%dma_start3A_700 : memref<13584x80xf32, #tpu.memory_space<vmem_shared>>) offsets(%dma_start3A_697 : memref<128xi32, #tpu.memory_space<vmem>>) semaphore(%arg20 : memref<!tpu.dma_semaphore, #tpu.memory_space<semaphore_mem>>) {add = true}
        %sub3A_701 = arith.constant 1 : i32
        %sub3A_702 = arith.subi %add3A_688, %sub3A_701 : i32
        %dma_wait3A_703 = arith.constant 0 : i32
        %dma_wait3A_704 = tpu.memref_slice %arg6[%sub3A_702, %dma_wait3A_703] : memref<79x128xi32, #tpu.memory_space<vmem>> -> memref<1x128xi32, #tpu.memory_space<vmem>>
        %dma_wait3A_705 = tpu.memref_squeeze %dma_wait3A_704 : memref<1x128xi32, #tpu.memory_space<vmem>> -> memref<128xi32, #tpu.memory_space<vmem>>
        %dma_wait3A_706 = arith.constant 0 : i32
        %dma_wait3A_707 = arith.constant 0 : i32
        %dma_wait3A_708 = tpu.memref_slice %arg11[%dma_wait3A_706, %dma_wait3A_707] : memref<13584x80xf32, #tpu.memory_space<vmem_shared>> -> memref<13584x80xf32, #tpu.memory_space<vmem_shared>>
        tpu.wait_indirect_dma semaphore(%arg19 : memref<!tpu.dma_semaphore, #tpu.memory_space<semaphore_mem>>) src(%arg8 : memref<128x80xf32, #tpu.memory_space<vmem>>) dst(%dma_wait3A_708 : memref<13584x80xf32, #tpu.memory_space<vmem_shared>>)
        %add3A_709 = arith.constant 3 : i32
        %add3A_710 = arith.addi %add3A_688, %add3A_709 : i32
        %dma_start3A_711 = arith.constant 0 : i32
        %dma_start3A_712 = tpu.memref_slice %arg5[%add3A_710, %dma_start3A_711] : memref<79x128xi32, #tpu.memory_space<vmem>> -> memref<1x128xi32, #tpu.memory_space<vmem>>
        %dma_start3A_713 = tpu.memref_squeeze %dma_start3A_712 : memref<1x128xi32, #tpu.memory_space<vmem>> -> memref<128xi32, #tpu.memory_space<vmem>>
        %dma_start3A_714 = arith.constant 0 : i32
        %dma_start3A_715 = arith.constant 0 : i32
        %dma_start3A_716 = tpu.memref_slice %arg3[%dma_start3A_714, %dma_start3A_715] : memref<10008x80xf32, #tpu.memory_space<hbm>> -> memref<10008x80xf32, #tpu.memory_space<hbm>>
        tpu.enqueue_indirect_dma source(%dma_start3A_716 : memref<10008x80xf32, #tpu.memory_space<hbm>>) target(%arg8 : memref<128x80xf32, #tpu.memory_space<vmem>>) offsets(%dma_start3A_713 : memref<128xi32, #tpu.memory_space<vmem>>) semaphore(%arg15 : memref<!tpu.dma_semaphore, #tpu.memory_space<semaphore_mem>>)
        %mul3A_717 = arith.constant 4 : i32
        %mul3A_718 = arith.muli %scan3A_620, %mul3A_717 : i32
        %add3A_719 = arith.constant 3 : i32
        %add3A_720 = arith.addi %mul3A_718, %add3A_719 : i32
        %dma_wait3A_721 = arith.constant 0 : i32
        %dma_wait3A_722 = tpu.memref_slice %arg5[%add3A_720, %dma_wait3A_721] : memref<79x128xi32, #tpu.memory_space<vmem>> -> memref<1x128xi32, #tpu.memory_space<vmem>>
        %dma_wait3A_723 = tpu.memref_squeeze %dma_wait3A_722 : memref<1x128xi32, #tpu.memory_space<vmem>> -> memref<128xi32, #tpu.memory_space<vmem>>
        %dma_wait3A_724 = arith.constant 0 : i32
        %dma_wait3A_725 = arith.constant 0 : i32
        %dma_wait3A_726 = tpu.memref_slice %arg3[%dma_wait3A_724, %dma_wait3A_725] : memref<10008x80xf32, #tpu.memory_space<hbm>> -> memref<10008x80xf32, #tpu.memory_space<hbm>>
        tpu.wait_indirect_dma semaphore(%arg17 : memref<!tpu.dma_semaphore, #tpu.memory_space<semaphore_mem>>) src(%dma_wait3A_726 : memref<10008x80xf32, #tpu.memory_space<hbm>>) dst(%arg10 : memref<128x80xf32, #tpu.memory_space<vmem>>)
        %dma_start3A_727 = arith.constant 0 : i32
        %dma_start3A_728 = tpu.memref_slice %arg6[%add3A_720, %dma_start3A_727] : memref<79x128xi32, #tpu.memory_space<vmem>> -> memref<1x128xi32, #tpu.memory_space<vmem>>
        %dma_start3A_729 = tpu.memref_squeeze %dma_start3A_728 : memref<1x128xi32, #tpu.memory_space<vmem>> -> memref<128xi32, #tpu.memory_space<vmem>>
        %dma_start3A_730 = arith.constant 0 : i32
        %dma_start3A_731 = arith.constant 0 : i32
        %dma_start3A_732 = tpu.memref_slice %arg11[%dma_start3A_730, %dma_start3A_731] : memref<13584x80xf32, #tpu.memory_space<vmem_shared>> -> memref<13584x80xf32, #tpu.memory_space<vmem_shared>>
        tpu.enqueue_indirect_dma source(%arg10 : memref<128x80xf32, #tpu.memory_space<vmem>>) target(%dma_start3A_732 : memref<13584x80xf32, #tpu.memory_space<vmem_shared>>) offsets(%dma_start3A_729 : memref<128xi32, #tpu.memory_space<vmem>>) semaphore(%arg21 : memref<!tpu.dma_semaphore, #tpu.memory_space<semaphore_mem>>) {add = true}
        %sub3A_733 = arith.constant 1 : i32
        %sub3A_734 = arith.subi %add3A_720, %sub3A_733 : i32
        %dma_wait3A_735 = arith.constant 0 : i32
        %dma_wait3A_736 = tpu.memref_slice %arg6[%sub3A_734, %dma_wait3A_735] : memref<79x128xi32, #tpu.memory_space<vmem>> -> memref<1x128xi32, #tpu.memory_space<vmem>>
        %dma_wait3A_737 = tpu.memref_squeeze %dma_wait3A_736 : memref<1x128xi32, #tpu.memory_space<vmem>> -> memref<128xi32, #tpu.memory_space<vmem>>
        %dma_wait3A_738 = arith.constant 0 : i32
        %dma_wait3A_739 = arith.constant 0 : i32
        %dma_wait3A_740 = tpu.memref_slice %arg11[%dma_wait3A_738, %dma_wait3A_739] : memref<13584x80xf32, #tpu.memory_space<vmem_shared>> -> memref<13584x80xf32, #tpu.memory_space<vmem_shared>>
        tpu.wait_indirect_dma semaphore(%arg20 : memref<!tpu.dma_semaphore, #tpu.memory_space<semaphore_mem>>) src(%arg9 : memref<128x80xf32, #tpu.memory_space<vmem>>) dst(%dma_wait3A_740 : memref<13584x80xf32, #tpu.memory_space<vmem_shared>>)
        %add3A_741 = arith.constant 3 : i32
        %add3A_742 = arith.addi %add3A_720, %add3A_741 : i32
        %dma_start3A_743 = arith.constant 0 : i32
        %dma_start3A_744 = tpu.memref_slice %arg5[%add3A_742, %dma_start3A_743] : memref<79x128xi32, #tpu.memory_space<vmem>> -> memref<1x128xi32, #tpu.memory_space<vmem>>
        %dma_start3A_745 = tpu.memref_squeeze %dma_start3A_744 : memref<1x128xi32, #tpu.memory_space<vmem>> -> memref<128xi32, #tpu.memory_space<vmem>>
        %dma_start3A_746 = arith.constant 0 : i32
        %dma_start3A_747 = arith.constant 0 : i32
        %dma_start3A_748 = tpu.memref_slice %arg3[%dma_start3A_746, %dma_start3A_747] : memref<10008x80xf32, #tpu.memory_space<hbm>> -> memref<10008x80xf32, #tpu.memory_space<hbm>>
        tpu.enqueue_indirect_dma source(%dma_start3A_748 : memref<10008x80xf32, #tpu.memory_space<hbm>>) target(%arg9 : memref<128x80xf32, #tpu.memory_space<vmem>>) offsets(%dma_start3A_745 : memref<128xi32, #tpu.memory_space<vmem>>) semaphore(%arg16 : memref<!tpu.dma_semaphore, #tpu.memory_space<semaphore_mem>>)
        %scan3A_749 = arith.constant 0 : i32
        scf.yield %scan3A_749 : i32
      }
      %scan3A_549 = arith.constant 18 : i32
      %dma_wait3A_550 = arith.constant 76 : i32
      %dma_wait3A_551 = arith.constant 0 : i32
      %dma_wait3A_552 = tpu.memref_slice %arg5[%dma_wait3A_550, %dma_wait3A_551] : memref<79x128xi32, #tpu.memory_space<vmem>> -> memref<1x128xi32, #tpu.memory_space<vmem>>
      %dma_wait3A_553 = tpu.memref_squeeze %dma_wait3A_552 : memref<1x128xi32, #tpu.memory_space<vmem>> -> memref<128xi32, #tpu.memory_space<vmem>>
      %dma_wait3A_554 = arith.constant 0 : i32
      %dma_wait3A_555 = arith.constant 0 : i32
      %dma_wait3A_556 = tpu.memref_slice %arg3[%dma_wait3A_554, %dma_wait3A_555] : memref<10008x80xf32, #tpu.memory_space<hbm>> -> memref<10008x80xf32, #tpu.memory_space<hbm>>
      tpu.wait_indirect_dma semaphore(%arg14 : memref<!tpu.dma_semaphore, #tpu.memory_space<semaphore_mem>>) src(%dma_wait3A_556 : memref<10008x80xf32, #tpu.memory_space<hbm>>) dst(%arg7 : memref<128x80xf32, #tpu.memory_space<vmem>>)
      %dma_start3A_557 = arith.constant 76 : i32
      %dma_start3A_558 = arith.constant 0 : i32
      %dma_start3A_559 = tpu.memref_slice %arg6[%dma_start3A_557, %dma_start3A_558] : memref<79x128xi32, #tpu.memory_space<vmem>> -> memref<1x128xi32, #tpu.memory_space<vmem>>
      %dma_start3A_560 = tpu.memref_squeeze %dma_start3A_559 : memref<1x128xi32, #tpu.memory_space<vmem>> -> memref<128xi32, #tpu.memory_space<vmem>>
      %dma_start3A_561 = arith.constant 0 : i32
      %dma_start3A_562 = arith.constant 0 : i32
      %dma_start3A_563 = tpu.memref_slice %arg11[%dma_start3A_561, %dma_start3A_562] : memref<13584x80xf32, #tpu.memory_space<vmem_shared>> -> memref<13584x80xf32, #tpu.memory_space<vmem_shared>>
      tpu.enqueue_indirect_dma source(%arg7 : memref<128x80xf32, #tpu.memory_space<vmem>>) target(%dma_start3A_563 : memref<13584x80xf32, #tpu.memory_space<vmem_shared>>) offsets(%dma_start3A_560 : memref<128xi32, #tpu.memory_space<vmem>>) semaphore(%arg18 : memref<!tpu.dma_semaphore, #tpu.memory_space<semaphore_mem>>) {add = true}
      %dma_wait3A_564 = arith.constant 75 : i32
      %dma_wait3A_565 = arith.constant 0 : i32
      %dma_wait3A_566 = tpu.memref_slice %arg6[%dma_wait3A_564, %dma_wait3A_565] : memref<79x128xi32, #tpu.memory_space<vmem>> -> memref<1x128xi32, #tpu.memory_space<vmem>>
      %dma_wait3A_567 = tpu.memref_squeeze %dma_wait3A_566 : memref<1x128xi32, #tpu.memory_space<vmem>> -> memref<128xi32, #tpu.memory_space<vmem>>
      %dma_wait3A_568 = arith.constant 0 : i32
      %dma_wait3A_569 = arith.constant 0 : i32
      %dma_wait3A_570 = tpu.memref_slice %arg11[%dma_wait3A_568, %dma_wait3A_569] : memref<13584x80xf32, #tpu.memory_space<vmem_shared>> -> memref<13584x80xf32, #tpu.memory_space<vmem_shared>>
      tpu.wait_indirect_dma semaphore(%arg21 : memref<!tpu.dma_semaphore, #tpu.memory_space<semaphore_mem>>) src(%arg10 : memref<128x80xf32, #tpu.memory_space<vmem>>) dst(%dma_wait3A_570 : memref<13584x80xf32, #tpu.memory_space<vmem_shared>>)
      %dma_wait3A_571 = arith.constant 77 : i32
      %dma_wait3A_572 = arith.constant 0 : i32
      %dma_wait3A_573 = tpu.memref_slice %arg5[%dma_wait3A_571, %dma_wait3A_572] : memref<79x128xi32, #tpu.memory_space<vmem>> -> memref<1x128xi32, #tpu.memory_space<vmem>>
      %dma_wait3A_574 = tpu.memref_squeeze %dma_wait3A_573 : memref<1x128xi32, #tpu.memory_space<vmem>> -> memref<128xi32, #tpu.memory_space<vmem>>
      %dma_wait3A_575 = arith.constant 0 : i32
      %dma_wait3A_576 = arith.constant 0 : i32
      %dma_wait3A_577 = tpu.memref_slice %arg3[%dma_wait3A_575, %dma_wait3A_576] : memref<10008x80xf32, #tpu.memory_space<hbm>> -> memref<10008x80xf32, #tpu.memory_space<hbm>>
      tpu.wait_indirect_dma semaphore(%arg15 : memref<!tpu.dma_semaphore, #tpu.memory_space<semaphore_mem>>) src(%dma_wait3A_577 : memref<10008x80xf32, #tpu.memory_space<hbm>>) dst(%arg8 : memref<128x80xf32, #tpu.memory_space<vmem>>)
      %dma_start3A_578 = arith.constant 77 : i32
      %dma_start3A_579 = arith.constant 0 : i32
      %dma_start3A_580 = tpu.memref_slice %arg6[%dma_start3A_578, %dma_start3A_579] : memref<79x128xi32, #tpu.memory_space<vmem>> -> memref<1x128xi32, #tpu.memory_space<vmem>>
      %dma_start3A_581 = tpu.memref_squeeze %dma_start3A_580 : memref<1x128xi32, #tpu.memory_space<vmem>> -> memref<128xi32, #tpu.memory_space<vmem>>
      %dma_start3A_582 = arith.constant 0 : i32
      %dma_start3A_583 = arith.constant 0 : i32
      %dma_start3A_584 = tpu.memref_slice %arg11[%dma_start3A_582, %dma_start3A_583] : memref<13584x80xf32, #tpu.memory_space<vmem_shared>> -> memref<13584x80xf32, #tpu.memory_space<vmem_shared>>
      tpu.enqueue_indirect_dma source(%arg8 : memref<128x80xf32, #tpu.memory_space<vmem>>) target(%dma_start3A_584 : memref<13584x80xf32, #tpu.memory_space<vmem_shared>>) offsets(%dma_start3A_581 : memref<128xi32, #tpu.memory_space<vmem>>) semaphore(%arg19 : memref<!tpu.dma_semaphore, #tpu.memory_space<semaphore_mem>>) {add = true}
      %dma_wait3A_585 = arith.constant 76 : i32
      %dma_wait3A_586 = arith.constant 0 : i32
      %dma_wait3A_587 = tpu.memref_slice %arg6[%dma_wait3A_585, %dma_wait3A_586] : memref<79x128xi32, #tpu.memory_space<vmem>> -> memref<1x128xi32, #tpu.memory_space<vmem>>
      %dma_wait3A_588 = tpu.memref_squeeze %dma_wait3A_587 : memref<1x128xi32, #tpu.memory_space<vmem>> -> memref<128xi32, #tpu.memory_space<vmem>>
      %dma_wait3A_589 = arith.constant 0 : i32
      %dma_wait3A_590 = arith.constant 0 : i32
      %dma_wait3A_591 = tpu.memref_slice %arg11[%dma_wait3A_589, %dma_wait3A_590] : memref<13584x80xf32, #tpu.memory_space<vmem_shared>> -> memref<13584x80xf32, #tpu.memory_space<vmem_shared>>
      tpu.wait_indirect_dma semaphore(%arg18 : memref<!tpu.dma_semaphore, #tpu.memory_space<semaphore_mem>>) src(%arg7 : memref<128x80xf32, #tpu.memory_space<vmem>>) dst(%dma_wait3A_591 : memref<13584x80xf32, #tpu.memory_space<vmem_shared>>)
      %dma_wait3A_592 = arith.constant 78 : i32
      %dma_wait3A_593 = arith.constant 0 : i32
      %dma_wait3A_594 = tpu.memref_slice %arg5[%dma_wait3A_592, %dma_wait3A_593] : memref<79x128xi32, #tpu.memory_space<vmem>> -> memref<1x128xi32, #tpu.memory_space<vmem>>
      %dma_wait3A_595 = tpu.memref_squeeze %dma_wait3A_594 : memref<1x128xi32, #tpu.memory_space<vmem>> -> memref<128xi32, #tpu.memory_space<vmem>>
      %dma_wait3A_596 = arith.constant 0 : i32
      %dma_wait3A_597 = arith.constant 0 : i32
      %dma_wait3A_598 = tpu.memref_slice %arg3[%dma_wait3A_596, %dma_wait3A_597] : memref<10008x80xf32, #tpu.memory_space<hbm>> -> memref<10008x80xf32, #tpu.memory_space<hbm>>
      tpu.wait_indirect_dma semaphore(%arg16 : memref<!tpu.dma_semaphore, #tpu.memory_space<semaphore_mem>>) src(%dma_wait3A_598 : memref<10008x80xf32, #tpu.memory_space<hbm>>) dst(%arg9 : memref<128x80xf32, #tpu.memory_space<vmem>>)
      %dma_start3A_599 = arith.constant 78 : i32
      %dma_start3A_600 = arith.constant 0 : i32
      %dma_start3A_601 = tpu.memref_slice %arg6[%dma_start3A_599, %dma_start3A_600] : memref<79x128xi32, #tpu.memory_space<vmem>> -> memref<1x128xi32, #tpu.memory_space<vmem>>
      %dma_start3A_602 = tpu.memref_squeeze %dma_start3A_601 : memref<1x128xi32, #tpu.memory_space<vmem>> -> memref<128xi32, #tpu.memory_space<vmem>>
      %dma_start3A_603 = arith.constant 0 : i32
      %dma_start3A_604 = arith.constant 0 : i32
      %dma_start3A_605 = tpu.memref_slice %arg11[%dma_start3A_603, %dma_start3A_604] : memref<13584x80xf32, #tpu.memory_space<vmem_shared>> -> memref<13584x80xf32, #tpu.memory_space<vmem_shared>>
      tpu.enqueue_indirect_dma source(%arg9 : memref<128x80xf32, #tpu.memory_space<vmem>>) target(%dma_start3A_605 : memref<13584x80xf32, #tpu.memory_space<vmem_shared>>) offsets(%dma_start3A_602 : memref<128xi32, #tpu.memory_space<vmem>>) semaphore(%arg20 : memref<!tpu.dma_semaphore, #tpu.memory_space<semaphore_mem>>) {add = true}
      %dma_wait3A_606 = arith.constant 77 : i32
      %dma_wait3A_607 = arith.constant 0 : i32
      %dma_wait3A_608 = tpu.memref_slice %arg6[%dma_wait3A_606, %dma_wait3A_607] : memref<79x128xi32, #tpu.memory_space<vmem>> -> memref<1x128xi32, #tpu.memory_space<vmem>>
      %dma_wait3A_609 = tpu.memref_squeeze %dma_wait3A_608 : memref<1x128xi32, #tpu.memory_space<vmem>> -> memref<128xi32, #tpu.memory_space<vmem>>
      %dma_wait3A_610 = arith.constant 0 : i32
      %dma_wait3A_611 = arith.constant 0 : i32
      %dma_wait3A_612 = tpu.memref_slice %arg11[%dma_wait3A_610, %dma_wait3A_611] : memref<13584x80xf32, #tpu.memory_space<vmem_shared>> -> memref<13584x80xf32, #tpu.memory_space<vmem_shared>>
      tpu.wait_indirect_dma semaphore(%arg19 : memref<!tpu.dma_semaphore, #tpu.memory_space<semaphore_mem>>) src(%arg8 : memref<128x80xf32, #tpu.memory_space<vmem>>) dst(%dma_wait3A_612 : memref<13584x80xf32, #tpu.memory_space<vmem_shared>>)
      %dma_wait3A_613 = arith.constant 78 : i32
      %dma_wait3A_614 = arith.constant 0 : i32
      %dma_wait3A_615 = tpu.memref_slice %arg6[%dma_wait3A_613, %dma_wait3A_614] : memref<79x128xi32, #tpu.memory_space<vmem>> -> memref<1x128xi32, #tpu.memory_space<vmem>>
      %dma_wait3A_616 = tpu.memref_squeeze %dma_wait3A_615 : memref<1x128xi32, #tpu.memory_space<vmem>> -> memref<128xi32, #tpu.memory_space<vmem>>
      %dma_wait3A_617 = arith.constant 0 : i32
      %dma_wait3A_618 = arith.constant 0 : i32
      %dma_wait3A_619 = tpu.memref_slice %arg11[%dma_wait3A_617, %dma_wait3A_618] : memref<13584x80xf32, #tpu.memory_space<vmem_shared>> -> memref<13584x80xf32, #tpu.memory_space<vmem_shared>>
      tpu.wait_indirect_dma semaphore(%arg20 : memref<!tpu.dma_semaphore, #tpu.memory_space<semaphore_mem>>) src(%arg9 : memref<128x80xf32, #tpu.memory_space<vmem>>) dst(%dma_wait3A_619 : memref<13584x80xf32, #tpu.memory_space<vmem_shared>>)
    } else {
    }
    %eq3A_146 = arith.constant 1 : i32
    %eq3A_147 = arith.cmpi eq, %arg0, %eq3A_146 : i32
    %convert_element_type3A_148 = arith.extui %eq3A_147 : i1 to i32
    %cond3A_149 = arith.constant 0 : i32
    %cond3A_150 = arith.cmpi ne, %convert_element_type3A_148, %cond3A_149 : i32
    scf.if %cond3A_150 {
      %dma_start3A_417 = arith.constant 0 : i32
      %dma_start3A_418 = arith.constant 0 : i32
      %dma_start3A_419 = tpu.memref_slice %arg5[%dma_start3A_417, %dma_start3A_418] : memref<79x128xi32, #tpu.memory_space<vmem>> -> memref<1x128xi32, #tpu.memory_space<vmem>>
      %dma_start3A_420 = tpu.memref_squeeze %dma_start3A_419 : memref<1x128xi32, #tpu.memory_space<vmem>> -> memref<128xi32, #tpu.memory_space<vmem>>
      %dma_start3A_421 = arith.constant 0 : i32
      %dma_start3A_422 = arith.constant 0 : i32
      %dma_start3A_423 = tpu.memref_slice %arg3[%dma_start3A_421, %dma_start3A_422] : memref<10008x80xf32, #tpu.memory_space<hbm>> -> memref<10008x80xf32, #tpu.memory_space<hbm>>
      tpu.enqueue_indirect_dma source(%dma_start3A_423 : memref<10008x80xf32, #tpu.memory_space<hbm>>) target(%arg7 : memref<128x80xf32, #tpu.memory_space<vmem>>) offsets(%dma_start3A_420 : memref<128xi32, #tpu.memory_space<vmem>>) semaphore(%arg14 : memref<!tpu.dma_semaphore, #tpu.memory_space<semaphore_mem>>)
      %dma_start3A_424 = arith.constant 1 : i32
      %dma_start3A_425 = arith.constant 0 : i32
      %dma_start3A_426 = tpu.memref_slice %arg5[%dma_start3A_424, %dma_start3A_425] : memref<79x128xi32, #tpu.memory_space<vmem>> -> memref<1x128xi32, #tpu.memory_space<vmem>>
      %dma_start3A_427 = tpu.memref_squeeze %dma_start3A_426 : memref<1x128xi32, #tpu.memory_space<vmem>> -> memref<128xi32, #tpu.memory_space<vmem>>
      %dma_start3A_428 = arith.constant 0 : i32
      %dma_start3A_429 = arith.constant 0 : i32
      %dma_start3A_430 = tpu.memref_slice %arg3[%dma_start3A_428, %dma_start3A_429] : memref<10008x80xf32, #tpu.memory_space<hbm>> -> memref<10008x80xf32, #tpu.memory_space<hbm>>
      tpu.enqueue_indirect_dma source(%dma_start3A_430 : memref<10008x80xf32, #tpu.memory_space<hbm>>) target(%arg8 : memref<128x80xf32, #tpu.memory_space<vmem>>) offsets(%dma_start3A_427 : memref<128xi32, #tpu.memory_space<vmem>>) semaphore(%arg15 : memref<!tpu.dma_semaphore, #tpu.memory_space<semaphore_mem>>)
      %dma_start3A_431 = arith.constant 2 : i32
      %dma_start3A_432 = arith.constant 0 : i32
      %dma_start3A_433 = tpu.memref_slice %arg5[%dma_start3A_431, %dma_start3A_432] : memref<79x128xi32, #tpu.memory_space<vmem>> -> memref<1x128xi32, #tpu.memory_space<vmem>>
      %dma_start3A_434 = tpu.memref_squeeze %dma_start3A_433 : memref<1x128xi32, #tpu.memory_space<vmem>> -> memref<128xi32, #tpu.memory_space<vmem>>
      %dma_start3A_435 = arith.constant 0 : i32
      %dma_start3A_436 = arith.constant 0 : i32
      %dma_start3A_437 = tpu.memref_slice %arg3[%dma_start3A_435, %dma_start3A_436] : memref<10008x80xf32, #tpu.memory_space<hbm>> -> memref<10008x80xf32, #tpu.memory_space<hbm>>
      tpu.enqueue_indirect_dma source(%dma_start3A_437 : memref<10008x80xf32, #tpu.memory_space<hbm>>) target(%arg9 : memref<128x80xf32, #tpu.memory_space<vmem>>) offsets(%dma_start3A_434 : memref<128xi32, #tpu.memory_space<vmem>>) semaphore(%arg16 : memref<!tpu.dma_semaphore, #tpu.memory_space<semaphore_mem>>)
      %dma_wait3A_438 = arith.constant 0 : i32
      %dma_wait3A_439 = arith.constant 0 : i32
      %dma_wait3A_440 = tpu.memref_slice %arg5[%dma_wait3A_438, %dma_wait3A_439] : memref<79x128xi32, #tpu.memory_space<vmem>> -> memref<1x128xi32, #tpu.memory_space<vmem>>
      %dma_wait3A_441 = tpu.memref_squeeze %dma_wait3A_440 : memref<1x128xi32, #tpu.memory_space<vmem>> -> memref<128xi32, #tpu.memory_space<vmem>>
      %dma_wait3A_442 = arith.constant 0 : i32
      %dma_wait3A_443 = arith.constant 0 : i32
      %dma_wait3A_444 = tpu.memref_slice %arg3[%dma_wait3A_442, %dma_wait3A_443] : memref<10008x80xf32, #tpu.memory_space<hbm>> -> memref<10008x80xf32, #tpu.memory_space<hbm>>
      tpu.wait_indirect_dma semaphore(%arg14 : memref<!tpu.dma_semaphore, #tpu.memory_space<semaphore_mem>>) src(%dma_wait3A_444 : memref<10008x80xf32, #tpu.memory_space<hbm>>) dst(%arg7 : memref<128x80xf32, #tpu.memory_space<vmem>>)
      %dma_start3A_445 = arith.constant 0 : i32
      %dma_start3A_446 = arith.constant 0 : i32
      %dma_start3A_447 = tpu.memref_slice %arg6[%dma_start3A_445, %dma_start3A_446] : memref<79x128xi32, #tpu.memory_space<vmem>> -> memref<1x128xi32, #tpu.memory_space<vmem>>
      %dma_start3A_448 = tpu.memref_squeeze %dma_start3A_447 : memref<1x128xi32, #tpu.memory_space<vmem>> -> memref<128xi32, #tpu.memory_space<vmem>>
      %dma_start3A_449 = arith.constant 0 : i32
      %dma_start3A_450 = arith.constant 0 : i32
      %dma_start3A_451 = tpu.memref_slice %arg11[%dma_start3A_449, %dma_start3A_450] : memref<13584x80xf32, #tpu.memory_space<vmem_shared>> -> memref<13584x80xf32, #tpu.memory_space<vmem_shared>>
      tpu.enqueue_indirect_dma source(%arg7 : memref<128x80xf32, #tpu.memory_space<vmem>>) target(%dma_start3A_451 : memref<13584x80xf32, #tpu.memory_space<vmem_shared>>) offsets(%dma_start3A_448 : memref<128xi32, #tpu.memory_space<vmem>>) semaphore(%arg18 : memref<!tpu.dma_semaphore, #tpu.memory_space<semaphore_mem>>) {add = true}
      %dma_start3A_452 = arith.constant 3 : i32
      %dma_start3A_453 = arith.constant 0 : i32
      %dma_start3A_454 = tpu.memref_slice %arg5[%dma_start3A_452, %dma_start3A_453] : memref<79x128xi32, #tpu.memory_space<vmem>> -> memref<1x128xi32, #tpu.memory_space<vmem>>
      %dma_start3A_455 = tpu.memref_squeeze %dma_start3A_454 : memref<1x128xi32, #tpu.memory_space<vmem>> -> memref<128xi32, #tpu.memory_space<vmem>>
      %dma_start3A_456 = arith.constant 0 : i32
      %dma_start3A_457 = arith.constant 0 : i32
      %dma_start3A_458 = tpu.memref_slice %arg3[%dma_start3A_456, %dma_start3A_457] : memref<10008x80xf32, #tpu.memory_space<hbm>> -> memref<10008x80xf32, #tpu.memory_space<hbm>>
      tpu.enqueue_indirect_dma source(%dma_start3A_458 : memref<10008x80xf32, #tpu.memory_space<hbm>>) target(%arg10 : memref<128x80xf32, #tpu.memory_space<vmem>>) offsets(%dma_start3A_455 : memref<128xi32, #tpu.memory_space<vmem>>) semaphore(%arg17 : memref<!tpu.dma_semaphore, #tpu.memory_space<semaphore_mem>>)
      %dma_wait3A_459 = arith.constant 1 : i32
      %dma_wait3A_460 = arith.constant 0 : i32
      %dma_wait3A_461 = tpu.memref_slice %arg5[%dma_wait3A_459, %dma_wait3A_460] : memref<79x128xi32, #tpu.memory_space<vmem>> -> memref<1x128xi32, #tpu.memory_space<vmem>>
      %dma_wait3A_462 = tpu.memref_squeeze %dma_wait3A_461 : memref<1x128xi32, #tpu.memory_space<vmem>> -> memref<128xi32, #tpu.memory_space<vmem>>
      %dma_wait3A_463 = arith.constant 0 : i32
      %dma_wait3A_464 = arith.constant 0 : i32
      %dma_wait3A_465 = tpu.memref_slice %arg3[%dma_wait3A_463, %dma_wait3A_464] : memref<10008x80xf32, #tpu.memory_space<hbm>> -> memref<10008x80xf32, #tpu.memory_space<hbm>>
      tpu.wait_indirect_dma semaphore(%arg15 : memref<!tpu.dma_semaphore, #tpu.memory_space<semaphore_mem>>) src(%dma_wait3A_465 : memref<10008x80xf32, #tpu.memory_space<hbm>>) dst(%arg8 : memref<128x80xf32, #tpu.memory_space<vmem>>)
      %dma_start3A_466 = arith.constant 1 : i32
      %dma_start3A_467 = arith.constant 0 : i32
      %dma_start3A_468 = tpu.memref_slice %arg6[%dma_start3A_466, %dma_start3A_467] : memref<79x128xi32, #tpu.memory_space<vmem>> -> memref<1x128xi32, #tpu.memory_space<vmem>>
      %dma_start3A_469 = tpu.memref_squeeze %dma_start3A_468 : memref<1x128xi32, #tpu.memory_space<vmem>> -> memref<128xi32, #tpu.memory_space<vmem>>
      %dma_start3A_470 = arith.constant 0 : i32
      %dma_start3A_471 = arith.constant 0 : i32
      %dma_start3A_472 = tpu.memref_slice %arg11[%dma_start3A_470, %dma_start3A_471] : memref<13584x80xf32, #tpu.memory_space<vmem_shared>> -> memref<13584x80xf32, #tpu.memory_space<vmem_shared>>
      tpu.enqueue_indirect_dma source(%arg8 : memref<128x80xf32, #tpu.memory_space<vmem>>) target(%dma_start3A_472 : memref<13584x80xf32, #tpu.memory_space<vmem_shared>>) offsets(%dma_start3A_469 : memref<128xi32, #tpu.memory_space<vmem>>) semaphore(%arg19 : memref<!tpu.dma_semaphore, #tpu.memory_space<semaphore_mem>>) {add = true}
      %dma_wait3A_473 = arith.constant 0 : i32
      %dma_wait3A_474 = arith.constant 0 : i32
      %dma_wait3A_475 = tpu.memref_slice %arg6[%dma_wait3A_473, %dma_wait3A_474] : memref<79x128xi32, #tpu.memory_space<vmem>> -> memref<1x128xi32, #tpu.memory_space<vmem>>
      %dma_wait3A_476 = tpu.memref_squeeze %dma_wait3A_475 : memref<1x128xi32, #tpu.memory_space<vmem>> -> memref<128xi32, #tpu.memory_space<vmem>>
      %dma_wait3A_477 = arith.constant 0 : i32
      %dma_wait3A_478 = arith.constant 0 : i32
      %dma_wait3A_479 = tpu.memref_slice %arg11[%dma_wait3A_477, %dma_wait3A_478] : memref<13584x80xf32, #tpu.memory_space<vmem_shared>> -> memref<13584x80xf32, #tpu.memory_space<vmem_shared>>
      tpu.wait_indirect_dma semaphore(%arg18 : memref<!tpu.dma_semaphore, #tpu.memory_space<semaphore_mem>>) src(%arg7 : memref<128x80xf32, #tpu.memory_space<vmem>>) dst(%dma_wait3A_479 : memref<13584x80xf32, #tpu.memory_space<vmem_shared>>)
      %dma_start3A_480 = arith.constant 4 : i32
      %dma_start3A_481 = arith.constant 0 : i32
      %dma_start3A_482 = tpu.memref_slice %arg5[%dma_start3A_480, %dma_start3A_481] : memref<79x128xi32, #tpu.memory_space<vmem>> -> memref<1x128xi32, #tpu.memory_space<vmem>>
      %dma_start3A_483 = tpu.memref_squeeze %dma_start3A_482 : memref<1x128xi32, #tpu.memory_space<vmem>> -> memref<128xi32, #tpu.memory_space<vmem>>
      %dma_start3A_484 = arith.constant 0 : i32
      %dma_start3A_485 = arith.constant 0 : i32
      %dma_start3A_486 = tpu.memref_slice %arg3[%dma_start3A_484, %dma_start3A_485] : memref<10008x80xf32, #tpu.memory_space<hbm>> -> memref<10008x80xf32, #tpu.memory_space<hbm>>
      tpu.enqueue_indirect_dma source(%dma_start3A_486 : memref<10008x80xf32, #tpu.memory_space<hbm>>) target(%arg7 : memref<128x80xf32, #tpu.memory_space<vmem>>) offsets(%dma_start3A_483 : memref<128xi32, #tpu.memory_space<vmem>>) semaphore(%arg14 : memref<!tpu.dma_semaphore, #tpu.memory_space<semaphore_mem>>)
      %dma_wait3A_487 = arith.constant 2 : i32
      %dma_wait3A_488 = arith.constant 0 : i32
      %dma_wait3A_489 = tpu.memref_slice %arg5[%dma_wait3A_487, %dma_wait3A_488] : memref<79x128xi32, #tpu.memory_space<vmem>> -> memref<1x128xi32, #tpu.memory_space<vmem>>
      %dma_wait3A_490 = tpu.memref_squeeze %dma_wait3A_489 : memref<1x128xi32, #tpu.memory_space<vmem>> -> memref<128xi32, #tpu.memory_space<vmem>>
      %dma_wait3A_491 = arith.constant 0 : i32
      %dma_wait3A_492 = arith.constant 0 : i32
      %dma_wait3A_493 = tpu.memref_slice %arg3[%dma_wait3A_491, %dma_wait3A_492] : memref<10008x80xf32, #tpu.memory_space<hbm>> -> memref<10008x80xf32, #tpu.memory_space<hbm>>
      tpu.wait_indirect_dma semaphore(%arg16 : memref<!tpu.dma_semaphore, #tpu.memory_space<semaphore_mem>>) src(%dma_wait3A_493 : memref<10008x80xf32, #tpu.memory_space<hbm>>) dst(%arg9 : memref<128x80xf32, #tpu.memory_space<vmem>>)
      %dma_start3A_494 = arith.constant 2 : i32
      %dma_start3A_495 = arith.constant 0 : i32
      %dma_start3A_496 = tpu.memref_slice %arg6[%dma_start3A_494, %dma_start3A_495] : memref<79x128xi32, #tpu.memory_space<vmem>> -> memref<1x128xi32, #tpu.memory_space<vmem>>
      %dma_start3A_497 = tpu.memref_squeeze %dma_start3A_496 : memref<1x128xi32, #tpu.memory_space<vmem>> -> memref<128xi32, #tpu.memory_space<vmem>>
      %dma_start3A_498 = arith.constant 0 : i32
      %dma_start3A_499 = arith.constant 0 : i32
      %dma_start3A_500 = tpu.memref_slice %arg11[%dma_start3A_498, %dma_start3A_499] : memref<13584x80xf32, #tpu.memory_space<vmem_shared>> -> memref<13584x80xf32, #tpu.memory_space<vmem_shared>>
      tpu.enqueue_indirect_dma source(%arg9 : memref<128x80xf32, #tpu.memory_space<vmem>>) target(%dma_start3A_500 : memref<13584x80xf32, #tpu.memory_space<vmem_shared>>) offsets(%dma_start3A_497 : memref<128xi32, #tpu.memory_space<vmem>>) semaphore(%arg20 : memref<!tpu.dma_semaphore, #tpu.memory_space<semaphore_mem>>) {add = true}
      %dma_wait3A_501 = arith.constant 1 : i32
      %dma_wait3A_502 = arith.constant 0 : i32
      %dma_wait3A_503 = tpu.memref_slice %arg6[%dma_wait3A_501, %dma_wait3A_502] : memref<79x128xi32, #tpu.memory_space<vmem>> -> memref<1x128xi32, #tpu.memory_space<vmem>>
      %dma_wait3A_504 = tpu.memref_squeeze %dma_wait3A_503 : memref<1x128xi32, #tpu.memory_space<vmem>> -> memref<128xi32, #tpu.memory_space<vmem>>
      %dma_wait3A_505 = arith.constant 0 : i32
      %dma_wait3A_506 = arith.constant 0 : i32
      %dma_wait3A_507 = tpu.memref_slice %arg11[%dma_wait3A_505, %dma_wait3A_506] : memref<13584x80xf32, #tpu.memory_space<vmem_shared>> -> memref<13584x80xf32, #tpu.memory_space<vmem_shared>>
      tpu.wait_indirect_dma semaphore(%arg19 : memref<!tpu.dma_semaphore, #tpu.memory_space<semaphore_mem>>) src(%arg8 : memref<128x80xf32, #tpu.memory_space<vmem>>) dst(%dma_wait3A_507 : memref<13584x80xf32, #tpu.memory_space<vmem_shared>>)
      %dma_start3A_508 = arith.constant 5 : i32
      %dma_start3A_509 = arith.constant 0 : i32
      %dma_start3A_510 = tpu.memref_slice %arg5[%dma_start3A_508, %dma_start3A_509] : memref<79x128xi32, #tpu.memory_space<vmem>> -> memref<1x128xi32, #tpu.memory_space<vmem>>
      %dma_start3A_511 = tpu.memref_squeeze %dma_start3A_510 : memref<1x128xi32, #tpu.memory_space<vmem>> -> memref<128xi32, #tpu.memory_space<vmem>>
      %dma_start3A_512 = arith.constant 0 : i32
      %dma_start3A_513 = arith.constant 0 : i32
      %dma_start3A_514 = tpu.memref_slice %arg3[%dma_start3A_512, %dma_start3A_513] : memref<10008x80xf32, #tpu.memory_space<hbm>> -> memref<10008x80xf32, #tpu.memory_space<hbm>>
      tpu.enqueue_indirect_dma source(%dma_start3A_514 : memref<10008x80xf32, #tpu.memory_space<hbm>>) target(%arg8 : memref<128x80xf32, #tpu.memory_space<vmem>>) offsets(%dma_start3A_511 : memref<128xi32, #tpu.memory_space<vmem>>) semaphore(%arg15 : memref<!tpu.dma_semaphore, #tpu.memory_space<semaphore_mem>>)
      %dma_wait3A_515 = arith.constant 3 : i32
      %dma_wait3A_516 = arith.constant 0 : i32
      %dma_wait3A_517 = tpu.memref_slice %arg5[%dma_wait3A_515, %dma_wait3A_516] : memref<79x128xi32, #tpu.memory_space<vmem>> -> memref<1x128xi32, #tpu.memory_space<vmem>>
      %dma_wait3A_518 = tpu.memref_squeeze %dma_wait3A_517 : memref<1x128xi32, #tpu.memory_space<vmem>> -> memref<128xi32, #tpu.memory_space<vmem>>
      %dma_wait3A_519 = arith.constant 0 : i32
      %dma_wait3A_520 = arith.constant 0 : i32
      %dma_wait3A_521 = tpu.memref_slice %arg3[%dma_wait3A_519, %dma_wait3A_520] : memref<10008x80xf32, #tpu.memory_space<hbm>> -> memref<10008x80xf32, #tpu.memory_space<hbm>>
      tpu.wait_indirect_dma semaphore(%arg17 : memref<!tpu.dma_semaphore, #tpu.memory_space<semaphore_mem>>) src(%dma_wait3A_521 : memref<10008x80xf32, #tpu.memory_space<hbm>>) dst(%arg10 : memref<128x80xf32, #tpu.memory_space<vmem>>)
      %dma_start3A_522 = arith.constant 3 : i32
      %dma_start3A_523 = arith.constant 0 : i32
      %dma_start3A_524 = tpu.memref_slice %arg6[%dma_start3A_522, %dma_start3A_523] : memref<79x128xi32, #tpu.memory_space<vmem>> -> memref<1x128xi32, #tpu.memory_space<vmem>>
      %dma_start3A_525 = tpu.memref_squeeze %dma_start3A_524 : memref<1x128xi32, #tpu.memory_space<vmem>> -> memref<128xi32, #tpu.memory_space<vmem>>
      %dma_start3A_526 = arith.constant 0 : i32
      %dma_start3A_527 = arith.constant 0 : i32
      %dma_start3A_528 = tpu.memref_slice %arg11[%dma_start3A_526, %dma_start3A_527] : memref<13584x80xf32, #tpu.memory_space<vmem_shared>> -> memref<13584x80xf32, #tpu.memory_space<vmem_shared>>
      tpu.enqueue_indirect_dma source(%arg10 : memref<128x80xf32, #tpu.memory_space<vmem>>) target(%dma_start3A_528 : memref<13584x80xf32, #tpu.memory_space<vmem_shared>>) offsets(%dma_start3A_525 : memref<128xi32, #tpu.memory_space<vmem>>) semaphore(%arg21 : memref<!tpu.dma_semaphore, #tpu.memory_space<semaphore_mem>>) {add = true}
      %dma_wait3A_529 = arith.constant 2 : i32
      %dma_wait3A_530 = arith.constant 0 : i32
      %dma_wait3A_531 = tpu.memref_slice %arg6[%dma_wait3A_529, %dma_wait3A_530] : memref<79x128xi32, #tpu.memory_space<vmem>> -> memref<1x128xi32, #tpu.memory_space<vmem>>
      %dma_wait3A_532 = tpu.memref_squeeze %dma_wait3A_531 : memref<1x128xi32, #tpu.memory_space<vmem>> -> memref<128xi32, #tpu.memory_space<vmem>>
      %dma_wait3A_533 = arith.constant 0 : i32
      %dma_wait3A_534 = arith.constant 0 : i32
      %dma_wait3A_535 = tpu.memref_slice %arg11[%dma_wait3A_533, %dma_wait3A_534] : memref<13584x80xf32, #tpu.memory_space<vmem_shared>> -> memref<13584x80xf32, #tpu.memory_space<vmem_shared>>
      tpu.wait_indirect_dma semaphore(%arg20 : memref<!tpu.dma_semaphore, #tpu.memory_space<semaphore_mem>>) src(%arg9 : memref<128x80xf32, #tpu.memory_space<vmem>>) dst(%dma_wait3A_535 : memref<13584x80xf32, #tpu.memory_space<vmem_shared>>)
      %dma_start3A_536 = arith.constant 6 : i32
      %dma_start3A_537 = arith.constant 0 : i32
      %dma_start3A_538 = tpu.memref_slice %arg5[%dma_start3A_536, %dma_start3A_537] : memref<79x128xi32, #tpu.memory_space<vmem>> -> memref<1x128xi32, #tpu.memory_space<vmem>>
      %dma_start3A_539 = tpu.memref_squeeze %dma_start3A_538 : memref<1x128xi32, #tpu.memory_space<vmem>> -> memref<128xi32, #tpu.memory_space<vmem>>
      %dma_start3A_540 = arith.constant 0 : i32
      %dma_start3A_541 = arith.constant 0 : i32
      %dma_start3A_542 = tpu.memref_slice %arg3[%dma_start3A_540, %dma_start3A_541] : memref<10008x80xf32, #tpu.memory_space<hbm>> -> memref<10008x80xf32, #tpu.memory_space<hbm>>
      tpu.enqueue_indirect_dma source(%dma_start3A_542 : memref<10008x80xf32, #tpu.memory_space<hbm>>) target(%arg9 : memref<128x80xf32, #tpu.memory_space<vmem>>) offsets(%dma_start3A_539 : memref<128xi32, #tpu.memory_space<vmem>>) semaphore(%arg16 : memref<!tpu.dma_semaphore, #tpu.memory_space<semaphore_mem>>)
      %scan3A_543 = arith.constant 0 : i32
      %scan3A_544 = arith.constant 1 : i32
      %scan3A_545 = arith.constant 18 : i32
      %scan3A_546 = arith.addi %scan3A_544, %scan3A_545 : i32
      %scan3A_547 = arith.constant 1 : i32
      %scan3A_548 = scf.for %scan3A_620 = %scan3A_544 to %scan3A_546 step %scan3A_547 iter_args(%scan3A_621 = %scan3A_543) -> (i32)  : i32 {
        %mul3A_622 = arith.constant 4 : i32
        %mul3A_623 = arith.muli %scan3A_620, %mul3A_622 : i32
        %add3A_624 = arith.constant 0 : i32
        %add3A_625 = arith.addi %mul3A_623, %add3A_624 : i32
        %dma_wait3A_626 = arith.constant 0 : i32
        %dma_wait3A_627 = tpu.memref_slice %arg5[%add3A_625, %dma_wait3A_626] : memref<79x128xi32, #tpu.memory_space<vmem>> -> memref<1x128xi32, #tpu.memory_space<vmem>>
        %dma_wait3A_628 = tpu.memref_squeeze %dma_wait3A_627 : memref<1x128xi32, #tpu.memory_space<vmem>> -> memref<128xi32, #tpu.memory_space<vmem>>
        %dma_wait3A_629 = arith.constant 0 : i32
        %dma_wait3A_630 = arith.constant 0 : i32
        %dma_wait3A_631 = tpu.memref_slice %arg3[%dma_wait3A_629, %dma_wait3A_630] : memref<10008x80xf32, #tpu.memory_space<hbm>> -> memref<10008x80xf32, #tpu.memory_space<hbm>>
        tpu.wait_indirect_dma semaphore(%arg14 : memref<!tpu.dma_semaphore, #tpu.memory_space<semaphore_mem>>) src(%dma_wait3A_631 : memref<10008x80xf32, #tpu.memory_space<hbm>>) dst(%arg7 : memref<128x80xf32, #tpu.memory_space<vmem>>)
        %dma_start3A_632 = arith.constant 0 : i32
        %dma_start3A_633 = tpu.memref_slice %arg6[%add3A_625, %dma_start3A_632] : memref<79x128xi32, #tpu.memory_space<vmem>> -> memref<1x128xi32, #tpu.memory_space<vmem>>
        %dma_start3A_634 = tpu.memref_squeeze %dma_start3A_633 : memref<1x128xi32, #tpu.memory_space<vmem>> -> memref<128xi32, #tpu.memory_space<vmem>>
        %dma_start3A_635 = arith.constant 0 : i32
        %dma_start3A_636 = arith.constant 0 : i32
        %dma_start3A_637 = tpu.memref_slice %arg11[%dma_start3A_635, %dma_start3A_636] : memref<13584x80xf32, #tpu.memory_space<vmem_shared>> -> memref<13584x80xf32, #tpu.memory_space<vmem_shared>>
        tpu.enqueue_indirect_dma source(%arg7 : memref<128x80xf32, #tpu.memory_space<vmem>>) target(%dma_start3A_637 : memref<13584x80xf32, #tpu.memory_space<vmem_shared>>) offsets(%dma_start3A_634 : memref<128xi32, #tpu.memory_space<vmem>>) semaphore(%arg18 : memref<!tpu.dma_semaphore, #tpu.memory_space<semaphore_mem>>) {add = true}
        %sub3A = arith.constant 1 : i32
        %sub3A_638 = arith.subi %add3A_625, %sub3A : i32
        %dma_wait3A_639 = arith.constant 0 : i32
        %dma_wait3A_640 = tpu.memref_slice %arg6[%sub3A_638, %dma_wait3A_639] : memref<79x128xi32, #tpu.memory_space<vmem>> -> memref<1x128xi32, #tpu.memory_space<vmem>>
        %dma_wait3A_641 = tpu.memref_squeeze %dma_wait3A_640 : memref<1x128xi32, #tpu.memory_space<vmem>> -> memref<128xi32, #tpu.memory_space<vmem>>
        %dma_wait3A_642 = arith.constant 0 : i32
        %dma_wait3A_643 = arith.constant 0 : i32
        %dma_wait3A_644 = tpu.memref_slice %arg11[%dma_wait3A_642, %dma_wait3A_643] : memref<13584x80xf32, #tpu.memory_space<vmem_shared>> -> memref<13584x80xf32, #tpu.memory_space<vmem_shared>>
        tpu.wait_indirect_dma semaphore(%arg21 : memref<!tpu.dma_semaphore, #tpu.memory_space<semaphore_mem>>) src(%arg10 : memref<128x80xf32, #tpu.memory_space<vmem>>) dst(%dma_wait3A_644 : memref<13584x80xf32, #tpu.memory_space<vmem_shared>>)
        %add3A_645 = arith.constant 3 : i32
        %add3A_646 = arith.addi %add3A_625, %add3A_645 : i32
        %dma_start3A_647 = arith.constant 0 : i32
        %dma_start3A_648 = tpu.memref_slice %arg5[%add3A_646, %dma_start3A_647] : memref<79x128xi32, #tpu.memory_space<vmem>> -> memref<1x128xi32, #tpu.memory_space<vmem>>
        %dma_start3A_649 = tpu.memref_squeeze %dma_start3A_648 : memref<1x128xi32, #tpu.memory_space<vmem>> -> memref<128xi32, #tpu.memory_space<vmem>>
        %dma_start3A_650 = arith.constant 0 : i32
        %dma_start3A_651 = arith.constant 0 : i32
        %dma_start3A_652 = tpu.memref_slice %arg3[%dma_start3A_650, %dma_start3A_651] : memref<10008x80xf32, #tpu.memory_space<hbm>> -> memref<10008x80xf32, #tpu.memory_space<hbm>>
        tpu.enqueue_indirect_dma source(%dma_start3A_652 : memref<10008x80xf32, #tpu.memory_space<hbm>>) target(%arg10 : memref<128x80xf32, #tpu.memory_space<vmem>>) offsets(%dma_start3A_649 : memref<128xi32, #tpu.memory_space<vmem>>) semaphore(%arg17 : memref<!tpu.dma_semaphore, #tpu.memory_space<semaphore_mem>>)
        %mul3A_653 = arith.constant 4 : i32
        %mul3A_654 = arith.muli %scan3A_620, %mul3A_653 : i32
        %add3A_655 = arith.constant 1 : i32
        %add3A_656 = arith.addi %mul3A_654, %add3A_655 : i32
        %dma_wait3A_657 = arith.constant 0 : i32
        %dma_wait3A_658 = tpu.memref_slice %arg5[%add3A_656, %dma_wait3A_657] : memref<79x128xi32, #tpu.memory_space<vmem>> -> memref<1x128xi32, #tpu.memory_space<vmem>>
        %dma_wait3A_659 = tpu.memref_squeeze %dma_wait3A_658 : memref<1x128xi32, #tpu.memory_space<vmem>> -> memref<128xi32, #tpu.memory_space<vmem>>
        %dma_wait3A_660 = arith.constant 0 : i32
        %dma_wait3A_661 = arith.constant 0 : i32
        %dma_wait3A_662 = tpu.memref_slice %arg3[%dma_wait3A_660, %dma_wait3A_661] : memref<10008x80xf32, #tpu.memory_space<hbm>> -> memref<10008x80xf32, #tpu.memory_space<hbm>>
        tpu.wait_indirect_dma semaphore(%arg15 : memref<!tpu.dma_semaphore, #tpu.memory_space<semaphore_mem>>) src(%dma_wait3A_662 : memref<10008x80xf32, #tpu.memory_space<hbm>>) dst(%arg8 : memref<128x80xf32, #tpu.memory_space<vmem>>)
        %dma_start3A_663 = arith.constant 0 : i32
        %dma_start3A_664 = tpu.memref_slice %arg6[%add3A_656, %dma_start3A_663] : memref<79x128xi32, #tpu.memory_space<vmem>> -> memref<1x128xi32, #tpu.memory_space<vmem>>
        %dma_start3A_665 = tpu.memref_squeeze %dma_start3A_664 : memref<1x128xi32, #tpu.memory_space<vmem>> -> memref<128xi32, #tpu.memory_space<vmem>>
        %dma_start3A_666 = arith.constant 0 : i32
        %dma_start3A_667 = arith.constant 0 : i32
        %dma_start3A_668 = tpu.memref_slice %arg11[%dma_start3A_666, %dma_start3A_667] : memref<13584x80xf32, #tpu.memory_space<vmem_shared>> -> memref<13584x80xf32, #tpu.memory_space<vmem_shared>>
        tpu.enqueue_indirect_dma source(%arg8 : memref<128x80xf32, #tpu.memory_space<vmem>>) target(%dma_start3A_668 : memref<13584x80xf32, #tpu.memory_space<vmem_shared>>) offsets(%dma_start3A_665 : memref<128xi32, #tpu.memory_space<vmem>>) semaphore(%arg19 : memref<!tpu.dma_semaphore, #tpu.memory_space<semaphore_mem>>) {add = true}
        %sub3A_669 = arith.constant 1 : i32
        %sub3A_670 = arith.subi %add3A_656, %sub3A_669 : i32
        %dma_wait3A_671 = arith.constant 0 : i32
        %dma_wait3A_672 = tpu.memref_slice %arg6[%sub3A_670, %dma_wait3A_671] : memref<79x128xi32, #tpu.memory_space<vmem>> -> memref<1x128xi32, #tpu.memory_space<vmem>>
        %dma_wait3A_673 = tpu.memref_squeeze %dma_wait3A_672 : memref<1x128xi32, #tpu.memory_space<vmem>> -> memref<128xi32, #tpu.memory_space<vmem>>
        %dma_wait3A_674 = arith.constant 0 : i32
        %dma_wait3A_675 = arith.constant 0 : i32
        %dma_wait3A_676 = tpu.memref_slice %arg11[%dma_wait3A_674, %dma_wait3A_675] : memref<13584x80xf32, #tpu.memory_space<vmem_shared>> -> memref<13584x80xf32, #tpu.memory_space<vmem_shared>>
        tpu.wait_indirect_dma semaphore(%arg18 : memref<!tpu.dma_semaphore, #tpu.memory_space<semaphore_mem>>) src(%arg7 : memref<128x80xf32, #tpu.memory_space<vmem>>) dst(%dma_wait3A_676 : memref<13584x80xf32, #tpu.memory_space<vmem_shared>>)
        %add3A_677 = arith.constant 3 : i32
        %add3A_678 = arith.addi %add3A_656, %add3A_677 : i32
        %dma_start3A_679 = arith.constant 0 : i32
        %dma_start3A_680 = tpu.memref_slice %arg5[%add3A_678, %dma_start3A_679] : memref<79x128xi32, #tpu.memory_space<vmem>> -> memref<1x128xi32, #tpu.memory_space<vmem>>
        %dma_start3A_681 = tpu.memref_squeeze %dma_start3A_680 : memref<1x128xi32, #tpu.memory_space<vmem>> -> memref<128xi32, #tpu.memory_space<vmem>>
        %dma_start3A_682 = arith.constant 0 : i32
        %dma_start3A_683 = arith.constant 0 : i32
        %dma_start3A_684 = tpu.memref_slice %arg3[%dma_start3A_682, %dma_start3A_683] : memref<10008x80xf32, #tpu.memory_space<hbm>> -> memref<10008x80xf32, #tpu.memory_space<hbm>>
        tpu.enqueue_indirect_dma source(%dma_start3A_684 : memref<10008x80xf32, #tpu.memory_space<hbm>>) target(%arg7 : memref<128x80xf32, #tpu.memory_space<vmem>>) offsets(%dma_start3A_681 : memref<128xi32, #tpu.memory_space<vmem>>) semaphore(%arg14 : memref<!tpu.dma_semaphore, #tpu.memory_space<semaphore_mem>>)
        %mul3A_685 = arith.constant 4 : i32
        %mul3A_686 = arith.muli %scan3A_620, %mul3A_685 : i32
        %add3A_687 = arith.constant 2 : i32
        %add3A_688 = arith.addi %mul3A_686, %add3A_687 : i32
        %dma_wait3A_689 = arith.constant 0 : i32
        %dma_wait3A_690 = tpu.memref_slice %arg5[%add3A_688, %dma_wait3A_689] : memref<79x128xi32, #tpu.memory_space<vmem>> -> memref<1x128xi32, #tpu.memory_space<vmem>>
        %dma_wait3A_691 = tpu.memref_squeeze %dma_wait3A_690 : memref<1x128xi32, #tpu.memory_space<vmem>> -> memref<128xi32, #tpu.memory_space<vmem>>
        %dma_wait3A_692 = arith.constant 0 : i32
        %dma_wait3A_693 = arith.constant 0 : i32
        %dma_wait3A_694 = tpu.memref_slice %arg3[%dma_wait3A_692, %dma_wait3A_693] : memref<10008x80xf32, #tpu.memory_space<hbm>> -> memref<10008x80xf32, #tpu.memory_space<hbm>>
        tpu.wait_indirect_dma semaphore(%arg16 : memref<!tpu.dma_semaphore, #tpu.memory_space<semaphore_mem>>) src(%dma_wait3A_694 : memref<10008x80xf32, #tpu.memory_space<hbm>>) dst(%arg9 : memref<128x80xf32, #tpu.memory_space<vmem>>)
        %dma_start3A_695 = arith.constant 0 : i32
        %dma_start3A_696 = tpu.memref_slice %arg6[%add3A_688, %dma_start3A_695] : memref<79x128xi32, #tpu.memory_space<vmem>> -> memref<1x128xi32, #tpu.memory_space<vmem>>
        %dma_start3A_697 = tpu.memref_squeeze %dma_start3A_696 : memref<1x128xi32, #tpu.memory_space<vmem>> -> memref<128xi32, #tpu.memory_space<vmem>>
        %dma_start3A_698 = arith.constant 0 : i32
        %dma_start3A_699 = arith.constant 0 : i32
        %dma_start3A_700 = tpu.memref_slice %arg11[%dma_start3A_698, %dma_start3A_699] : memref<13584x80xf32, #tpu.memory_space<vmem_shared>> -> memref<13584x80xf32, #tpu.memory_space<vmem_shared>>
        tpu.enqueue_indirect_dma source(%arg9 : memref<128x80xf32, #tpu.memory_space<vmem>>) target(%dma_start3A_700 : memref<13584x80xf32, #tpu.memory_space<vmem_shared>>) offsets(%dma_start3A_697 : memref<128xi32, #tpu.memory_space<vmem>>) semaphore(%arg20 : memref<!tpu.dma_semaphore, #tpu.memory_space<semaphore_mem>>) {add = true}
        %sub3A_701 = arith.constant 1 : i32
        %sub3A_702 = arith.subi %add3A_688, %sub3A_701 : i32
        %dma_wait3A_703 = arith.constant 0 : i32
        %dma_wait3A_704 = tpu.memref_slice %arg6[%sub3A_702, %dma_wait3A_703] : memref<79x128xi32, #tpu.memory_space<vmem>> -> memref<1x128xi32, #tpu.memory_space<vmem>>
        %dma_wait3A_705 = tpu.memref_squeeze %dma_wait3A_704 : memref<1x128xi32, #tpu.memory_space<vmem>> -> memref<128xi32, #tpu.memory_space<vmem>>
        %dma_wait3A_706 = arith.constant 0 : i32
        %dma_wait3A_707 = arith.constant 0 : i32
        %dma_wait3A_708 = tpu.memref_slice %arg11[%dma_wait3A_706, %dma_wait3A_707] : memref<13584x80xf32, #tpu.memory_space<vmem_shared>> -> memref<13584x80xf32, #tpu.memory_space<vmem_shared>>
        tpu.wait_indirect_dma semaphore(%arg19 : memref<!tpu.dma_semaphore, #tpu.memory_space<semaphore_mem>>) src(%arg8 : memref<128x80xf32, #tpu.memory_space<vmem>>) dst(%dma_wait3A_708 : memref<13584x80xf32, #tpu.memory_space<vmem_shared>>)
        %add3A_709 = arith.constant 3 : i32
        %add3A_710 = arith.addi %add3A_688, %add3A_709 : i32
        %dma_start3A_711 = arith.constant 0 : i32
        %dma_start3A_712 = tpu.memref_slice %arg5[%add3A_710, %dma_start3A_711] : memref<79x128xi32, #tpu.memory_space<vmem>> -> memref<1x128xi32, #tpu.memory_space<vmem>>
        %dma_start3A_713 = tpu.memref_squeeze %dma_start3A_712 : memref<1x128xi32, #tpu.memory_space<vmem>> -> memref<128xi32, #tpu.memory_space<vmem>>
        %dma_start3A_714 = arith.constant 0 : i32
        %dma_start3A_715 = arith.constant 0 : i32
        %dma_start3A_716 = tpu.memref_slice %arg3[%dma_start3A_714, %dma_start3A_715] : memref<10008x80xf32, #tpu.memory_space<hbm>> -> memref<10008x80xf32, #tpu.memory_space<hbm>>
        tpu.enqueue_indirect_dma source(%dma_start3A_716 : memref<10008x80xf32, #tpu.memory_space<hbm>>) target(%arg8 : memref<128x80xf32, #tpu.memory_space<vmem>>) offsets(%dma_start3A_713 : memref<128xi32, #tpu.memory_space<vmem>>) semaphore(%arg15 : memref<!tpu.dma_semaphore, #tpu.memory_space<semaphore_mem>>)
        %mul3A_717 = arith.constant 4 : i32
        %mul3A_718 = arith.muli %scan3A_620, %mul3A_717 : i32
        %add3A_719 = arith.constant 3 : i32
        %add3A_720 = arith.addi %mul3A_718, %add3A_719 : i32
        %dma_wait3A_721 = arith.constant 0 : i32
        %dma_wait3A_722 = tpu.memref_slice %arg5[%add3A_720, %dma_wait3A_721] : memref<79x128xi32, #tpu.memory_space<vmem>> -> memref<1x128xi32, #tpu.memory_space<vmem>>
        %dma_wait3A_723 = tpu.memref_squeeze %dma_wait3A_722 : memref<1x128xi32, #tpu.memory_space<vmem>> -> memref<128xi32, #tpu.memory_space<vmem>>
        %dma_wait3A_724 = arith.constant 0 : i32
        %dma_wait3A_725 = arith.constant 0 : i32
        %dma_wait3A_726 = tpu.memref_slice %arg3[%dma_wait3A_724, %dma_wait3A_725] : memref<10008x80xf32, #tpu.memory_space<hbm>> -> memref<10008x80xf32, #tpu.memory_space<hbm>>
        tpu.wait_indirect_dma semaphore(%arg17 : memref<!tpu.dma_semaphore, #tpu.memory_space<semaphore_mem>>) src(%dma_wait3A_726 : memref<10008x80xf32, #tpu.memory_space<hbm>>) dst(%arg10 : memref<128x80xf32, #tpu.memory_space<vmem>>)
        %dma_start3A_727 = arith.constant 0 : i32
        %dma_start3A_728 = tpu.memref_slice %arg6[%add3A_720, %dma_start3A_727] : memref<79x128xi32, #tpu.memory_space<vmem>> -> memref<1x128xi32, #tpu.memory_space<vmem>>
        %dma_start3A_729 = tpu.memref_squeeze %dma_start3A_728 : memref<1x128xi32, #tpu.memory_space<vmem>> -> memref<128xi32, #tpu.memory_space<vmem>>
        %dma_start3A_730 = arith.constant 0 : i32
        %dma_start3A_731 = arith.constant 0 : i32
        %dma_start3A_732 = tpu.memref_slice %arg11[%dma_start3A_730, %dma_start3A_731] : memref<13584x80xf32, #tpu.memory_space<vmem_shared>> -> memref<13584x80xf32, #tpu.memory_space<vmem_shared>>
        tpu.enqueue_indirect_dma source(%arg10 : memref<128x80xf32, #tpu.memory_space<vmem>>) target(%dma_start3A_732 : memref<13584x80xf32, #tpu.memory_space<vmem_shared>>) offsets(%dma_start3A_729 : memref<128xi32, #tpu.memory_space<vmem>>) semaphore(%arg21 : memref<!tpu.dma_semaphore, #tpu.memory_space<semaphore_mem>>) {add = true}
        %sub3A_733 = arith.constant 1 : i32
        %sub3A_734 = arith.subi %add3A_720, %sub3A_733 : i32
        %dma_wait3A_735 = arith.constant 0 : i32
        %dma_wait3A_736 = tpu.memref_slice %arg6[%sub3A_734, %dma_wait3A_735] : memref<79x128xi32, #tpu.memory_space<vmem>> -> memref<1x128xi32, #tpu.memory_space<vmem>>
        %dma_wait3A_737 = tpu.memref_squeeze %dma_wait3A_736 : memref<1x128xi32, #tpu.memory_space<vmem>> -> memref<128xi32, #tpu.memory_space<vmem>>
        %dma_wait3A_738 = arith.constant 0 : i32
        %dma_wait3A_739 = arith.constant 0 : i32
        %dma_wait3A_740 = tpu.memref_slice %arg11[%dma_wait3A_738, %dma_wait3A_739] : memref<13584x80xf32, #tpu.memory_space<vmem_shared>> -> memref<13584x80xf32, #tpu.memory_space<vmem_shared>>
        tpu.wait_indirect_dma semaphore(%arg20 : memref<!tpu.dma_semaphore, #tpu.memory_space<semaphore_mem>>) src(%arg9 : memref<128x80xf32, #tpu.memory_space<vmem>>) dst(%dma_wait3A_740 : memref<13584x80xf32, #tpu.memory_space<vmem_shared>>)
        %add3A_741 = arith.constant 3 : i32
        %add3A_742 = arith.addi %add3A_720, %add3A_741 : i32
        %dma_start3A_743 = arith.constant 0 : i32
        %dma_start3A_744 = tpu.memref_slice %arg5[%add3A_742, %dma_start3A_743] : memref<79x128xi32, #tpu.memory_space<vmem>> -> memref<1x128xi32, #tpu.memory_space<vmem>>
        %dma_start3A_745 = tpu.memref_squeeze %dma_start3A_744 : memref<1x128xi32, #tpu.memory_space<vmem>> -> memref<128xi32, #tpu.memory_space<vmem>>
        %dma_start3A_746 = arith.constant 0 : i32
        %dma_start3A_747 = arith.constant 0 : i32
        %dma_start3A_748 = tpu.memref_slice %arg3[%dma_start3A_746, %dma_start3A_747] : memref<10008x80xf32, #tpu.memory_space<hbm>> -> memref<10008x80xf32, #tpu.memory_space<hbm>>
        tpu.enqueue_indirect_dma source(%dma_start3A_748 : memref<10008x80xf32, #tpu.memory_space<hbm>>) target(%arg9 : memref<128x80xf32, #tpu.memory_space<vmem>>) offsets(%dma_start3A_745 : memref<128xi32, #tpu.memory_space<vmem>>) semaphore(%arg16 : memref<!tpu.dma_semaphore, #tpu.memory_space<semaphore_mem>>)
        %scan3A_749 = arith.constant 0 : i32
        scf.yield %scan3A_749 : i32
      }
      %scan3A_549 = arith.constant 18 : i32
      %dma_wait3A_550 = arith.constant 76 : i32
      %dma_wait3A_551 = arith.constant 0 : i32
      %dma_wait3A_552 = tpu.memref_slice %arg5[%dma_wait3A_550, %dma_wait3A_551] : memref<79x128xi32, #tpu.memory_space<vmem>> -> memref<1x128xi32, #tpu.memory_space<vmem>>
      %dma_wait3A_553 = tpu.memref_squeeze %dma_wait3A_552 : memref<1x128xi32, #tpu.memory_space<vmem>> -> memref<128xi32, #tpu.memory_space<vmem>>
      %dma_wait3A_554 = arith.constant 0 : i32
      %dma_wait3A_555 = arith.constant 0 : i32
      %dma_wait3A_556 = tpu.memref_slice %arg3[%dma_wait3A_554, %dma_wait3A_555] : memref<10008x80xf32, #tpu.memory_space<hbm>> -> memref<10008x80xf32, #tpu.memory_space<hbm>>
      tpu.wait_indirect_dma semaphore(%arg14 : memref<!tpu.dma_semaphore, #tpu.memory_space<semaphore_mem>>) src(%dma_wait3A_556 : memref<10008x80xf32, #tpu.memory_space<hbm>>) dst(%arg7 : memref<128x80xf32, #tpu.memory_space<vmem>>)
      %dma_start3A_557 = arith.constant 76 : i32
      %dma_start3A_558 = arith.constant 0 : i32
      %dma_start3A_559 = tpu.memref_slice %arg6[%dma_start3A_557, %dma_start3A_558] : memref<79x128xi32, #tpu.memory_space<vmem>> -> memref<1x128xi32, #tpu.memory_space<vmem>>
      %dma_start3A_560 = tpu.memref_squeeze %dma_start3A_559 : memref<1x128xi32, #tpu.memory_space<vmem>> -> memref<128xi32, #tpu.memory_space<vmem>>
      %dma_start3A_561 = arith.constant 0 : i32
      %dma_start3A_562 = arith.constant 0 : i32
      %dma_start3A_563 = tpu.memref_slice %arg11[%dma_start3A_561, %dma_start3A_562] : memref<13584x80xf32, #tpu.memory_space<vmem_shared>> -> memref<13584x80xf32, #tpu.memory_space<vmem_shared>>
      tpu.enqueue_indirect_dma source(%arg7 : memref<128x80xf32, #tpu.memory_space<vmem>>) target(%dma_start3A_563 : memref<13584x80xf32, #tpu.memory_space<vmem_shared>>) offsets(%dma_start3A_560 : memref<128xi32, #tpu.memory_space<vmem>>) semaphore(%arg18 : memref<!tpu.dma_semaphore, #tpu.memory_space<semaphore_mem>>) {add = true}
      %dma_wait3A_564 = arith.constant 75 : i32
      %dma_wait3A_565 = arith.constant 0 : i32
      %dma_wait3A_566 = tpu.memref_slice %arg6[%dma_wait3A_564, %dma_wait3A_565] : memref<79x128xi32, #tpu.memory_space<vmem>> -> memref<1x128xi32, #tpu.memory_space<vmem>>
      %dma_wait3A_567 = tpu.memref_squeeze %dma_wait3A_566 : memref<1x128xi32, #tpu.memory_space<vmem>> -> memref<128xi32, #tpu.memory_space<vmem>>
      %dma_wait3A_568 = arith.constant 0 : i32
      %dma_wait3A_569 = arith.constant 0 : i32
      %dma_wait3A_570 = tpu.memref_slice %arg11[%dma_wait3A_568, %dma_wait3A_569] : memref<13584x80xf32, #tpu.memory_space<vmem_shared>> -> memref<13584x80xf32, #tpu.memory_space<vmem_shared>>
      tpu.wait_indirect_dma semaphore(%arg21 : memref<!tpu.dma_semaphore, #tpu.memory_space<semaphore_mem>>) src(%arg10 : memref<128x80xf32, #tpu.memory_space<vmem>>) dst(%dma_wait3A_570 : memref<13584x80xf32, #tpu.memory_space<vmem_shared>>)
      %dma_wait3A_571 = arith.constant 77 : i32
      %dma_wait3A_572 = arith.constant 0 : i32
      %dma_wait3A_573 = tpu.memref_slice %arg5[%dma_wait3A_571, %dma_wait3A_572] : memref<79x128xi32, #tpu.memory_space<vmem>> -> memref<1x128xi32, #tpu.memory_space<vmem>>
      %dma_wait3A_574 = tpu.memref_squeeze %dma_wait3A_573 : memref<1x128xi32, #tpu.memory_space<vmem>> -> memref<128xi32, #tpu.memory_space<vmem>>
      %dma_wait3A_575 = arith.constant 0 : i32
      %dma_wait3A_576 = arith.constant 0 : i32
      %dma_wait3A_577 = tpu.memref_slice %arg3[%dma_wait3A_575, %dma_wait3A_576] : memref<10008x80xf32, #tpu.memory_space<hbm>> -> memref<10008x80xf32, #tpu.memory_space<hbm>>
      tpu.wait_indirect_dma semaphore(%arg15 : memref<!tpu.dma_semaphore, #tpu.memory_space<semaphore_mem>>) src(%dma_wait3A_577 : memref<10008x80xf32, #tpu.memory_space<hbm>>) dst(%arg8 : memref<128x80xf32, #tpu.memory_space<vmem>>)
      %dma_start3A_578 = arith.constant 77 : i32
      %dma_start3A_579 = arith.constant 0 : i32
      %dma_start3A_580 = tpu.memref_slice %arg6[%dma_start3A_578, %dma_start3A_579] : memref<79x128xi32, #tpu.memory_space<vmem>> -> memref<1x128xi32, #tpu.memory_space<vmem>>
      %dma_start3A_581 = tpu.memref_squeeze %dma_start3A_580 : memref<1x128xi32, #tpu.memory_space<vmem>> -> memref<128xi32, #tpu.memory_space<vmem>>
      %dma_start3A_582 = arith.constant 0 : i32
      %dma_start3A_583 = arith.constant 0 : i32
      %dma_start3A_584 = tpu.memref_slice %arg11[%dma_start3A_582, %dma_start3A_583] : memref<13584x80xf32, #tpu.memory_space<vmem_shared>> -> memref<13584x80xf32, #tpu.memory_space<vmem_shared>>
      tpu.enqueue_indirect_dma source(%arg8 : memref<128x80xf32, #tpu.memory_space<vmem>>) target(%dma_start3A_584 : memref<13584x80xf32, #tpu.memory_space<vmem_shared>>) offsets(%dma_start3A_581 : memref<128xi32, #tpu.memory_space<vmem>>) semaphore(%arg19 : memref<!tpu.dma_semaphore, #tpu.memory_space<semaphore_mem>>) {add = true}
      %dma_wait3A_585 = arith.constant 76 : i32
      %dma_wait3A_586 = arith.constant 0 : i32
      %dma_wait3A_587 = tpu.memref_slice %arg6[%dma_wait3A_585, %dma_wait3A_586] : memref<79x128xi32, #tpu.memory_space<vmem>> -> memref<1x128xi32, #tpu.memory_space<vmem>>
      %dma_wait3A_588 = tpu.memref_squeeze %dma_wait3A_587 : memref<1x128xi32, #tpu.memory_space<vmem>> -> memref<128xi32, #tpu.memory_space<vmem>>
      %dma_wait3A_589 = arith.constant 0 : i32
      %dma_wait3A_590 = arith.constant 0 : i32
      %dma_wait3A_591 = tpu.memref_slice %arg11[%dma_wait3A_589, %dma_wait3A_590] : memref<13584x80xf32, #tpu.memory_space<vmem_shared>> -> memref<13584x80xf32, #tpu.memory_space<vmem_shared>>
      tpu.wait_indirect_dma semaphore(%arg18 : memref<!tpu.dma_semaphore, #tpu.memory_space<semaphore_mem>>) src(%arg7 : memref<128x80xf32, #tpu.memory_space<vmem>>) dst(%dma_wait3A_591 : memref<13584x80xf32, #tpu.memory_space<vmem_shared>>)
      %dma_wait3A_592 = arith.constant 78 : i32
      %dma_wait3A_593 = arith.constant 0 : i32
      %dma_wait3A_594 = tpu.memref_slice %arg5[%dma_wait3A_592, %dma_wait3A_593] : memref<79x128xi32, #tpu.memory_space<vmem>> -> memref<1x128xi32, #tpu.memory_space<vmem>>
      %dma_wait3A_595 = tpu.memref_squeeze %dma_wait3A_594 : memref<1x128xi32, #tpu.memory_space<vmem>> -> memref<128xi32, #tpu.memory_space<vmem>>
      %dma_wait3A_596 = arith.constant 0 : i32
      %dma_wait3A_597 = arith.constant 0 : i32
      %dma_wait3A_598 = tpu.memref_slice %arg3[%dma_wait3A_596, %dma_wait3A_597] : memref<10008x80xf32, #tpu.memory_space<hbm>> -> memref<10008x80xf32, #tpu.memory_space<hbm>>
      tpu.wait_indirect_dma semaphore(%arg16 : memref<!tpu.dma_semaphore, #tpu.memory_space<semaphore_mem>>) src(%dma_wait3A_598 : memref<10008x80xf32, #tpu.memory_space<hbm>>) dst(%arg9 : memref<128x80xf32, #tpu.memory_space<vmem>>)
      %dma_start3A_599 = arith.constant 78 : i32
      %dma_start3A_600 = arith.constant 0 : i32
      %dma_start3A_601 = tpu.memref_slice %arg6[%dma_start3A_599, %dma_start3A_600] : memref<79x128xi32, #tpu.memory_space<vmem>> -> memref<1x128xi32, #tpu.memory_space<vmem>>
      %dma_start3A_602 = tpu.memref_squeeze %dma_start3A_601 : memref<1x128xi32, #tpu.memory_space<vmem>> -> memref<128xi32, #tpu.memory_space<vmem>>
      %dma_start3A_603 = arith.constant 0 : i32
      %dma_start3A_604 = arith.constant 0 : i32
      %dma_start3A_605 = tpu.memref_slice %arg11[%dma_start3A_603, %dma_start3A_604] : memref<13584x80xf32, #tpu.memory_space<vmem_shared>> -> memref<13584x80xf32, #tpu.memory_space<vmem_shared>>
      tpu.enqueue_indirect_dma source(%arg9 : memref<128x80xf32, #tpu.memory_space<vmem>>) target(%dma_start3A_605 : memref<13584x80xf32, #tpu.memory_space<vmem_shared>>) offsets(%dma_start3A_602 : memref<128xi32, #tpu.memory_space<vmem>>) semaphore(%arg20 : memref<!tpu.dma_semaphore, #tpu.memory_space<semaphore_mem>>) {add = true}
      %dma_wait3A_606 = arith.constant 77 : i32
      %dma_wait3A_607 = arith.constant 0 : i32
      %dma_wait3A_608 = tpu.memref_slice %arg6[%dma_wait3A_606, %dma_wait3A_607] : memref<79x128xi32, #tpu.memory_space<vmem>> -> memref<1x128xi32, #tpu.memory_space<vmem>>
      %dma_wait3A_609 = tpu.memref_squeeze %dma_wait3A_608 : memref<1x128xi32, #tpu.memory_space<vmem>> -> memref<128xi32, #tpu.memory_space<vmem>>
      %dma_wait3A_610 = arith.constant 0 : i32
      %dma_wait3A_611 = arith.constant 0 : i32
      %dma_wait3A_612 = tpu.memref_slice %arg11[%dma_wait3A_610, %dma_wait3A_611] : memref<13584x80xf32, #tpu.memory_space<vmem_shared>> -> memref<13584x80xf32, #tpu.memory_space<vmem_shared>>
      tpu.wait_indirect_dma semaphore(%arg19 : memref<!tpu.dma_semaphore, #tpu.memory_space<semaphore_mem>>) src(%arg8 : memref<128x80xf32, #tpu.memory_space<vmem>>) dst(%dma_wait3A_612 : memref<13584x80xf32, #tpu.memory_space<vmem_shared>>)
      %dma_wait3A_613 = arith.constant 78 : i32
      %dma_wait3A_614 = arith.constant 0 : i32
      %dma_wait3A_615 = tpu.memref_slice %arg6[%dma_wait3A_613, %dma_wait3A_614] : memref<79x128xi32, #tpu.memory_space<vmem>> -> memref<1x128xi32, #tpu.memory_space<vmem>>
      %dma_wait3A_616 = tpu.memref_squeeze %dma_wait3A_615 : memref<1x128xi32, #tpu.memory_space<vmem>> -> memref<128xi32, #tpu.memory_space<vmem>>
      %dma_wait3A_617 = arith.constant 0 : i32
      %dma_wait3A_618 = arith.constant 0 : i32
      %dma_wait3A_619 = tpu.memref_slice %arg11[%dma_wait3A_617, %dma_wait3A_618] : memref<13584x80xf32, #tpu.memory_space<vmem_shared>> -> memref<13584x80xf32, #tpu.memory_space<vmem_shared>>
      tpu.wait_indirect_dma semaphore(%arg20 : memref<!tpu.dma_semaphore, #tpu.memory_space<semaphore_mem>>) src(%arg9 : memref<128x80xf32, #tpu.memory_space<vmem>>) dst(%dma_wait3A_619 : memref<13584x80xf32, #tpu.memory_space<vmem_shared>>)
    } else {
    }
    %barrier3A_151 = arith.constant 0 : index
    tpu.barrier barrier_id(%barrier3A_151)
    %add3A_152 = arith.constant 0 : i32
    %add3A_153 = arith.addi %mul3A_0, %add3A_152 : i32
    %dma_start3A_154 = arith.constant 0 : i32
    %dma_start3A_155 = arith.constant 0 : i32
    %dma_start3A_156 = tpu.memref_slice %arg7[%dma_start3A_154, %dma_start3A_155] : memref<128x80xf32, #tpu.memory_space<vmem>> -> memref<128x80xf32, #tpu.memory_space<vmem>>
    %dma_start3A_157 = arith.constant 0 : i32
    %dma_start3A_158 = tpu.memref_slice %arg11[%add3A_153, %dma_start3A_157] : memref<13584x80xf32, #tpu.memory_space<vmem_shared>> -> memref<128x80xf32, #tpu.memory_space<vmem_shared>>
    %dma_start3A_159 = arith.constant 0 : i32
    %dma_start3A_160 = arith.constant 0 : i32
    %dma_start3A_161 = tpu.memref_slice %arg7[%dma_start3A_159, %dma_start3A_160] : memref<128x80xf32, #tpu.memory_space<vmem>> -> memref<128x80xf32, #tpu.memory_space<vmem>>
    %dma_start3A_162 = arith.constant 0 : i32
    %dma_start3A_163 = tpu.memref_slice %arg11[%add3A_153, %dma_start3A_162] : memref<13584x80xf32, #tpu.memory_space<vmem_shared>> -> memref<128x80xf32, #tpu.memory_space<vmem_shared>>
    tpu.enqueue_dma source(%dma_start3A_163 : memref<128x80xf32, #tpu.memory_space<vmem_shared>>) target(%dma_start3A_161 : memref<128x80xf32, #tpu.memory_space<vmem>>) target_semaphore(%arg13 : memref<!tpu.dma_semaphore, #tpu.memory_space<semaphore_mem>>)
    %add3A_164 = arith.constant 0 : i32
    %add3A_165 = arith.addi %mul3A_0, %add3A_164 : i32
    %dma_wait3A_166 = arith.constant 0 : i32
    %dma_wait3A_167 = arith.constant 0 : i32
    %dma_wait3A_168 = tpu.memref_slice %arg7[%dma_wait3A_166, %dma_wait3A_167] : memref<128x80xf32, #tpu.memory_space<vmem>> -> memref<128x80xf32, #tpu.memory_space<vmem>>
    %dma_wait3A_169 = arith.constant 0 : i32
    %dma_wait3A_170 = tpu.memref_slice %arg11[%add3A_165, %dma_wait3A_169] : memref<13584x80xf32, #tpu.memory_space<vmem_shared>> -> memref<128x80xf32, #tpu.memory_space<vmem_shared>>
    %dma_wait3A_171 = arith.constant 0 : i32
    %dma_wait3A_172 = arith.constant 0 : i32
    %dma_wait3A_173 = tpu.memref_slice %arg7[%dma_wait3A_171, %dma_wait3A_172] : memref<128x80xf32, #tpu.memory_space<vmem>> -> memref<128x80xf32, #tpu.memory_space<vmem>>
    %dma_wait3A_174 = arith.constant 0 : i32
    %dma_wait3A_175 = tpu.memref_slice %arg11[%add3A_165, %dma_wait3A_174] : memref<13584x80xf32, #tpu.memory_space<vmem_shared>> -> memref<128x80xf32, #tpu.memory_space<vmem_shared>>
    tpu.wait_dma2 semaphore(%arg13 : memref<!tpu.dma_semaphore, #tpu.memory_space<semaphore_mem>>) src(%dma_wait3A_175 : memref<128x80xf32, #tpu.memory_space<vmem_shared>>) dst(%dma_wait3A_173 : memref<128x80xf32, #tpu.memory_space<vmem>>)
    %add3A_176 = arith.constant 0 : i32
    %add3A_177 = arith.addi %mul3A_0, %add3A_176 : i32
    %dma_start3A_178 = arith.constant 0 : i32
    %dma_start3A_179 = arith.constant 0 : i32
    %dma_start3A_180 = tpu.memref_slice %arg7[%dma_start3A_178, %dma_start3A_179] : memref<128x80xf32, #tpu.memory_space<vmem>> -> memref<128x80xf32, #tpu.memory_space<vmem>>
    %dma_start3A_181 = arith.constant 0 : i32
    %dma_start3A_182 = tpu.memref_slice %arg4[%arg0, %add3A_177, %dma_start3A_181] : memref<2x10000x128xf32, #tpu.memory_space<hbm>> -> memref<1x128x80xf32, #tpu.memory_space<hbm>>
    %dma_start3A_183 = tpu.memref_squeeze %dma_start3A_182 : memref<1x128x80xf32, #tpu.memory_space<hbm>> -> memref<128x80xf32, #tpu.memory_space<hbm>>
    %dma_start3A_184 = arith.constant 0 : i32
    %dma_start3A_185 = tpu.memref_slice %arg4[%arg0, %add3A_177, %dma_start3A_184] : memref<2x10000x128xf32, #tpu.memory_space<hbm>> -> memref<1x128x80xf32, #tpu.memory_space<hbm>>
    %dma_start3A_186 = tpu.memref_squeeze %dma_start3A_185 : memref<1x128x80xf32, #tpu.memory_space<hbm>> -> memref<128x80xf32, #tpu.memory_space<hbm>>
    %dma_start3A_187 = arith.constant 0 : i32
    %dma_start3A_188 = arith.constant 0 : i32
    %dma_start3A_189 = tpu.memref_slice %arg7[%dma_start3A_187, %dma_start3A_188] : memref<128x80xf32, #tpu.memory_space<vmem>> -> memref<128x80xf32, #tpu.memory_space<vmem>>
    tpu.enqueue_dma source(%dma_start3A_189 : memref<128x80xf32, #tpu.memory_space<vmem>>) target(%dma_start3A_186 : memref<128x80xf32, #tpu.memory_space<hbm>>) target_semaphore(%arg18 : memref<!tpu.dma_semaphore, #tpu.memory_space<semaphore_mem>>)
    %add3A_190 = arith.constant 128 : i32
    %add3A_191 = arith.addi %mul3A_0, %add3A_190 : i32
    %dma_start3A_192 = arith.constant 0 : i32
    %dma_start3A_193 = arith.constant 0 : i32
    %dma_start3A_194 = tpu.memref_slice %arg8[%dma_start3A_192, %dma_start3A_193] : memref<128x80xf32, #tpu.memory_space<vmem>> -> memref<128x80xf32, #tpu.memory_space<vmem>>
    %dma_start3A_195 = arith.constant 0 : i32
    %dma_start3A_196 = tpu.memref_slice %arg11[%add3A_191, %dma_start3A_195] : memref<13584x80xf32, #tpu.memory_space<vmem_shared>> -> memref<128x80xf32, #tpu.memory_space<vmem_shared>>
    %dma_start3A_197 = arith.constant 0 : i32
    %dma_start3A_198 = arith.constant 0 : i32
    %dma_start3A_199 = tpu.memref_slice %arg8[%dma_start3A_197, %dma_start3A_198] : memref<128x80xf32, #tpu.memory_space<vmem>> -> memref<128x80xf32, #tpu.memory_space<vmem>>
    %dma_start3A_200 = arith.constant 0 : i32
    %dma_start3A_201 = tpu.memref_slice %arg11[%add3A_191, %dma_start3A_200] : memref<13584x80xf32, #tpu.memory_space<vmem_shared>> -> memref<128x80xf32, #tpu.memory_space<vmem_shared>>
    tpu.enqueue_dma source(%dma_start3A_201 : memref<128x80xf32, #tpu.memory_space<vmem_shared>>) target(%dma_start3A_199 : memref<128x80xf32, #tpu.memory_space<vmem>>) target_semaphore(%arg13 : memref<!tpu.dma_semaphore, #tpu.memory_space<semaphore_mem>>)
    %add3A_202 = arith.constant 128 : i32
    %add3A_203 = arith.addi %mul3A_0, %add3A_202 : i32
    %dma_wait3A_204 = arith.constant 0 : i32
    %dma_wait3A_205 = arith.constant 0 : i32
    %dma_wait3A_206 = tpu.memref_slice %arg8[%dma_wait3A_204, %dma_wait3A_205] : memref<128x80xf32, #tpu.memory_space<vmem>> -> memref<128x80xf32, #tpu.memory_space<vmem>>
    %dma_wait3A_207 = arith.constant 0 : i32
    %dma_wait3A_208 = tpu.memref_slice %arg11[%add3A_203, %dma_wait3A_207] : memref<13584x80xf32, #tpu.memory_space<vmem_shared>> -> memref<128x80xf32, #tpu.memory_space<vmem_shared>>
    %dma_wait3A_209 = arith.constant 0 : i32
    %dma_wait3A_210 = arith.constant 0 : i32
    %dma_wait3A_211 = tpu.memref_slice %arg8[%dma_wait3A_209, %dma_wait3A_210] : memref<128x80xf32, #tpu.memory_space<vmem>> -> memref<128x80xf32, #tpu.memory_space<vmem>>
    %dma_wait3A_212 = arith.constant 0 : i32
    %dma_wait3A_213 = tpu.memref_slice %arg11[%add3A_203, %dma_wait3A_212] : memref<13584x80xf32, #tpu.memory_space<vmem_shared>> -> memref<128x80xf32, #tpu.memory_space<vmem_shared>>
    tpu.wait_dma2 semaphore(%arg13 : memref<!tpu.dma_semaphore, #tpu.memory_space<semaphore_mem>>) src(%dma_wait3A_213 : memref<128x80xf32, #tpu.memory_space<vmem_shared>>) dst(%dma_wait3A_211 : memref<128x80xf32, #tpu.memory_space<vmem>>)
    %add3A_214 = arith.constant 128 : i32
    %add3A_215 = arith.addi %mul3A_0, %add3A_214 : i32
    %dma_start3A_216 = arith.constant 0 : i32
    %dma_start3A_217 = arith.constant 0 : i32
    %dma_start3A_218 = tpu.memref_slice %arg8[%dma_start3A_216, %dma_start3A_217] : memref<128x80xf32, #tpu.memory_space<vmem>> -> memref<128x80xf32, #tpu.memory_space<vmem>>
    %dma_start3A_219 = arith.constant 0 : i32
    %dma_start3A_220 = tpu.memref_slice %arg4[%arg0, %add3A_215, %dma_start3A_219] : memref<2x10000x128xf32, #tpu.memory_space<hbm>> -> memref<1x128x80xf32, #tpu.memory_space<hbm>>
    %dma_start3A_221 = tpu.memref_squeeze %dma_start3A_220 : memref<1x128x80xf32, #tpu.memory_space<hbm>> -> memref<128x80xf32, #tpu.memory_space<hbm>>
    %dma_start3A_222 = arith.constant 0 : i32
    %dma_start3A_223 = tpu.memref_slice %arg4[%arg0, %add3A_215, %dma_start3A_222] : memref<2x10000x128xf32, #tpu.memory_space<hbm>> -> memref<1x128x80xf32, #tpu.memory_space<hbm>>
    %dma_start3A_224 = tpu.memref_squeeze %dma_start3A_223 : memref<1x128x80xf32, #tpu.memory_space<hbm>> -> memref<128x80xf32, #tpu.memory_space<hbm>>
    %dma_start3A_225 = arith.constant 0 : i32
    %dma_start3A_226 = arith.constant 0 : i32
    %dma_start3A_227 = tpu.memref_slice %arg8[%dma_start3A_225, %dma_start3A_226] : memref<128x80xf32, #tpu.memory_space<vmem>> -> memref<128x80xf32, #tpu.memory_space<vmem>>
    tpu.enqueue_dma source(%dma_start3A_227 : memref<128x80xf32, #tpu.memory_space<vmem>>) target(%dma_start3A_224 : memref<128x80xf32, #tpu.memory_space<hbm>>) target_semaphore(%arg19 : memref<!tpu.dma_semaphore, #tpu.memory_space<semaphore_mem>>)
    %add3A_228 = arith.constant 0 : i32
    %add3A_229 = arith.addi %mul3A_0, %add3A_228 : i32
    %dma_wait3A_230 = arith.constant 0 : i32
    %dma_wait3A_231 = arith.constant 0 : i32
    %dma_wait3A_232 = tpu.memref_slice %arg7[%dma_wait3A_230, %dma_wait3A_231] : memref<128x80xf32, #tpu.memory_space<vmem>> -> memref<128x80xf32, #tpu.memory_space<vmem>>
    %dma_wait3A_233 = arith.constant 0 : i32
    %dma_wait3A_234 = tpu.memref_slice %arg4[%arg0, %add3A_229, %dma_wait3A_233] : memref<2x10000x128xf32, #tpu.memory_space<hbm>> -> memref<1x128x80xf32, #tpu.memory_space<hbm>>
    %dma_wait3A_235 = tpu.memref_squeeze %dma_wait3A_234 : memref<1x128x80xf32, #tpu.memory_space<hbm>> -> memref<128x80xf32, #tpu.memory_space<hbm>>
    %dma_wait3A_236 = arith.constant 0 : i32
    %dma_wait3A_237 = tpu.memref_slice %arg4[%arg0, %add3A_229, %dma_wait3A_236] : memref<2x10000x128xf32, #tpu.memory_space<hbm>> -> memref<1x128x80xf32, #tpu.memory_space<hbm>>
    %dma_wait3A_238 = tpu.memref_squeeze %dma_wait3A_237 : memref<1x128x80xf32, #tpu.memory_space<hbm>> -> memref<128x80xf32, #tpu.memory_space<hbm>>
    %dma_wait3A_239 = arith.constant 0 : i32
    %dma_wait3A_240 = arith.constant 0 : i32
    %dma_wait3A_241 = tpu.memref_slice %arg7[%dma_wait3A_239, %dma_wait3A_240] : memref<128x80xf32, #tpu.memory_space<vmem>> -> memref<128x80xf32, #tpu.memory_space<vmem>>
    tpu.wait_dma2 semaphore(%arg18 : memref<!tpu.dma_semaphore, #tpu.memory_space<semaphore_mem>>) src(%dma_wait3A_241 : memref<128x80xf32, #tpu.memory_space<vmem>>) dst(%dma_wait3A_238 : memref<128x80xf32, #tpu.memory_space<hbm>>)
    %add3A_242 = arith.constant 256 : i32
    %add3A_243 = arith.addi %mul3A_0, %add3A_242 : i32
    %dma_start3A_244 = arith.constant 0 : i32
    %dma_start3A_245 = arith.constant 0 : i32
    %dma_start3A_246 = tpu.memref_slice %arg7[%dma_start3A_244, %dma_start3A_245] : memref<128x80xf32, #tpu.memory_space<vmem>> -> memref<128x80xf32, #tpu.memory_space<vmem>>
    %dma_start3A_247 = arith.constant 0 : i32
    %dma_start3A_248 = tpu.memref_slice %arg11[%add3A_243, %dma_start3A_247] : memref<13584x80xf32, #tpu.memory_space<vmem_shared>> -> memref<128x80xf32, #tpu.memory_space<vmem_shared>>
    %dma_start3A_249 = arith.constant 0 : i32
    %dma_start3A_250 = arith.constant 0 : i32
    %dma_start3A_251 = tpu.memref_slice %arg7[%dma_start3A_249, %dma_start3A_250] : memref<128x80xf32, #tpu.memory_space<vmem>> -> memref<128x80xf32, #tpu.memory_space<vmem>>
    %dma_start3A_252 = arith.constant 0 : i32
    %dma_start3A_253 = tpu.memref_slice %arg11[%add3A_243, %dma_start3A_252] : memref<13584x80xf32, #tpu.memory_space<vmem_shared>> -> memref<128x80xf32, #tpu.memory_space<vmem_shared>>
    tpu.enqueue_dma source(%dma_start3A_253 : memref<128x80xf32, #tpu.memory_space<vmem_shared>>) target(%dma_start3A_251 : memref<128x80xf32, #tpu.memory_space<vmem>>) target_semaphore(%arg13 : memref<!tpu.dma_semaphore, #tpu.memory_space<semaphore_mem>>)
    %add3A_254 = arith.constant 256 : i32
    %add3A_255 = arith.addi %mul3A_0, %add3A_254 : i32
    %dma_wait3A_256 = arith.constant 0 : i32
    %dma_wait3A_257 = arith.constant 0 : i32
    %dma_wait3A_258 = tpu.memref_slice %arg7[%dma_wait3A_256, %dma_wait3A_257] : memref<128x80xf32, #tpu.memory_space<vmem>> -> memref<128x80xf32, #tpu.memory_space<vmem>>
    %dma_wait3A_259 = arith.constant 0 : i32
    %dma_wait3A_260 = tpu.memref_slice %arg11[%add3A_255, %dma_wait3A_259] : memref<13584x80xf32, #tpu.memory_space<vmem_shared>> -> memref<128x80xf32, #tpu.memory_space<vmem_shared>>
    %dma_wait3A_261 = arith.constant 0 : i32
    %dma_wait3A_262 = arith.constant 0 : i32
    %dma_wait3A_263 = tpu.memref_slice %arg7[%dma_wait3A_261, %dma_wait3A_262] : memref<128x80xf32, #tpu.memory_space<vmem>> -> memref<128x80xf32, #tpu.memory_space<vmem>>
    %dma_wait3A_264 = arith.constant 0 : i32
    %dma_wait3A_265 = tpu.memref_slice %arg11[%add3A_255, %dma_wait3A_264] : memref<13584x80xf32, #tpu.memory_space<vmem_shared>> -> memref<128x80xf32, #tpu.memory_space<vmem_shared>>
    tpu.wait_dma2 semaphore(%arg13 : memref<!tpu.dma_semaphore, #tpu.memory_space<semaphore_mem>>) src(%dma_wait3A_265 : memref<128x80xf32, #tpu.memory_space<vmem_shared>>) dst(%dma_wait3A_263 : memref<128x80xf32, #tpu.memory_space<vmem>>)
    %add3A_266 = arith.constant 256 : i32
    %add3A_267 = arith.addi %mul3A_0, %add3A_266 : i32
    %dma_start3A_268 = arith.constant 0 : i32
    %dma_start3A_269 = arith.constant 0 : i32
    %dma_start3A_270 = tpu.memref_slice %arg7[%dma_start3A_268, %dma_start3A_269] : memref<128x80xf32, #tpu.memory_space<vmem>> -> memref<128x80xf32, #tpu.memory_space<vmem>>
    %dma_start3A_271 = arith.constant 0 : i32
    %dma_start3A_272 = tpu.memref_slice %arg4[%arg0, %add3A_267, %dma_start3A_271] : memref<2x10000x128xf32, #tpu.memory_space<hbm>> -> memref<1x128x80xf32, #tpu.memory_space<hbm>>
    %dma_start3A_273 = tpu.memref_squeeze %dma_start3A_272 : memref<1x128x80xf32, #tpu.memory_space<hbm>> -> memref<128x80xf32, #tpu.memory_space<hbm>>
    %dma_start3A_274 = arith.constant 0 : i32
    %dma_start3A_275 = tpu.memref_slice %arg4[%arg0, %add3A_267, %dma_start3A_274] : memref<2x10000x128xf32, #tpu.memory_space<hbm>> -> memref<1x128x80xf32, #tpu.memory_space<hbm>>
    %dma_start3A_276 = tpu.memref_squeeze %dma_start3A_275 : memref<1x128x80xf32, #tpu.memory_space<hbm>> -> memref<128x80xf32, #tpu.memory_space<hbm>>
    %dma_start3A_277 = arith.constant 0 : i32
    %dma_start3A_278 = arith.constant 0 : i32
    %dma_start3A_279 = tpu.memref_slice %arg7[%dma_start3A_277, %dma_start3A_278] : memref<128x80xf32, #tpu.memory_space<vmem>> -> memref<128x80xf32, #tpu.memory_space<vmem>>
    tpu.enqueue_dma source(%dma_start3A_279 : memref<128x80xf32, #tpu.memory_space<vmem>>) target(%dma_start3A_276 : memref<128x80xf32, #tpu.memory_space<hbm>>) target_semaphore(%arg18 : memref<!tpu.dma_semaphore, #tpu.memory_space<semaphore_mem>>)
    %add3A_280 = arith.constant 128 : i32
    %add3A_281 = arith.addi %mul3A_0, %add3A_280 : i32
    %dma_wait3A_282 = arith.constant 0 : i32
    %dma_wait3A_283 = arith.constant 0 : i32
    %dma_wait3A_284 = tpu.memref_slice %arg8[%dma_wait3A_282, %dma_wait3A_283] : memref<128x80xf32, #tpu.memory_space<vmem>> -> memref<128x80xf32, #tpu.memory_space<vmem>>
    %dma_wait3A_285 = arith.constant 0 : i32
    %dma_wait3A_286 = tpu.memref_slice %arg4[%arg0, %add3A_281, %dma_wait3A_285] : memref<2x10000x128xf32, #tpu.memory_space<hbm>> -> memref<1x128x80xf32, #tpu.memory_space<hbm>>
    %dma_wait3A_287 = tpu.memref_squeeze %dma_wait3A_286 : memref<1x128x80xf32, #tpu.memory_space<hbm>> -> memref<128x80xf32, #tpu.memory_space<hbm>>
    %dma_wait3A_288 = arith.constant 0 : i32
    %dma_wait3A_289 = tpu.memref_slice %arg4[%arg0, %add3A_281, %dma_wait3A_288] : memref<2x10000x128xf32, #tpu.memory_space<hbm>> -> memref<1x128x80xf32, #tpu.memory_space<hbm>>
    %dma_wait3A_290 = tpu.memref_squeeze %dma_wait3A_289 : memref<1x128x80xf32, #tpu.memory_space<hbm>> -> memref<128x80xf32, #tpu.memory_space<hbm>>
    %dma_wait3A_291 = arith.constant 0 : i32
    %dma_wait3A_292 = arith.constant 0 : i32
    %dma_wait3A_293 = tpu.memref_slice %arg8[%dma_wait3A_291, %dma_wait3A_292] : memref<128x80xf32, #tpu.memory_space<vmem>> -> memref<128x80xf32, #tpu.memory_space<vmem>>
    tpu.wait_dma2 semaphore(%arg19 : memref<!tpu.dma_semaphore, #tpu.memory_space<semaphore_mem>>) src(%dma_wait3A_293 : memref<128x80xf32, #tpu.memory_space<vmem>>) dst(%dma_wait3A_290 : memref<128x80xf32, #tpu.memory_space<hbm>>)
    %add3A_294 = arith.constant 384 : i32
    %add3A_295 = arith.addi %mul3A_0, %add3A_294 : i32
    %dma_start3A_296 = arith.constant 0 : i32
    %dma_start3A_297 = arith.constant 0 : i32
    %dma_start3A_298 = tpu.memref_slice %arg8[%dma_start3A_296, %dma_start3A_297] : memref<128x80xf32, #tpu.memory_space<vmem>> -> memref<128x80xf32, #tpu.memory_space<vmem>>
    %dma_start3A_299 = arith.constant 0 : i32
    %dma_start3A_300 = tpu.memref_slice %arg11[%add3A_295, %dma_start3A_299] : memref<13584x80xf32, #tpu.memory_space<vmem_shared>> -> memref<128x80xf32, #tpu.memory_space<vmem_shared>>
    %dma_start3A_301 = arith.constant 0 : i32
    %dma_start3A_302 = arith.constant 0 : i32
    %dma_start3A_303 = tpu.memref_slice %arg8[%dma_start3A_301, %dma_start3A_302] : memref<128x80xf32, #tpu.memory_space<vmem>> -> memref<128x80xf32, #tpu.memory_space<vmem>>
    %dma_start3A_304 = arith.constant 0 : i32
    %dma_start3A_305 = tpu.memref_slice %arg11[%add3A_295, %dma_start3A_304] : memref<13584x80xf32, #tpu.memory_space<vmem_shared>> -> memref<128x80xf32, #tpu.memory_space<vmem_shared>>
    tpu.enqueue_dma source(%dma_start3A_305 : memref<128x80xf32, #tpu.memory_space<vmem_shared>>) target(%dma_start3A_303 : memref<128x80xf32, #tpu.memory_space<vmem>>) target_semaphore(%arg13 : memref<!tpu.dma_semaphore, #tpu.memory_space<semaphore_mem>>)
    %add3A_306 = arith.constant 384 : i32
    %add3A_307 = arith.addi %mul3A_0, %add3A_306 : i32
    %dma_wait3A_308 = arith.constant 0 : i32
    %dma_wait3A_309 = arith.constant 0 : i32
    %dma_wait3A_310 = tpu.memref_slice %arg8[%dma_wait3A_308, %dma_wait3A_309] : memref<128x80xf32, #tpu.memory_space<vmem>> -> memref<128x80xf32, #tpu.memory_space<vmem>>
    %dma_wait3A_311 = arith.constant 0 : i32
    %dma_wait3A_312 = tpu.memref_slice %arg11[%add3A_307, %dma_wait3A_311] : memref<13584x80xf32, #tpu.memory_space<vmem_shared>> -> memref<128x80xf32, #tpu.memory_space<vmem_shared>>
    %dma_wait3A_313 = arith.constant 0 : i32
    %dma_wait3A_314 = arith.constant 0 : i32
    %dma_wait3A_315 = tpu.memref_slice %arg8[%dma_wait3A_313, %dma_wait3A_314] : memref<128x80xf32, #tpu.memory_space<vmem>> -> memref<128x80xf32, #tpu.memory_space<vmem>>
    %dma_wait3A_316 = arith.constant 0 : i32
    %dma_wait3A_317 = tpu.memref_slice %arg11[%add3A_307, %dma_wait3A_316] : memref<13584x80xf32, #tpu.memory_space<vmem_shared>> -> memref<128x80xf32, #tpu.memory_space<vmem_shared>>
    tpu.wait_dma2 semaphore(%arg13 : memref<!tpu.dma_semaphore, #tpu.memory_space<semaphore_mem>>) src(%dma_wait3A_317 : memref<128x80xf32, #tpu.memory_space<vmem_shared>>) dst(%dma_wait3A_315 : memref<128x80xf32, #tpu.memory_space<vmem>>)
    %add3A_318 = arith.constant 384 : i32
    %add3A_319 = arith.addi %mul3A_0, %add3A_318 : i32
    %dma_start3A_320 = arith.constant 0 : i32
    %dma_start3A_321 = arith.constant 0 : i32
    %dma_start3A_322 = tpu.memref_slice %arg8[%dma_start3A_320, %dma_start3A_321] : memref<128x80xf32, #tpu.memory_space<vmem>> -> memref<128x80xf32, #tpu.memory_space<vmem>>
    %dma_start3A_323 = arith.constant 0 : i32
    %dma_start3A_324 = tpu.memref_slice %arg4[%arg0, %add3A_319, %dma_start3A_323] : memref<2x10000x128xf32, #tpu.memory_space<hbm>> -> memref<1x128x80xf32, #tpu.memory_space<hbm>>
    %dma_start3A_325 = tpu.memref_squeeze %dma_start3A_324 : memref<1x128x80xf32, #tpu.memory_space<hbm>> -> memref<128x80xf32, #tpu.memory_space<hbm>>
    %dma_start3A_326 = arith.constant 0 : i32
    %dma_start3A_327 = tpu.memref_slice %arg4[%arg0, %add3A_319, %dma_start3A_326] : memref<2x10000x128xf32, #tpu.memory_space<hbm>> -> memref<1x128x80xf32, #tpu.memory_space<hbm>>
    %dma_start3A_328 = tpu.memref_squeeze %dma_start3A_327 : memref<1x128x80xf32, #tpu.memory_space<hbm>> -> memref<128x80xf32, #tpu.memory_space<hbm>>
    %dma_start3A_329 = arith.constant 0 : i32
    %dma_start3A_330 = arith.constant 0 : i32
    %dma_start3A_331 = tpu.memref_slice %arg8[%dma_start3A_329, %dma_start3A_330] : memref<128x80xf32, #tpu.memory_space<vmem>> -> memref<128x80xf32, #tpu.memory_space<vmem>>
    tpu.enqueue_dma source(%dma_start3A_331 : memref<128x80xf32, #tpu.memory_space<vmem>>) target(%dma_start3A_328 : memref<128x80xf32, #tpu.memory_space<hbm>>) target_semaphore(%arg19 : memref<!tpu.dma_semaphore, #tpu.memory_space<semaphore_mem>>)
    %add3A_332 = arith.constant 256 : i32
    %add3A_333 = arith.addi %mul3A_0, %add3A_332 : i32
    %dma_wait3A_334 = arith.constant 0 : i32
    %dma_wait3A_335 = arith.constant 0 : i32
    %dma_wait3A_336 = tpu.memref_slice %arg7[%dma_wait3A_334, %dma_wait3A_335] : memref<128x80xf32, #tpu.memory_space<vmem>> -> memref<128x80xf32, #tpu.memory_space<vmem>>
    %dma_wait3A_337 = arith.constant 0 : i32
    %dma_wait3A_338 = tpu.memref_slice %arg4[%arg0, %add3A_333, %dma_wait3A_337] : memref<2x10000x128xf32, #tpu.memory_space<hbm>> -> memref<1x128x80xf32, #tpu.memory_space<hbm>>
    %dma_wait3A_339 = tpu.memref_squeeze %dma_wait3A_338 : memref<1x128x80xf32, #tpu.memory_space<hbm>> -> memref<128x80xf32, #tpu.memory_space<hbm>>
    %dma_wait3A_340 = arith.constant 0 : i32
    %dma_wait3A_341 = tpu.memref_slice %arg4[%arg0, %add3A_333, %dma_wait3A_340] : memref<2x10000x128xf32, #tpu.memory_space<hbm>> -> memref<1x128x80xf32, #tpu.memory_space<hbm>>
    %dma_wait3A_342 = tpu.memref_squeeze %dma_wait3A_341 : memref<1x128x80xf32, #tpu.memory_space<hbm>> -> memref<128x80xf32, #tpu.memory_space<hbm>>
    %dma_wait3A_343 = arith.constant 0 : i32
    %dma_wait3A_344 = arith.constant 0 : i32
    %dma_wait3A_345 = tpu.memref_slice %arg7[%dma_wait3A_343, %dma_wait3A_344] : memref<128x80xf32, #tpu.memory_space<vmem>> -> memref<128x80xf32, #tpu.memory_space<vmem>>
    tpu.wait_dma2 semaphore(%arg18 : memref<!tpu.dma_semaphore, #tpu.memory_space<semaphore_mem>>) src(%dma_wait3A_345 : memref<128x80xf32, #tpu.memory_space<vmem>>) dst(%dma_wait3A_342 : memref<128x80xf32, #tpu.memory_space<hbm>>)
    %add3A_346 = arith.constant 512 : i32
    %add3A_347 = arith.addi %mul3A_0, %add3A_346 : i32
    %dma_start3A_348 = arith.constant 0 : i32
    %dma_start3A_349 = arith.constant 0 : i32
    %dma_start3A_350 = tpu.memref_slice %arg7[%dma_start3A_348, %dma_start3A_349] : memref<128x80xf32, #tpu.memory_space<vmem>> -> memref<112x80xf32, #tpu.memory_space<vmem>>
    %dma_start3A_351 = arith.constant 0 : i32
    %dma_start3A_352 = tpu.memref_slice %arg11[%add3A_347, %dma_start3A_351] : memref<13584x80xf32, #tpu.memory_space<vmem_shared>> -> memref<112x80xf32, #tpu.memory_space<vmem_shared>>
    %dma_start3A_353 = arith.constant 0 : i32
    %dma_start3A_354 = arith.constant 0 : i32
    %dma_start3A_355 = tpu.memref_slice %arg7[%dma_start3A_353, %dma_start3A_354] : memref<128x80xf32, #tpu.memory_space<vmem>> -> memref<112x80xf32, #tpu.memory_space<vmem>>
    %dma_start3A_356 = arith.constant 0 : i32
    %dma_start3A_357 = tpu.memref_slice %arg11[%add3A_347, %dma_start3A_356] : memref<13584x80xf32, #tpu.memory_space<vmem_shared>> -> memref<112x80xf32, #tpu.memory_space<vmem_shared>>
    tpu.enqueue_dma source(%dma_start3A_357 : memref<112x80xf32, #tpu.memory_space<vmem_shared>>) target(%dma_start3A_355 : memref<112x80xf32, #tpu.memory_space<vmem>>) target_semaphore(%arg13 : memref<!tpu.dma_semaphore, #tpu.memory_space<semaphore_mem>>)
    %add3A_358 = arith.constant 512 : i32
    %add3A_359 = arith.addi %mul3A_0, %add3A_358 : i32
    %dma_wait3A_360 = arith.constant 0 : i32
    %dma_wait3A_361 = arith.constant 0 : i32
    %dma_wait3A_362 = tpu.memref_slice %arg7[%dma_wait3A_360, %dma_wait3A_361] : memref<128x80xf32, #tpu.memory_space<vmem>> -> memref<112x80xf32, #tpu.memory_space<vmem>>
    %dma_wait3A_363 = arith.constant 0 : i32
    %dma_wait3A_364 = tpu.memref_slice %arg11[%add3A_359, %dma_wait3A_363] : memref<13584x80xf32, #tpu.memory_space<vmem_shared>> -> memref<112x80xf32, #tpu.memory_space<vmem_shared>>
    %dma_wait3A_365 = arith.constant 0 : i32
    %dma_wait3A_366 = arith.constant 0 : i32
    %dma_wait3A_367 = tpu.memref_slice %arg7[%dma_wait3A_365, %dma_wait3A_366] : memref<128x80xf32, #tpu.memory_space<vmem>> -> memref<112x80xf32, #tpu.memory_space<vmem>>
    %dma_wait3A_368 = arith.constant 0 : i32
    %dma_wait3A_369 = tpu.memref_slice %arg11[%add3A_359, %dma_wait3A_368] : memref<13584x80xf32, #tpu.memory_space<vmem_shared>> -> memref<112x80xf32, #tpu.memory_space<vmem_shared>>
    tpu.wait_dma2 semaphore(%arg13 : memref<!tpu.dma_semaphore, #tpu.memory_space<semaphore_mem>>) src(%dma_wait3A_369 : memref<112x80xf32, #tpu.memory_space<vmem_shared>>) dst(%dma_wait3A_367 : memref<112x80xf32, #tpu.memory_space<vmem>>)
    %add3A_370 = arith.constant 512 : i32
    %add3A_371 = arith.addi %mul3A_0, %add3A_370 : i32
    %dma_start3A_372 = arith.constant 0 : i32
    %dma_start3A_373 = arith.constant 0 : i32
    %dma_start3A_374 = tpu.memref_slice %arg7[%dma_start3A_372, %dma_start3A_373] : memref<128x80xf32, #tpu.memory_space<vmem>> -> memref<112x80xf32, #tpu.memory_space<vmem>>
    %dma_start3A_375 = arith.constant 0 : i32
    %dma_start3A_376 = tpu.memref_slice %arg4[%arg0, %add3A_371, %dma_start3A_375] : memref<2x10000x128xf32, #tpu.memory_space<hbm>> -> memref<1x112x80xf32, #tpu.memory_space<hbm>>
    %dma_start3A_377 = tpu.memref_squeeze %dma_start3A_376 : memref<1x112x80xf32, #tpu.memory_space<hbm>> -> memref<112x80xf32, #tpu.memory_space<hbm>>
    %dma_start3A_378 = arith.constant 0 : i32
    %dma_start3A_379 = tpu.memref_slice %arg4[%arg0, %add3A_371, %dma_start3A_378] : memref<2x10000x128xf32, #tpu.memory_space<hbm>> -> memref<1x112x80xf32, #tpu.memory_space<hbm>>
    %dma_start3A_380 = tpu.memref_squeeze %dma_start3A_379 : memref<1x112x80xf32, #tpu.memory_space<hbm>> -> memref<112x80xf32, #tpu.memory_space<hbm>>
    %dma_start3A_381 = arith.constant 0 : i32
    %dma_start3A_382 = arith.constant 0 : i32
    %dma_start3A_383 = tpu.memref_slice %arg7[%dma_start3A_381, %dma_start3A_382] : memref<128x80xf32, #tpu.memory_space<vmem>> -> memref<112x80xf32, #tpu.memory_space<vmem>>
    tpu.enqueue_dma source(%dma_start3A_383 : memref<112x80xf32, #tpu.memory_space<vmem>>) target(%dma_start3A_380 : memref<112x80xf32, #tpu.memory_space<hbm>>) target_semaphore(%arg18 : memref<!tpu.dma_semaphore, #tpu.memory_space<semaphore_mem>>)
    %add3A_384 = arith.constant 384 : i32
    %add3A_385 = arith.addi %mul3A_0, %add3A_384 : i32
    %dma_wait3A_386 = arith.constant 0 : i32
    %dma_wait3A_387 = arith.constant 0 : i32
    %dma_wait3A_388 = tpu.memref_slice %arg8[%dma_wait3A_386, %dma_wait3A_387] : memref<128x80xf32, #tpu.memory_space<vmem>> -> memref<128x80xf32, #tpu.memory_space<vmem>>
    %dma_wait3A_389 = arith.constant 0 : i32
    %dma_wait3A_390 = tpu.memref_slice %arg4[%arg0, %add3A_385, %dma_wait3A_389] : memref<2x10000x128xf32, #tpu.memory_space<hbm>> -> memref<1x128x80xf32, #tpu.memory_space<hbm>>
    %dma_wait3A_391 = tpu.memref_squeeze %dma_wait3A_390 : memref<1x128x80xf32, #tpu.memory_space<hbm>> -> memref<128x80xf32, #tpu.memory_space<hbm>>
    %dma_wait3A_392 = arith.constant 0 : i32
    %dma_wait3A_393 = tpu.memref_slice %arg4[%arg0, %add3A_385, %dma_wait3A_392] : memref<2x10000x128xf32, #tpu.memory_space<hbm>> -> memref<1x128x80xf32, #tpu.memory_space<hbm>>
    %dma_wait3A_394 = tpu.memref_squeeze %dma_wait3A_393 : memref<1x128x80xf32, #tpu.memory_space<hbm>> -> memref<128x80xf32, #tpu.memory_space<hbm>>
    %dma_wait3A_395 = arith.constant 0 : i32
    %dma_wait3A_396 = arith.constant 0 : i32
    %dma_wait3A_397 = tpu.memref_slice %arg8[%dma_wait3A_395, %dma_wait3A_396] : memref<128x80xf32, #tpu.memory_space<vmem>> -> memref<128x80xf32, #tpu.memory_space<vmem>>
    tpu.wait_dma2 semaphore(%arg19 : memref<!tpu.dma_semaphore, #tpu.memory_space<semaphore_mem>>) src(%dma_wait3A_397 : memref<128x80xf32, #tpu.memory_space<vmem>>) dst(%dma_wait3A_394 : memref<128x80xf32, #tpu.memory_space<hbm>>)
    %add3A_398 = arith.constant 512 : i32
    %add3A_399 = arith.addi %mul3A_0, %add3A_398 : i32
    %dma_wait3A_400 = arith.constant 0 : i32
    %dma_wait3A_401 = arith.constant 0 : i32
    %dma_wait3A_402 = tpu.memref_slice %arg7[%dma_wait3A_400, %dma_wait3A_401] : memref<128x80xf32, #tpu.memory_space<vmem>> -> memref<112x80xf32, #tpu.memory_space<vmem>>
    %dma_wait3A_403 = arith.constant 0 : i32
    %dma_wait3A_404 = tpu.memref_slice %arg4[%arg0, %add3A_399, %dma_wait3A_403] : memref<2x10000x128xf32, #tpu.memory_space<hbm>> -> memref<1x112x80xf32, #tpu.memory_space<hbm>>
    %dma_wait3A_405 = tpu.memref_squeeze %dma_wait3A_404 : memref<1x112x80xf32, #tpu.memory_space<hbm>> -> memref<112x80xf32, #tpu.memory_space<hbm>>
    %dma_wait3A_406 = arith.constant 0 : i32
    %dma_wait3A_407 = tpu.memref_slice %arg4[%arg0, %add3A_399, %dma_wait3A_406] : memref<2x10000x128xf32, #tpu.memory_space<hbm>> -> memref<1x112x80xf32, #tpu.memory_space<hbm>>
    %dma_wait3A_408 = tpu.memref_squeeze %dma_wait3A_407 : memref<1x112x80xf32, #tpu.memory_space<hbm>> -> memref<112x80xf32, #tpu.memory_space<hbm>>
    %dma_wait3A_409 = arith.constant 0 : i32
    %dma_wait3A_410 = arith.constant 0 : i32
    %dma_wait3A_411 = tpu.memref_slice %arg7[%dma_wait3A_409, %dma_wait3A_410] : memref<128x80xf32, #tpu.memory_space<vmem>> -> memref<112x80xf32, #tpu.memory_space<vmem>>
    tpu.wait_dma2 semaphore(%arg18 : memref<!tpu.dma_semaphore, #tpu.memory_space<semaphore_mem>>) src(%dma_wait3A_411 : memref<112x80xf32, #tpu.memory_space<vmem>>) dst(%dma_wait3A_408 : memref<112x80xf32, #tpu.memory_space<hbm>>)
    %eq3A_412 = arith.constant 15 : i32
    %eq3A_413 = arith.cmpi eq, %arg1, %eq3A_412 : i32
    %convert_element_type3A_414 = arith.extui %eq3A_413 : i1 to i32
    %cond3A_415 = arith.constant 0 : i32
    %cond3A_416 = arith.cmpi ne, %convert_element_type3A_414, %cond3A_415 : i32
    scf.if %cond3A_416 {
      "tpu.region"() ({
        %run_scoped3A = tpu.sem_alloc : memref<!tpu.dma_semaphore, #tpu.memory_space<semaphore_mem>>
        %dma_start3A_417 = arith.constant 0 : i32
        %dma_start3A_418 = arith.constant 0 : i32
        %dma_start3A_419 = tpu.memref_slice %arg9[%dma_start3A_417, %dma_start3A_418] : memref<128x80xf32, #tpu.memory_space<vmem>> -> memref<16x80xf32, #tpu.memory_space<vmem>>
        %dma_start3A_420 = arith.constant 9984 : i32
        %dma_start3A_421 = arith.constant 0 : i32
        %dma_start3A_422 = tpu.memref_slice %arg11[%dma_start3A_420, %dma_start3A_421] : memref<13584x80xf32, #tpu.memory_space<vmem_shared>> -> memref<16x80xf32, #tpu.memory_space<vmem_shared>>
        %dma_start3A_423 = arith.constant 0 : i32
        %dma_start3A_424 = arith.constant 0 : i32
        %dma_start3A_425 = tpu.memref_slice %arg9[%dma_start3A_423, %dma_start3A_424] : memref<128x80xf32, #tpu.memory_space<vmem>> -> memref<16x80xf32, #tpu.memory_space<vmem>>
        %dma_start3A_426 = arith.constant 9984 : i32
        %dma_start3A_427 = arith.constant 0 : i32
        %dma_start3A_428 = tpu.memref_slice %arg11[%dma_start3A_426, %dma_start3A_427] : memref<13584x80xf32, #tpu.memory_space<vmem_shared>> -> memref<16x80xf32, #tpu.memory_space<vmem_shared>>
        tpu.enqueue_dma source(%dma_start3A_428 : memref<16x80xf32, #tpu.memory_space<vmem_shared>>) target(%dma_start3A_425 : memref<16x80xf32, #tpu.memory_space<vmem>>) target_semaphore(%run_scoped3A : memref<!tpu.dma_semaphore, #tpu.memory_space<semaphore_mem>>)
        %dma_wait3A_429 = arith.constant 0 : i32
        %dma_wait3A_430 = arith.constant 0 : i32
        %dma_wait3A_431 = tpu.memref_slice %arg9[%dma_wait3A_429, %dma_wait3A_430] : memref<128x80xf32, #tpu.memory_space<vmem>> -> memref<16x80xf32, #tpu.memory_space<vmem>>
        %dma_wait3A_432 = arith.constant 9984 : i32
        %dma_wait3A_433 = arith.constant 0 : i32
        %dma_wait3A_434 = tpu.memref_slice %arg11[%dma_wait3A_432, %dma_wait3A_433] : memref<13584x80xf32, #tpu.memory_space<vmem_shared>> -> memref<16x80xf32, #tpu.memory_space<vmem_shared>>
        %dma_wait3A_435 = arith.constant 0 : i32
        %dma_wait3A_436 = arith.constant 0 : i32
        %dma_wait3A_437 = tpu.memref_slice %arg9[%dma_wait3A_435, %dma_wait3A_436] : memref<128x80xf32, #tpu.memory_space<vmem>> -> memref<16x80xf32, #tpu.memory_space<vmem>>
        %dma_wait3A_438 = arith.constant 9984 : i32
        %dma_wait3A_439 = arith.constant 0 : i32
        %dma_wait3A_440 = tpu.memref_slice %arg11[%dma_wait3A_438, %dma_wait3A_439] : memref<13584x80xf32, #tpu.memory_space<vmem_shared>> -> memref<16x80xf32, #tpu.memory_space<vmem_shared>>
        tpu.wait_dma2 semaphore(%run_scoped3A : memref<!tpu.dma_semaphore, #tpu.memory_space<semaphore_mem>>) src(%dma_wait3A_440 : memref<16x80xf32, #tpu.memory_space<vmem_shared>>) dst(%dma_wait3A_437 : memref<16x80xf32, #tpu.memory_space<vmem>>)
        tpu.yield
      }) : () -> ()
      "tpu.region"() ({
        %run_scoped3A = tpu.sem_alloc : memref<!tpu.dma_semaphore, #tpu.memory_space<semaphore_mem>>
        %dma_start3A_417 = arith.constant 0 : i32
        %dma_start3A_418 = arith.constant 0 : i32
        %dma_start3A_419 = tpu.memref_slice %arg9[%dma_start3A_417, %dma_start3A_418] : memref<128x80xf32, #tpu.memory_space<vmem>> -> memref<16x80xf32, #tpu.memory_space<vmem>>
        %dma_start3A_420 = arith.constant 9984 : i32
        %dma_start3A_421 = arith.constant 0 : i32
        %dma_start3A_422 = tpu.memref_slice %arg4[%arg0, %dma_start3A_420, %dma_start3A_421] : memref<2x10000x128xf32, #tpu.memory_space<hbm>> -> memref<1x16x80xf32, #tpu.memory_space<hbm>>
        %dma_start3A_423 = tpu.memref_squeeze %dma_start3A_422 : memref<1x16x80xf32, #tpu.memory_space<hbm>> -> memref<16x80xf32, #tpu.memory_space<hbm>>
        %dma_start3A_424 = arith.constant 9984 : i32
        %dma_start3A_425 = arith.constant 0 : i32
        %dma_start3A_426 = tpu.memref_slice %arg4[%arg0, %dma_start3A_424, %dma_start3A_425] : memref<2x10000x128xf32, #tpu.memory_space<hbm>> -> memref<1x16x80xf32, #tpu.memory_space<hbm>>
        %dma_start3A_427 = tpu.memref_squeeze %dma_start3A_426 : memref<1x16x80xf32, #tpu.memory_space<hbm>> -> memref<16x80xf32, #tpu.memory_space<hbm>>
        %dma_start3A_428 = arith.constant 0 : i32
        %dma_start3A_429 = arith.constant 0 : i32
        %dma_start3A_430 = tpu.memref_slice %arg9[%dma_start3A_428, %dma_start3A_429] : memref<128x80xf32, #tpu.memory_space<vmem>> -> memref<16x80xf32, #tpu.memory_space<vmem>>
        tpu.enqueue_dma source(%dma_start3A_430 : memref<16x80xf32, #tpu.memory_space<vmem>>) target(%dma_start3A_427 : memref<16x80xf32, #tpu.memory_space<hbm>>) target_semaphore(%run_scoped3A : memref<!tpu.dma_semaphore, #tpu.memory_space<semaphore_mem>>)
        %dma_wait3A_431 = arith.constant 0 : i32
        %dma_wait3A_432 = arith.constant 0 : i32
        %dma_wait3A_433 = tpu.memref_slice %arg9[%dma_wait3A_431, %dma_wait3A_432] : memref<128x80xf32, #tpu.memory_space<vmem>> -> memref<16x80xf32, #tpu.memory_space<vmem>>
        %dma_wait3A_434 = arith.constant 9984 : i32
        %dma_wait3A_435 = arith.constant 0 : i32
        %dma_wait3A_436 = tpu.memref_slice %arg4[%arg0, %dma_wait3A_434, %dma_wait3A_435] : memref<2x10000x128xf32, #tpu.memory_space<hbm>> -> memref<1x16x80xf32, #tpu.memory_space<hbm>>
        %dma_wait3A_437 = tpu.memref_squeeze %dma_wait3A_436 : memref<1x16x80xf32, #tpu.memory_space<hbm>> -> memref<16x80xf32, #tpu.memory_space<hbm>>
        %dma_wait3A_438 = arith.constant 9984 : i32
        %dma_wait3A_439 = arith.constant 0 : i32
        %dma_wait3A_440 = tpu.memref_slice %arg4[%arg0, %dma_wait3A_438, %dma_wait3A_439] : memref<2x10000x128xf32, #tpu.memory_space<hbm>> -> memref<1x16x80xf32, #tpu.memory_space<hbm>>
        %dma_wait3A_441 = tpu.memref_squeeze %dma_wait3A_440 : memref<1x16x80xf32, #tpu.memory_space<hbm>> -> memref<16x80xf32, #tpu.memory_space<hbm>>
        %dma_wait3A_442 = arith.constant 0 : i32
        %dma_wait3A_443 = arith.constant 0 : i32
        %dma_wait3A_444 = tpu.memref_slice %arg9[%dma_wait3A_442, %dma_wait3A_443] : memref<128x80xf32, #tpu.memory_space<vmem>> -> memref<16x80xf32, #tpu.memory_space<vmem>>
        tpu.wait_dma2 semaphore(%run_scoped3A : memref<!tpu.dma_semaphore, #tpu.memory_space<semaphore_mem>>) src(%dma_wait3A_444 : memref<16x80xf32, #tpu.memory_space<vmem>>) dst(%dma_wait3A_441 : memref<16x80xf32, #tpu.memory_space<hbm>>)
        tpu.yield
      }) : () -> ()
    } else {
    }
    return
  }
}

module attributes {stable_mosaic.version = 14 : i64} {
  func.func @_xr1_body(%arg0: memref<10000x128xf32, #tpu.memory_space<vmem>>, %arg1: memref<64x128xf32, #tpu.memory_space<vmem>>, %arg2: memref<1x64xf32, #tpu.memory_space<vmem>>, %arg3: memref<10000x64xf32, #tpu.memory_space<vmem>>) attributes {dimension_semantics = [], scalar_prefetch = 0 : i64, scratch_operands = 0 : i64, tpu.core_type = #tpu.core_type<tc>} {
    %get3A = arith.constant 0 : index
    %get3A_0 = arith.constant 0 : index
    %get3A_1 = vector.load %arg0[%get3A, %get3A_0] : memref<10000x128xf32, #tpu.memory_space<vmem>>, vector<10000x128xf32>
    %get3A_2 = arith.constant 0 : index
    %get3A_3 = arith.constant 0 : index
    %get3A_4 = vector.load %arg1[%get3A_2, %get3A_3] : memref<64x128xf32, #tpu.memory_space<vmem>>, vector<64x128xf32>
    %dot_general3A = arith.constant dense<0.000000e+00> : vector<10000x64xf32>
    %dot_general3A_5 = tpu.matmul %get3A_1, %get3A_4, %dot_general3A {dimension_numbers = #tpu.dot_dimension_numbers<[1], [1], [0], [0], [0, 0, 1, 0], [], []>, transpose_lhs_hint = false} : vector<10000x128xf32>, vector<64x128xf32>, vector<10000x64xf32> -> vector<10000x64xf32>
    %get3A_6 = arith.constant 0 : index
    %get3A_7 = arith.constant 0 : index
    %get3A_8 = vector.load %arg2[%get3A_6, %get3A_7] : memref<1x64xf32, #tpu.memory_space<vmem>>, vector<1x64xf32>
    %add3A = vector.broadcast %get3A_8 : vector<1x64xf32> to vector<10000x64xf32>
    %add3A_9 = arith.addf %dot_general3A_5, %add3A : vector<10000x64xf32>
    %swap3A = arith.constant 0 : index
    %swap3A_10 = arith.constant 0 : index
    %swap3A_11 = vector.load %arg3[%swap3A, %swap3A_10] : memref<10000x64xf32, #tpu.memory_space<vmem>>, vector<10000x64xf32>
    tpu.vector_store %arg3[%swap3A, %swap3A_10], %add3A_9 {strides = array<i32>} : memref<10000x64xf32, #tpu.memory_space<vmem>>, vector<10000x64xf32>,
    return
  }
}

module attributes {stable_mosaic.version = 14 : i64} {
  func.func @_lin1_body(%arg0: memref<10000x128xf32, #tpu.memory_space<vmem>>, %arg1: memref<64x128xf32, #tpu.memory_space<vmem>>, %arg2: memref<10008x80xf32, #tpu.memory_space<vmem>>) attributes {dimension_semantics = [], scalar_prefetch = 0 : i64, scratch_operands = 0 : i64, tpu.core_type = #tpu.core_type<tc>} {
    %get3A = arith.constant 0 : index
    %get3A_0 = arith.constant 0 : index
    %get3A_1 = vector.load %arg0[%get3A, %get3A_0] : memref<10000x128xf32, #tpu.memory_space<vmem>>, vector<10000x128xf32>
    %get3A_2 = arith.constant 0 : index
    %get3A_3 = arith.constant 0 : index
    %get3A_4 = vector.load %arg1[%get3A_2, %get3A_3] : memref<64x128xf32, #tpu.memory_space<vmem>>, vector<64x128xf32>
    %dot_general3A = arith.constant dense<0.000000e+00> : vector<10000x64xf32>
    %dot_general3A_5 = tpu.matmul %get3A_1, %get3A_4, %dot_general3A {dimension_numbers = #tpu.dot_dimension_numbers<[1], [1], [0], [0], [0, 0, 1, 0], [], []>, transpose_lhs_hint = false} : vector<10000x128xf32>, vector<64x128xf32>, vector<10000x64xf32> -> vector<10000x64xf32>
    %broadcast_in_dim3A = arith.constant 1.000000e+00 : f32
    %broadcast_in_dim3A_6 = vector.broadcast %broadcast_in_dim3A : f32 to vector<10000x1xf32>
    %broadcast_in_dim3A_7 = arith.constant 0.000000e+00 : f32
    %broadcast_in_dim3A_8 = vector.broadcast %broadcast_in_dim3A_7 : f32 to vector<10000x15xf32>
    %concatenate3A = tpu.concatenate %dot_general3A_5, %broadcast_in_dim3A_6, %broadcast_in_dim3A_8 in 1 : vector<10000x64xf32>, vector<10000x1xf32>, vector<10000x15xf32> -> vector<10000x80xf32>
    %broadcast_in_dim3A_9 = arith.constant 0.000000e+00 : f32
    %broadcast_in_dim3A_10 = vector.broadcast %broadcast_in_dim3A_9 : f32 to vector<8x80xf32>
    %concatenate3A_11 = tpu.concatenate %concatenate3A, %broadcast_in_dim3A_10 in 0 : vector<10000x80xf32>, vector<8x80xf32> -> vector<10008x80xf32>
    %swap3A = arith.constant 0 : index
    %swap3A_12 = arith.constant 0 : index
    %swap3A_13 = vector.load %arg2[%swap3A, %swap3A_12] : memref<10008x80xf32, #tpu.memory_space<vmem>>, vector<10008x80xf32>
    tpu.vector_store %arg2[%swap3A, %swap3A_12], %concatenate3A_11 {strides = array<i32>} : memref<10008x80xf32, #tpu.memory_space<vmem>>, vector<10008x80xf32>,
    return
  }
}

module attributes {stable_mosaic.version = 14 : i64} {
  func.func @_lin2_body(%arg0: memref<2x10000x128xf32, #tpu.memory_space<vmem>>, %arg1: memref<10000x64xf32, #tpu.memory_space<vmem>>, %arg2: memref<3x64xf32, #tpu.memory_space<vmem>>, %arg3: memref<10008x16xf32, #tpu.memory_space<vmem>>, %arg4: memref<10000x64xf32, #tpu.memory_space<vmem>>, %arg5: memref<10000x1xf32, #tpu.memory_space<vmem>>) attributes {dimension_semantics = [], scalar_prefetch = 0 : i64, scratch_operands = 0 : i64, tpu.core_type = #tpu.core_type<tc>} {
    %get3A = arith.constant 0 : index
    %get3A_0 = arith.constant 0 : index
    %get3A_1 = arith.constant 0 : index
    %get3A_2 = vector.load %arg0[%get3A, %get3A_0, %get3A_1] : memref<2x10000x128xf32, #tpu.memory_space<vmem>>, vector<1x10000x128xf32>
    %get3A_3 = vector.shape_cast %get3A_2 : vector<1x10000x128xf32> to vector<10000x128xf32>
    %get3A_4 = arith.constant 1 : index
    %get3A_5 = arith.constant 0 : index
    %get3A_6 = arith.constant 0 : index
    %get3A_7 = vector.load %arg0[%get3A_4, %get3A_5, %get3A_6] : memref<2x10000x128xf32, #tpu.memory_space<vmem>>, vector<1x10000x128xf32>
    %get3A_8 = vector.shape_cast %get3A_7 : vector<1x10000x128xf32> to vector<10000x128xf32>
    %add3A = arith.addf %get3A_3, %get3A_8 : vector<10000x128xf32>
    %slice3A = vector.extract_strided_slice %add3A {offsets = [0, 64], sizes = [10000, 1], strides = [1, 1]} : vector<10000x128xf32> to vector<10000x1xf32>
    %max3A = arith.constant 1.000000e+00 : f32
    %max3A_9 = vector.broadcast %max3A : f32 to vector<10000x1xf32>
    %max3A_10 = arith.maximumf %slice3A, %max3A_9 : vector<10000x1xf32>
    %div3A = arith.constant 1.000000e+00 : f32
    %div3A_11 = vector.broadcast %div3A : f32 to vector<10000x1xf32>
    %div3A_12 = arith.divf %div3A_11, %max3A_10 : vector<10000x1xf32>
    %slice3A_13 = vector.extract_strided_slice %add3A {offsets = [0, 0], sizes = [10000, 64], strides = [1, 1]} : vector<10000x128xf32> to vector<10000x64xf32>
    %mul3A = vector.broadcast %div3A_12 : vector<10000x1xf32> to vector<10000x64xf32>
    %mul3A_14 = arith.mulf %slice3A_13, %mul3A : vector<10000x64xf32>
    %get3A_15 = arith.constant 0 : index
    %get3A_16 = arith.constant 0 : index
    %get3A_17 = vector.load %arg1[%get3A_15, %get3A_16] : memref<10000x64xf32, #tpu.memory_space<vmem>>, vector<10000x64xf32>
    %add3A_18 = arith.addf %mul3A_14, %get3A_17 : vector<10000x64xf32>
    %max3A_19 = arith.constant 0.000000e+00 : f32
    %max3A_20 = vector.broadcast %max3A_19 : f32 to vector<10000x64xf32>
    %max3A_21 = arith.maximumf %add3A_18, %max3A_20 : vector<10000x64xf32>
    %get3A_22 = arith.constant 0 : index
    %get3A_23 = arith.constant 0 : index
    %get3A_24 = vector.load %arg2[%get3A_22, %get3A_23] : memref<3x64xf32, #tpu.memory_space<vmem>>, vector<3x64xf32>
    %dot_general3A = arith.constant dense<0.000000e+00> : vector<10000x3xf32>
    %dot_general3A_25 = tpu.matmul %max3A_21, %get3A_24, %dot_general3A {dimension_numbers = #tpu.dot_dimension_numbers<[1], [1], [0], [0], [0, 0, 1, 0], [], []>, transpose_lhs_hint = false} : vector<10000x64xf32>, vector<3x64xf32>, vector<10000x3xf32> -> vector<10000x3xf32>
    %broadcast_in_dim3A = arith.constant 0.000000e+00 : f32
    %broadcast_in_dim3A_26 = vector.broadcast %broadcast_in_dim3A : f32 to vector<10000x13xf32>
    %concatenate3A = tpu.concatenate %dot_general3A_25, %broadcast_in_dim3A_26 in 1 : vector<10000x3xf32>, vector<10000x13xf32> -> vector<10000x16xf32>
    %broadcast_in_dim3A_27 = arith.constant 0.000000e+00 : f32
    %broadcast_in_dim3A_28 = vector.broadcast %broadcast_in_dim3A_27 : f32 to vector<8x16xf32>
    %concatenate3A_29 = tpu.concatenate %concatenate3A, %broadcast_in_dim3A_28 in 0 : vector<10000x16xf32>, vector<8x16xf32> -> vector<10008x16xf32>
    %swap3A = arith.constant 0 : index
    %swap3A_30 = arith.constant 0 : index
    %swap3A_31 = vector.load %arg3[%swap3A, %swap3A_30] : memref<10008x16xf32, #tpu.memory_space<vmem>>, vector<10008x16xf32>
    tpu.vector_store %arg3[%swap3A, %swap3A_30], %concatenate3A_29 {strides = array<i32>} : memref<10008x16xf32, #tpu.memory_space<vmem>>, vector<10008x16xf32>,
    %swap3A_32 = arith.constant 0 : index
    %swap3A_33 = arith.constant 0 : index
    %swap3A_34 = vector.load %arg4[%swap3A_32, %swap3A_33] : memref<10000x64xf32, #tpu.memory_space<vmem>>, vector<10000x64xf32>
    tpu.vector_store %arg4[%swap3A_32, %swap3A_33], %max3A_21 {strides = array<i32>} : memref<10000x64xf32, #tpu.memory_space<vmem>>, vector<10000x64xf32>,
    %swap3A_35 = arith.constant 0 : index
    %swap3A_36 = arith.constant 0 : index
    %swap3A_37 = vector.load %arg5[%swap3A_35, %swap3A_36] : memref<10000x1xf32, #tpu.memory_space<vmem>>, vector<10000x1xf32>
    tpu.vector_store %arg5[%swap3A_35, %swap3A_36], %div3A_12 {strides = array<i32>} : memref<10000x1xf32, #tpu.memory_space<vmem>>, vector<10000x1xf32>,
    return
  }
}

module attributes {stable_mosaic.version = 14 : i64} {
  func.func @_xr1_body(%arg0: memref<10000x64xf32, #tpu.memory_space<vmem>>, %arg1: memref<3x64xf32, #tpu.memory_space<vmem>>, %arg2: memref<1x3xf32, #tpu.memory_space<vmem>>, %arg3: memref<10000x3xf32, #tpu.memory_space<vmem>>) attributes {dimension_semantics = [], scalar_prefetch = 0 : i64, scratch_operands = 0 : i64, tpu.core_type = #tpu.core_type<tc>} {
    %get3A = arith.constant 0 : index
    %get3A_0 = arith.constant 0 : index
    %get3A_1 = vector.load %arg0[%get3A, %get3A_0] : memref<10000x64xf32, #tpu.memory_space<vmem>>, vector<10000x64xf32>
    %get3A_2 = arith.constant 0 : index
    %get3A_3 = arith.constant 0 : index
    %get3A_4 = vector.load %arg1[%get3A_2, %get3A_3] : memref<3x64xf32, #tpu.memory_space<vmem>>, vector<3x64xf32>
    %dot_general3A = arith.constant dense<0.000000e+00> : vector<10000x3xf32>
    %dot_general3A_5 = tpu.matmul %get3A_1, %get3A_4, %dot_general3A {dimension_numbers = #tpu.dot_dimension_numbers<[1], [1], [0], [0], [0, 0, 1, 0], [], []>, transpose_lhs_hint = false} : vector<10000x64xf32>, vector<3x64xf32>, vector<10000x3xf32> -> vector<10000x3xf32>
    %get3A_6 = arith.constant 0 : index
    %get3A_7 = arith.constant 0 : index
    %get3A_8 = vector.load %arg2[%get3A_6, %get3A_7] : memref<1x3xf32, #tpu.memory_space<vmem>>, vector<1x3xf32>
    %add3A = vector.broadcast %get3A_8 : vector<1x3xf32> to vector<10000x3xf32>
    %add3A_9 = arith.addf %dot_general3A_5, %add3A : vector<10000x3xf32>
    %swap3A = arith.constant 0 : index
    %swap3A_10 = arith.constant 0 : index
    %swap3A_11 = vector.load %arg3[%swap3A, %swap3A_10] : memref<10000x3xf32, #tpu.memory_space<vmem>>, vector<10000x3xf32>
    tpu.vector_store %arg3[%swap3A, %swap3A_10], %add3A_9 {strides = array<i32>} : memref<10000x3xf32, #tpu.memory_space<vmem>>, vector<10000x3xf32>,
    return
  }
}

module attributes {stable_mosaic.version = 14 : i64} {
  func.func @_final_body(%arg0: memref<2x10000x128xf32, #tpu.memory_space<vmem>>, %arg1: memref<10000x3xf32, #tpu.memory_space<vmem>>, %arg2: memref<10000x1xf32, #tpu.memory_space<vmem>>, %arg3: memref<10000x3xf32, #tpu.memory_space<vmem>>) attributes {dimension_semantics = [], scalar_prefetch = 0 : i64, scratch_operands = 0 : i64, tpu.core_type = #tpu.core_type<tc>} {
    %get3A = arith.constant 0 : index
    %get3A_0 = arith.constant 0 : index
    %get3A_1 = arith.constant 0 : index
    %get3A_2 = vector.load %arg0[%get3A, %get3A_0, %get3A_1] : memref<2x10000x128xf32, #tpu.memory_space<vmem>>, vector<1x10000x128xf32>
    %get3A_3 = vector.shape_cast %get3A_2 : vector<1x10000x128xf32> to vector<10000x128xf32>
    %get3A_4 = arith.constant 1 : index
    %get3A_5 = arith.constant 0 : index
    %get3A_6 = arith.constant 0 : index
    %get3A_7 = vector.load %arg0[%get3A_4, %get3A_5, %get3A_6] : memref<2x10000x128xf32, #tpu.memory_space<vmem>>, vector<1x10000x128xf32>
    %get3A_8 = vector.shape_cast %get3A_7 : vector<1x10000x128xf32> to vector<10000x128xf32>
    %add3A = arith.addf %get3A_3, %get3A_8 : vector<10000x128xf32>
    %slice3A = vector.extract_strided_slice %add3A {offsets = [0, 0], sizes = [10000, 3], strides = [1, 1]} : vector<10000x128xf32> to vector<10000x3xf32>
    %get3A_9 = arith.constant 0 : index
    %get3A_10 = arith.constant 0 : index
    %get3A_11 = vector.load %arg2[%get3A_9, %get3A_10] : memref<10000x1xf32, #tpu.memory_space<vmem>>, vector<10000x1xf32>
    %mul3A = vector.broadcast %get3A_11 : vector<10000x1xf32> to vector<10000x3xf32>
    %mul3A_12 = arith.mulf %slice3A, %mul3A : vector<10000x3xf32>
    %get3A_13 = arith.constant 0 : index
    %get3A_14 = arith.constant 0 : index
    %get3A_15 = vector.load %arg1[%get3A_13, %get3A_14] : memref<10000x3xf32, #tpu.memory_space<vmem>>, vector<10000x3xf32>
    %add3A_16 = arith.addf %mul3A_12, %get3A_15 : vector<10000x3xf32>
    %reduce_max3A = arith.constant dense<0xFF800000> : vector<10000xf32>
    %reduce_max3A_17 = vector.multi_reduction <maximumf>, %add3A_16, %reduce_max3A [1] : vector<10000x3xf32> to vector<10000xf32>
    %broadcast_in_dim3A = vector.shape_cast %reduce_max3A_17 : vector<10000xf32> to vector<10000x1xf32>
    %sub3A = vector.broadcast %broadcast_in_dim3A : vector<10000x1xf32> to vector<10000x3xf32>
    %sub3A_18 = arith.subf %add3A_16, %sub3A : vector<10000x3xf32>
    %exp3A = math.exp %sub3A_18 : vector<10000x3xf32>
    %reduce_sum3A = arith.constant dense<0.000000e+00> : vector<10000xf32>
    %reduce_sum3A_19 = vector.multi_reduction <add>, %exp3A, %reduce_sum3A [1] : vector<10000x3xf32> to vector<10000xf32>
    %broadcast_in_dim3A_20 = vector.shape_cast %reduce_sum3A_19 : vector<10000xf32> to vector<10000x1xf32>
    %log3A = math.log %broadcast_in_dim3A_20 : vector<10000x1xf32>
    %add3A_21 = arith.addf %log3A, %broadcast_in_dim3A : vector<10000x1xf32>
    %sub3A_22 = vector.broadcast %add3A_21 : vector<10000x1xf32> to vector<10000x3xf32>
    %sub3A_23 = arith.subf %add3A_16, %sub3A_22 : vector<10000x3xf32>
    %swap3A = arith.constant 0 : index
    %swap3A_24 = arith.constant 0 : index
    %swap3A_25 = vector.load %arg3[%swap3A, %swap3A_24] : memref<10000x3xf32, #tpu.memory_space<vmem>>, vector<10000x3xf32>
    tpu.vector_store %arg3[%swap3A, %swap3A_24], %sub3A_23 {strides = array<i32>} : memref<10000x3xf32, #tpu.memory_space<vmem>>, vector<10000x3xf32>,
    return
  }
}

</mosaic_0001>

<sc_bundles>
// kernel: kernel.12.cloned.1.call-start
scs
__scs_entry_jumppad:
0x0: {  	(pc) =	sbr.rel $0x88, $3  }
0x1: {  	(tag) =	ssettag $0x0;
	lr =	simm.s32 $0x1  }
0x2: {  	[smem:$0x3F99] =	sst lr;
	_ =	strace $0xD0000000  }
0x3: {  	_ = 	snop  }
0x4: {  	_ = 	snop  }
0x5: {  	_ = 	snop  }
0x6: {  	_ = 	snop  }
0x7: {  	_ = 	snop  }
__scs_overlays_trampoline_lowered:
0x8: {  	[smem:$0x3FA8] =	sst s0  }
0x9: {  	[smem:$0x3FA9] =	sst s1  }
0xa: {  	[smem:$0x3FAA] =	sst s2  }
0xb: {  	[smem:$0x3FAB] =	sst s3  }
0xc: {  	[smem:$0x3FAC] =	sst s4  }
0xd: {  	[smem:$0x3FAD] =	sst s5  }
0xe: {  	[smem:$0x3FAE] =	sst s6  }
0xf: {  	[smem:$0x3FAF] =	sst s7  }
0x10: {  	[smem:$0x3FB0] =	sst s8  }
0x11: {  	[smem:$0x3FB1] =	sst s9;
	s0 =	simm.s32 @!p0 $0x0  }
0x12: {  	s1 =	sld [smem:$0x3F97];
	s0 =	simm.s32 @p0 $0x1  }
0x13: {  	[smem:$0x3FB2] =	sst s0;
	s0 =	simm.s32 @!p1 $0x0  }
0x14: {  	s2 =	sld [smem:$0x3F96];
	s0 =	simm.s32 @p1 $0x1  }
0x15: {  	[smem:$0x3FB3] =	sst s0;
	s0 =	simm.s32 @!p2 $0x0  }
0x16: {  	s3 =	sld [smem:$0x3FDB];
	s0 =	simm.s32 @p2 $0x1  }
0x17: {  	s4 =	simm.s32 $0x1BF5;
	[smem:$0x3FB5] =	sst s0  }
0x18: {  	s0 =	sld [smem:$0x3F98];
	_ =	swait.ge [sflag:s4], $0x0  }
0x19: {  	s7 =	sld [smem:$0x3F99]  }
0x1a: {  	s8 =	sadd.s32 $0xFFFFE003, lr  }
0x1b: {  	s9 =	sadd.s32 $0xFFFFFEF7, lr;
	s5 =	simm.s32 $0xFFFFFFFF;
	p2 =	slt.u32 s8, $0xFFFFF086  }
0x1c: {  	p1 =	slt.u32 s9, $0xF7A;
	s5 =	simm.s32 @!p2 $0x0  }
0x1d: {  	s5 =	simm.s32 @p1 $0x1;
	p0 =	seq.s32 s7, s2  }
0x1e: {  	s7 =	smul.u32 @!p0 $0xF7A, s2;
	p2 =	seq.s32 @!p0 s5, $0x0  }
0x1f: {  	s9 =	smul.u32 $0xF7A, s1;
	s8 =	simm.s32 @!p0 $0x1BF5;
	p2 =	por !p2, p0  }
0x20: {  	[sflag:s8] =	ssyncset.s32 @!p0 $0xFFFFF086;
	s6 =	sadd.s32 @!p0 s3, s7;
	s7 =	simm.s32 @!p0 $0x108  }
0x21: {  	s3 =	sadd.s32 s3, s9;
	s6 =	sadd.s32 @!p0 $0x88, s6;
	s7 =	simm.s32 @p2 $0x1082  }
0x22: {  	[simem:s7], [sflag:s8] =	dma.local @!p0 [hbm:s6], $0xF7A  }
0x23: {  	s9 =	sor.u32 $0xD0000000, s2;
	s6 =	simm.s32 $0x108;
	_ =	swait.ge @!p0 [sflag:s8], $0x0  }
0x24: {  	s3 =	sadd.s32 $0x88, s3;
	s6 =	simm.s32 @!p1 $0x1082;
	[sflag:s4] =	ssyncset.s32 $0xFFFFF086  }
0x25: {  	[simem:s6], [sflag:s4] =	dma.local [hbm:s3], $0xF7A  }
0x26: {  	[smem:$0x3F99] =	sst s1;
	(tag) =	ssettag s2;
	_ =	strace s9  }
0x27: {  	s1 =	sld [smem:$0x3FA9]  }
0x28: {  	s2 =	sld [smem:$0x3FAA]  }
0x29: {  	s4 =	sld [smem:$0x3FAC]  }
0x2a: {  	p0 =	seq.s32 s5, $0x0;
	s5 =	sld [smem:$0x3FAD]  }
0x2b: {  	s6 =	sld [smem:$0x3FAE]  }
0x2c: {  	s7 =	sld [smem:$0x3FAF]  }
0x2d: {  	s3 =	simm.s32 $0x108;
	s8 =	sld [smem:$0x3FB0]  }
0x2e: {  	s3 =	simm.s32 @!p0 $0x1082;
	s9 =	sld [smem:$0x3FB1]  }
0x2f: {  	lr =	sadd.s32 s0, s3;
	s0 =	sld [smem:$0x3FA8]  }
0x30: {  	s3 =	sld [smem:$0x3FAB]  }
0x31: {  	[smem:$0x3FB4] =	sst s10  }
0x32: {  	s10 =	sld [smem:$0x3FB2];
	_ =	sdelay $0x3  }
0x33: {  	p0 =	seq.s32 s10, $0x1;
	s10 =	sld [smem:$0x3FB4];
	_ =	sdelay $0x3  }
0x34: {  	[smem:$0x3FB4] =	sst s10  }
0x35: {  	s10 =	sld [smem:$0x3FB3];
	_ =	sdelay $0x3  }
0x36: {  	p1 =	seq.s32 s10, $0x1;
	s10 =	sld [smem:$0x3FB4];
	_ =	sdelay $0x3  }
0x37: {  	[smem:$0x3FB4] =	sst s10  }
0x38: {  	s10 =	sld [smem:$0x3FB5]  }
0x39: {  	_ = 	snop;
	(pc) =	sbr.ind lr, $3  }
0x3a: {  	_ = 	snop  }
0x3b: {  	_ = 	snop  }
0x3c: {  	p2 =	seq.s32 s10, $0x1;
	s10 =	sld [smem:$0x3FB4]  }
0x3d: {  	_ =	shalt  }
0x3e: {  	_ =	shalt  }
0x3f: {  	_ =	shalt  }
0x40: {  	_ =	shalt  }
0x41: {  	_ =	shalt  }
0x42: {  	_ =	shalt  }
0x43: {  	_ =	shalt  }
0x44: {  	_ =	shalt  }
0x45: {  	_ =	shalt  }
0x46: {  	_ =	shalt  }
0x47: {  	_ =	shalt  }
0x48: {  	_ =	shalt  }
0x49: {  	_ =	shalt  }
0x4a: {  	_ =	shalt  }
0x4b: {  	_ =	shalt  }
0x4c: {  	_ =	shalt  }
0x4d: {  	_ =	shalt  }
0x4e: {  	_ =	shalt  }
0x4f: {  	_ =	shalt  }
0x50: {  	_ =	shalt  }
0x51: {  	_ =	shalt  }
0x52: {  	_ =	shalt  }
0x53: {  	_ =	shalt  }
0x54: {  	_ =	shalt  }
0x55: {  	_ =	shalt  }
0x56: {  	_ =	shalt  }
0x57: {  	_ =	shalt  }
0x58: {  	_ =	shalt  }
0x59: {  	_ =	shalt  }
0x5a: {  	_ =	shalt  }
0x5b: {  	_ =	shalt  }
0x5c: {  	_ =	shalt  }
0x5d: {  	_ =	shalt  }
0x5e: {  	_ =	shalt  }
0x5f: {  	_ =	shalt  }
0x60: {  	_ =	shalt  }
0x61: {  	_ =	shalt  }
0x62: {  	_ =	shalt  }
0x63: {  	_ =	shalt  }
0x64: {  	_ =	shalt  }
0x65: {  	_ =	shalt  }
0x66: {  	_ =	shalt  }
0x67: {  	_ =	shalt  }
0x68: {  	_ =	shalt  }
0x69: {  	_ =	shalt  }
0x6a: {  	_ =	shalt  }
0x6b: {  	_ =	shalt  }
0x6c: {  	_ =	shalt  }
0x6d: {  	_ =	shalt  }
0x6e: {  	_ =	shalt  }
0x6f: {  	_ =	shalt  }
0x70: {  	_ =	shalt  }
0x71: {  	_ =	shalt  }
0x72: {  	_ =	shalt  }
0x73: {  	_ =	shalt  }
0x74: {  	_ =	shalt  }
0x75: {  	_ =	shalt  }
0x76: {  	_ =	shalt  }
0x77: {  	_ =	shalt  }
0x78: {  	_ =	shalt  }
0x79: {  	_ =	shalt  }
0x7a: {  	_ =	shalt  }
0x7b: {  	_ =	shalt  }
0x7c: {  	_ =	shalt  }
0x7d: {  	_ =	shalt  }
0x7e: {  	_ =	shalt  }
0x7f: {  	_ =	shalt  }
0x80: {  	_ =	shalt  }
0x81: {  	_ =	shalt  }
0x82: {  	_ =	shalt  }
0x83: {  	_ =	shalt  }
0x84: {  	_ =	shalt  }
0x85: {  	_ =	shalt  }
0x86: {  	_ =	shalt  }
0x87: {  	_ =	shalt  }
.Lfunc_end0:
.L_simem_size_0:
called_computation.1_lowered:
.L_overlay_start_0:
0x88: {  	s2 =	sld [smem:$0x3FD9]  }
0x89: {  	s3 =	sld [smem:$0x3FFE];
	_ =	sdelay $0x1  }
0x8a: {  	s1 =	srdreg.scid  }
0x8b: {  	s0 =	sand.u32 $0x1, s1  }
0x8c: {  	s16 =	sshll.u32 s0, $0xA;
	s2 =	sadd.s32 s3, s2  }
0x8d: {  	s2 =	sadd.s32 s2, s16  }
0x8e: {  	[smem:$0x3FC0] =	sst s2  }
0x8f: {  	_ = 	snop  }
0x90: {  	(tm) =	ssettm $0x1  }
0x91: {  	s17 =	sld [smem:$0x3FFB];
	_ =	sdelay $0x3  }
0x92: {  	_ =	strace s17  }
0x93: {  	s2 =	sld [smem:$0x3FFC];
	_ =	sdelay $0x3  }
0x94: {  	_ =	strace s2  }
0x95: {  	s2 =	sld [smem:$0x3FFD];
	_ =	sdelay $0x3  }
0x96: {  	_ =	strace s2  }
0x97: {  	_ =	strace $0x8FFFFFFF  }
0x98: {  	s18 =	sld [smem:$0x3FDB];
	_ =	sdelay $0x1  }
0x99: {  	s19 =	simm.s32 $_scs_section_size  }
0x9a: {  	s4 =	simm.s32 $_size__tile_overlayer_lowered;
	s5 =	simm.s32 $_tile_overlayer_lowered  }
0x9b: {  	s22 =	simm.s32 $0x1BFF;
	s21 =	sshll.u32 s5, $0x1;
	s2 =	sadd.s32 s19, s18  }
0x9c: {  	s6 =	simm.s32 $0x0;
	s20 =	sshll.u32 s4, $0x1;
	s4 =	sadd.s32 s21, s2  }
0x9d: {  	[timem:s6], [sflag:s22] =	dma.local [hbm:s4], s20  }
0x9e: {  	_ =	swait.ge [sflag:s22], s20  }
0x9f: {  	s3 =	ssub.s32 $0x0, s20;
	[sflag:s22] =	ssyncset.done $0x0  }
0xa0: {  	[sflag:s22] =	ssyncadd.s32 s3;
	_ =	sdelay $0x1  }
0xa1: {  	s23 =	simm.s32 $0x1B8B  }
0xa2: {  	_ =	swait.ge [sflag:s23], $0x1  }
0xa3: {  	[sflag:s23] =	ssyncset.done $0x0  }
0xa4: {  	s25 =	simm.s32 $0x1B8E;
	s24 =	sld [smem:$0x3FFE];
	[sflag:s23] =	ssyncadd.s32 $0xFFFFFFFF  }
0xa5: {  	s26 =	simm.s32 $execute0_lowered;
	[smem:$0x3FD2] =	sst s25  }
0xa6: {  	s4 =	sshll.u32 s26, $0x1;
	_ =	strace $0x80000049;
	[dreg:$0x1] =	wrdreg $0xFFFFFFFF  }
0xa7: {  	s28 =	simm.s32 $_size_execute0_lowered;
	s2 =	sadd.s32 s2, s4;
	[dreg:$0x0] =	wrdreg $0x0  }
0xa8: {  	s4 =	sshll.u32 s28, $0x1;
	[dreg:$0x2] =	wrdreg s2  }
0xa9: {  	[dreg:$0x3] =	wrdreg s4  }
0xaa: {  	[dreg:$0x4] =	wrdreg $0xC0  }
0xab: {  	_ =	task [dreg:s6], $0x5FFFF  }
0xac: {  	[dreg:$0x1] =	wrdreg $0xFFFFFFFF  }
0xad: {  	[dreg:$0x0] =	wrdreg $0x60  }
0xae: {  	[dreg:$0x2] =	wrdreg s24  }
0xaf: {  	[dreg:$0x3] =	wrdreg $0x6F000  }
0xb0: {  	[dreg:$0x4] =	wrdreg $0x9  }
0xb1: {  	_ =	task.clear_ibuf [dreg:s6], $0x5FFFF;
	_ =	strace $0x90000049  }
0xb2: {  	s29 =	simm.s32 $0x9;
	_ =	strace $0x8000004B  }
0xb3: {  	_ =	swait.ge [sflag:s29], $0x1  }
0xb4: {  	[sflag:s29] =	ssyncadd.s32 $0xFFFFFFFF  }
0xb5: {  	_ =	strace $0x9000004B  }
0xb6: {  	_ =	sfence  }
0xb7: {  	s30 =	sld [smem:$0x0];
	_ =	sdelay $0x2  }
0xb8: {  	s31 =	sshll.u32 s1, $0xD;
	s1 =	sshrl.u32 s1, $0x2  }
0xb9: {  	s3 =	sand.u32 $0x4000, s31;
	s1 =	sadd.s32 s1, s30  }
0xba: {  	s0 =	sor.u32 s3, s0;
	s1 =	sshll.u32 s1, $0x11  }
0xbb: {  	s0 =	sor.u32 s1, s0  }
0xbc: {  	s0 =	sadd.s32 $0x8F2B, s0  }
0xbd: {  	[sflag:s0] =	ssyncadd.remote.s32 $0x1  }
0xbe: {  	_ =	sfence.sel $0xFFFF  }
0xbf: {  	[dreg:$0x0] =	wrdreg $0xFFFFFFFF;
	(pc) =	sbr.abs _section_cstart, $3  }
0xc0: {  	[dreg:$0x1] =	wrdreg $0xFFFFFFFF  }
0xc1: {  	_ =	task.clear_ibuf [dreg:s6], $0x2FFFF;
	_ =	strace $0x9FFFFFFF  }
0xc2: {  	(tm) =	ssettm $0x7FFFFFFF  }
0xc3: {  	_ =	shalt  }
tec
execute0_lowered:
.L_overlay_start_1:
0x0: {  	(tag) =	ssettag $0x1  }
0x1: {  	s2 =	rddreg [dreg:$0x0]  }
0x2: {  	s1 =	rddreg [dreg:$0x1];
	s0 =	simm.s32 $0x0  }
0x3: {  	s19 =	srdreg.scid;
	s20 =	stileid.u32;
	s28 =	simm.s32 $0x5F00  }
0x4: {  	s29 =	simm.s32 $0x3;
	s31 =	simm.s32 $0x6700;
	s8 =	smul.u32 $0x270, s20  }
0x5: {  	s30 =	simm.s32 $0x8;
	[smem:$0x7FF] =	sst s0;
	s7 =	smul.u32 $0x9C00, s20  }
0x6: {  	s0 =	sand.u32 $0x1, s19;
	s3 =	sadd.s32 $0x1E00, s2;
	s12 =	smul.u32 $0x2780, s20  }
0x7: {  	s4 =	sadd.s32 $0x15A00, s2;
	s2 =	sadd.s32 $0x1AA00, s2;
	s9 =	smul.u32 $0x13800, s20  }
0x8: {  	_ =	strace $0x8000004A;
	s5 =	ssub.s32 $0x2, s0;
	p0 =	seq.s32 s0, $0x0  }
0x9: {  	s15 =	smul.u32 $0x138800, s0;
	p1 =	sne.s32 s0, $0x0;
	s0 =	simm.s32 $0x4  }
0xa: {  	s6 =	sshrl.u32 s5, $0x1;
	s21 =	sshrl.u32 s7, $0x2;
	s10 =	sadd.s32 $0x80, s8  }
0xb: {  	s13 =	sadd.s32 $0x27800, s12;
	s14 =	sadd.s32 $0x100, s8;
	s16 =	sadd.s32 $0x180, s8  }
0xc: {  	s18 =	sadd.s32 $0x200, s8;
	s11 =	ssub.s32 s5, s6;
	s5 =	sadd.s32 s21, s1  }
0xd: {  	s22 =	sshll.u32 s10, $0x4;
	s23 =	sshll.u32 s14, $0x4;
	s17 =	sshll.u32 s16, $0x4  }
0xe: {  	s24 =	sshll.u32 s18, $0x4;
	s19 =	sadd.s32 s9, s15;
	s26 =	sshll.u32 s10, $0x7  }
0xf: {  	s10 =	sadd.s32 $0x27000, s1;
	s14 =	sshll.u32 s14, $0x7;
	s16 =	sshll.u32 s16, $0x7  }
0x10: {  	s13 =	smov.u32 @p0 s12;
	s6 =	sadd.s32 s22, s1;
	s7 =	sadd.s32 s23, s1  }
0x11: {  	s8 =	sadd.s32 s17, s1;
	s9 =	sadd.s32 s24, s1;
	s25 =	sshrl.u32 s19, $0x3  }
0x12: {  	s21 =	sadd.s32 s15, s26;
	s14 =	sadd.s32 s15, s14;
	s16 =	sadd.s32 s15, s16  }
0x13: {  	s22 =	sshll.u32 s18, $0x7;
	s11 =	smax.u32 s11, $0x1;
	s26 =	sshrl.u32 s13, $0x3  }
0x14: {  	s13 =	simm.s32 $0x10;
	s17 =	sadd.s32 s2, s25;
	s14 =	sshrl.u32 s14, $0x3  }
0x15: {  	s16 =	sshrl.u32 s16, $0x3;
	s24 =	sadd.s32 s15, s22;
	s15 =	sshrl.u32 s15, $0x3  }
0x16: {  	[dreg:$0x9] =	wrdreg s11;
	s11 =	sadd.s32 s3, s26;
	s22 =	simm.s32 $0x4F00  }
0x17: {  	s26 =	simm.s32 $0x7;
	[dreg:$0x3] =	wrdreg s17;
	s17 =	sshrl.u32 s21, $0x3  }
0x18: {  	s14 =	sadd.s32 s2, s14;
	s23 =	sadd.s32 s2, s16;
	[dreg:$0xa] =	wrdreg s11  }
0x19: {  	s16 =	simm.s32 $0x4F000;
	s21 =	simm.s32 $0x1;
	[dreg:$0x5] =	wrdreg s14  }
0x1a: {  	s11 =	simm.s32 $0x9;
	s17 =	sadd.s32 s2, s17;
	[dreg:$0x6] =	wrdreg s23  }
0x1b: {  	s14 =	sshrl.u32 s24, $0x3;
	s16 =	simm.s32 @!p0 $0x76800;
	p0 =	sne.s32 s20, $0xF  }
0x1c: {  	s23 =	simm.s32 $0x2;
	s24 =	simm.s32 $0x80;
	[dreg:$0x4] =	wrdreg s17  }
.Ltmp0:
0x1d: {  	s14 =	sadd.s32 s2, s14;
	s2 =	sadd.s32 s2, s15;
	(pc) =	sbr.rel .LBB2_1-.Ltmp0, $4  }
0x1e: {  	s25 =	sadd.s32 s16, s12;
	s17 =	simm.s32 $0x2780;
	s12 =	simm.s32 $0xA  }
0x1f: {  	[dreg:$0x7] =	wrdreg s14;
	s2 =	sadd.s32 $0x27000, s2;
	s14 =	simm.s32 $0x0  }
0x20: {  	[dreg:$0x8] =	wrdreg s2;
	s2 =	sshrl.u32 s25, $0x3;
	s25 =	simm.s32 $0x5700  }
0x21: {  	v0 =	vimm.f32 $0.0e+00;
	s19 =	sadd.s32 s3, s2;
	s2 =	simm.s32 $0x5;
	s3 =	simm.s32 $0x6  }
.LBB2_9:
0x22: {  	[tilespmem:s28], [sflag:$0x5] =	stream.indirect.gather [hbm4b:s4+s24], $0x10, s16, s24, $0xb8;
	[tilespmem:$0xA410] =	vst v63  }
.LBB2_10:
0x23: {  	_ =	swait.ge [sflag:s29], $0x800  }
0x24: {  	[sflag:s29] =	ssyncset.done $0x0  }
0x25: {  	s15 =	simm.s32 $0x4D80;
	[sflag:s29] =	ssyncadd.s32 $0xFFFFF800  }
0x26: {  	[spmem:s1] =	stream.indirect.scatter.add.f32 [tilespmem:s22], [sflag:$0x7], $0x10, s15, s24, $0xb8;
	[tilespmem:$0xA410] =	vst v63  }
0x27: {  	_ =	swait.ge [sflag:s12], $0x800  }
0x28: {  	[sflag:s12] =	ssyncset.done $0x0  }
0x29: {  	[sflag:s12] =	ssyncadd.s32 $0xFFFFF800  }
0x2a: {  	_ =	swait.ge [sflag:s0], $0x800  }
0x2b: {  	[sflag:s0] =	ssyncset.done $0x0  }
0x2c: {  	s16 =	simm.s32 $0x4E00;
	[sflag:s0] =	ssyncadd.s32 $0xFFFFF800  }
0x2d: {  	[spmem:s1] =	stream.indirect.scatter.add.f32 [tilespmem:s25], [sflag:$0x8], $0x10, s16, s24, $0xb8;
	[tilespmem:$0xA410] =	vst v63  }
0x2e: {  	_ =	swait.ge [sflag:s26], $0x800  }
0x2f: {  	[sflag:s26] =	ssyncset.done $0x0  }
0x30: {  	[sflag:s26] =	ssyncadd.s32 $0xFFFFF800  }
0x31: {  	_ =	swait.ge [sflag:s2], $0x800  }
0x32: {  	[sflag:s2] =	ssyncset.done $0x0  }
0x33: {  	s17 =	simm.s32 $0x4E80;
	[sflag:s2] =	ssyncadd.s32 $0xFFFFF800  }
0x34: {  	[spmem:s1] =	stream.indirect.scatter.add.f32 [tilespmem:s28], [sflag:$0x9], $0x10, s17, s24, $0xb8;
	[tilespmem:$0xA410] =	vst v63  }
0x35: {  	_ =	swait.ge [sflag:s30], $0x800  }
0x36: {  	[sflag:s30] =	ssyncset.done $0x0  }
0x37: {  	[sflag:s30] =	ssyncadd.s32 $0xFFFFF800  }
0x38: {  	_ =	swait.ge [sflag:s11], $0x800  }
0x39: {  	[sflag:s11] =	ssyncset.done $0x0  }
0x3a: {  	[sflag:s11] =	ssyncadd.s32 $0xFFFFF800  }
0x3b: {  	[bflag:$0x0] =	sbarrier.arrive $0xFFFF  }
0x3c: {  	[tilespmem:s22], [sflag:$0x2] =	stream.linear.gather [spmem:s5], $0x800, $0x38;
	[tilespmem:$0xA410] =	vst v63  }
0x3d: {  	_ =	swait.ge [sflag:s23], $0x800  }
0x3e: {  	[sflag:s23] =	ssyncset.done $0x0  }
0x3f: {  	s18 =	rddreg [dreg:$0x3];
	[sflag:s23] =	ssyncadd.s32 $0xFFFFF800  }
0x40: {  	[hbm4b:s18+s13] =	stream.strided.scatter [tilespmem:s22], [sflag:$0x7], $0x800, s24, s13, $0x38;
	[tilespmem:$0xA410] =	vst v63  }
0x41: {  	_ = 	snop  }
0x42: {  	[tilespmem:s25], [sflag:$0x2] =	stream.linear.gather [spmem:s6], $0x800, $0x38;
	[tilespmem:$0xA410] =	vst v63  }
0x43: {  	_ =	swait.ge [sflag:s23], $0x800  }
0x44: {  	[sflag:s23] =	ssyncset.done $0x0  }
0x45: {  	s20 =	rddreg [dreg:$0x4];
	[sflag:s23] =	ssyncadd.s32 $0xFFFFF800  }
0x46: {  	[hbm4b:s20+s13] =	stream.strided.scatter [tilespmem:s25], [sflag:$0x8], $0x800, s24, s13, $0x38;
	[tilespmem:$0xA410] =	vst v63  }
0x47: {  	_ =	swait.ge [sflag:s26], $0x800  }
0x48: {  	[sflag:s26] =	ssyncset.done $0x0  }
0x49: {  	[sflag:s26] =	ssyncadd.s32 $0xFFFFF800  }
0x4a: {  	[tilespmem:s22], [sflag:$0x2] =	stream.linear.gather [spmem:s7], $0x800, $0x38;
	[tilespmem:$0xA410] =	vst v63  }
0x4b: {  	_ =	swait.ge [sflag:s23], $0x800  }
0x4c: {  	[sflag:s23] =	ssyncset.done $0x0  }
0x4d: {  	s16 =	rddreg [dreg:$0x5];
	[sflag:s23] =	ssyncadd.s32 $0xFFFFF800  }
0x4e: {  	[hbm4b:s16+s13] =	stream.strided.scatter [tilespmem:s22], [sflag:$0x7], $0x800, s24, s13, $0x38;
	[tilespmem:$0xA410] =	vst v63  }
0x4f: {  	_ =	swait.ge [sflag:s30], $0x800  }
0x50: {  	[sflag:s30] =	ssyncset.done $0x0  }
0x51: {  	[sflag:s30] =	ssyncadd.s32 $0xFFFFF800  }
0x52: {  	[tilespmem:s25], [sflag:$0x2] =	stream.linear.gather [spmem:s8], $0x800, $0x38;
	[tilespmem:$0xA410] =	vst v63  }
0x53: {  	_ =	swait.ge [sflag:s23], $0x800  }
0x54: {  	[sflag:s23] =	ssyncset.done $0x0  }
0x55: {  	s17 =	rddreg [dreg:$0x6];
	[sflag:s23] =	ssyncadd.s32 $0xFFFFF800  }
0x56: {  	[hbm4b:s17+s13] =	stream.strided.scatter [tilespmem:s25], [sflag:$0x8], $0x800, s24, s13, $0x38;
	[tilespmem:$0xA410] =	vst v63  }
0x57: {  	_ =	swait.ge [sflag:s26], $0x800  }
0x58: {  	[sflag:s26] =	ssyncset.done $0x0  }
0x59: {  	[sflag:s26] =	ssyncadd.s32 $0xFFFFF800  }
0x5a: {  	[tilespmem:s22], [sflag:$0x2] =	stream.linear.gather [spmem:s9], $0x700, $0x38;
	[tilespmem:$0xA410] =	vst v63  }
0x5b: {  	_ =	swait.ge [sflag:s23], $0x700  }
0x5c: {  	[sflag:s23] =	ssyncset.done $0x0  }
0x5d: {  	s18 =	rddreg [dreg:$0x7];
	[sflag:s23] =	ssyncadd.s32 $0xFFFFF900  }
0x5e: {  	[hbm4b:s18+s13] =	stream.strided.scatter [tilespmem:s22], [sflag:$0x7], $0x700, s24, s13, $0x38;
	[tilespmem:$0xA410] =	vst v63  }
0x5f: {  	_ =	swait.ge [sflag:s30], $0x800  }
0x60: {  	[sflag:s30] =	ssyncset.done $0x0  }
0x61: {  	[sflag:s30] =	ssyncadd.s32 $0xFFFFF800  }
0x62: {  	_ =	swait.ge [sflag:s26], $0x700  }
0x63: {  	[sflag:s26] =	ssyncset.done $0x0  }
0x64: {  	s15 =	simm.s32 @!p0 $0x5F00;
	s16 =	simm.s32 @!p0 $0xB;
	[sflag:s26] =	ssyncadd.s32 $0xFFFFF900  }
0x65: {  	[tilespmem:s15], [sflag:$0xB] =	stream.linear.gather @!p0 [spmem:s10], $0x100, $0x38;
	[tilespmem:$0xA410] =	vst v63  }
0x66: {  	_ =	swait.ge @!p0 [sflag:s16], $0x100  }
0x67: {  	s20 =	simm.s32 @!p0 $0x10;
	[sflag:s16] =	ssyncset.done @!p0 $0x0  }
0x68: {  	s17 =	simm.s32 @!p0 $0x80;
	s18 =	rddreg [dreg:$0x8];
	[sflag:s16] =	ssyncadd.s32 @!p0 $0xFFFFFF00  }
0x69: {  	[hbm4b:s18+s20] =	stream.strided.scatter @!p0 [tilespmem:s15], [sflag:$0xB], $0x100, s17, s20, $0x38;
	[tilespmem:$0xA410] =	vst v63  }
0x6a: {  	_ =	swait.ge @!p0 [sflag:s16], $0x100  }
0x6b: {  	s14 =	sadd.s32 $0x1, s14;
	s20 =	rddreg [dreg:$0x9]  }
0x6c: {  	p2 =	sne.s32 s14, s20  }
.Ltmp1:
0x6d: {  	_ = 	snop;
	(pc) =	sbr.rel @!p2 .LBB2_11-.Ltmp1, $3  }
0x6e: {  	_ =	sdelay $0x1  }
0x6f: {  	[sflag:s16] =	ssyncset.done @!p0 $0x0  }
0x70: {  	s17 =	simm.s32 $0x2780;
	[sflag:s16] =	ssyncadd.s32 @!p0 $0xFFFFFF00  }
.LBB2_1:
0x71: {  	s15 =	simm.s32 $0x0;
	s16 =	rddreg [dreg:$0xa]  }
0x72: {  	[tilespmem:s15], [sflag:$0x1] =	stream.linear.gather [hbm4b:s16+s15], $0x2780, $0x38;
	[tilespmem:$0xA410] =	vst v63  }
0x73: {  	_ = 	snop  }
0x74: {  	[tilespmem:s17], [sflag:$0x1] =	stream.linear.gather [hbm4b:s19+s15], $0x2780, $0x38;
	[tilespmem:$0xA410] =	vst v63  }
0x75: {  	_ =	swait.ge [sflag:s21], $0x2780  }
0x76: {  	[sflag:s21] =	ssyncset.done $0x0  }
0x77: {  	[sflag:s21] =	ssyncadd.s32 $0xFFFFD880  }
0x78: {  	_ =	swait.ge [sflag:s21], $0x2780  }
0x79: {  	[sflag:s21] =	ssyncset.done $0x0  }
0x7a: {  	s16 =	simm.s32 $0x0;
	s15 =	simm.s32 $0x40;
	[sflag:s21] =	ssyncadd.s32 $0xFFFFD880  }
.LBB2_2:
0x7b: {  	p2 =	sne.s32 s15, $0x1FC0;
	[tilespmem:s16+$0x4F00] =	vst v0;
	s16 =	smov.u32 s15;
	s15 =	sadd.s32 $0x40, s15  }
.Ltmp2:
0x7c: {  	(pc) =	sbr.rel @p2 .LBB2_2-.Ltmp2, $2  }
0x7d: {  	_ =	sdelay $0x2  }
0x7e: {  	s16 =	sshra.s32 s16, $0x2  }
0x7f: {  	[tilespmem:s16+$0x4F00] =	vst v0  }
0x80: {  	[spmem:s5] =	stream.linear.scatter [tilespmem:s22], [sflag:$0x2], $0x800, $0x38;
	[tilespmem:$0xA410] =	vst v63  }
0x81: {  	_ = 	snop  }
0x82: {  	[spmem:s6] =	stream.linear.scatter [tilespmem:s22], [sflag:$0x2], $0x800, $0x38;
	[tilespmem:$0xA410] =	vst v63  }
0x83: {  	_ = 	snop  }
0x84: {  	[spmem:s7] =	stream.linear.scatter [tilespmem:s22], [sflag:$0x2], $0x800, $0x38;
	[tilespmem:$0xA410] =	vst v63  }
0x85: {  	_ = 	snop  }
0x86: {  	[spmem:s8] =	stream.linear.scatter [tilespmem:s22], [sflag:$0x2], $0x800, $0x38;
	[tilespmem:$0xA410] =	vst v63  }
0x87: {  	_ = 	snop  }
0x88: {  	[spmem:s9] =	stream.linear.scatter [tilespmem:s22], [sflag:$0x2], $0x700, $0x38;
	[tilespmem:$0xA410] =	vst v63  }
0x89: {  	s15 =	simm.s32 @!p0 $0x4F00  }
0x8a: {  	[spmem:s10] =	stream.linear.scatter @!p0 [tilespmem:s15], [sflag:$0x2], $0x100, $0x38;
	[tilespmem:$0xA410] =	vst v63  }
0x8b: {  	_ =	swait.ge [sflag:s23], $0x800  }
0x8c: {  	[sflag:s23] =	ssyncset.done $0x0  }
0x8d: {  	[sflag:s23] =	ssyncadd.s32 $0xFFFFF800  }
0x8e: {  	_ =	swait.ge [sflag:s23], $0x800  }
0x8f: {  	[sflag:s23] =	ssyncset.done $0x0  }
0x90: {  	[sflag:s23] =	ssyncadd.s32 $0xFFFFF800  }
0x91: {  	_ =	swait.ge [sflag:s23], $0x800  }
0x92: {  	[sflag:s23] =	ssyncset.done $0x0  }
0x93: {  	[sflag:s23] =	ssyncadd.s32 $0xFFFFF800  }
0x94: {  	_ =	swait.ge [sflag:s23], $0x800  }
0x95: {  	[sflag:s23] =	ssyncset.done $0x0  }
0x96: {  	[sflag:s23] =	ssyncadd.s32 $0xFFFFF800  }
0x97: {  	_ =	swait.ge [sflag:s23], $0x700  }
0x98: {  	[sflag:s23] =	ssyncset.done $0x0  }
0x99: {  	s15 =	simm.s32 @!p0 $0x2;
	[sflag:s23] =	ssyncadd.s32 $0xFFFFF900  }
0x9a: {  	_ =	swait.ge @!p0 [sflag:s15], $0x100  }
0x9b: {  	[sflag:s15] =	ssyncset.done @!p0 $0x0  }
0x9c: {  	[sflag:s15] =	ssyncadd.s32 @!p0 $0xFFFFFF00  }
0x9d: {  	s20 =	simm.s32 $0x0;
	[bflag:$0x0] =	sbarrier.arrive $0xFFFF  }
0x9e: {  	[tilespmem:s22], [sflag:$0x3] =	stream.indirect.gather [hbm4b:s4+s24], $0x10, s20, s24, $0xb8;
	[tilespmem:$0xA410] =	vst v63  }
0x9f: {  	_ = 	snop  }
0xa0: {  	[tilespmem:s25], [sflag:$0x4] =	stream.indirect.gather [hbm4b:s4+s24], $0x10, s24, s24, $0xb8;
	[tilespmem:$0xA410] =	vst v63  }
0xa1: {  	s16 =	simm.s32 $0x100  }
0xa2: {  	[tilespmem:s28], [sflag:$0x5] =	stream.indirect.gather [hbm4b:s4+s24], $0x10, s16, s24, $0xb8;
	[tilespmem:$0xA410] =	vst v63  }
0xa3: {  	_ =	swait.ge [sflag:s29], $0x800  }
0xa4: {  	[sflag:s29] =	ssyncset.done $0x0  }
0xa5: {  	[sflag:s29] =	ssyncadd.s32 $0xFFFFF800  }
0xa6: {  	[spmem:s1] =	stream.indirect.scatter.add.f32 [tilespmem:s22], [sflag:$0x7], $0x10, s17, s24, $0xb8;
	[tilespmem:$0xA410] =	vst v63  }
0xa7: {  	s17 =	simm.s32 $0x180  }
0xa8: {  	[tilespmem:s31], [sflag:$0x6] =	stream.indirect.gather [hbm4b:s4+s24], $0x10, s17, s24, $0xb8;
	[tilespmem:$0xA410] =	vst v63  }
0xa9: {  	_ =	swait.ge [sflag:s0], $0x800  }
0xaa: {  	[sflag:s0] =	ssyncset.done $0x0  }
0xab: {  	s18 =	simm.s32 $0x2800;
	[sflag:s0] =	ssyncadd.s32 $0xFFFFF800  }
0xac: {  	[spmem:s1] =	stream.indirect.scatter.add.f32 [tilespmem:s25], [sflag:$0x8], $0x10, s18, s24, $0xb8;
	[tilespmem:$0xA410] =	vst v63  }
0xad: {  	_ =	swait.ge [sflag:s26], $0x800  }
0xae: {  	[sflag:s26] =	ssyncset.done $0x0  }
0xaf: {  	s20 =	simm.s32 $0x200;
	[sflag:s26] =	ssyncadd.s32 $0xFFFFF800  }
0xb0: {  	[tilespmem:s22], [sflag:$0x3] =	stream.indirect.gather [hbm4b:s4+s24], $0x10, s20, s24, $0xb8;
	[tilespmem:$0xA410] =	vst v63  }
0xb1: {  	_ =	swait.ge [sflag:s2], $0x800  }
0xb2: {  	[sflag:s2] =	ssyncset.done $0x0  }
0xb3: {  	s16 =	simm.s32 $0x2880;
	[sflag:s2] =	ssyncadd.s32 $0xFFFFF800  }
0xb4: {  	[spmem:s1] =	stream.indirect.scatter.add.f32 [tilespmem:s28], [sflag:$0x9], $0x10, s16, s24, $0xb8;
	[tilespmem:$0xA410] =	vst v63  }
0xb5: {  	_ =	swait.ge [sflag:s30], $0x800  }
0xb6: {  	[sflag:s30] =	ssyncset.done $0x0  }
0xb7: {  	s17 =	simm.s32 $0x280;
	[sflag:s30] =	ssyncadd.s32 $0xFFFFF800  }
0xb8: {  	[tilespmem:s25], [sflag:$0x4] =	stream.indirect.gather [hbm4b:s4+s24], $0x10, s17, s24, $0xb8;
	[tilespmem:$0xA410] =	vst v63  }
0xb9: {  	_ =	swait.ge [sflag:s3], $0x800  }
0xba: {  	[sflag:s3] =	ssyncset.done $0x0  }
0xbb: {  	s18 =	simm.s32 $0x2900;
	[sflag:s3] =	ssyncadd.s32 $0xFFFFF800  }
0xbc: {  	[spmem:s1] =	stream.indirect.scatter.add.f32 [tilespmem:s31], [sflag:$0xA], $0x10, s18, s24, $0xb8;
	[tilespmem:$0xA410] =	vst v63  }
.Ltmp3:
0xbd: {  	_ = 	snop;
	(pc) =	sbr.rel @p1 .LBB2_7-.Ltmp3, $4  }
0xbe: {  	_ =	swait.ge [sflag:s11], $0x800  }
0xbf: {  	[sflag:s11] =	ssyncset.done $0x0  }
0xc0: {  	s20 =	simm.s32 $0x300;
	[sflag:s11] =	ssyncadd.s32 $0xFFFFF800  }
0xc1: {  	[tilespmem:s28], [sflag:$0x5] =	stream.indirect.gather [hbm4b:s4+s24], $0x10, s20, s24, $0xb8;
	[tilespmem:$0xA410] =	vst v63  }
0xc2: {  	_ =	swait.ge [sflag:s29], $0x800  }
0xc3: {  	[sflag:s29] =	ssyncset.done $0x0  }
0xc4: {  	s15 =	simm.s32 $0x2980;
	[sflag:s29] =	ssyncadd.s32 $0xFFFFF800  }
0xc5: {  	[spmem:s1] =	stream.indirect.scatter.add.f32 [tilespmem:s22], [sflag:$0x7], $0x10, s15, s24, $0xb8;
	[tilespmem:$0xA410] =	vst v63  }
0xc6: {  	_ =	swait.ge [sflag:s12], $0x800  }
0xc7: {  	[sflag:s12] =	ssyncset.done $0x0  }
0xc8: {  	s18 =	simm.s32 $0x380;
	[sflag:s12] =	ssyncadd.s32 $0xFFFFF800  }
0xc9: {  	[tilespmem:s31], [sflag:$0x6] =	stream.indirect.gather [hbm4b:s4+s24], $0x10, s18, s24, $0xb8;
	[tilespmem:$0xA410] =	vst v63  }
0xca: {  	_ =	swait.ge [sflag:s0], $0x800  }
0xcb: {  	[sflag:s0] =	ssyncset.done $0x0  }
0xcc: {  	s20 =	simm.s32 $0x2A00;
	[sflag:s0] =	ssyncadd.s32 $0xFFFFF800  }
0xcd: {  	[spmem:s1] =	stream.indirect.scatter.add.f32 [tilespmem:s25], [sflag:$0x8], $0x10, s20, s24, $0xb8;
	[tilespmem:$0xA410] =	vst v63  }
0xce: {  	_ =	swait.ge [sflag:s26], $0x800  }
0xcf: {  	[sflag:s26] =	ssyncset.done $0x0  }
0xd0: {  	s16 =	simm.s32 $0x400;
	[sflag:s26] =	ssyncadd.s32 $0xFFFFF800  }
0xd1: {  	[tilespmem:s22], [sflag:$0x3] =	stream.indirect.gather [hbm4b:s4+s24], $0x10, s16, s24, $0xb8;
	[tilespmem:$0xA410] =	vst v63  }
0xd2: {  	_ =	swait.ge [sflag:s2], $0x800  }
0xd3: {  	[sflag:s2] =	ssyncset.done $0x0  }
0xd4: {  	s17 =	simm.s32 $0x2A80;
	[sflag:s2] =	ssyncadd.s32 $0xFFFFF800  }
0xd5: {  	[spmem:s1] =	stream.indirect.scatter.add.f32 [tilespmem:s28], [sflag:$0x9], $0x10, s17, s24, $0xb8;
	[tilespmem:$0xA410] =	vst v63  }
0xd6: {  	_ =	swait.ge [sflag:s30], $0x800  }
0xd7: {  	[sflag:s30] =	ssyncset.done $0x0  }
0xd8: {  	s18 =	simm.s32 $0x480;
	[sflag:s30] =	ssyncadd.s32 $0xFFFFF800  }
0xd9: {  	[tilespmem:s25], [sflag:$0x4] =	stream.indirect.gather [hbm4b:s4+s24], $0x10, s18, s24, $0xb8;
	[tilespmem:$0xA410] =	vst v63  }
0xda: {  	_ =	swait.ge [sflag:s3], $0x800  }
0xdb: {  	[sflag:s3] =	ssyncset.done $0x0  }
0xdc: {  	s20 =	simm.s32 $0x2B00;
	[sflag:s3] =	ssyncadd.s32 $0xFFFFF800  }
0xdd: {  	[spmem:s1] =	stream.indirect.scatter.add.f32 [tilespmem:s31], [sflag:$0xA], $0x10, s20, s24, $0xb8;
	[tilespmem:$0xA410] =	vst v63  }
0xde: {  	_ =	swait.ge [sflag:s11], $0x800  }
0xdf: {  	[sflag:s11] =	ssyncset.done $0x0  }
0xe0: {  	s15 =	simm.s32 $0x800;
	s16 =	simm.s32 $0x500;
	[sflag:s11] =	ssyncadd.s32 $0xFFFFF800  }
.LBB2_5:
0xe1: {  	[tilespmem:s28], [sflag:$0x5] =	stream.indirect.gather [hbm4b:s4+s24], $0x10, s16, s24, $0xb8;
	[tilespmem:$0xA410] =	vst v63  }
0xe2: {  	s16 =	smov.u32 s15  }
0xe3: {  	p2 =	seq.s32 s15, $0x8800;
	s15 =	sadd.s32 $0x800, s15;
	_ =	swait.ge [sflag:s29], $0x800  }
0xe4: {  	s16 =	sshra.s32 s16, $0x2;
	[sflag:s29] =	ssyncset.done $0x0  }
0xe5: {  	s20 =	sadd.s32 $0x2980, s16;
	[sflag:s29] =	ssyncadd.s32 $0xFFFFF800  }
0xe6: {  	[spmem:s1] =	stream.indirect.scatter.add.f32 [tilespmem:s22], [sflag:$0x7], $0x10, s20, s24, $0xb8;
	[tilespmem:$0xA410] =	vst v63  }
0xe7: {  	_ =	swait.ge [sflag:s12], $0x800  }
0xe8: {  	[sflag:s12] =	ssyncset.done $0x0  }
0xe9: {  	s20 =	sadd.s32 $0x380, s16;
	[sflag:s12] =	ssyncadd.s32 $0xFFFFF800  }
0xea: {  	[tilespmem:s31], [sflag:$0x6] =	stream.indirect.gather [hbm4b:s4+s24], $0x10, s20, s24, $0xb8;
	[tilespmem:$0xA410] =	vst v63  }
0xeb: {  	_ =	swait.ge [sflag:s0], $0x800  }
0xec: {  	[sflag:s0] =	ssyncset.done $0x0  }
0xed: {  	s20 =	sadd.s32 $0x2A00, s16;
	[sflag:s0] =	ssyncadd.s32 $0xFFFFF800  }
0xee: {  	[spmem:s1] =	stream.indirect.scatter.add.f32 [tilespmem:s25], [sflag:$0x8], $0x10, s20, s24, $0xb8;
	[tilespmem:$0xA410] =	vst v63  }
0xef: {  	_ =	swait.ge [sflag:s26], $0x800  }
0xf0: {  	[sflag:s26] =	ssyncset.done $0x0  }
0xf1: {  	s20 =	sadd.s32 $0x400, s16;
	[sflag:s26] =	ssyncadd.s32 $0xFFFFF800  }
0xf2: {  	[tilespmem:s22], [sflag:$0x3] =	stream.indirect.gather [hbm4b:s4+s24], $0x10, s20, s24, $0xb8;
	[tilespmem:$0xA410] =	vst v63  }
0xf3: {  	_ =	swait.ge [sflag:s2], $0x800  }
0xf4: {  	[sflag:s2] =	ssyncset.done $0x0  }
0xf5: {  	s20 =	sadd.s32 $0x2A80, s16;
	[sflag:s2] =	ssyncadd.s32 $0xFFFFF800  }
0xf6: {  	[spmem:s1] =	stream.indirect.scatter.add.f32 [tilespmem:s28], [sflag:$0x9], $0x10, s20, s24, $0xb8;
	[tilespmem:$0xA410] =	vst v63  }
0xf7: {  	_ =	swait.ge [sflag:s30], $0x800  }
0xf8: {  	[sflag:s30] =	ssyncset.done $0x0  }
0xf9: {  	s20 =	sadd.s32 $0x480, s16;
	[sflag:s30] =	ssyncadd.s32 $0xFFFFF800  }
0xfa: {  	[tilespmem:s25], [sflag:$0x4] =	stream.indirect.gather [hbm4b:s4+s24], $0x10, s20, s24, $0xb8;
	[tilespmem:$0xA410] =	vst v63  }
0xfb: {  	_ =	swait.ge [sflag:s3], $0x800  }
0xfc: {  	[sflag:s3] =	ssyncset.done $0x0  }
.Ltmp4:
0xfd: {  	s20 =	sadd.s32 $0x2B00, s16;
	[sflag:s3] =	ssyncadd.s32 $0xFFFFF800;
	(pc) =	sbr.rel @!p2 .LBB2_5-.Ltmp4, $4  }
0xfe: {  	[spmem:s1] =	stream.indirect.scatter.add.f32 [tilespmem:s31], [sflag:$0xA], $0x10, s20, s24, $0xb8;
	[tilespmem:$0xA410] =	vst v63  }
0xff: {  	_ =	swait.ge [sflag:s11], $0x800  }
0x100: {  	[sflag:s11] =	ssyncset.done $0x0  }
0x101: {  	s16 =	sadd.s32 $0x500, s16;
	[sflag:s11] =	ssyncadd.s32 $0xFFFFF800  }
.Ltmp5:
0x102: {  	(pc) =	sbr.rel .LBB2_10-.Ltmp5, $2  }
0x103: {  	_ =	sdelay $0x2  }
0x104: {  	[tilespmem:s28], [sflag:$0x5] =	stream.indirect.gather [hbm4b:s4+s24], $0x10, s16, s24, $0xb8;
	[tilespmem:$0xA410] =	vst v63  }
.LBB2_7:
0x105: {  	_ =	swait.ge [sflag:s29], $0x800  }
0x106: {  	[sflag:s29] =	ssyncset.done $0x0  }
0x107: {  	s15 =	simm.s32 $0x2980;
	[sflag:s29] =	ssyncadd.s32 $0xFFFFF800  }
0x108: {  	[spmem:s1] =	stream.indirect.scatter.add.f32 [tilespmem:s22], [sflag:$0x7], $0x10, s15, s24, $0xb8;
	[tilespmem:$0xA410] =	vst v63  }
0x109: {  	_ =	swait.ge [sflag:s12], $0x800  }
0x10a: {  	[sflag:s12] =	ssyncset.done $0x0  }
0x10b: {  	s18 =	simm.s32 $0x380;
	[sflag:s12] =	ssyncadd.s32 $0xFFFFF800  }
0x10c: {  	[tilespmem:s31], [sflag:$0x6] =	stream.indirect.gather [hbm4b:s4+s24], $0x10, s18, s24, $0xb8;
	[tilespmem:$0xA410] =	vst v63  }
0x10d: {  	_ =	swait.ge [sflag:s0], $0x800  }
0x10e: {  	[sflag:s0] =	ssyncset.done $0x0  }
0x10f: {  	s20 =	simm.s32 $0x2A00;
	[sflag:s0] =	ssyncadd.s32 $0xFFFFF800  }
0x110: {  	[spmem:s1] =	stream.indirect.scatter.add.f32 [tilespmem:s25], [sflag:$0x8], $0x10, s20, s24, $0xb8;
	[tilespmem:$0xA410] =	vst v63  }
0x111: {  	_ =	swait.ge [sflag:s26], $0x800  }
0x112: {  	[sflag:s26] =	ssyncset.done $0x0  }
0x113: {  	s16 =	simm.s32 $0x400;
	[sflag:s26] =	ssyncadd.s32 $0xFFFFF800  }
0x114: {  	[tilespmem:s22], [sflag:$0x3] =	stream.indirect.gather [hbm4b:s4+s24], $0x10, s16, s24, $0xb8;
	[tilespmem:$0xA410] =	vst v63  }
0x115: {  	_ =	swait.ge [sflag:s2], $0x800  }
0x116: {  	[sflag:s2] =	ssyncset.done $0x0  }
0x117: {  	s17 =	simm.s32 $0x2A80;
	[sflag:s2] =	ssyncadd.s32 $0xFFFFF800  }
0x118: {  	[spmem:s1] =	stream.indirect.scatter.add.f32 [tilespmem:s28], [sflag:$0x9], $0x10, s17, s24, $0xb8;
	[tilespmem:$0xA410] =	vst v63  }
0x119: {  	_ =	swait.ge [sflag:s30], $0x800  }
0x11a: {  	[sflag:s30] =	ssyncset.done $0x0  }
0x11b: {  	s18 =	simm.s32 $0x480;
	[sflag:s30] =	ssyncadd.s32 $0xFFFFF800  }
0x11c: {  	[tilespmem:s25], [sflag:$0x4] =	stream.indirect.gather [hbm4b:s4+s24], $0x10, s18, s24, $0xb8;
	[tilespmem:$0xA410] =	vst v63  }
0x11d: {  	_ =	swait.ge [sflag:s3], $0x800  }
0x11e: {  	[sflag:s3] =	ssyncset.done $0x0  }
0x11f: {  	s20 =	simm.s32 $0x2B00;
	[sflag:s3] =	ssyncadd.s32 $0xFFFFF800  }
0x120: {  	[spmem:s1] =	stream.indirect.scatter.add.f32 [tilespmem:s31], [sflag:$0xA], $0x10, s20, s24, $0xb8;
	[tilespmem:$0xA410] =	vst v63  }
0x121: {  	_ =	swait.ge [sflag:s11], $0x800  }
0x122: {  	[sflag:s11] =	ssyncset.done $0x0  }
0x123: {  	s15 =	simm.s32 $0x800;
	s16 =	simm.s32 $0x500;
	[sflag:s11] =	ssyncadd.s32 $0xFFFFF800  }
.LBB2_8:
0x124: {  	[tilespmem:s28], [sflag:$0x5] =	stream.indirect.gather [hbm4b:s4+s24], $0x10, s16, s24, $0xb8;
	[tilespmem:$0xA410] =	vst v63  }
0x125: {  	s16 =	smov.u32 s15  }
0x126: {  	p2 =	sne.s32 s15, $0x8800;
	s15 =	sadd.s32 $0x800, s15;
	_ =	swait.ge [sflag:s29], $0x800  }
0x127: {  	s16 =	sshra.s32 s16, $0x2;
	[sflag:s29] =	ssyncset.done $0x0  }
0x128: {  	s20 =	sadd.s32 $0x2980, s16;
	[sflag:s29] =	ssyncadd.s32 $0xFFFFF800  }
0x129: {  	[spmem:s1] =	stream.indirect.scatter.add.f32 [tilespmem:s22], [sflag:$0x7], $0x10, s20, s24, $0xb8;
	[tilespmem:$0xA410] =	vst v63  }
0x12a: {  	_ =	swait.ge [sflag:s12], $0x800  }
0x12b: {  	[sflag:s12] =	ssyncset.done $0x0  }
0x12c: {  	s20 =	sadd.s32 $0x380, s16;
	[sflag:s12] =	ssyncadd.s32 $0xFFFFF800  }
0x12d: {  	[tilespmem:s31], [sflag:$0x6] =	stream.indirect.gather [hbm4b:s4+s24], $0x10, s20, s24, $0xb8;
	[tilespmem:$0xA410] =	vst v63  }
0x12e: {  	_ =	swait.ge [sflag:s0], $0x800  }
0x12f: {  	[sflag:s0] =	ssyncset.done $0x0  }
0x130: {  	s20 =	sadd.s32 $0x2A00, s16;
	[sflag:s0] =	ssyncadd.s32 $0xFFFFF800  }
0x131: {  	[spmem:s1] =	stream.indirect.scatter.add.f32 [tilespmem:s25], [sflag:$0x8], $0x10, s20, s24, $0xb8;
	[tilespmem:$0xA410] =	vst v63  }
0x132: {  	_ =	swait.ge [sflag:s26], $0x800  }
0x133: {  	[sflag:s26] =	ssyncset.done $0x0  }
0x134: {  	s20 =	sadd.s32 $0x400, s16;
	[sflag:s26] =	ssyncadd.s32 $0xFFFFF800  }
0x135: {  	[tilespmem:s22], [sflag:$0x3] =	stream.indirect.gather [hbm4b:s4+s24], $0x10, s20, s24, $0xb8;
	[tilespmem:$0xA410] =	vst v63  }
0x136: {  	_ =	swait.ge [sflag:s2], $0x800  }
0x137: {  	[sflag:s2] =	ssyncset.done $0x0  }
0x138: {  	s20 =	sadd.s32 $0x2A80, s16;
	[sflag:s2] =	ssyncadd.s32 $0xFFFFF800  }
0x139: {  	[spmem:s1] =	stream.indirect.scatter.add.f32 [tilespmem:s28], [sflag:$0x9], $0x10, s20, s24, $0xb8;
	[tilespmem:$0xA410] =	vst v63  }
0x13a: {  	_ =	swait.ge [sflag:s30], $0x800  }
0x13b: {  	[sflag:s30] =	ssyncset.done $0x0  }
0x13c: {  	s20 =	sadd.s32 $0x480, s16;
	[sflag:s30] =	ssyncadd.s32 $0xFFFFF800  }
0x13d: {  	[tilespmem:s25], [sflag:$0x4] =	stream.indirect.gather [hbm4b:s4+s24], $0x10, s20, s24, $0xb8;
	[tilespmem:$0xA410] =	vst v63  }
0x13e: {  	_ =	swait.ge [sflag:s3], $0x800  }
0x13f: {  	[sflag:s3] =	ssyncset.done $0x0  }
.Ltmp6:
0x140: {  	s20 =	sadd.s32 $0x2B00, s16;
	[sflag:s3] =	ssyncadd.s32 $0xFFFFF800;
	(pc) =	sbr.rel @p2 .LBB2_8-.Ltmp6, $4  }
0x141: {  	[spmem:s1] =	stream.indirect.scatter.add.f32 [tilespmem:s31], [sflag:$0xA], $0x10, s20, s24, $0xb8;
	[tilespmem:$0xA410] =	vst v63  }
0x142: {  	_ =	swait.ge [sflag:s11], $0x800  }
0x143: {  	[sflag:s11] =	ssyncset.done $0x0  }
0x144: {  	s16 =	sadd.s32 $0x500, s16;
	[sflag:s11] =	ssyncadd.s32 $0xFFFFF800  }
.Ltmp7:
0x145: {  	_ = 	snop;
	(pc) =	sbr.rel .LBB2_9-.Ltmp7, $1  }
0x146: {  	_ =	sdelay $0x3  }
.LBB2_11:
0x147: {  	_ =	sfence.sel $0x180000  }
0x148: {  	[bflag:$0x0] =	sbarrier.arrive $0xFFFF  }
0x149: {  	_ =	strace $0x9000004A  }
0x14a: {  	s0 =	stileid.u32;
	[bflag:$0x2] =	sbarrier.arrive $0xFFFF  }
0x14b: {  	p0 =	sne.s32 s0, $0x0;
	s0 =	rddreg [dreg:$0x2]  }
0x14c: {  	s0 =	sadd.s32 @!p0 $0x100000, s0  }
0x14d: {  	[sflag:s0] =	ssyncadd.tile.s32 @!p0 $0x1;
	_ =	shalt  }
.Lfunc_end2:
_tile_overlayer_lowered:
.L_overlay_start_2:
0x14e: {  	(tag) =	ssettag $0x2  }
0x14f: {  	s0 =	rddreg [dreg:$0x0];
	s2 =	stileid.u32  }
0x150: {  	s1 =	rddreg [dreg:$0x1];
	p0 =	sne.s32 s2, $0x0  }
0x151: {  	s3 =	rddreg [dreg:$0x2];
	[bflag:$0x3] =	sbarrier.arrive $0xFFFF;
	s2 =	simm.s32 @!p0 $0x1C0B  }
0x152: {  	[timem:s3], [sflag:s2] =	dma.local @!p0 [hbm:s0], s1  }
0x153: {  	s0 =	simm.s32 @!p0 $0xB  }
0x154: {  	_ =	swait.ge @!p0 [sflag:s0], s1  }
0x155: {  	s1 =	ssub.s32 @!p0 $0x0, s1;
	[sflag:s0] =	ssyncset.done @!p0 $0x0  }
0x156: {  	[sflag:s0] =	ssyncadd.s32 @!p0 s1  }
0x157: {  	[bflag:$0x3] =	sbarrier.arrive $0xFFFF  }
0x158: {  	_ =	shalt  }

// kernel: kernel.9.cloned.1.call-start
scs
__scs_entry_jumppad:
0x0: {  	(pc) =	sbr.rel $0x88, $3  }
0x1: {  	(tag) =	ssettag $0x0;
	lr =	simm.s32 $0x1  }
0x2: {  	[smem:$0x3F99] =	sst lr;
	_ =	strace $0xD0000000  }
0x3: {  	_ = 	snop  }
0x4: {  	_ = 	snop  }
0x5: {  	_ = 	snop  }
0x6: {  	_ = 	snop  }
0x7: {  	_ = 	snop  }
__scs_overlays_trampoline_lowered:
0x8: {  	[smem:$0x3FA8] =	sst s0  }
0x9: {  	[smem:$0x3FA9] =	sst s1  }
0xa: {  	[smem:$0x3FAA] =	sst s2  }
0xb: {  	[smem:$0x3FAB] =	sst s3  }
0xc: {  	[smem:$0x3FAC] =	sst s4  }
0xd: {  	[smem:$0x3FAD] =	sst s5  }
0xe: {  	[smem:$0x3FAE] =	sst s6  }
0xf: {  	[smem:$0x3FAF] =	sst s7  }
0x10: {  	[smem:$0x3FB0] =	sst s8  }
0x11: {  	[smem:$0x3FB1] =	sst s9;
	s0 =	simm.s32 @!p0 $0x0  }
0x12: {  	s1 =	sld [smem:$0x3F97];
	s0 =	simm.s32 @p0 $0x1  }
0x13: {  	[smem:$0x3FB2] =	sst s0;
	s0 =	simm.s32 @!p1 $0x0  }
0x14: {  	s2 =	sld [smem:$0x3F96];
	s0 =	simm.s32 @p1 $0x1  }
0x15: {  	[smem:$0x3FB3] =	sst s0;
	s0 =	simm.s32 @!p2 $0x0  }
0x16: {  	s3 =	sld [smem:$0x3FDB];
	s0 =	simm.s32 @p2 $0x1  }
0x17: {  	s4 =	simm.s32 $0x1BF5;
	[smem:$0x3FB5] =	sst s0  }
0x18: {  	s0 =	sld [smem:$0x3F98];
	_ =	swait.ge [sflag:s4], $0x0  }
0x19: {  	s7 =	sld [smem:$0x3F99]  }
0x1a: {  	s8 =	sadd.s32 $0xFFFFE003, lr  }
0x1b: {  	s9 =	sadd.s32 $0xFFFFFEF7, lr;
	s5 =	simm.s32 $0xFFFFFFFF;
	p2 =	slt.u32 s8, $0xFFFFF086  }
0x1c: {  	p1 =	slt.u32 s9, $0xF7A;
	s5 =	simm.s32 @!p2 $0x0  }
0x1d: {  	s5 =	simm.s32 @p1 $0x1;
	p0 =	seq.s32 s7, s2  }
0x1e: {  	s7 =	smul.u32 @!p0 $0xF7A, s2;
	p2 =	seq.s32 @!p0 s5, $0x0  }
0x1f: {  	s9 =	smul.u32 $0xF7A, s1;
	s8 =	simm.s32 @!p0 $0x1BF5;
	p2 =	por !p2, p0  }
0x20: {  	[sflag:s8] =	ssyncset.s32 @!p0 $0xFFFFF086;
	s6 =	sadd.s32 @!p0 s3, s7;
	s7 =	simm.s32 @!p0 $0x108  }
0x21: {  	s3 =	sadd.s32 s3, s9;
	s6 =	sadd.s32 @!p0 $0x88, s6;
	s7 =	simm.s32 @p2 $0x1082  }
0x22: {  	[simem:s7], [sflag:s8] =	dma.local @!p0 [hbm:s6], $0xF7A  }
0x23: {  	s9 =	sor.u32 $0xD0000000, s2;
	s6 =	simm.s32 $0x108;
	_ =	swait.ge @!p0 [sflag:s8], $0x0  }
0x24: {  	s3 =	sadd.s32 $0x88, s3;
	s6 =	simm.s32 @!p1 $0x1082;
	[sflag:s4] =	ssyncset.s32 $0xFFFFF086  }
0x25: {  	[simem:s6], [sflag:s4] =	dma.local [hbm:s3], $0xF7A  }
0x26: {  	[smem:$0x3F99] =	sst s1;
	(tag) =	ssettag s2;
	_ =	strace s9  }
0x27: {  	s1 =	sld [smem:$0x3FA9]  }
0x28: {  	s2 =	sld [smem:$0x3FAA]  }
0x29: {  	s4 =	sld [smem:$0x3FAC]  }
0x2a: {  	p0 =	seq.s32 s5, $0x0;
	s5 =	sld [smem:$0x3FAD]  }
0x2b: {  	s6 =	sld [smem:$0x3FAE]  }
0x2c: {  	s7 =	sld [smem:$0x3FAF]  }
0x2d: {  	s3 =	simm.s32 $0x108;
	s8 =	sld [smem:$0x3FB0]  }
0x2e: {  	s3 =	simm.s32 @!p0 $0x1082;
	s9 =	sld [smem:$0x3FB1]  }
0x2f: {  	lr =	sadd.s32 s0, s3;
	s0 =	sld [smem:$0x3FA8]  }
0x30: {  	s3 =	sld [smem:$0x3FAB]  }
0x31: {  	[smem:$0x3FB4] =	sst s10  }
0x32: {  	s10 =	sld [smem:$0x3FB2];
	_ =	sdelay $0x3  }
0x33: {  	p0 =	seq.s32 s10, $0x1;
	s10 =	sld [smem:$0x3FB4];
	_ =	sdelay $0x3  }
0x34: {  	[smem:$0x3FB4] =	sst s10  }
0x35: {  	s10 =	sld [smem:$0x3FB3];
	_ =	sdelay $0x3  }
0x36: {  	p1 =	seq.s32 s10, $0x1;
	s10 =	sld [smem:$0x3FB4];
	_ =	sdelay $0x3  }
0x37: {  	[smem:$0x3FB4] =	sst s10  }
0x38: {  	s10 =	sld [smem:$0x3FB5]  }
0x39: {  	_ = 	snop;
	(pc) =	sbr.ind lr, $3  }
0x3a: {  	_ = 	snop  }
0x3b: {  	_ = 	snop  }
0x3c: {  	p2 =	seq.s32 s10, $0x1;
	s10 =	sld [smem:$0x3FB4]  }
0x3d: {  	_ =	shalt  }
0x3e: {  	_ =	shalt  }
0x3f: {  	_ =	shalt  }
0x40: {  	_ =	shalt  }
0x41: {  	_ =	shalt  }
0x42: {  	_ =	shalt  }
0x43: {  	_ =	shalt  }
0x44: {  	_ =	shalt  }
0x45: {  	_ =	shalt  }
0x46: {  	_ =	shalt  }
0x47: {  	_ =	shalt  }
0x48: {  	_ =	shalt  }
0x49: {  	_ =	shalt  }
0x4a: {  	_ =	shalt  }
0x4b: {  	_ =	shalt  }
0x4c: {  	_ =	shalt  }
0x4d: {  	_ =	shalt  }
0x4e: {  	_ =	shalt  }
0x4f: {  	_ =	shalt  }
0x50: {  	_ =	shalt  }
0x51: {  	_ =	shalt  }
0x52: {  	_ =	shalt  }
0x53: {  	_ =	shalt  }
0x54: {  	_ =	shalt  }
0x55: {  	_ =	shalt  }
0x56: {  	_ =	shalt  }
0x57: {  	_ =	shalt  }
0x58: {  	_ =	shalt  }
0x59: {  	_ =	shalt  }
0x5a: {  	_ =	shalt  }
0x5b: {  	_ =	shalt  }
0x5c: {  	_ =	shalt  }
0x5d: {  	_ =	shalt  }
0x5e: {  	_ =	shalt  }
0x5f: {  	_ =	shalt  }
0x60: {  	_ =	shalt  }
0x61: {  	_ =	shalt  }
0x62: {  	_ =	shalt  }
0x63: {  	_ =	shalt  }
0x64: {  	_ =	shalt  }
0x65: {  	_ =	shalt  }
0x66: {  	_ =	shalt  }
0x67: {  	_ =	shalt  }
0x68: {  	_ =	shalt  }
0x69: {  	_ =	shalt  }
0x6a: {  	_ =	shalt  }
0x6b: {  	_ =	shalt  }
0x6c: {  	_ =	shalt  }
0x6d: {  	_ =	shalt  }
0x6e: {  	_ =	shalt  }
0x6f: {  	_ =	shalt  }
0x70: {  	_ =	shalt  }
0x71: {  	_ =	shalt  }
0x72: {  	_ =	shalt  }
0x73: {  	_ =	shalt  }
0x74: {  	_ =	shalt  }
0x75: {  	_ =	shalt  }
0x76: {  	_ =	shalt  }
0x77: {  	_ =	shalt  }
0x78: {  	_ =	shalt  }
0x79: {  	_ =	shalt  }
0x7a: {  	_ =	shalt  }
0x7b: {  	_ =	shalt  }
0x7c: {  	_ =	shalt  }
0x7d: {  	_ =	shalt  }
0x7e: {  	_ =	shalt  }
0x7f: {  	_ =	shalt  }
0x80: {  	_ =	shalt  }
0x81: {  	_ =	shalt  }
0x82: {  	_ =	shalt  }
0x83: {  	_ =	shalt  }
0x84: {  	_ =	shalt  }
0x85: {  	_ =	shalt  }
0x86: {  	_ =	shalt  }
0x87: {  	_ =	shalt  }
.Lfunc_end0:
.L_simem_size_0:
called_computation_lowered:
.L_overlay_start_0:
0x88: {  	s2 =	sld [smem:$0x3FD9]  }
0x89: {  	s3 =	sld [smem:$0x3FFE];
	_ =	sdelay $0x1  }
0x8a: {  	s1 =	srdreg.scid  }
0x8b: {  	s0 =	sand.u32 $0x1, s1  }
0x8c: {  	s16 =	sshll.u32 s0, $0xA;
	s2 =	sadd.s32 s3, s2  }
0x8d: {  	s2 =	sadd.s32 s2, s16  }
0x8e: {  	[smem:$0x3FC0] =	sst s2  }
0x8f: {  	_ = 	snop  }
0x90: {  	(tm) =	ssettm $0x1  }
0x91: {  	s17 =	sld [smem:$0x3FFB];
	_ =	sdelay $0x3  }
0x92: {  	_ =	strace s17  }
0x93: {  	s2 =	sld [smem:$0x3FFC];
	_ =	sdelay $0x3  }
0x94: {  	_ =	strace s2  }
0x95: {  	s2 =	sld [smem:$0x3FFD];
	_ =	sdelay $0x3  }
0x96: {  	_ =	strace s2  }
0x97: {  	_ =	strace $0x8FFFFFFF  }
0x98: {  	s18 =	sld [smem:$0x3FDB];
	_ =	sdelay $0x1  }
0x99: {  	s19 =	simm.s32 $_scs_section_size  }
0x9a: {  	s4 =	simm.s32 $_size__tile_overlayer_lowered;
	s5 =	simm.s32 $_tile_overlayer_lowered  }
0x9b: {  	s22 =	simm.s32 $0x1BFF;
	s21 =	sshll.u32 s5, $0x1;
	s2 =	sadd.s32 s19, s18  }
0x9c: {  	s6 =	simm.s32 $0x0;
	s20 =	sshll.u32 s4, $0x1;
	s4 =	sadd.s32 s21, s2  }
0x9d: {  	[timem:s6], [sflag:s22] =	dma.local [hbm:s4], s20  }
0x9e: {  	_ =	swait.ge [sflag:s22], s20  }
0x9f: {  	s3 =	ssub.s32 $0x0, s20;
	[sflag:s22] =	ssyncset.done $0x0  }
0xa0: {  	[sflag:s22] =	ssyncadd.s32 s3;
	_ =	sdelay $0x1  }
0xa1: {  	s23 =	simm.s32 $0x1B8B  }
0xa2: {  	_ =	swait.ge [sflag:s23], $0x1  }
0xa3: {  	[sflag:s23] =	ssyncset.done $0x0  }
0xa4: {  	s25 =	simm.s32 $0x1B8E;
	s24 =	sld [smem:$0x3FFE];
	[sflag:s23] =	ssyncadd.s32 $0xFFFFFFFF  }
0xa5: {  	s26 =	simm.s32 $execute0_lowered;
	[smem:$0x3FD2] =	sst s25  }
0xa6: {  	s4 =	sshll.u32 s26, $0x1;
	_ =	strace $0x80000046;
	[dreg:$0x1] =	wrdreg $0xFFFFFFFF  }
0xa7: {  	s28 =	simm.s32 $_size_execute0_lowered;
	s2 =	sadd.s32 s2, s4;
	[dreg:$0x0] =	wrdreg $0x0  }
0xa8: {  	s4 =	sshll.u32 s28, $0x1;
	[dreg:$0x2] =	wrdreg s2  }
0xa9: {  	[dreg:$0x3] =	wrdreg s4  }
0xaa: {  	[dreg:$0x4] =	wrdreg $0xC0  }
0xab: {  	_ =	task [dreg:s6], $0x5FFFF  }
0xac: {  	[dreg:$0x1] =	wrdreg $0xFFFFFFFF  }
0xad: {  	[dreg:$0x0] =	wrdreg $0x60  }
0xae: {  	[dreg:$0x2] =	wrdreg s24  }
0xaf: {  	[dreg:$0x3] =	wrdreg $0xEF000  }
0xb0: {  	[dreg:$0x4] =	wrdreg $0x9  }
0xb1: {  	_ =	task.clear_ibuf [dreg:s6], $0x5FFFF;
	_ =	strace $0x90000046  }
0xb2: {  	s29 =	simm.s32 $0x9;
	_ =	strace $0x80000048  }
0xb3: {  	_ =	swait.ge [sflag:s29], $0x1  }
0xb4: {  	[sflag:s29] =	ssyncadd.s32 $0xFFFFFFFF  }
0xb5: {  	_ =	strace $0x90000048  }
0xb6: {  	_ =	sfence  }
0xb7: {  	s30 =	sld [smem:$0x0];
	_ =	sdelay $0x2  }
0xb8: {  	s31 =	sshll.u32 s1, $0xD;
	s1 =	sshrl.u32 s1, $0x2  }
0xb9: {  	s3 =	sand.u32 $0x4000, s31;
	s1 =	sadd.s32 s1, s30  }
0xba: {  	s0 =	sor.u32 s3, s0;
	s1 =	sshll.u32 s1, $0x11  }
0xbb: {  	s0 =	sor.u32 s1, s0  }
0xbc: {  	s0 =	sadd.s32 $0x8F2B, s0  }
0xbd: {  	[sflag:s0] =	ssyncadd.remote.s32 $0x1  }
0xbe: {  	_ =	sfence.sel $0xFFFF  }
0xbf: {  	[dreg:$0x0] =	wrdreg $0xFFFFFFFF;
	(pc) =	sbr.abs _section_cstart, $3  }
0xc0: {  	[dreg:$0x1] =	wrdreg $0xFFFFFFFF  }
0xc1: {  	_ =	task.clear_ibuf [dreg:s6], $0x2FFFF;
	_ =	strace $0x9FFFFFFF  }
0xc2: {  	(tm) =	ssettm $0x7FFFFFFF  }
0xc3: {  	_ =	shalt  }
tec
execute0_lowered:
.L_overlay_start_1:
0x0: {  	(tag) =	ssettag $0x1  }
0x1: {  	s1 =	rddreg [dreg:$0x0]  }
0x2: {  	s2 =	rddreg [dreg:$0x1];
	s0 =	simm.s32 $0x0  }
0x3: {  	s20 =	stileid.u32;
	s19 =	srdreg.scid;
	s28 =	simm.s32 $0x9F00  }
0x4: {  	s29 =	simm.s32 $0x3;
	s31 =	simm.s32 $0xC700;
	s3 =	smul.u32 $0x270, s20  }
0x5: {  	s30 =	simm.s32 $0x8;
	[smem:$0x7FF] =	sst s0;
	s12 =	smul.u32 $0x2780, s20  }
0x6: {  	s11 =	sadd.s32 $0x1E00, s1;
	s0 =	sand.u32 $0x1, s19;
	s7 =	smul.u32 $0x30C00, s20  }
0x7: {  	s4 =	sadd.s32 $0x15A00, s1;
	s1 =	sadd.s32 $0x2E200, s1;
	s17 =	smul.u32 $0x13800, s20  }
0x8: {  	_ =	strace $0x80000047;
	s5 =	ssub.s32 $0x2, s0;
	p0 =	seq.s32 s0, $0x0  }
0x9: {  	s16 =	smul.u32 $0x138800, s0;
	p1 =	sne.s32 s0, $0x0;
	s0 =	simm.s32 $0x4  }
0xa: {  	s13 =	sadd.s32 $0x80, s3;
	s6 =	sshrl.u32 s5, $0x1;
	s15 =	sadd.s32 $0x27800, s12  }
0xb: {  	s21 =	sshrl.u32 s7, $0x2;
	s23 =	sadd.s32 $0x14000, s7;
	s3 =	sshll.u32 s3, $0x7  }
0xc: {  	s9 =	sadd.s32 $0x1E000, s7;
	s10 =	sadd.s32 $0x28000, s7;
	s8 =	smul.u32 $0x140, s13  }
0xd: {  	s14 =	ssub.s32 s5, s6;
	s5 =	sadd.s32 s21, s2;
	s24 =	sshrl.u32 s9, $0x2  }
0xe: {  	s25 =	sshrl.u32 s10, $0x2;
	s17 =	sadd.s32 s17, s16;
	s10 =	sadd.s32 $0xC3000, s2  }
0xf: {  	s13 =	sshll.u32 s13, $0x7;
	s3 =	sadd.s32 s16, s3;
	s15 =	smov.u32 @p0 s12  }
0x10: {  	s9 =	sadd.s32 s25, s2;
	s17 =	sshrl.u32 s17, $0x3;
	s13 =	sadd.s32 s16, s13  }
0x11: {  	s26 =	sadd.s32 $0x8000, s3;
	s18 =	sadd.s32 $0xC000, s3;
	s3 =	sadd.s32 $0x10000, s3  }
0x12: {  	s25 =	smax.u32 s14, $0x1;
	s14 =	simm.s32 $0x0;
	s22 =	sshrl.u32 s8, $0x2  }
0x13: {  	s8 =	sshrl.u32 s23, $0x2;
	s17 =	sadd.s32 s1, s17;
	s13 =	sshrl.u32 s13, $0x3  }
0x14: {  	s19 =	sshrl.u32 s26, $0x3;
	s21 =	sshrl.u32 s18, $0x3;
	s3 =	sshrl.u32 s3, $0x3  }
0x15: {  	s23 =	sshrl.u32 s16, $0x3;
	s16 =	simm.s32 $0x4F000;
	[dreg:$0x9] =	wrdreg s25  }
0x16: {  	s26 =	sshrl.u32 s15, $0x3;
	s25 =	simm.s32 $0x7700;
	s6 =	sadd.s32 s22, s2  }
0x17: {  	s7 =	sadd.s32 s8, s2;
	s8 =	sadd.s32 s24, s2;
	[dreg:$0x3] =	wrdreg s17  }
0x18: {  	s13 =	sadd.s32 s1, s13;
	s22 =	sadd.s32 s1, s21;
	s3 =	sadd.s32 s1, s3  }
0x19: {  	s16 =	simm.s32 @!p0 $0x76800;
	s17 =	simm.s32 $0x2780;
	[dreg:$0x4] =	wrdreg s13  }
0x1a: {  	s21 =	simm.s32 $0x1;
	p0 =	sne.s32 s20, $0xF;
	[dreg:$0x6] =	wrdreg s22  }
0x1b: {  	s13 =	sadd.s32 s1, s19;
	[dreg:$0x7] =	wrdreg s3;
	s1 =	sadd.s32 s1, s23  }
0x1c: {  	s24 =	sadd.s32 s16, s12;
	s3 =	sadd.s32 s11, s26;
	s22 =	simm.s32 $0x4F00  }
.Ltmp0:
0x1d: {  	s23 =	simm.s32 $0x2;
	s26 =	simm.s32 $0x7;
	(pc) =	sbr.rel .LBB2_1-.Ltmp0, $4  }
0x1e: {  	s12 =	simm.s32 $0xA;
	[dreg:$0x5] =	wrdreg s13;
	s1 =	sadd.s32 $0x27000, s1  }
0x1f: {  	[dreg:$0xa] =	wrdreg s3;
	s3 =	simm.s32 $0x6;
	s13 =	simm.s32 $0x50  }
0x20: {  	[dreg:$0x8] =	wrdreg s1;
	s1 =	sshrl.u32 s24, $0x3;
	s24 =	simm.s32 $0x80  }
0x21: {  	v0 =	vimm.f32 $0.0e+00;
	s19 =	sadd.s32 s11, s1;
	s1 =	simm.s32 $0x5;
	s11 =	simm.s32 $0x9  }
.LBB2_9:
0x22: {  	[tilespmem:s28], [sflag:$0x5] =	stream.indirect.gather [hbm4b:s4+s24], $0x50, s16, s24, $0xb8;
	[tilespmem:$0x1F850] =	vst v63  }
.LBB2_10:
0x23: {  	_ =	swait.ge [sflag:s29], $0x2800  }
0x24: {  	[sflag:s29] =	ssyncset.done $0x0  }
0x25: {  	s15 =	simm.s32 $0x4D80;
	[sflag:s29] =	ssyncadd.s32 $0xFFFFD800  }
0x26: {  	[spmem:s2] =	stream.indirect.scatter.add.f32 [tilespmem:s22], [sflag:$0x7], $0x50, s15, s24, $0xb8;
	[tilespmem:$0x1F850] =	vst v63  }
0x27: {  	_ =	swait.ge [sflag:s12], $0x2800  }
0x28: {  	[sflag:s12] =	ssyncset.done $0x0  }
0x29: {  	[sflag:s12] =	ssyncadd.s32 $0xFFFFD800  }
0x2a: {  	_ =	swait.ge [sflag:s0], $0x2800  }
0x2b: {  	[sflag:s0] =	ssyncset.done $0x0  }
0x2c: {  	s16 =	simm.s32 $0x4E00;
	[sflag:s0] =	ssyncadd.s32 $0xFFFFD800  }
0x2d: {  	[spmem:s2] =	stream.indirect.scatter.add.f32 [tilespmem:s25], [sflag:$0x8], $0x50, s16, s24, $0xb8;
	[tilespmem:$0x1F850] =	vst v63  }
0x2e: {  	_ =	swait.ge [sflag:s26], $0x2800  }
0x2f: {  	[sflag:s26] =	ssyncset.done $0x0  }
0x30: {  	[sflag:s26] =	ssyncadd.s32 $0xFFFFD800  }
0x31: {  	_ =	swait.ge [sflag:s1], $0x2800  }
0x32: {  	[sflag:s1] =	ssyncset.done $0x0  }
0x33: {  	s17 =	simm.s32 $0x4E80;
	[sflag:s1] =	ssyncadd.s32 $0xFFFFD800  }
0x34: {  	[spmem:s2] =	stream.indirect.scatter.add.f32 [tilespmem:s28], [sflag:$0x9], $0x50, s17, s24, $0xb8;
	[tilespmem:$0x1F850] =	vst v63  }
0x35: {  	_ =	swait.ge [sflag:s30], $0x2800  }
0x36: {  	[sflag:s30] =	ssyncset.done $0x0  }
0x37: {  	[sflag:s30] =	ssyncadd.s32 $0xFFFFD800  }
0x38: {  	_ =	swait.ge [sflag:s11], $0x2800  }
0x39: {  	[sflag:s11] =	ssyncset.done $0x0  }
0x3a: {  	[sflag:s11] =	ssyncadd.s32 $0xFFFFD800  }
0x3b: {  	[bflag:$0x0] =	sbarrier.arrive $0xFFFF  }
0x3c: {  	[tilespmem:s22], [sflag:$0x2] =	stream.linear.gather [spmem:s5], $0x2800, $0x38;
	[tilespmem:$0x1F850] =	vst v63  }
0x3d: {  	_ =	swait.ge [sflag:s23], $0x2800  }
0x3e: {  	[sflag:s23] =	ssyncset.done $0x0  }
0x3f: {  	s18 =	rddreg [dreg:$0x3];
	[sflag:s23] =	ssyncadd.s32 $0xFFFFD800  }
0x40: {  	[hbm4b:s18+s13] =	stream.strided.scatter [tilespmem:s22], [sflag:$0x7], $0x2800, s24, s13, $0x38;
	[tilespmem:$0x1F850] =	vst v63  }
0x41: {  	_ = 	snop  }
0x42: {  	[tilespmem:s25], [sflag:$0x2] =	stream.linear.gather [spmem:s6], $0x2800, $0x38;
	[tilespmem:$0x1F850] =	vst v63  }
0x43: {  	_ =	swait.ge [sflag:s23], $0x2800  }
0x44: {  	[sflag:s23] =	ssyncset.done $0x0  }
0x45: {  	s20 =	rddreg [dreg:$0x4];
	[sflag:s23] =	ssyncadd.s32 $0xFFFFD800  }
0x46: {  	[hbm4b:s20+s13] =	stream.strided.scatter [tilespmem:s25], [sflag:$0x8], $0x2800, s24, s13, $0x38;
	[tilespmem:$0x1F850] =	vst v63  }
0x47: {  	_ =	swait.ge [sflag:s26], $0x2800  }
0x48: {  	[sflag:s26] =	ssyncset.done $0x0  }
0x49: {  	[sflag:s26] =	ssyncadd.s32 $0xFFFFD800  }
0x4a: {  	[tilespmem:s22], [sflag:$0x2] =	stream.linear.gather [spmem:s7], $0x2800, $0x38;
	[tilespmem:$0x1F850] =	vst v63  }
0x4b: {  	_ =	swait.ge [sflag:s23], $0x2800  }
0x4c: {  	[sflag:s23] =	ssyncset.done $0x0  }
0x4d: {  	s16 =	rddreg [dreg:$0x5];
	[sflag:s23] =	ssyncadd.s32 $0xFFFFD800  }
0x4e: {  	[hbm4b:s16+s13] =	stream.strided.scatter [tilespmem:s22], [sflag:$0x7], $0x2800, s24, s13, $0x38;
	[tilespmem:$0x1F850] =	vst v63  }
0x4f: {  	_ =	swait.ge [sflag:s30], $0x2800  }
0x50: {  	[sflag:s30] =	ssyncset.done $0x0  }
0x51: {  	[sflag:s30] =	ssyncadd.s32 $0xFFFFD800  }
0x52: {  	[tilespmem:s25], [sflag:$0x2] =	stream.linear.gather [spmem:s8], $0x2800, $0x38;
	[tilespmem:$0x1F850] =	vst v63  }
0x53: {  	_ =	swait.ge [sflag:s23], $0x2800  }
0x54: {  	[sflag:s23] =	ssyncset.done $0x0  }
0x55: {  	s17 =	rddreg [dreg:$0x6];
	[sflag:s23] =	ssyncadd.s32 $0xFFFFD800  }
0x56: {  	[hbm4b:s17+s13] =	stream.strided.scatter [tilespmem:s25], [sflag:$0x8], $0x2800, s24, s13, $0x38;
	[tilespmem:$0x1F850] =	vst v63  }
0x57: {  	_ =	swait.ge [sflag:s26], $0x2800  }
0x58: {  	[sflag:s26] =	ssyncset.done $0x0  }
0x59: {  	[sflag:s26] =	ssyncadd.s32 $0xFFFFD800  }
0x5a: {  	[tilespmem:s22], [sflag:$0x2] =	stream.linear.gather [spmem:s9], $0x2300, $0x38;
	[tilespmem:$0x1F850] =	vst v63  }
0x5b: {  	_ =	swait.ge [sflag:s23], $0x2300  }
0x5c: {  	[sflag:s23] =	ssyncset.done $0x0  }
0x5d: {  	s18 =	rddreg [dreg:$0x7];
	[sflag:s23] =	ssyncadd.s32 $0xFFFFDD00  }
0x5e: {  	[hbm4b:s18+s13] =	stream.strided.scatter [tilespmem:s22], [sflag:$0x7], $0x2300, s24, s13, $0x38;
	[tilespmem:$0x1F850] =	vst v63  }
0x5f: {  	_ =	swait.ge [sflag:s30], $0x2800  }
0x60: {  	[sflag:s30] =	ssyncset.done $0x0  }
0x61: {  	[sflag:s30] =	ssyncadd.s32 $0xFFFFD800  }
0x62: {  	_ =	swait.ge [sflag:s26], $0x2300  }
0x63: {  	[sflag:s26] =	ssyncset.done $0x0  }
0x64: {  	s15 =	simm.s32 @!p0 $0x9F00;
	s16 =	simm.s32 @!p0 $0xB;
	[sflag:s26] =	ssyncadd.s32 $0xFFFFDD00  }
0x65: {  	[tilespmem:s15], [sflag:$0xB] =	stream.linear.gather @!p0 [spmem:s10], $0x500, $0x38;
	[tilespmem:$0x1F850] =	vst v63  }
0x66: {  	_ =	swait.ge @!p0 [sflag:s16], $0x500  }
0x67: {  	s20 =	simm.s32 @!p0 $0x50;
	[sflag:s16] =	ssyncset.done @!p0 $0x0  }
0x68: {  	s17 =	simm.s32 @!p0 $0x80;
	s18 =	rddreg [dreg:$0x8];
	[sflag:s16] =	ssyncadd.s32 @!p0 $0xFFFFFB00  }
0x69: {  	[hbm4b:s18+s20] =	stream.strided.scatter @!p0 [tilespmem:s15], [sflag:$0xB], $0x500, s17, s20, $0x38;
	[tilespmem:$0x1F850] =	vst v63  }
0x6a: {  	_ =	swait.ge @!p0 [sflag:s16], $0x500  }
0x6b: {  	s14 =	sadd.s32 $0x1, s14;
	s20 =	rddreg [dreg:$0x9]  }
0x6c: {  	p2 =	sne.s32 s14, s20  }
.Ltmp1:
0x6d: {  	_ = 	snop;
	(pc) =	sbr.rel @!p2 .LBB2_11-.Ltmp1, $3  }
0x6e: {  	_ =	sdelay $0x1  }
0x6f: {  	[sflag:s16] =	ssyncset.done @!p0 $0x0  }
0x70: {  	s17 =	simm.s32 $0x2780;
	[sflag:s16] =	ssyncadd.s32 @!p0 $0xFFFFFB00  }
.LBB2_1:
0x71: {  	s15 =	simm.s32 $0x0;
	s16 =	rddreg [dreg:$0xa]  }
0x72: {  	[tilespmem:s15], [sflag:$0x1] =	stream.linear.gather [hbm4b:s16+s15], $0x2780, $0x38;
	[tilespmem:$0x1F850] =	vst v63  }
0x73: {  	_ = 	snop  }
0x74: {  	[tilespmem:s17], [sflag:$0x1] =	stream.linear.gather [hbm4b:s19+s15], $0x2780, $0x38;
	[tilespmem:$0x1F850] =	vst v63  }
0x75: {  	_ =	swait.ge [sflag:s21], $0x2780  }
0x76: {  	[sflag:s21] =	ssyncset.done $0x0  }
0x77: {  	[sflag:s21] =	ssyncadd.s32 $0xFFFFD880  }
0x78: {  	_ =	swait.ge [sflag:s21], $0x2780  }
0x79: {  	[sflag:s21] =	ssyncset.done $0x0  }
0x7a: {  	s16 =	simm.s32 $0x140;
	s15 =	simm.s32 $0x0;
	[sflag:s21] =	ssyncadd.s32 $0xFFFFD880  }
.LBB2_2:
0x7b: {  	p2 =	sne.s32 s16, $0x9EC0;
	[tilespmem:s15+$0x4F40] =	vst v0;
	s20 =	smov.u32 s16;
	s16 =	sadd.s32 $0x140, s16  }
.Ltmp2:
0x7c: {  	[tilespmem:s15+$0x4F30] =	vst v0;
	(pc) =	sbr.rel @p2 .LBB2_2-.Ltmp2, $4  }
0x7d: {  	[tilespmem:s15+$0x4F20] =	vst v0  }
0x7e: {  	[tilespmem:s15+$0x4F00] =	vst v0  }
0x7f: {  	[tilespmem:s15+$0x4F10] =	vst v0  }
0x80: {  	s15 =	sshra.s32 s20, $0x2  }
0x81: {  	[tilespmem:s15+$0x4F40] =	vst v0  }
0x82: {  	[tilespmem:s15+$0x4F30] =	vst v0  }
0x83: {  	[tilespmem:s15+$0x4F20] =	vst v0  }
0x84: {  	[tilespmem:s15+$0x4F00] =	vst v0  }
0x85: {  	[tilespmem:s15+$0x4F10] =	vst v0  }
0x86: {  	[spmem:s5] =	stream.linear.scatter [tilespmem:s22], [sflag:$0x2], $0x2800, $0x38;
	[tilespmem:$0x1F850] =	vst v63  }
0x87: {  	_ = 	snop  }
0x88: {  	[spmem:s6] =	stream.linear.scatter [tilespmem:s22], [sflag:$0x2], $0x2800, $0x38;
	[tilespmem:$0x1F850] =	vst v63  }
0x89: {  	_ = 	snop  }
0x8a: {  	[spmem:s7] =	stream.linear.scatter [tilespmem:s22], [sflag:$0x2], $0x2800, $0x38;
	[tilespmem:$0x1F850] =	vst v63  }
0x8b: {  	_ = 	snop  }
0x8c: {  	[spmem:s8] =	stream.linear.scatter [tilespmem:s22], [sflag:$0x2], $0x2800, $0x38;
	[tilespmem:$0x1F850] =	vst v63  }
0x8d: {  	_ = 	snop  }
0x8e: {  	[spmem:s9] =	stream.linear.scatter [tilespmem:s22], [sflag:$0x2], $0x2300, $0x38;
	[tilespmem:$0x1F850] =	vst v63  }
0x8f: {  	s15 =	simm.s32 @!p0 $0x4F00  }
0x90: {  	[spmem:s10] =	stream.linear.scatter @!p0 [tilespmem:s15], [sflag:$0x2], $0x500, $0x38;
	[tilespmem:$0x1F850] =	vst v63  }
0x91: {  	_ =	swait.ge [sflag:s23], $0x2800  }
0x92: {  	[sflag:s23] =	ssyncset.done $0x0  }
0x93: {  	[sflag:s23] =	ssyncadd.s32 $0xFFFFD800  }
0x94: {  	_ =	swait.ge [sflag:s23], $0x2800  }
0x95: {  	[sflag:s23] =	ssyncset.done $0x0  }
0x96: {  	[sflag:s23] =	ssyncadd.s32 $0xFFFFD800  }
0x97: {  	_ =	swait.ge [sflag:s23], $0x2800  }
0x98: {  	[sflag:s23] =	ssyncset.done $0x0  }
0x99: {  	[sflag:s23] =	ssyncadd.s32 $0xFFFFD800  }
0x9a: {  	_ =	swait.ge [sflag:s23], $0x2800  }
0x9b: {  	[sflag:s23] =	ssyncset.done $0x0  }
0x9c: {  	[sflag:s23] =	ssyncadd.s32 $0xFFFFD800  }
0x9d: {  	_ =	swait.ge [sflag:s23], $0x2300  }
0x9e: {  	[sflag:s23] =	ssyncset.done $0x0  }
0x9f: {  	s15 =	simm.s32 @!p0 $0x2;
	[sflag:s23] =	ssyncadd.s32 $0xFFFFDD00  }
0xa0: {  	_ =	swait.ge @!p0 [sflag:s15], $0x500  }
0xa1: {  	[sflag:s15] =	ssyncset.done @!p0 $0x0  }
0xa2: {  	[sflag:s15] =	ssyncadd.s32 @!p0 $0xFFFFFB00  }
0xa3: {  	s20 =	simm.s32 $0x0;
	[bflag:$0x0] =	sbarrier.arrive $0xFFFF  }
0xa4: {  	[tilespmem:s22], [sflag:$0x3] =	stream.indirect.gather [hbm4b:s4+s24], $0x50, s20, s24, $0xb8;
	[tilespmem:$0x1F850] =	vst v63  }
0xa5: {  	_ = 	snop  }
0xa6: {  	[tilespmem:s25], [sflag:$0x4] =	stream.indirect.gather [hbm4b:s4+s24], $0x50, s24, s24, $0xb8;
	[tilespmem:$0x1F850] =	vst v63  }
0xa7: {  	s16 =	simm.s32 $0x100  }
0xa8: {  	[tilespmem:s28], [sflag:$0x5] =	stream.indirect.gather [hbm4b:s4+s24], $0x50, s16, s24, $0xb8;
	[tilespmem:$0x1F850] =	vst v63  }
0xa9: {  	_ =	swait.ge [sflag:s29], $0x2800  }
0xaa: {  	[sflag:s29] =	ssyncset.done $0x0  }
0xab: {  	[sflag:s29] =	ssyncadd.s32 $0xFFFFD800  }
0xac: {  	[spmem:s2] =	stream.indirect.scatter.add.f32 [tilespmem:s22], [sflag:$0x7], $0x50, s17, s24, $0xb8;
	[tilespmem:$0x1F850] =	vst v63  }
0xad: {  	s17 =	simm.s32 $0x180  }
0xae: {  	[tilespmem:s31], [sflag:$0x6] =	stream.indirect.gather [hbm4b:s4+s24], $0x50, s17, s24, $0xb8;
	[tilespmem:$0x1F850] =	vst v63  }
0xaf: {  	_ =	swait.ge [sflag:s0], $0x2800  }
0xb0: {  	[sflag:s0] =	ssyncset.done $0x0  }
0xb1: {  	s18 =	simm.s32 $0x2800;
	[sflag:s0] =	ssyncadd.s32 $0xFFFFD800  }
0xb2: {  	[spmem:s2] =	stream.indirect.scatter.add.f32 [tilespmem:s25], [sflag:$0x8], $0x50, s18, s24, $0xb8;
	[tilespmem:$0x1F850] =	vst v63  }
0xb3: {  	_ =	swait.ge [sflag:s26], $0x2800  }
0xb4: {  	[sflag:s26] =	ssyncset.done $0x0  }
0xb5: {  	s20 =	simm.s32 $0x200;
	[sflag:s26] =	ssyncadd.s32 $0xFFFFD800  }
0xb6: {  	[tilespmem:s22], [sflag:$0x3] =	stream.indirect.gather [hbm4b:s4+s24], $0x50, s20, s24, $0xb8;
	[tilespmem:$0x1F850] =	vst v63  }
0xb7: {  	_ =	swait.ge [sflag:s1], $0x2800  }
0xb8: {  	[sflag:s1] =	ssyncset.done $0x0  }
0xb9: {  	s16 =	simm.s32 $0x2880;
	[sflag:s1] =	ssyncadd.s32 $0xFFFFD800  }
0xba: {  	[spmem:s2] =	stream.indirect.scatter.add.f32 [tilespmem:s28], [sflag:$0x9], $0x50, s16, s24, $0xb8;
	[tilespmem:$0x1F850] =	vst v63  }
0xbb: {  	_ =	swait.ge [sflag:s30], $0x2800  }
0xbc: {  	[sflag:s30] =	ssyncset.done $0x0  }
0xbd: {  	s17 =	simm.s32 $0x280;
	[sflag:s30] =	ssyncadd.s32 $0xFFFFD800  }
0xbe: {  	[tilespmem:s25], [sflag:$0x4] =	stream.indirect.gather [hbm4b:s4+s24], $0x50, s17, s24, $0xb8;
	[tilespmem:$0x1F850] =	vst v63  }
0xbf: {  	_ =	swait.ge [sflag:s3], $0x2800  }
0xc0: {  	[sflag:s3] =	ssyncset.done $0x0  }
0xc1: {  	s18 =	simm.s32 $0x2900;
	[sflag:s3] =	ssyncadd.s32 $0xFFFFD800  }
0xc2: {  	[spmem:s2] =	stream.indirect.scatter.add.f32 [tilespmem:s31], [sflag:$0xA], $0x50, s18, s24, $0xb8;
	[tilespmem:$0x1F850] =	vst v63  }
.Ltmp3:
0xc3: {  	_ = 	snop;
	(pc) =	sbr.rel @p1 .LBB2_7-.Ltmp3, $4  }
0xc4: {  	_ =	swait.ge [sflag:s11], $0x2800  }
0xc5: {  	[sflag:s11] =	ssyncset.done $0x0  }
0xc6: {  	s20 =	simm.s32 $0x300;
	[sflag:s11] =	ssyncadd.s32 $0xFFFFD800  }
0xc7: {  	[tilespmem:s28], [sflag:$0x5] =	stream.indirect.gather [hbm4b:s4+s24], $0x50, s20, s24, $0xb8;
	[tilespmem:$0x1F850] =	vst v63  }
0xc8: {  	_ =	swait.ge [sflag:s29], $0x2800  }
0xc9: {  	[sflag:s29] =	ssyncset.done $0x0  }
0xca: {  	s15 =	simm.s32 $0x2980;
	[sflag:s29] =	ssyncadd.s32 $0xFFFFD800  }
0xcb: {  	[spmem:s2] =	stream.indirect.scatter.add.f32 [tilespmem:s22], [sflag:$0x7], $0x50, s15, s24, $0xb8;
	[tilespmem:$0x1F850] =	vst v63  }
0xcc: {  	_ =	swait.ge [sflag:s12], $0x2800  }
0xcd: {  	[sflag:s12] =	ssyncset.done $0x0  }
0xce: {  	s18 =	simm.s32 $0x380;
	[sflag:s12] =	ssyncadd.s32 $0xFFFFD800  }
0xcf: {  	[tilespmem:s31], [sflag:$0x6] =	stream.indirect.gather [hbm4b:s4+s24], $0x50, s18, s24, $0xb8;
	[tilespmem:$0x1F850] =	vst v63  }
0xd0: {  	_ =	swait.ge [sflag:s0], $0x2800  }
0xd1: {  	[sflag:s0] =	ssyncset.done $0x0  }
0xd2: {  	s20 =	simm.s32 $0x2A00;
	[sflag:s0] =	ssyncadd.s32 $0xFFFFD800  }
0xd3: {  	[spmem:s2] =	stream.indirect.scatter.add.f32 [tilespmem:s25], [sflag:$0x8], $0x50, s20, s24, $0xb8;
	[tilespmem:$0x1F850] =	vst v63  }
0xd4: {  	_ =	swait.ge [sflag:s26], $0x2800  }
0xd5: {  	[sflag:s26] =	ssyncset.done $0x0  }
0xd6: {  	s16 =	simm.s32 $0x400;
	[sflag:s26] =	ssyncadd.s32 $0xFFFFD800  }
0xd7: {  	[tilespmem:s22], [sflag:$0x3] =	stream.indirect.gather [hbm4b:s4+s24], $0x50, s16, s24, $0xb8;
	[tilespmem:$0x1F850] =	vst v63  }
0xd8: {  	_ =	swait.ge [sflag:s1], $0x2800  }
0xd9: {  	[sflag:s1] =	ssyncset.done $0x0  }
0xda: {  	s17 =	simm.s32 $0x2A80;
	[sflag:s1] =	ssyncadd.s32 $0xFFFFD800  }
0xdb: {  	[spmem:s2] =	stream.indirect.scatter.add.f32 [tilespmem:s28], [sflag:$0x9], $0x50, s17, s24, $0xb8;
	[tilespmem:$0x1F850] =	vst v63  }
0xdc: {  	_ =	swait.ge [sflag:s30], $0x2800  }
0xdd: {  	[sflag:s30] =	ssyncset.done $0x0  }
0xde: {  	s18 =	simm.s32 $0x480;
	[sflag:s30] =	ssyncadd.s32 $0xFFFFD800  }
0xdf: {  	[tilespmem:s25], [sflag:$0x4] =	stream.indirect.gather [hbm4b:s4+s24], $0x50, s18, s24, $0xb8;
	[tilespmem:$0x1F850] =	vst v63  }
0xe0: {  	_ =	swait.ge [sflag:s3], $0x2800  }
0xe1: {  	[sflag:s3] =	ssyncset.done $0x0  }
0xe2: {  	s20 =	simm.s32 $0x2B00;
	[sflag:s3] =	ssyncadd.s32 $0xFFFFD800  }
0xe3: {  	[spmem:s2] =	stream.indirect.scatter.add.f32 [tilespmem:s31], [sflag:$0xA], $0x50, s20, s24, $0xb8;
	[tilespmem:$0x1F850] =	vst v63  }
0xe4: {  	_ =	swait.ge [sflag:s11], $0x2800  }
0xe5: {  	[sflag:s11] =	ssyncset.done $0x0  }
0xe6: {  	s15 =	simm.s32 $0x800;
	s16 =	simm.s32 $0x500;
	[sflag:s11] =	ssyncadd.s32 $0xFFFFD800  }
.LBB2_5:
0xe7: {  	[tilespmem:s28], [sflag:$0x5] =	stream.indirect.gather [hbm4b:s4+s24], $0x50, s16, s24, $0xb8;
	[tilespmem:$0x1F850] =	vst v63  }
0xe8: {  	s16 =	smov.u32 s15  }
0xe9: {  	p2 =	seq.s32 s15, $0x8800;
	s15 =	sadd.s32 $0x800, s15;
	_ =	swait.ge [sflag:s29], $0x2800  }
0xea: {  	s16 =	sshra.s32 s16, $0x2;
	[sflag:s29] =	ssyncset.done $0x0  }
0xeb: {  	s20 =	sadd.s32 $0x2980, s16;
	[sflag:s29] =	ssyncadd.s32 $0xFFFFD800  }
0xec: {  	[spmem:s2] =	stream.indirect.scatter.add.f32 [tilespmem:s22], [sflag:$0x7], $0x50, s20, s24, $0xb8;
	[tilespmem:$0x1F850] =	vst v63  }
0xed: {  	_ =	swait.ge [sflag:s12], $0x2800  }
0xee: {  	[sflag:s12] =	ssyncset.done $0x0  }
0xef: {  	s20 =	sadd.s32 $0x380, s16;
	[sflag:s12] =	ssyncadd.s32 $0xFFFFD800  }
0xf0: {  	[tilespmem:s31], [sflag:$0x6] =	stream.indirect.gather [hbm4b:s4+s24], $0x50, s20, s24, $0xb8;
	[tilespmem:$0x1F850] =	vst v63  }
0xf1: {  	_ =	swait.ge [sflag:s0], $0x2800  }
0xf2: {  	[sflag:s0] =	ssyncset.done $0x0  }
0xf3: {  	s20 =	sadd.s32 $0x2A00, s16;
	[sflag:s0] =	ssyncadd.s32 $0xFFFFD800  }
0xf4: {  	[spmem:s2] =	stream.indirect.scatter.add.f32 [tilespmem:s25], [sflag:$0x8], $0x50, s20, s24, $0xb8;
	[tilespmem:$0x1F850] =	vst v63  }
0xf5: {  	_ =	swait.ge [sflag:s26], $0x2800  }
0xf6: {  	[sflag:s26] =	ssyncset.done $0x0  }
0xf7: {  	s20 =	sadd.s32 $0x400, s16;
	[sflag:s26] =	ssyncadd.s32 $0xFFFFD800  }
0xf8: {  	[tilespmem:s22], [sflag:$0x3] =	stream.indirect.gather [hbm4b:s4+s24], $0x50, s20, s24, $0xb8;
	[tilespmem:$0x1F850] =	vst v63  }
0xf9: {  	_ =	swait.ge [sflag:s1], $0x2800  }
0xfa: {  	[sflag:s1] =	ssyncset.done $0x0  }
0xfb: {  	s20 =	sadd.s32 $0x2A80, s16;
	[sflag:s1] =	ssyncadd.s32 $0xFFFFD800  }
0xfc: {  	[spmem:s2] =	stream.indirect.scatter.add.f32 [tilespmem:s28], [sflag:$0x9], $0x50, s20, s24, $0xb8;
	[tilespmem:$0x1F850] =	vst v63  }
0xfd: {  	_ =	swait.ge [sflag:s30], $0x2800  }
0xfe: {  	[sflag:s30] =	ssyncset.done $0x0  }
0xff: {  	s20 =	sadd.s32 $0x480, s16;
	[sflag:s30] =	ssyncadd.s32 $0xFFFFD800  }
0x100: {  	[tilespmem:s25], [sflag:$0x4] =	stream.indirect.gather [hbm4b:s4+s24], $0x50, s20, s24, $0xb8;
	[tilespmem:$0x1F850] =	vst v63  }
0x101: {  	_ =	swait.ge [sflag:s3], $0x2800  }
0x102: {  	[sflag:s3] =	ssyncset.done $0x0  }
.Ltmp4:
0x103: {  	s20 =	sadd.s32 $0x2B00, s16;
	[sflag:s3] =	ssyncadd.s32 $0xFFFFD800;
	(pc) =	sbr.rel @!p2 .LBB2_5-.Ltmp4, $4  }
0x104: {  	[spmem:s2] =	stream.indirect.scatter.add.f32 [tilespmem:s31], [sflag:$0xA], $0x50, s20, s24, $0xb8;
	[tilespmem:$0x1F850] =	vst v63  }
0x105: {  	_ =	swait.ge [sflag:s11], $0x2800  }
0x106: {  	[sflag:s11] =	ssyncset.done $0x0  }
0x107: {  	s16 =	sadd.s32 $0x500, s16;
	[sflag:s11] =	ssyncadd.s32 $0xFFFFD800  }
.Ltmp5:
0x108: {  	(pc) =	sbr.rel .LBB2_10-.Ltmp5, $2  }
0x109: {  	_ =	sdelay $0x2  }
0x10a: {  	[tilespmem:s28], [sflag:$0x5] =	stream.indirect.gather [hbm4b:s4+s24], $0x50, s16, s24, $0xb8;
	[tilespmem:$0x1F850] =	vst v63  }
.LBB2_7:
0x10b: {  	_ =	swait.ge [sflag:s29], $0x2800  }
0x10c: {  	[sflag:s29] =	ssyncset.done $0x0  }
0x10d: {  	s15 =	simm.s32 $0x2980;
	[sflag:s29] =	ssyncadd.s32 $0xFFFFD800  }
0x10e: {  	[spmem:s2] =	stream.indirect.scatter.add.f32 [tilespmem:s22], [sflag:$0x7], $0x50, s15, s24, $0xb8;
	[tilespmem:$0x1F850] =	vst v63  }
0x10f: {  	_ =	swait.ge [sflag:s12], $0x2800  }
0x110: {  	[sflag:s12] =	ssyncset.done $0x0  }
0x111: {  	s18 =	simm.s32 $0x380;
	[sflag:s12] =	ssyncadd.s32 $0xFFFFD800  }
0x112: {  	[tilespmem:s31], [sflag:$0x6] =	stream.indirect.gather [hbm4b:s4+s24], $0x50, s18, s24, $0xb8;
	[tilespmem:$0x1F850] =	vst v63  }
0x113: {  	_ =	swait.ge [sflag:s0], $0x2800  }
0x114: {  	[sflag:s0] =	ssyncset.done $0x0  }
0x115: {  	s20 =	simm.s32 $0x2A00;
	[sflag:s0] =	ssyncadd.s32 $0xFFFFD800  }
0x116: {  	[spmem:s2] =	stream.indirect.scatter.add.f32 [tilespmem:s25], [sflag:$0x8], $0x50, s20, s24, $0xb8;
	[tilespmem:$0x1F850] =	vst v63  }
0x117: {  	_ =	swait.ge [sflag:s26], $0x2800  }
0x118: {  	[sflag:s26] =	ssyncset.done $0x0  }
0x119: {  	s16 =	simm.s32 $0x400;
	[sflag:s26] =	ssyncadd.s32 $0xFFFFD800  }
0x11a: {  	[tilespmem:s22], [sflag:$0x3] =	stream.indirect.gather [hbm4b:s4+s24], $0x50, s16, s24, $0xb8;
	[tilespmem:$0x1F850] =	vst v63  }
0x11b: {  	_ =	swait.ge [sflag:s1], $0x2800  }
0x11c: {  	[sflag:s1] =	ssyncset.done $0x0  }
0x11d: {  	s17 =	simm.s32 $0x2A80;
	[sflag:s1] =	ssyncadd.s32 $0xFFFFD800  }
0x11e: {  	[spmem:s2] =	stream.indirect.scatter.add.f32 [tilespmem:s28], [sflag:$0x9], $0x50, s17, s24, $0xb8;
	[tilespmem:$0x1F850] =	vst v63  }
0x11f: {  	_ =	swait.ge [sflag:s30], $0x2800  }
0x120: {  	[sflag:s30] =	ssyncset.done $0x0  }
0x121: {  	s18 =	simm.s32 $0x480;
	[sflag:s30] =	ssyncadd.s32 $0xFFFFD800  }
0x122: {  	[tilespmem:s25], [sflag:$0x4] =	stream.indirect.gather [hbm4b:s4+s24], $0x50, s18, s24, $0xb8;
	[tilespmem:$0x1F850] =	vst v63  }
0x123: {  	_ =	swait.ge [sflag:s3], $0x2800  }
0x124: {  	[sflag:s3] =	ssyncset.done $0x0  }
0x125: {  	s20 =	simm.s32 $0x2B00;
	[sflag:s3] =	ssyncadd.s32 $0xFFFFD800  }
0x126: {  	[spmem:s2] =	stream.indirect.scatter.add.f32 [tilespmem:s31], [sflag:$0xA], $0x50, s20, s24, $0xb8;
	[tilespmem:$0x1F850] =	vst v63  }
0x127: {  	_ =	swait.ge [sflag:s11], $0x2800  }
0x128: {  	[sflag:s11] =	ssyncset.done $0x0  }
0x129: {  	s15 =	simm.s32 $0x800;
	s16 =	simm.s32 $0x500;
	[sflag:s11] =	ssyncadd.s32 $0xFFFFD800  }
.LBB2_8:
0x12a: {  	[tilespmem:s28], [sflag:$0x5] =	stream.indirect.gather [hbm4b:s4+s24], $0x50, s16, s24, $0xb8;
	[tilespmem:$0x1F850] =	vst v63  }
0x12b: {  	s16 =	smov.u32 s15  }
0x12c: {  	p2 =	sne.s32 s15, $0x8800;
	s15 =	sadd.s32 $0x800, s15;
	_ =	swait.ge [sflag:s29], $0x2800  }
0x12d: {  	s16 =	sshra.s32 s16, $0x2;
	[sflag:s29] =	ssyncset.done $0x0  }
0x12e: {  	s20 =	sadd.s32 $0x2980, s16;
	[sflag:s29] =	ssyncadd.s32 $0xFFFFD800  }
0x12f: {  	[spmem:s2] =	stream.indirect.scatter.add.f32 [tilespmem:s22], [sflag:$0x7], $0x50, s20, s24, $0xb8;
	[tilespmem:$0x1F850] =	vst v63  }
0x130: {  	_ =	swait.ge [sflag:s12], $0x2800  }
0x131: {  	[sflag:s12] =	ssyncset.done $0x0  }
0x132: {  	s20 =	sadd.s32 $0x380, s16;
	[sflag:s12] =	ssyncadd.s32 $0xFFFFD800  }
0x133: {  	[tilespmem:s31], [sflag:$0x6] =	stream.indirect.gather [hbm4b:s4+s24], $0x50, s20, s24, $0xb8;
	[tilespmem:$0x1F850] =	vst v63  }
0x134: {  	_ =	swait.ge [sflag:s0], $0x2800  }
0x135: {  	[sflag:s0] =	ssyncset.done $0x0  }
0x136: {  	s20 =	sadd.s32 $0x2A00, s16;
	[sflag:s0] =	ssyncadd.s32 $0xFFFFD800  }
0x137: {  	[spmem:s2] =	stream.indirect.scatter.add.f32 [tilespmem:s25], [sflag:$0x8], $0x50, s20, s24, $0xb8;
	[tilespmem:$0x1F850] =	vst v63  }
0x138: {  	_ =	swait.ge [sflag:s26], $0x2800  }
0x139: {  	[sflag:s26] =	ssyncset.done $0x0  }
0x13a: {  	s20 =	sadd.s32 $0x400, s16;
	[sflag:s26] =	ssyncadd.s32 $0xFFFFD800  }
0x13b: {  	[tilespmem:s22], [sflag:$0x3] =	stream.indirect.gather [hbm4b:s4+s24], $0x50, s20, s24, $0xb8;
	[tilespmem:$0x1F850] =	vst v63  }
0x13c: {  	_ =	swait.ge [sflag:s1], $0x2800  }
0x13d: {  	[sflag:s1] =	ssyncset.done $0x0  }
0x13e: {  	s20 =	sadd.s32 $0x2A80, s16;
	[sflag:s1] =	ssyncadd.s32 $0xFFFFD800  }
0x13f: {  	[spmem:s2] =	stream.indirect.scatter.add.f32 [tilespmem:s28], [sflag:$0x9], $0x50, s20, s24, $0xb8;
	[tilespmem:$0x1F850] =	vst v63  }
0x140: {  	_ =	swait.ge [sflag:s30], $0x2800  }
0x141: {  	[sflag:s30] =	ssyncset.done $0x0  }
0x142: {  	s20 =	sadd.s32 $0x480, s16;
	[sflag:s30] =	ssyncadd.s32 $0xFFFFD800  }
0x143: {  	[tilespmem:s25], [sflag:$0x4] =	stream.indirect.gather [hbm4b:s4+s24], $0x50, s20, s24, $0xb8;
	[tilespmem:$0x1F850] =	vst v63  }
0x144: {  	_ =	swait.ge [sflag:s3], $0x2800  }
0x145: {  	[sflag:s3] =	ssyncset.done $0x0  }
.Ltmp6:
0x146: {  	s20 =	sadd.s32 $0x2B00, s16;
	[sflag:s3] =	ssyncadd.s32 $0xFFFFD800;
	(pc) =	sbr.rel @p2 .LBB2_8-.Ltmp6, $4  }
0x147: {  	[spmem:s2] =	stream.indirect.scatter.add.f32 [tilespmem:s31], [sflag:$0xA], $0x50, s20, s24, $0xb8;
	[tilespmem:$0x1F850] =	vst v63  }
0x148: {  	_ =	swait.ge [sflag:s11], $0x2800  }
0x149: {  	[sflag:s11] =	ssyncset.done $0x0  }
0x14a: {  	s16 =	sadd.s32 $0x500, s16;
	[sflag:s11] =	ssyncadd.s32 $0xFFFFD800  }
.Ltmp7:
0x14b: {  	_ = 	snop;
	(pc) =	sbr.rel .LBB2_9-.Ltmp7, $1  }
0x14c: {  	_ =	sdelay $0x3  }
.LBB2_11:
0x14d: {  	_ =	sfence.sel $0x180000  }
0x14e: {  	[bflag:$0x0] =	sbarrier.arrive $0xFFFF  }
0x14f: {  	_ =	strace $0x90000047  }
0x150: {  	s0 =	stileid.u32;
	[bflag:$0x2] =	sbarrier.arrive $0xFFFF  }
0x151: {  	p0 =	sne.s32 s0, $0x0;
	s0 =	rddreg [dreg:$0x2]  }
0x152: {  	s0 =	sadd.s32 @!p0 $0x100000, s0  }
0x153: {  	[sflag:s0] =	ssyncadd.tile.s32 @!p0 $0x1;
	_ =	shalt  }
.Lfunc_end2:
_tile_overlayer_lowered:
.L_overlay_start_2:
0x154: {  	(tag) =	ssettag $0x2  }
0x155: {  	s0 =	rddreg [dreg:$0x0];
	s2 =	stileid.u32  }
0x156: {  	s1 =	rddreg [dreg:$0x1];
	p0 =	sne.s32 s2, $0x0  }
0x157: {  	s3 =	rddreg [dreg:$0x2];
	[bflag:$0x3] =	sbarrier.arrive $0xFFFF;
	s2 =	simm.s32 @!p0 $0x1C0B  }
0x158: {  	[timem:s3], [sflag:s2] =	dma.local @!p0 [hbm:s0], s1  }
0x159: {  	s0 =	simm.s32 @!p0 $0xB  }
0x15a: {  	_ =	swait.ge @!p0 [sflag:s0], s1  }
0x15b: {  	s1 =	ssub.s32 @!p0 $0x0, s1;
	[sflag:s0] =	ssyncset.done @!p0 $0x0  }
0x15c: {  	[sflag:s0] =	ssyncadd.s32 @!p0 s1  }
0x15d: {  	[bflag:$0x3] =	sbarrier.arrive $0xFFFF  }
0x15e: {  	_ =	shalt  }

</sc_bundles>
